<compile_context>
chip_gen: v7x
topology: tpu7x:2x2x1
jax: 0.10.2.dev20260603
libtpu: 0.0.44.dev20260713+nightly
codegen_flags: <defaults>
</compile_context>

<pallas_src>
import functools

import jax
import jax.numpy as jnp
from jax import lax
from jax.experimental import pallas as pl
from jax.experimental.pallas import tpu as pltpu
from jax.experimental.pallas import tpu_sc as plsc

E = 320000
DIM = 128
NC = 2
NS = 16
NW = NC * NS
ROWS_W = E // NW
C = 200
NCHUNK = ROWS_W // C
NPAIR = NCHUNK // 2
NT = 60
NG = DIM // 16

_mesh = plsc.VectorSubcoreMesh(core_axis_name="c", subcore_axis_name="s")


@functools.partial(
    pl.kernel,
    mesh=_mesh,
    out_type=jax.ShapeDtypeStruct((E, DIM), jnp.float32),
    scratch_types=[
        pltpu.VMEM((C, DIM), jnp.float32),
        pltpu.VMEM((C, DIM), jnp.float32),
        pltpu.VMEM((C, DIM), jnp.float32),
        pltpu.VMEM((C, DIM), jnp.float32),
        pltpu.VMEM((ROWS_W + 8,), jnp.int32),
        pltpu.VMEM((NT, DIM), jnp.float32),
        pltpu.SemaphoreType.DMA,
        pltpu.SemaphoreType.DMA,
        pltpu.SemaphoreType.DMA,
        pltpu.SemaphoreType.DMA,
    ],
)
def _sc_bond(msg_hbm, attrs_hbm, tab_hbm, out_hbm,
             buf0, buf1, obuf0, obuf1, cbuf, tab_v,
             semi0, semi1, semo0, semo1):
    wid = lax.axis_index("s") * NC + lax.axis_index("c")
    base = wid * ROWS_W
    pltpu.sync_copy(attrs_hbm.at[pl.ds(base, ROWS_W)], cbuf.at[pl.ds(0, ROWS_W)])
    pltpu.sync_copy(tab_hbm, tab_v)

    def start_load(k, b, sem):
        row0 = base + k * C
        pltpu.make_async_copy(msg_hbm.at[pl.ds(row0, C)], b, sem).start()

    def wait_load(b, sem):
        pltpu.make_async_copy(msg_hbm.at[pl.ds(0, C)], b, sem).wait()

    def start_store(k, o, sem):
        row0 = base + k * C
        pltpu.make_async_copy(o, out_hbm.at[pl.ds(row0, C)], sem).start()

    def wait_store(o, sem):
        pltpu.make_async_copy(o, out_hbm.at[pl.ds(0, C)], sem).wait()

    def compute(b, o, koff):
        @plsc.parallel_loop(0, C // 8)
        def block_body(q):
            av = cbuf[pl.ds(koff + q * 8, 16)]
            for j in range(8):
                ci = av[j]
                r = q * 8 + j
                for g in range(NG):
                    sl = pl.ds(g * 16, 16)
                    o[r, sl] = jnp.maximum(b[r, sl] + tab_v[ci, sl], 0.0)

    start_load(0, buf0, semi0)

    def pair_body(p, carry):
        k0 = 2 * p
        start_load(k0 + 1, buf1, semi1)
        wait_load(buf0, semi0)

        @pl.when(p > 0)
        def _():
            wait_store(obuf0, semo0)

        compute(buf0, obuf0, k0 * C)
        start_store(k0, obuf0, semo0)

        @pl.when(p + 1 < NPAIR)
        def _():
            start_load(k0 + 2, buf0, semi0)

        wait_load(buf1, semi1)

        @pl.when(p > 0)
        def _():
            wait_store(obuf1, semo1)

        compute(buf1, obuf1, (k0 + 1) * C)
        start_store(k0 + 1, obuf1, semo1)
        return carry

    lax.fori_loop(0, NPAIR, pair_body, 0)
    wait_store(obuf0, semo0)
    wait_store(obuf1, semo1)


def kernel(message, attrs, W0, W1, W2):
    a32 = attrs.astype(jnp.int32)
    ci = a32[:, 0] * 12 + a32[:, 1] * 2 + a32[:, 2]
    tab = (W0[:, None, None, :] + W1[None, :, None, :]
           + W2[None, None, :, :]).reshape(NT, DIM)
    return _sc_bond(message, ci, tab)

# --- scband reference (transcript-rebuilt; emitter-appended) ---
"""Pipeline reference for scband-bond-26645977105005 (READ-ONLY COPY).

The authoritative reference and input builder live on the scoring server;
editing this copy changes nothing except your own understanding.
"""

import jax, jax.numpy as jnp
import numpy as np

DIM = 128
E = 320000
BOND_FEATURE_DIMS = [5, 6, 2]

def setup_inputs(seed: int = 0) -> dict:
    key = jax.random.key(seed)
    k_msg, k_attr, k0, k1, k2 = jax.random.split(key, 5)
    message = jax.random.normal(k_msg, (E, DIM), dtype=jnp.float32)
    attrs = jax.random.randint(k_attr, (E, 3), 0, 2, dtype=jnp.int64)
    W0 = jax.random.normal(k0, (BOND_FEATURE_DIMS[0], DIM), dtype=jnp.float32) * 0.02
    W1 = jax.random.normal(k1, (BOND_FEATURE_DIMS[1], DIM), dtype=jnp.float32) * 0.02
    W2 = jax.random.normal(k2, (BOND_FEATURE_DIMS[2], DIM), dtype=jnp.float32) * 0.02
    return {"message": message, "attrs": attrs, "W0": W0, "W1": W1, "W2": W2}

def reference(message, attrs, W0, W1, W2):
    # BondEncoder: sum of per-feature embedding lookups (OGB-style)
    emb = jnp.take(W0, attrs[:, 0], axis=0) \
        + jnp.take(W1, attrs[:, 1], axis=0) \
        + jnp.take(W2, attrs[:, 2], axis=0)
    return jax.nn.relu(message + emb)

if __name__ == "__main__":
    import jax
    _d = setup_inputs()
    print(jax.jit(kernel)(*tuple(_d.values())))

</pallas_src>

<mosaic_0001>
#map = affine_map<(d0, d1) -> (0, 0)>
#map1 = affine_map<(d0, d1) -> (0)>
module attributes {stable_mosaic.version = 14 : i64} {
  func.func @_sc_bond(%arg0: i32, %arg1: i32, %arg2: memref<320000x128xf32, #tpu.memory_space<hbm>>, %arg3: memref<320000xi32, #tpu.memory_space<hbm>>, %arg4: memref<60x128xf32, #tpu.memory_space<hbm>>, %arg5: memref<320000x128xf32, #tpu.memory_space<hbm>>, %arg6: memref<200x128xf32, #tpu.memory_space<vmem>>, %arg7: memref<200x128xf32, #tpu.memory_space<vmem>>, %arg8: memref<200x128xf32, #tpu.memory_space<vmem>>, %arg9: memref<200x128xf32, #tpu.memory_space<vmem>>, %arg10: memref<10008xi32, #tpu.memory_space<vmem>>, %arg11: memref<60x128xf32, #tpu.memory_space<vmem>>, %arg12: memref<!tpu.dma_semaphore, #tpu.memory_space<semaphore_mem>>, %arg13: memref<!tpu.dma_semaphore, #tpu.memory_space<semaphore_mem>>, %arg14: memref<!tpu.dma_semaphore, #tpu.memory_space<semaphore_mem>>, %arg15: memref<!tpu.dma_semaphore, #tpu.memory_space<semaphore_mem>>) attributes {dimension_semantics = [#tpu.dimension_semantics<core_parallel>, #tpu.dimension_semantics<subcore_parallel>], iteration_bounds = array<i64: 2, 16>, scalar_prefetch = 0 : i64, scratch_operands = 10 : i64, tpu.core_type = #tpu.core_type<sc_vector_subcore>, window_params = [{transform_indices = #map}, {transform_indices = #map1}, {transform_indices = #map}, {transform_indices = #map}]} {
    %mul3A = arith.constant 2 : i32
    %mul3A_0 = arith.muli %arg1, %mul3A : i32
    %add3A = arith.addi %mul3A_0, %arg0 : i32
    %mul3A_1 = arith.constant 10000 : i32
    %mul3A_2 = arith.muli %add3A, %mul3A_1 : i32
    "tpu.region"() ({
      %run_scoped3A = tpu.sem_alloc : memref<!tpu.dma_semaphore, #tpu.memory_space<semaphore_mem>>
      %dma_start3A_24 = arith.constant 0 : i32
      %dma_start3A_25 = tpu.memref_slice %arg10[%dma_start3A_24] : memref<10008xi32, #tpu.memory_space<vmem>> -> memref<10000xi32, #tpu.memory_space<vmem>>
      %dma_start3A_26 = tpu.memref_slice %arg3[%mul3A_2] : memref<320000xi32, #tpu.memory_space<hbm>> -> memref<10000xi32, #tpu.memory_space<hbm>>
      %dma_start3A_27 = arith.constant 0 : i32
      %dma_start3A_28 = tpu.memref_slice %arg10[%dma_start3A_27] : memref<10008xi32, #tpu.memory_space<vmem>> -> memref<10000xi32, #tpu.memory_space<vmem>>
      %dma_start3A_29 = tpu.memref_slice %arg3[%mul3A_2] : memref<320000xi32, #tpu.memory_space<hbm>> -> memref<10000xi32, #tpu.memory_space<hbm>>
      tpu.enqueue_dma source(%dma_start3A_29 : memref<10000xi32, #tpu.memory_space<hbm>>) target(%dma_start3A_28 : memref<10000xi32, #tpu.memory_space<vmem>>) target_semaphore(%run_scoped3A : memref<!tpu.dma_semaphore, #tpu.memory_space<semaphore_mem>>)
      %dma_wait3A_30 = arith.constant 0 : i32
      %dma_wait3A_31 = tpu.memref_slice %arg10[%dma_wait3A_30] : memref<10008xi32, #tpu.memory_space<vmem>> -> memref<10000xi32, #tpu.memory_space<vmem>>
      %dma_wait3A_32 = tpu.memref_slice %arg3[%mul3A_2] : memref<320000xi32, #tpu.memory_space<hbm>> -> memref<10000xi32, #tpu.memory_space<hbm>>
      %dma_wait3A_33 = arith.constant 0 : i32
      %dma_wait3A_34 = tpu.memref_slice %arg10[%dma_wait3A_33] : memref<10008xi32, #tpu.memory_space<vmem>> -> memref<10000xi32, #tpu.memory_space<vmem>>
      %dma_wait3A_35 = tpu.memref_slice %arg3[%mul3A_2] : memref<320000xi32, #tpu.memory_space<hbm>> -> memref<10000xi32, #tpu.memory_space<hbm>>
      tpu.wait_dma2 semaphore(%run_scoped3A : memref<!tpu.dma_semaphore, #tpu.memory_space<semaphore_mem>>) src(%dma_wait3A_35 : memref<10000xi32, #tpu.memory_space<hbm>>) dst(%dma_wait3A_34 : memref<10000xi32, #tpu.memory_space<vmem>>)
      tpu.yield
    }) : () -> ()
    "tpu.region"() ({
      %run_scoped3A = tpu.sem_alloc : memref<!tpu.dma_semaphore, #tpu.memory_space<semaphore_mem>>
      tpu.enqueue_dma source(%arg4 : memref<60x128xf32, #tpu.memory_space<hbm>>) target(%arg11 : memref<60x128xf32, #tpu.memory_space<vmem>>) target_semaphore(%run_scoped3A : memref<!tpu.dma_semaphore, #tpu.memory_space<semaphore_mem>>)
      tpu.wait_dma2 semaphore(%run_scoped3A : memref<!tpu.dma_semaphore, #tpu.memory_space<semaphore_mem>>) src(%arg4 : memref<60x128xf32, #tpu.memory_space<hbm>>) dst(%arg11 : memref<60x128xf32, #tpu.memory_space<vmem>>)
      tpu.yield
    }) : () -> ()
    %add3A_3 = arith.constant 0 : i32
    %add3A_4 = arith.addi %mul3A_2, %add3A_3 : i32
    %dma_start3A = arith.constant 0 : i32
    %dma_start3A_5 = tpu.memref_slice %arg2[%add3A_4, %dma_start3A] : memref<320000x128xf32, #tpu.memory_space<hbm>> -> memref<200x128xf32, #tpu.memory_space<hbm>>
    %dma_start3A_6 = arith.constant 0 : i32
    %dma_start3A_7 = tpu.memref_slice %arg2[%add3A_4, %dma_start3A_6] : memref<320000x128xf32, #tpu.memory_space<hbm>> -> memref<200x128xf32, #tpu.memory_space<hbm>>
    tpu.enqueue_dma source(%dma_start3A_7 : memref<200x128xf32, #tpu.memory_space<hbm>>) target(%arg6 : memref<200x128xf32, #tpu.memory_space<vmem>>) target_semaphore(%arg12 : memref<!tpu.dma_semaphore, #tpu.memory_space<semaphore_mem>>)
    %scan3A = arith.constant 0 : i32
    %scan3A_8 = arith.constant 0 : i32
    %scan3A_9 = arith.constant 25 : i32
    %scan3A_10 = arith.addi %scan3A_8, %scan3A_9 : i32
    %scan3A_11 = arith.constant 1 : i32
    scf.for %scan3A_24 = %scan3A_8 to %scan3A_10 step %scan3A_11  : i32 {
      %mul3A_25 = arith.constant 2 : i32
      %mul3A_26 = arith.muli %mul3A_25, %scan3A_24 : i32
      %add3A_27 = arith.constant 1 : i32
      %add3A_28 = arith.addi %mul3A_26, %add3A_27 : i32
      %mul3A_29 = arith.constant 200 : i32
      %mul3A_30 = arith.muli %add3A_28, %mul3A_29 : i32
      %add3A_31 = arith.addi %mul3A_2, %mul3A_30 : i32
      %dma_start3A_32 = arith.constant 0 : i32
      %dma_start3A_33 = tpu.memref_slice %arg2[%add3A_31, %dma_start3A_32] : memref<320000x128xf32, #tpu.memory_space<hbm>> -> memref<200x128xf32, #tpu.memory_space<hbm>>
      %dma_start3A_34 = arith.constant 0 : i32
      %dma_start3A_35 = tpu.memref_slice %arg2[%add3A_31, %dma_start3A_34] : memref<320000x128xf32, #tpu.memory_space<hbm>> -> memref<200x128xf32, #tpu.memory_space<hbm>>
      tpu.enqueue_dma source(%dma_start3A_35 : memref<200x128xf32, #tpu.memory_space<hbm>>) target(%arg7 : memref<200x128xf32, #tpu.memory_space<vmem>>) target_semaphore(%arg13 : memref<!tpu.dma_semaphore, #tpu.memory_space<semaphore_mem>>)
      %dma_wait3A_36 = arith.constant 0 : i32
      %dma_wait3A_37 = arith.constant 0 : i32
      %dma_wait3A_38 = tpu.memref_slice %arg2[%dma_wait3A_36, %dma_wait3A_37] : memref<320000x128xf32, #tpu.memory_space<hbm>> -> memref<200x128xf32, #tpu.memory_space<hbm>>
      %dma_wait3A_39 = arith.constant 0 : i32
      %dma_wait3A_40 = arith.constant 0 : i32
      %dma_wait3A_41 = tpu.memref_slice %arg2[%dma_wait3A_39, %dma_wait3A_40] : memref<320000x128xf32, #tpu.memory_space<hbm>> -> memref<200x128xf32, #tpu.memory_space<hbm>>
      tpu.wait_dma2 semaphore(%arg12 : memref<!tpu.dma_semaphore, #tpu.memory_space<semaphore_mem>>) src(%dma_wait3A_41 : memref<200x128xf32, #tpu.memory_space<hbm>>) dst(%arg6 : memref<200x128xf32, #tpu.memory_space<vmem>>)
      %gt3A = arith.constant 0 : i32
      %gt3A_42 = arith.cmpi sgt, %scan3A_24, %gt3A : i32
      %convert_element_type3A = arith.extui %gt3A_42 : i1 to i32
      %cond3A = arith.constant 0 : i32
      %cond3A_43 = arith.cmpi ne, %convert_element_type3A, %cond3A : i32
      scf.if %cond3A_43 {
        %dma_wait3A_88 = arith.constant 0 : i32
        %dma_wait3A_89 = arith.constant 0 : i32
        %dma_wait3A_90 = tpu.memref_slice %arg5[%dma_wait3A_88, %dma_wait3A_89] : memref<320000x128xf32, #tpu.memory_space<hbm>> -> memref<200x128xf32, #tpu.memory_space<hbm>>
        %dma_wait3A_91 = arith.constant 0 : i32
        %dma_wait3A_92 = arith.constant 0 : i32
        %dma_wait3A_93 = tpu.memref_slice %arg5[%dma_wait3A_91, %dma_wait3A_92] : memref<320000x128xf32, #tpu.memory_space<hbm>> -> memref<200x128xf32, #tpu.memory_space<hbm>>
        tpu.wait_dma2 semaphore(%arg14 : memref<!tpu.dma_semaphore, #tpu.memory_space<semaphore_mem>>) src(%arg8 : memref<200x128xf32, #tpu.memory_space<vmem>>) dst(%dma_wait3A_93 : memref<200x128xf32, #tpu.memory_space<hbm>>)
      } else {
      }
      %mul3A_44 = arith.constant 200 : i32
      %mul3A_45 = arith.muli %mul3A_26, %mul3A_44 : i32
      %parallel_loop3A = arith.constant 0 : i32
      %parallel_loop3A_46 = arith.constant 25 : i32
      %parallel_loop3A_47 = arith.constant 1 : i32
      scf.for %parallel_loop3A_88 = %parallel_loop3A to %parallel_loop3A_46 step %parallel_loop3A_47  : i32 {
        %parallel_loop3A_89 = arith.constant 8 : i32
        %parallel_loop3A_90 = arith.muli %parallel_loop3A_88, %parallel_loop3A_89 : i32
        %parallel_loop3A_91 = arith.addi %mul3A_45, %parallel_loop3A_90 : i32
        %parallel_loop3A_92 = arith.index_cast %parallel_loop3A_91 : i32 to index
        %parallel_loop3A_93 = tpu.vector_load %arg10[%parallel_loop3A_92] {strides = array<i32>} : memref<10008xi32, #tpu.memory_space<vmem>>, vector<16xi32>,
        %parallel_loop3A_94 = vector.shape_cast %parallel_loop3A_93 : vector<16xi32> to vector<16xi32>
        %parallel_loop3A_95 = vector.extract_strided_slice %parallel_loop3A_94 {offsets = [0], sizes = [1], strides = [1]} : vector<16xi32> to vector<1xi32>
        %parallel_loop3A_96 = vector.extract %parallel_loop3A_95[0] : i32 from vector<1xi32>
        %parallel_loop3A_97 = arith.constant 8 : i32
        %parallel_loop3A_98 = arith.muli %parallel_loop3A_88, %parallel_loop3A_97 : i32
        %parallel_loop3A_99 = arith.constant 0 : i32
        %parallel_loop3A_100 = arith.addi %parallel_loop3A_98, %parallel_loop3A_99 : i32
        %parallel_loop3A_101 = arith.index_cast %parallel_loop3A_100 : i32 to index
        %parallel_loop3A_102 = arith.constant 0 : index
        %parallel_loop3A_103 = tpu.vector_load %arg6[%parallel_loop3A_101, %parallel_loop3A_102] {strides = array<i32>} : memref<200x128xf32, #tpu.memory_space<vmem>>, vector<1x16xf32>,
        %parallel_loop3A_104 = vector.shape_cast %parallel_loop3A_103 : vector<1x16xf32> to vector<16xf32>
        %parallel_loop3A_105 = arith.index_cast %parallel_loop3A_96 : i32 to index
        %parallel_loop3A_106 = arith.constant 0 : index
        %parallel_loop3A_107 = tpu.vector_load %arg11[%parallel_loop3A_105, %parallel_loop3A_106] {strides = array<i32>} : memref<60x128xf32, #tpu.memory_space<vmem>>, vector<1x16xf32>,
        %parallel_loop3A_108 = vector.shape_cast %parallel_loop3A_107 : vector<1x16xf32> to vector<16xf32>
        %parallel_loop3A_109 = arith.addf %parallel_loop3A_104, %parallel_loop3A_108 : vector<16xf32>
        %parallel_loop3A_110 = arith.constant 0.000000e+00 : f32
        %parallel_loop3A_111 = vector.broadcast %parallel_loop3A_110 : f32 to vector<16xf32>
        %parallel_loop3A_112 = arith.maximumf %parallel_loop3A_109, %parallel_loop3A_111 : vector<16xf32>
        %parallel_loop3A_113 = arith.index_cast %parallel_loop3A_100 : i32 to index
        %parallel_loop3A_114 = arith.constant 0 : index
        %parallel_loop3A_115 = tpu.vector_load %arg8[%parallel_loop3A_113, %parallel_loop3A_114] {strides = array<i32>} : memref<200x128xf32, #tpu.memory_space<vmem>>, vector<1x16xf32>,
        %parallel_loop3A_116 = vector.shape_cast %parallel_loop3A_115 : vector<1x16xf32> to vector<16xf32>
        %parallel_loop3A_117 = vector.shape_cast %parallel_loop3A_112 : vector<16xf32> to vector<1x16xf32>
        tpu.vector_store %arg8[%parallel_loop3A_113, %parallel_loop3A_114], %parallel_loop3A_117 {strides = array<i32>} : memref<200x128xf32, #tpu.memory_space<vmem>>, vector<1x16xf32>,
        %parallel_loop3A_118 = arith.index_cast %parallel_loop3A_100 : i32 to index
        %parallel_loop3A_119 = arith.constant 16 : index
        %parallel_loop3A_120 = tpu.vector_load %arg6[%parallel_loop3A_118, %parallel_loop3A_119] {strides = array<i32>} : memref<200x128xf32, #tpu.memory_space<vmem>>, vector<1x16xf32>,
        %parallel_loop3A_121 = vector.shape_cast %parallel_loop3A_120 : vector<1x16xf32> to vector<16xf32>
        %parallel_loop3A_122 = arith.index_cast %parallel_loop3A_96 : i32 to index
        %parallel_loop3A_123 = arith.constant 16 : index
        %parallel_loop3A_124 = tpu.vector_load %arg11[%parallel_loop3A_122, %parallel_loop3A_123] {strides = array<i32>} : memref<60x128xf32, #tpu.memory_space<vmem>>, vector<1x16xf32>,
        %parallel_loop3A_125 = vector.shape_cast %parallel_loop3A_124 : vector<1x16xf32> to vector<16xf32>
        %parallel_loop3A_126 = arith.addf %parallel_loop3A_121, %parallel_loop3A_125 : vector<16xf32>
        %parallel_loop3A_127 = arith.constant 0.000000e+00 : f32
        %parallel_loop3A_128 = vector.broadcast %parallel_loop3A_127 : f32 to vector<16xf32>
        %parallel_loop3A_129 = arith.maximumf %parallel_loop3A_126, %parallel_loop3A_128 : vector<16xf32>
        %parallel_loop3A_130 = arith.index_cast %parallel_loop3A_100 : i32 to index
        %parallel_loop3A_131 = arith.constant 16 : index
        %parallel_loop3A_132 = tpu.vector_load %arg8[%parallel_loop3A_130, %parallel_loop3A_131] {strides = array<i32>} : memref<200x128xf32, #tpu.memory_space<vmem>>, vector<1x16xf32>,
        %parallel_loop3A_133 = vector.shape_cast %parallel_loop3A_132 : vector<1x16xf32> to vector<16xf32>
        %parallel_loop3A_134 = vector.shape_cast %parallel_loop3A_129 : vector<16xf32> to vector<1x16xf32>
        tpu.vector_store %arg8[%parallel_loop3A_130, %parallel_loop3A_131], %parallel_loop3A_134 {strides = array<i32>} : memref<200x128xf32, #tpu.memory_space<vmem>>, vector<1x16xf32>,
        %parallel_loop3A_135 = arith.index_cast %parallel_loop3A_100 : i32 to index
        %parallel_loop3A_136 = arith.constant 32 : index
        %parallel_loop3A_137 = tpu.vector_load %arg6[%parallel_loop3A_135, %parallel_loop3A_136] {strides = array<i32>} : memref<200x128xf32, #tpu.memory_space<vmem>>, vector<1x16xf32>,
        %parallel_loop3A_138 = vector.shape_cast %parallel_loop3A_137 : vector<1x16xf32> to vector<16xf32>
        %parallel_loop3A_139 = arith.index_cast %parallel_loop3A_96 : i32 to index
        %parallel_loop3A_140 = arith.constant 32 : index
        %parallel_loop3A_141 = tpu.vector_load %arg11[%parallel_loop3A_139, %parallel_loop3A_140] {strides = array<i32>} : memref<60x128xf32, #tpu.memory_space<vmem>>, vector<1x16xf32>,
        %parallel_loop3A_142 = vector.shape_cast %parallel_loop3A_141 : vector<1x16xf32> to vector<16xf32>
        %parallel_loop3A_143 = arith.addf %parallel_loop3A_138, %parallel_loop3A_142 : vector<16xf32>
        %parallel_loop3A_144 = arith.constant 0.000000e+00 : f32
        %parallel_loop3A_145 = vector.broadcast %parallel_loop3A_144 : f32 to vector<16xf32>
        %parallel_loop3A_146 = arith.maximumf %parallel_loop3A_143, %parallel_loop3A_145 : vector<16xf32>
        %parallel_loop3A_147 = arith.index_cast %parallel_loop3A_100 : i32 to index
        %parallel_loop3A_148 = arith.constant 32 : index
        %parallel_loop3A_149 = tpu.vector_load %arg8[%parallel_loop3A_147, %parallel_loop3A_148] {strides = array<i32>} : memref<200x128xf32, #tpu.memory_space<vmem>>, vector<1x16xf32>,
        %parallel_loop3A_150 = vector.shape_cast %parallel_loop3A_149 : vector<1x16xf32> to vector<16xf32>
        %parallel_loop3A_151 = vector.shape_cast %parallel_loop3A_146 : vector<16xf32> to vector<1x16xf32>
        tpu.vector_store %arg8[%parallel_loop3A_147, %parallel_loop3A_148], %parallel_loop3A_151 {strides = array<i32>} : memref<200x128xf32, #tpu.memory_space<vmem>>, vector<1x16xf32>,
        %parallel_loop3A_152 = arith.index_cast %parallel_loop3A_100 : i32 to index
        %parallel_loop3A_153 = arith.constant 48 : index
        %parallel_loop3A_154 = tpu.vector_load %arg6[%parallel_loop3A_152, %parallel_loop3A_153] {strides = array<i32>} : memref<200x128xf32, #tpu.memory_space<vmem>>, vector<1x16xf32>,
        %parallel_loop3A_155 = vector.shape_cast %parallel_loop3A_154 : vector<1x16xf32> to vector<16xf32>
        %parallel_loop3A_156 = arith.index_cast %parallel_loop3A_96 : i32 to index
        %parallel_loop3A_157 = arith.constant 48 : index
        %parallel_loop3A_158 = tpu.vector_load %arg11[%parallel_loop3A_156, %parallel_loop3A_157] {strides = array<i32>} : memref<60x128xf32, #tpu.memory_space<vmem>>, vector<1x16xf32>,
        %parallel_loop3A_159 = vector.shape_cast %parallel_loop3A_158 : vector<1x16xf32> to vector<16xf32>
        %parallel_loop3A_160 = arith.addf %parallel_loop3A_155, %parallel_loop3A_159 : vector<16xf32>
        %parallel_loop3A_161 = arith.constant 0.000000e+00 : f32
        %parallel_loop3A_162 = vector.broadcast %parallel_loop3A_161 : f32 to vector<16xf32>
        %parallel_loop3A_163 = arith.maximumf %parallel_loop3A_160, %parallel_loop3A_162 : vector<16xf32>
        %parallel_loop3A_164 = arith.index_cast %parallel_loop3A_100 : i32 to index
        %parallel_loop3A_165 = arith.constant 48 : index
        %parallel_loop3A_166 = tpu.vector_load %arg8[%parallel_loop3A_164, %parallel_loop3A_165] {strides = array<i32>} : memref<200x128xf32, #tpu.memory_space<vmem>>, vector<1x16xf32>,
        %parallel_loop3A_167 = vector.shape_cast %parallel_loop3A_166 : vector<1x16xf32> to vector<16xf32>
        %parallel_loop3A_168 = vector.shape_cast %parallel_loop3A_163 : vector<16xf32> to vector<1x16xf32>
        tpu.vector_store %arg8[%parallel_loop3A_164, %parallel_loop3A_165], %parallel_loop3A_168 {strides = array<i32>} : memref<200x128xf32, #tpu.memory_space<vmem>>, vector<1x16xf32>,
        %parallel_loop3A_169 = arith.index_cast %parallel_loop3A_100 : i32 to index
        %parallel_loop3A_170 = arith.constant 64 : index
        %parallel_loop3A_171 = tpu.vector_load %arg6[%parallel_loop3A_169, %parallel_loop3A_170] {strides = array<i32>} : memref<200x128xf32, #tpu.memory_space<vmem>>, vector<1x16xf32>,
        %parallel_loop3A_172 = vector.shape_cast %parallel_loop3A_171 : vector<1x16xf32> to vector<16xf32>
        %parallel_loop3A_173 = arith.index_cast %parallel_loop3A_96 : i32 to index
        %parallel_loop3A_174 = arith.constant 64 : index
        %parallel_loop3A_175 = tpu.vector_load %arg11[%parallel_loop3A_173, %parallel_loop3A_174] {strides = array<i32>} : memref<60x128xf32, #tpu.memory_space<vmem>>, vector<1x16xf32>,
        %parallel_loop3A_176 = vector.shape_cast %parallel_loop3A_175 : vector<1x16xf32> to vector<16xf32>
        %parallel_loop3A_177 = arith.addf %parallel_loop3A_172, %parallel_loop3A_176 : vector<16xf32>
        %parallel_loop3A_178 = arith.constant 0.000000e+00 : f32
        %parallel_loop3A_179 = vector.broadcast %parallel_loop3A_178 : f32 to vector<16xf32>
        %parallel_loop3A_180 = arith.maximumf %parallel_loop3A_177, %parallel_loop3A_179 : vector<16xf32>
        %parallel_loop3A_181 = arith.index_cast %parallel_loop3A_100 : i32 to index
        %parallel_loop3A_182 = arith.constant 64 : index
        %parallel_loop3A_183 = tpu.vector_load %arg8[%parallel_loop3A_181, %parallel_loop3A_182] {strides = array<i32>} : memref<200x128xf32, #tpu.memory_space<vmem>>, vector<1x16xf32>,
        %parallel_loop3A_184 = vector.shape_cast %parallel_loop3A_183 : vector<1x16xf32> to vector<16xf32>
        %parallel_loop3A_185 = vector.shape_cast %parallel_loop3A_180 : vector<16xf32> to vector<1x16xf32>
        tpu.vector_store %arg8[%parallel_loop3A_181, %parallel_loop3A_182], %parallel_loop3A_185 {strides = array<i32>} : memref<200x128xf32, #tpu.memory_space<vmem>>, vector<1x16xf32>,
        %parallel_loop3A_186 = arith.index_cast %parallel_loop3A_100 : i32 to index
        %parallel_loop3A_187 = arith.constant 80 : index
        %parallel_loop3A_188 = tpu.vector_load %arg6[%parallel_loop3A_186, %parallel_loop3A_187] {strides = array<i32>} : memref<200x128xf32, #tpu.memory_space<vmem>>, vector<1x16xf32>,
        %parallel_loop3A_189 = vector.shape_cast %parallel_loop3A_188 : vector<1x16xf32> to vector<16xf32>
        %parallel_loop3A_190 = arith.index_cast %parallel_loop3A_96 : i32 to index
        %parallel_loop3A_191 = arith.constant 80 : index
        %parallel_loop3A_192 = tpu.vector_load %arg11[%parallel_loop3A_190, %parallel_loop3A_191] {strides = array<i32>} : memref<60x128xf32, #tpu.memory_space<vmem>>, vector<1x16xf32>,
        %parallel_loop3A_193 = vector.shape_cast %parallel_loop3A_192 : vector<1x16xf32> to vector<16xf32>
        %parallel_loop3A_194 = arith.addf %parallel_loop3A_189, %parallel_loop3A_193 : vector<16xf32>
        %parallel_loop3A_195 = arith.constant 0.000000e+00 : f32
        %parallel_loop3A_196 = vector.broadcast %parallel_loop3A_195 : f32 to vector<16xf32>
        %parallel_loop3A_197 = arith.maximumf %parallel_loop3A_194, %parallel_loop3A_196 : vector<16xf32>
        %parallel_loop3A_198 = arith.index_cast %parallel_loop3A_100 : i32 to index
        %parallel_loop3A_199 = arith.constant 80 : index
        %parallel_loop3A_200 = tpu.vector_load %arg8[%parallel_loop3A_198, %parallel_loop3A_199] {strides = array<i32>} : memref<200x128xf32, #tpu.memory_space<vmem>>, vector<1x16xf32>,
        %parallel_loop3A_201 = vector.shape_cast %parallel_loop3A_200 : vector<1x16xf32> to vector<16xf32>
        %parallel_loop3A_202 = vector.shape_cast %parallel_loop3A_197 : vector<16xf32> to vector<1x16xf32>
        tpu.vector_store %arg8[%parallel_loop3A_198, %parallel_loop3A_199], %parallel_loop3A_202 {strides = array<i32>} : memref<200x128xf32, #tpu.memory_space<vmem>>, vector<1x16xf32>,
        %parallel_loop3A_203 = arith.index_cast %parallel_loop3A_100 : i32 to index
        %parallel_loop3A_204 = arith.constant 96 : index
        %parallel_loop3A_205 = tpu.vector_load %arg6[%parallel_loop3A_203, %parallel_loop3A_204] {strides = array<i32>} : memref<200x128xf32, #tpu.memory_space<vmem>>, vector<1x16xf32>,
        %parallel_loop3A_206 = vector.shape_cast %parallel_loop3A_205 : vector<1x16xf32> to vector<16xf32>
        %parallel_loop3A_207 = arith.index_cast %parallel_loop3A_96 : i32 to index
        %parallel_loop3A_208 = arith.constant 96 : index
        %parallel_loop3A_209 = tpu.vector_load %arg11[%parallel_loop3A_207, %parallel_loop3A_208] {strides = array<i32>} : memref<60x128xf32, #tpu.memory_space<vmem>>, vector<1x16xf32>,
        %parallel_loop3A_210 = vector.shape_cast %parallel_loop3A_209 : vector<1x16xf32> to vector<16xf32>
        %parallel_loop3A_211 = arith.addf %parallel_loop3A_206, %parallel_loop3A_210 : vector<16xf32>
        %parallel_loop3A_212 = arith.constant 0.000000e+00 : f32
        %parallel_loop3A_213 = vector.broadcast %parallel_loop3A_212 : f32 to vector<16xf32>
        %parallel_loop3A_214 = arith.maximumf %parallel_loop3A_211, %parallel_loop3A_213 : vector<16xf32>
        %parallel_loop3A_215 = arith.index_cast %parallel_loop3A_100 : i32 to index
        %parallel_loop3A_216 = arith.constant 96 : index
        %parallel_loop3A_217 = tpu.vector_load %arg8[%parallel_loop3A_215, %parallel_loop3A_216] {strides = array<i32>} : memref<200x128xf32, #tpu.memory_space<vmem>>, vector<1x16xf32>,
        %parallel_loop3A_218 = vector.shape_cast %parallel_loop3A_217 : vector<1x16xf32> to vector<16xf32>
        %parallel_loop3A_219 = vector.shape_cast %parallel_loop3A_214 : vector<16xf32> to vector<1x16xf32>
        tpu.vector_store %arg8[%parallel_loop3A_215, %parallel_loop3A_216], %parallel_loop3A_219 {strides = array<i32>} : memref<200x128xf32, #tpu.memory_space<vmem>>, vector<1x16xf32>,
        %parallel_loop3A_220 = arith.index_cast %parallel_loop3A_100 : i32 to index
        %parallel_loop3A_221 = arith.constant 112 : index
        %parallel_loop3A_222 = tpu.vector_load %arg6[%parallel_loop3A_220, %parallel_loop3A_221] {strides = array<i32>} : memref<200x128xf32, #tpu.memory_space<vmem>>, vector<1x16xf32>,
        %parallel_loop3A_223 = vector.shape_cast %parallel_loop3A_222 : vector<1x16xf32> to vector<16xf32>
        %parallel_loop3A_224 = arith.index_cast %parallel_loop3A_96 : i32 to index
        %parallel_loop3A_225 = arith.constant 112 : index
        %parallel_loop3A_226 = tpu.vector_load %arg11[%parallel_loop3A_224, %parallel_loop3A_225] {strides = array<i32>} : memref<60x128xf32, #tpu.memory_space<vmem>>, vector<1x16xf32>,
        %parallel_loop3A_227 = vector.shape_cast %parallel_loop3A_226 : vector<1x16xf32> to vector<16xf32>
        %parallel_loop3A_228 = arith.addf %parallel_loop3A_223, %parallel_loop3A_227 : vector<16xf32>
        %parallel_loop3A_229 = arith.constant 0.000000e+00 : f32
        %parallel_loop3A_230 = vector.broadcast %parallel_loop3A_229 : f32 to vector<16xf32>
        %parallel_loop3A_231 = arith.maximumf %parallel_loop3A_228, %parallel_loop3A_230 : vector<16xf32>
        %parallel_loop3A_232 = arith.index_cast %parallel_loop3A_100 : i32 to index
        %parallel_loop3A_233 = arith.constant 112 : index
        %parallel_loop3A_234 = tpu.vector_load %arg8[%parallel_loop3A_232, %parallel_loop3A_233] {strides = array<i32>} : memref<200x128xf32, #tpu.memory_space<vmem>>, vector<1x16xf32>,
        %parallel_loop3A_235 = vector.shape_cast %parallel_loop3A_234 : vector<1x16xf32> to vector<16xf32>
        %parallel_loop3A_236 = vector.shape_cast %parallel_loop3A_231 : vector<16xf32> to vector<1x16xf32>
        tpu.vector_store %arg8[%parallel_loop3A_232, %parallel_loop3A_233], %parallel_loop3A_236 {strides = array<i32>} : memref<200x128xf32, #tpu.memory_space<vmem>>, vector<1x16xf32>,
        %parallel_loop3A_237 = vector.extract_strided_slice %parallel_loop3A_94 {offsets = [1], sizes = [1], strides = [1]} : vector<16xi32> to vector<1xi32>
        %parallel_loop3A_238 = vector.extract %parallel_loop3A_237[0] : i32 from vector<1xi32>
        %parallel_loop3A_239 = arith.constant 8 : i32
        %parallel_loop3A_240 = arith.muli %parallel_loop3A_88, %parallel_loop3A_239 : i32
        %parallel_loop3A_241 = arith.constant 1 : i32
        %parallel_loop3A_242 = arith.addi %parallel_loop3A_240, %parallel_loop3A_241 : i32
        %parallel_loop3A_243 = arith.index_cast %parallel_loop3A_242 : i32 to index
        %parallel_loop3A_244 = arith.constant 0 : index
        %parallel_loop3A_245 = tpu.vector_load %arg6[%parallel_loop3A_243, %parallel_loop3A_244] {strides = array<i32>} : memref<200x128xf32, #tpu.memory_space<vmem>>, vector<1x16xf32>,
        %parallel_loop3A_246 = vector.shape_cast %parallel_loop3A_245 : vector<1x16xf32> to vector<16xf32>
        %parallel_loop3A_247 = arith.index_cast %parallel_loop3A_238 : i32 to index
        %parallel_loop3A_248 = arith.constant 0 : index
        %parallel_loop3A_249 = tpu.vector_load %arg11[%parallel_loop3A_247, %parallel_loop3A_248] {strides = array<i32>} : memref<60x128xf32, #tpu.memory_space<vmem>>, vector<1x16xf32>,
        %parallel_loop3A_250 = vector.shape_cast %parallel_loop3A_249 : vector<1x16xf32> to vector<16xf32>
        %parallel_loop3A_251 = arith.addf %parallel_loop3A_246, %parallel_loop3A_250 : vector<16xf32>
        %parallel_loop3A_252 = arith.constant 0.000000e+00 : f32
        %parallel_loop3A_253 = vector.broadcast %parallel_loop3A_252 : f32 to vector<16xf32>
        %parallel_loop3A_254 = arith.maximumf %parallel_loop3A_251, %parallel_loop3A_253 : vector<16xf32>
        %parallel_loop3A_255 = arith.index_cast %parallel_loop3A_242 : i32 to index
        %parallel_loop3A_256 = arith.constant 0 : index
        %parallel_loop3A_257 = tpu.vector_load %arg8[%parallel_loop3A_255, %parallel_loop3A_256] {strides = array<i32>} : memref<200x128xf32, #tpu.memory_space<vmem>>, vector<1x16xf32>,
        %parallel_loop3A_258 = vector.shape_cast %parallel_loop3A_257 : vector<1x16xf32> to vector<16xf32>
        %parallel_loop3A_259 = vector.shape_cast %parallel_loop3A_254 : vector<16xf32> to vector<1x16xf32>
        tpu.vector_store %arg8[%parallel_loop3A_255, %parallel_loop3A_256], %parallel_loop3A_259 {strides = array<i32>} : memref<200x128xf32, #tpu.memory_space<vmem>>, vector<1x16xf32>,
        %parallel_loop3A_260 = arith.index_cast %parallel_loop3A_242 : i32 to index
        %parallel_loop3A_261 = arith.constant 16 : index
        %parallel_loop3A_262 = tpu.vector_load %arg6[%parallel_loop3A_260, %parallel_loop3A_261] {strides = array<i32>} : memref<200x128xf32, #tpu.memory_space<vmem>>, vector<1x16xf32>,
        %parallel_loop3A_263 = vector.shape_cast %parallel_loop3A_262 : vector<1x16xf32> to vector<16xf32>
        %parallel_loop3A_264 = arith.index_cast %parallel_loop3A_238 : i32 to index
        %parallel_loop3A_265 = arith.constant 16 : index
        %parallel_loop3A_266 = tpu.vector_load %arg11[%parallel_loop3A_264, %parallel_loop3A_265] {strides = array<i32>} : memref<60x128xf32, #tpu.memory_space<vmem>>, vector<1x16xf32>,
        %parallel_loop3A_267 = vector.shape_cast %parallel_loop3A_266 : vector<1x16xf32> to vector<16xf32>
        %parallel_loop3A_268 = arith.addf %parallel_loop3A_263, %parallel_loop3A_267 : vector<16xf32>
        %parallel_loop3A_269 = arith.constant 0.000000e+00 : f32
        %parallel_loop3A_270 = vector.broadcast %parallel_loop3A_269 : f32 to vector<16xf32>
        %parallel_loop3A_271 = arith.maximumf %parallel_loop3A_268, %parallel_loop3A_270 : vector<16xf32>
        %parallel_loop3A_272 = arith.index_cast %parallel_loop3A_242 : i32 to index
        %parallel_loop3A_273 = arith.constant 16 : index
        %parallel_loop3A_274 = tpu.vector_load %arg8[%parallel_loop3A_272, %parallel_loop3A_273] {strides = array<i32>} : memref<200x128xf32, #tpu.memory_space<vmem>>, vector<1x16xf32>,
        %parallel_loop3A_275 = vector.shape_cast %parallel_loop3A_274 : vector<1x16xf32> to vector<16xf32>
        %parallel_loop3A_276 = vector.shape_cast %parallel_loop3A_271 : vector<16xf32> to vector<1x16xf32>
        tpu.vector_store %arg8[%parallel_loop3A_272, %parallel_loop3A_273], %parallel_loop3A_276 {strides = array<i32>} : memref<200x128xf32, #tpu.memory_space<vmem>>, vector<1x16xf32>,
        %parallel_loop3A_277 = arith.index_cast %parallel_loop3A_242 : i32 to index
        %parallel_loop3A_278 = arith.constant 32 : index
        %parallel_loop3A_279 = tpu.vector_load %arg6[%parallel_loop3A_277, %parallel_loop3A_278] {strides = array<i32>} : memref<200x128xf32, #tpu.memory_space<vmem>>, vector<1x16xf32>,
        %parallel_loop3A_280 = vector.shape_cast %parallel_loop3A_279 : vector<1x16xf32> to vector<16xf32>
        %parallel_loop3A_281 = arith.index_cast %parallel_loop3A_238 : i32 to index
        %parallel_loop3A_282 = arith.constant 32 : index
        %parallel_loop3A_283 = tpu.vector_load %arg11[%parallel_loop3A_281, %parallel_loop3A_282] {strides = array<i32>} : memref<60x128xf32, #tpu.memory_space<vmem>>, vector<1x16xf32>,
        %parallel_loop3A_284 = vector.shape_cast %parallel_loop3A_283 : vector<1x16xf32> to vector<16xf32>
        %parallel_loop3A_285 = arith.addf %parallel_loop3A_280, %parallel_loop3A_284 : vector<16xf32>
        %parallel_loop3A_286 = arith.constant 0.000000e+00 : f32
        %parallel_loop3A_287 = vector.broadcast %parallel_loop3A_286 : f32 to vector<16xf32>
        %parallel_loop3A_288 = arith.maximumf %parallel_loop3A_285, %parallel_loop3A_287 : vector<16xf32>
        %parallel_loop3A_289 = arith.index_cast %parallel_loop3A_242 : i32 to index
        %parallel_loop3A_290 = arith.constant 32 : index
        %parallel_loop3A_291 = tpu.vector_load %arg8[%parallel_loop3A_289, %parallel_loop3A_290] {strides = array<i32>} : memref<200x128xf32, #tpu.memory_space<vmem>>, vector<1x16xf32>,
        %parallel_loop3A_292 = vector.shape_cast %parallel_loop3A_291 : vector<1x16xf32> to vector<16xf32>
        %parallel_loop3A_293 = vector.shape_cast %parallel_loop3A_288 : vector<16xf32> to vector<1x16xf32>
        tpu.vector_store %arg8[%parallel_loop3A_289, %parallel_loop3A_290], %parallel_loop3A_293 {strides = array<i32>} : memref<200x128xf32, #tpu.memory_space<vmem>>, vector<1x16xf32>,
        %parallel_loop3A_294 = arith.index_cast %parallel_loop3A_242 : i32 to index
        %parallel_loop3A_295 = arith.constant 48 : index
        %parallel_loop3A_296 = tpu.vector_load %arg6[%parallel_loop3A_294, %parallel_loop3A_295] {strides = array<i32>} : memref<200x128xf32, #tpu.memory_space<vmem>>, vector<1x16xf32>,
        %parallel_loop3A_297 = vector.shape_cast %parallel_loop3A_296 : vector<1x16xf32> to vector<16xf32>
        %parallel_loop3A_298 = arith.index_cast %parallel_loop3A_238 : i32 to index
        %parallel_loop3A_299 = arith.constant 48 : index
        %parallel_loop3A_300 = tpu.vector_load %arg11[%parallel_loop3A_298, %parallel_loop3A_299] {strides = array<i32>} : memref<60x128xf32, #tpu.memory_space<vmem>>, vector<1x16xf32>,
        %parallel_loop3A_301 = vector.shape_cast %parallel_loop3A_300 : vector<1x16xf32> to vector<16xf32>
        %parallel_loop3A_302 = arith.addf %parallel_loop3A_297, %parallel_loop3A_301 : vector<16xf32>
        %parallel_loop3A_303 = arith.constant 0.000000e+00 : f32
        %parallel_loop3A_304 = vector.broadcast %parallel_loop3A_303 : f32 to vector<16xf32>
        %parallel_loop3A_305 = arith.maximumf %parallel_loop3A_302, %parallel_loop3A_304 : vector<16xf32>
        %parallel_loop3A_306 = arith.index_cast %parallel_loop3A_242 : i32 to index
        %parallel_loop3A_307 = arith.constant 48 : index
        %parallel_loop3A_308 = tpu.vector_load %arg8[%parallel_loop3A_306, %parallel_loop3A_307] {strides = array<i32>} : memref<200x128xf32, #tpu.memory_space<vmem>>, vector<1x16xf32>,
        %parallel_loop3A_309 = vector.shape_cast %parallel_loop3A_308 : vector<1x16xf32> to vector<16xf32>
        %parallel_loop3A_310 = vector.shape_cast %parallel_loop3A_305 : vector<16xf32> to vector<1x16xf32>
        tpu.vector_store %arg8[%parallel_loop3A_306, %parallel_loop3A_307], %parallel_loop3A_310 {strides = array<i32>} : memref<200x128xf32, #tpu.memory_space<vmem>>, vector<1x16xf32>,
        %parallel_loop3A_311 = arith.index_cast %parallel_loop3A_242 : i32 to index
        %parallel_loop3A_312 = arith.constant 64 : index
        %parallel_loop3A_313 = tpu.vector_load %arg6[%parallel_loop3A_311, %parallel_loop3A_312] {strides = array<i32>} : memref<200x128xf32, #tpu.memory_space<vmem>>, vector<1x16xf32>,
        %parallel_loop3A_314 = vector.shape_cast %parallel_loop3A_313 : vector<1x16xf32> to vector<16xf32>
        %parallel_loop3A_315 = arith.index_cast %parallel_loop3A_238 : i32 to index
        %parallel_loop3A_316 = arith.constant 64 : index
        %parallel_loop3A_317 = tpu.vector_load %arg11[%parallel_loop3A_315, %parallel_loop3A_316] {strides = array<i32>} : memref<60x128xf32, #tpu.memory_space<vmem>>, vector<1x16xf32>,
        %parallel_loop3A_318 = vector.shape_cast %parallel_loop3A_317 : vector<1x16xf32> to vector<16xf32>
        %parallel_loop3A_319 = arith.addf %parallel_loop3A_314, %parallel_loop3A_318 : vector<16xf32>
        %parallel_loop3A_320 = arith.constant 0.000000e+00 : f32
        %parallel_loop3A_321 = vector.broadcast %parallel_loop3A_320 : f32 to vector<16xf32>
        %parallel_loop3A_322 = arith.maximumf %parallel_loop3A_319, %parallel_loop3A_321 : vector<16xf32>
        %parallel_loop3A_323 = arith.index_cast %parallel_loop3A_242 : i32 to index
        %parallel_loop3A_324 = arith.constant 64 : index
        %parallel_loop3A_325 = tpu.vector_load %arg8[%parallel_loop3A_323, %parallel_loop3A_324] {strides = array<i32>} : memref<200x128xf32, #tpu.memory_space<vmem>>, vector<1x16xf32>,
        %parallel_loop3A_326 = vector.shape_cast %parallel_loop3A_325 : vector<1x16xf32> to vector<16xf32>
        %parallel_loop3A_327 = vector.shape_cast %parallel_loop3A_322 : vector<16xf32> to vector<1x16xf32>
        tpu.vector_store %arg8[%parallel_loop3A_323, %parallel_loop3A_324], %parallel_loop3A_327 {strides = array<i32>} : memref<200x128xf32, #tpu.memory_space<vmem>>, vector<1x16xf32>,
        %parallel_loop3A_328 = arith.index_cast %parallel_loop3A_242 : i32 to index
        %parallel_loop3A_329 = arith.constant 80 : index
        %parallel_loop3A_330 = tpu.vector_load %arg6[%parallel_loop3A_328, %parallel_loop3A_329] {strides = array<i32>} : memref<200x128xf32, #tpu.memory_space<vmem>>, vector<1x16xf32>,
        %parallel_loop3A_331 = vector.shape_cast %parallel_loop3A_330 : vector<1x16xf32> to vector<16xf32>
        %parallel_loop3A_332 = arith.index_cast %parallel_loop3A_238 : i32 to index
        %parallel_loop3A_333 = arith.constant 80 : index
        %parallel_loop3A_334 = tpu.vector_load %arg11[%parallel_loop3A_332, %parallel_loop3A_333] {strides = array<i32>} : memref<60x128xf32, #tpu.memory_space<vmem>>, vector<1x16xf32>,
        %parallel_loop3A_335 = vector.shape_cast %parallel_loop3A_334 : vector<1x16xf32> to vector<16xf32>
        %parallel_loop3A_336 = arith.addf %parallel_loop3A_331, %parallel_loop3A_335 : vector<16xf32>
        %parallel_loop3A_337 = arith.constant 0.000000e+00 : f32
        %parallel_loop3A_338 = vector.broadcast %parallel_loop3A_337 : f32 to vector<16xf32>
        %parallel_loop3A_339 = arith.maximumf %parallel_loop3A_336, %parallel_loop3A_338 : vector<16xf32>
        %parallel_loop3A_340 = arith.index_cast %parallel_loop3A_242 : i32 to index
        %parallel_loop3A_341 = arith.constant 80 : index
        %parallel_loop3A_342 = tpu.vector_load %arg8[%parallel_loop3A_340, %parallel_loop3A_341] {strides = array<i32>} : memref<200x128xf32, #tpu.memory_space<vmem>>, vector<1x16xf32>,
        %parallel_loop3A_343 = vector.shape_cast %parallel_loop3A_342 : vector<1x16xf32> to vector<16xf32>
        %parallel_loop3A_344 = vector.shape_cast %parallel_loop3A_339 : vector<16xf32> to vector<1x16xf32>
        tpu.vector_store %arg8[%parallel_loop3A_340, %parallel_loop3A_341], %parallel_loop3A_344 {strides = array<i32>} : memref<200x128xf32, #tpu.memory_space<vmem>>, vector<1x16xf32>,
        %parallel_loop3A_345 = arith.index_cast %parallel_loop3A_242 : i32 to index
        %parallel_loop3A_346 = arith.constant 96 : index
        %parallel_loop3A_347 = tpu.vector_load %arg6[%parallel_loop3A_345, %parallel_loop3A_346] {strides = array<i32>} : memref<200x128xf32, #tpu.memory_space<vmem>>, vector<1x16xf32>,
        %parallel_loop3A_348 = vector.shape_cast %parallel_loop3A_347 : vector<1x16xf32> to vector<16xf32>
        %parallel_loop3A_349 = arith.index_cast %parallel_loop3A_238 : i32 to index
        %parallel_loop3A_350 = arith.constant 96 : index
        %parallel_loop3A_351 = tpu.vector_load %arg11[%parallel_loop3A_349, %parallel_loop3A_350] {strides = array<i32>} : memref<60x128xf32, #tpu.memory_space<vmem>>, vector<1x16xf32>,
        %parallel_loop3A_352 = vector.shape_cast %parallel_loop3A_351 : vector<1x16xf32> to vector<16xf32>
        %parallel_loop3A_353 = arith.addf %parallel_loop3A_348, %parallel_loop3A_352 : vector<16xf32>
        %parallel_loop3A_354 = arith.constant 0.000000e+00 : f32
        %parallel_loop3A_355 = vector.broadcast %parallel_loop3A_354 : f32 to vector<16xf32>
        %parallel_loop3A_356 = arith.maximumf %parallel_loop3A_353, %parallel_loop3A_355 : vector<16xf32>
        %parallel_loop3A_357 = arith.index_cast %parallel_loop3A_242 : i32 to index
        %parallel_loop3A_358 = arith.constant 96 : index
        %parallel_loop3A_359 = tpu.vector_load %arg8[%parallel_loop3A_357, %parallel_loop3A_358] {strides = array<i32>} : memref<200x128xf32, #tpu.memory_space<vmem>>, vector<1x16xf32>,
        %parallel_loop3A_360 = vector.shape_cast %parallel_loop3A_359 : vector<1x16xf32> to vector<16xf32>
        %parallel_loop3A_361 = vector.shape_cast %parallel_loop3A_356 : vector<16xf32> to vector<1x16xf32>
        tpu.vector_store %arg8[%parallel_loop3A_357, %parallel_loop3A_358], %parallel_loop3A_361 {strides = array<i32>} : memref<200x128xf32, #tpu.memory_space<vmem>>, vector<1x16xf32>,
        %parallel_loop3A_362 = arith.index_cast %parallel_loop3A_242 : i32 to index
        %parallel_loop3A_363 = arith.constant 112 : index
        %parallel_loop3A_364 = tpu.vector_load %arg6[%parallel_loop3A_362, %parallel_loop3A_363] {strides = array<i32>} : memref<200x128xf32, #tpu.memory_space<vmem>>, vector<1x16xf32>,
        %parallel_loop3A_365 = vector.shape_cast %parallel_loop3A_364 : vector<1x16xf32> to vector<16xf32>
        %parallel_loop3A_366 = arith.index_cast %parallel_loop3A_238 : i32 to index
        %parallel_loop3A_367 = arith.constant 112 : index
        %parallel_loop3A_368 = tpu.vector_load %arg11[%parallel_loop3A_366, %parallel_loop3A_367] {strides = array<i32>} : memref<60x128xf32, #tpu.memory_space<vmem>>, vector<1x16xf32>,
        %parallel_loop3A_369 = vector.shape_cast %parallel_loop3A_368 : vector<1x16xf32> to vector<16xf32>
        %parallel_loop3A_370 = arith.addf %parallel_loop3A_365, %parallel_loop3A_369 : vector<16xf32>
        %parallel_loop3A_371 = arith.constant 0.000000e+00 : f32
        %parallel_loop3A_372 = vector.broadcast %parallel_loop3A_371 : f32 to vector<16xf32>
        %parallel_loop3A_373 = arith.maximumf %parallel_loop3A_370, %parallel_loop3A_372 : vector<16xf32>
        %parallel_loop3A_374 = arith.index_cast %parallel_loop3A_242 : i32 to index
        %parallel_loop3A_375 = arith.constant 112 : index
        %parallel_loop3A_376 = tpu.vector_load %arg8[%parallel_loop3A_374, %parallel_loop3A_375] {strides = array<i32>} : memref<200x128xf32, #tpu.memory_space<vmem>>, vector<1x16xf32>,
        %parallel_loop3A_377 = vector.shape_cast %parallel_loop3A_376 : vector<1x16xf32> to vector<16xf32>
        %parallel_loop3A_378 = vector.shape_cast %parallel_loop3A_373 : vector<16xf32> to vector<1x16xf32>
        tpu.vector_store %arg8[%parallel_loop3A_374, %parallel_loop3A_375], %parallel_loop3A_378 {strides = array<i32>} : memref<200x128xf32, #tpu.memory_space<vmem>>, vector<1x16xf32>,
        %parallel_loop3A_379 = vector.extract_strided_slice %parallel_loop3A_94 {offsets = [2], sizes = [1], strides = [1]} : vector<16xi32> to vector<1xi32>
        %parallel_loop3A_380 = vector.extract %parallel_loop3A_379[0] : i32 from vector<1xi32>
        %parallel_loop3A_381 = arith.constant 8 : i32
        %parallel_loop3A_382 = arith.muli %parallel_loop3A_88, %parallel_loop3A_381 : i32
        %parallel_loop3A_383 = arith.constant 2 : i32
        %parallel_loop3A_384 = arith.addi %parallel_loop3A_382, %parallel_loop3A_383 : i32
        %parallel_loop3A_385 = arith.index_cast %parallel_loop3A_384 : i32 to index
        %parallel_loop3A_386 = arith.constant 0 : index
        %parallel_loop3A_387 = tpu.vector_load %arg6[%parallel_loop3A_385, %parallel_loop3A_386] {strides = array<i32>} : memref<200x128xf32, #tpu.memory_space<vmem>>, vector<1x16xf32>,
        %parallel_loop3A_388 = vector.shape_cast %parallel_loop3A_387 : vector<1x16xf32> to vector<16xf32>
        %parallel_loop3A_389 = arith.index_cast %parallel_loop3A_380 : i32 to index
        %parallel_loop3A_390 = arith.constant 0 : index
        %parallel_loop3A_391 = tpu.vector_load %arg11[%parallel_loop3A_389, %parallel_loop3A_390] {strides = array<i32>} : memref<60x128xf32, #tpu.memory_space<vmem>>, vector<1x16xf32>,
        %parallel_loop3A_392 = vector.shape_cast %parallel_loop3A_391 : vector<1x16xf32> to vector<16xf32>
        %parallel_loop3A_393 = arith.addf %parallel_loop3A_388, %parallel_loop3A_392 : vector<16xf32>
        %parallel_loop3A_394 = arith.constant 0.000000e+00 : f32
        %parallel_loop3A_395 = vector.broadcast %parallel_loop3A_394 : f32 to vector<16xf32>
        %parallel_loop3A_396 = arith.maximumf %parallel_loop3A_393, %parallel_loop3A_395 : vector<16xf32>
        %parallel_loop3A_397 = arith.index_cast %parallel_loop3A_384 : i32 to index
        %parallel_loop3A_398 = arith.constant 0 : index
        %parallel_loop3A_399 = tpu.vector_load %arg8[%parallel_loop3A_397, %parallel_loop3A_398] {strides = array<i32>} : memref<200x128xf32, #tpu.memory_space<vmem>>, vector<1x16xf32>,
        %parallel_loop3A_400 = vector.shape_cast %parallel_loop3A_399 : vector<1x16xf32> to vector<16xf32>
        %parallel_loop3A_401 = vector.shape_cast %parallel_loop3A_396 : vector<16xf32> to vector<1x16xf32>
        tpu.vector_store %arg8[%parallel_loop3A_397, %parallel_loop3A_398], %parallel_loop3A_401 {strides = array<i32>} : memref<200x128xf32, #tpu.memory_space<vmem>>, vector<1x16xf32>,
        %parallel_loop3A_402 = arith.index_cast %parallel_loop3A_384 : i32 to index
        %parallel_loop3A_403 = arith.constant 16 : index
        %parallel_loop3A_404 = tpu.vector_load %arg6[%parallel_loop3A_402, %parallel_loop3A_403] {strides = array<i32>} : memref<200x128xf32, #tpu.memory_space<vmem>>, vector<1x16xf32>,
        %parallel_loop3A_405 = vector.shape_cast %parallel_loop3A_404 : vector<1x16xf32> to vector<16xf32>
        %parallel_loop3A_406 = arith.index_cast %parallel_loop3A_380 : i32 to index
        %parallel_loop3A_407 = arith.constant 16 : index
        %parallel_loop3A_408 = tpu.vector_load %arg11[%parallel_loop3A_406, %parallel_loop3A_407] {strides = array<i32>} : memref<60x128xf32, #tpu.memory_space<vmem>>, vector<1x16xf32>,
        %parallel_loop3A_409 = vector.shape_cast %parallel_loop3A_408 : vector<1x16xf32> to vector<16xf32>
        %parallel_loop3A_410 = arith.addf %parallel_loop3A_405, %parallel_loop3A_409 : vector<16xf32>
        %parallel_loop3A_411 = arith.constant 0.000000e+00 : f32
        %parallel_loop3A_412 = vector.broadcast %parallel_loop3A_411 : f32 to vector<16xf32>
        %parallel_loop3A_413 = arith.maximumf %parallel_loop3A_410, %parallel_loop3A_412 : vector<16xf32>
        %parallel_loop3A_414 = arith.index_cast %parallel_loop3A_384 : i32 to index
        %parallel_loop3A_415 = arith.constant 16 : index
        %parallel_loop3A_416 = tpu.vector_load %arg8[%parallel_loop3A_414, %parallel_loop3A_415] {strides = array<i32>} : memref<200x128xf32, #tpu.memory_space<vmem>>, vector<1x16xf32>,
        %parallel_loop3A_417 = vector.shape_cast %parallel_loop3A_416 : vector<1x16xf32> to vector<16xf32>
        %parallel_loop3A_418 = vector.shape_cast %parallel_loop3A_413 : vector<16xf32> to vector<1x16xf32>
        tpu.vector_store %arg8[%parallel_loop3A_414, %parallel_loop3A_415], %parallel_loop3A_418 {strides = array<i32>} : memref<200x128xf32, #tpu.memory_space<vmem>>, vector<1x16xf32>,
        %parallel_loop3A_419 = arith.index_cast %parallel_loop3A_384 : i32 to index
        %parallel_loop3A_420 = arith.constant 32 : index
        %parallel_loop3A_421 = tpu.vector_load %arg6[%parallel_loop3A_419, %parallel_loop3A_420] {strides = array<i32>} : memref<200x128xf32, #tpu.memory_space<vmem>>, vector<1x16xf32>,
        %parallel_loop3A_422 = vector.shape_cast %parallel_loop3A_421 : vector<1x16xf32> to vector<16xf32>
        %parallel_loop3A_423 = arith.index_cast %parallel_loop3A_380 : i32 to index
        %parallel_loop3A_424 = arith.constant 32 : index
        %parallel_loop3A_425 = tpu.vector_load %arg11[%parallel_loop3A_423, %parallel_loop3A_424] {strides = array<i32>} : memref<60x128xf32, #tpu.memory_space<vmem>>, vector<1x16xf32>,
        %parallel_loop3A_426 = vector.shape_cast %parallel_loop3A_425 : vector<1x16xf32> to vector<16xf32>
        %parallel_loop3A_427 = arith.addf %parallel_loop3A_422, %parallel_loop3A_426 : vector<16xf32>
        %parallel_loop3A_428 = arith.constant 0.000000e+00 : f32
        %parallel_loop3A_429 = vector.broadcast %parallel_loop3A_428 : f32 to vector<16xf32>
        %parallel_loop3A_430 = arith.maximumf %parallel_loop3A_427, %parallel_loop3A_429 : vector<16xf32>
        %parallel_loop3A_431 = arith.index_cast %parallel_loop3A_384 : i32 to index
        %parallel_loop3A_432 = arith.constant 32 : index
        %parallel_loop3A_433 = tpu.vector_load %arg8[%parallel_loop3A_431, %parallel_loop3A_432] {strides = array<i32>} : memref<200x128xf32, #tpu.memory_space<vmem>>, vector<1x16xf32>,
        %parallel_loop3A_434 = vector.shape_cast %parallel_loop3A_433 : vector<1x16xf32> to vector<16xf32>
        %parallel_loop3A_435 = vector.shape_cast %parallel_loop3A_430 : vector<16xf32> to vector<1x16xf32>
        tpu.vector_store %arg8[%parallel_loop3A_431, %parallel_loop3A_432], %parallel_loop3A_435 {strides = array<i32>} : memref<200x128xf32, #tpu.memory_space<vmem>>, vector<1x16xf32>,
        %parallel_loop3A_436 = arith.index_cast %parallel_loop3A_384 : i32 to index
        %parallel_loop3A_437 = arith.constant 48 : index
        %parallel_loop3A_438 = tpu.vector_load %arg6[%parallel_loop3A_436, %parallel_loop3A_437] {strides = array<i32>} : memref<200x128xf32, #tpu.memory_space<vmem>>, vector<1x16xf32>,
        %parallel_loop3A_439 = vector.shape_cast %parallel_loop3A_438 : vector<1x16xf32> to vector<16xf32>
        %parallel_loop3A_440 = arith.index_cast %parallel_loop3A_380 : i32 to index
        %parallel_loop3A_441 = arith.constant 48 : index
        %parallel_loop3A_442 = tpu.vector_load %arg11[%parallel_loop3A_440, %parallel_loop3A_441] {strides = array<i32>} : memref<60x128xf32, #tpu.memory_space<vmem>>, vector<1x16xf32>,
        %parallel_loop3A_443 = vector.shape_cast %parallel_loop3A_442 : vector<1x16xf32> to vector<16xf32>
        %parallel_loop3A_444 = arith.addf %parallel_loop3A_439, %parallel_loop3A_443 : vector<16xf32>
        %parallel_loop3A_445 = arith.constant 0.000000e+00 : f32
        %parallel_loop3A_446 = vector.broadcast %parallel_loop3A_445 : f32 to vector<16xf32>
        %parallel_loop3A_447 = arith.maximumf %parallel_loop3A_444, %parallel_loop3A_446 : vector<16xf32>
        %parallel_loop3A_448 = arith.index_cast %parallel_loop3A_384 : i32 to index
        %parallel_loop3A_449 = arith.constant 48 : index
        %parallel_loop3A_450 = tpu.vector_load %arg8[%parallel_loop3A_448, %parallel_loop3A_449] {strides = array<i32>} : memref<200x128xf32, #tpu.memory_space<vmem>>, vector<1x16xf32>,
        %parallel_loop3A_451 = vector.shape_cast %parallel_loop3A_450 : vector<1x16xf32> to vector<16xf32>
        %parallel_loop3A_452 = vector.shape_cast %parallel_loop3A_447 : vector<16xf32> to vector<1x16xf32>
        tpu.vector_store %arg8[%parallel_loop3A_448, %parallel_loop3A_449], %parallel_loop3A_452 {strides = array<i32>} : memref<200x128xf32, #tpu.memory_space<vmem>>, vector<1x16xf32>,
        %parallel_loop3A_453 = arith.index_cast %parallel_loop3A_384 : i32 to index
        %parallel_loop3A_454 = arith.constant 64 : index
        %parallel_loop3A_455 = tpu.vector_load %arg6[%parallel_loop3A_453, %parallel_loop3A_454] {strides = array<i32>} : memref<200x128xf32, #tpu.memory_space<vmem>>, vector<1x16xf32>,
        %parallel_loop3A_456 = vector.shape_cast %parallel_loop3A_455 : vector<1x16xf32> to vector<16xf32>
        %parallel_loop3A_457 = arith.index_cast %parallel_loop3A_380 : i32 to index
        %parallel_loop3A_458 = arith.constant 64 : index
        %parallel_loop3A_459 = tpu.vector_load %arg11[%parallel_loop3A_457, %parallel_loop3A_458] {strides = array<i32>} : memref<60x128xf32, #tpu.memory_space<vmem>>, vector<1x16xf32>,
        %parallel_loop3A_460 = vector.shape_cast %parallel_loop3A_459 : vector<1x16xf32> to vector<16xf32>
        %parallel_loop3A_461 = arith.addf %parallel_loop3A_456, %parallel_loop3A_460 : vector<16xf32>
        %parallel_loop3A_462 = arith.constant 0.000000e+00 : f32
        %parallel_loop3A_463 = vector.broadcast %parallel_loop3A_462 : f32 to vector<16xf32>
        %parallel_loop3A_464 = arith.maximumf %parallel_loop3A_461, %parallel_loop3A_463 : vector<16xf32>
        %parallel_loop3A_465 = arith.index_cast %parallel_loop3A_384 : i32 to index
        %parallel_loop3A_466 = arith.constant 64 : index
        %parallel_loop3A_467 = tpu.vector_load %arg8[%parallel_loop3A_465, %parallel_loop3A_466] {strides = array<i32>} : memref<200x128xf32, #tpu.memory_space<vmem>>, vector<1x16xf32>,
        %parallel_loop3A_468 = vector.shape_cast %parallel_loop3A_467 : vector<1x16xf32> to vector<16xf32>
        %parallel_loop3A_469 = vector.shape_cast %parallel_loop3A_464 : vector<16xf32> to vector<1x16xf32>
        tpu.vector_store %arg8[%parallel_loop3A_465, %parallel_loop3A_466], %parallel_loop3A_469 {strides = array<i32>} : memref<200x128xf32, #tpu.memory_space<vmem>>, vector<1x16xf32>,
        %parallel_loop3A_470 = arith.index_cast %parallel_loop3A_384 : i32 to index
        %parallel_loop3A_471 = arith.constant 80 : index
        %parallel_loop3A_472 = tpu.vector_load %arg6[%parallel_loop3A_470, %parallel_loop3A_471] {strides = array<i32>} : memref<200x128xf32, #tpu.memory_space<vmem>>, vector<1x16xf32>,
        %parallel_loop3A_473 = vector.shape_cast %parallel_loop3A_472 : vector<1x16xf32> to vector<16xf32>
        %parallel_loop3A_474 = arith.index_cast %parallel_loop3A_380 : i32 to index
        %parallel_loop3A_475 = arith.constant 80 : index
        %parallel_loop3A_476 = tpu.vector_load %arg11[%parallel_loop3A_474, %parallel_loop3A_475] {strides = array<i32>} : memref<60x128xf32, #tpu.memory_space<vmem>>, vector<1x16xf32>,
        %parallel_loop3A_477 = vector.shape_cast %parallel_loop3A_476 : vector<1x16xf32> to vector<16xf32>
        %parallel_loop3A_478 = arith.addf %parallel_loop3A_473, %parallel_loop3A_477 : vector<16xf32>
        %parallel_loop3A_479 = arith.constant 0.000000e+00 : f32
        %parallel_loop3A_480 = vector.broadcast %parallel_loop3A_479 : f32 to vector<16xf32>
        %parallel_loop3A_481 = arith.maximumf %parallel_loop3A_478, %parallel_loop3A_480 : vector<16xf32>
        %parallel_loop3A_482 = arith.index_cast %parallel_loop3A_384 : i32 to index
        %parallel_loop3A_483 = arith.constant 80 : index
        %parallel_loop3A_484 = tpu.vector_load %arg8[%parallel_loop3A_482, %parallel_loop3A_483] {strides = array<i32>} : memref<200x128xf32, #tpu.memory_space<vmem>>, vector<1x16xf32>,
        %parallel_loop3A_485 = vector.shape_cast %parallel_loop3A_484 : vector<1x16xf32> to vector<16xf32>
        %parallel_loop3A_486 = vector.shape_cast %parallel_loop3A_481 : vector<16xf32> to vector<1x16xf32>
        tpu.vector_store %arg8[%parallel_loop3A_482, %parallel_loop3A_483], %parallel_loop3A_486 {strides = array<i32>} : memref<200x128xf32, #tpu.memory_space<vmem>>, vector<1x16xf32>,
        %parallel_loop3A_487 = arith.index_cast %parallel_loop3A_384 : i32 to index
        %parallel_loop3A_488 = arith.constant 96 : index
        %parallel_loop3A_489 = tpu.vector_load %arg6[%parallel_loop3A_487, %parallel_loop3A_488] {strides = array<i32>} : memref<200x128xf32, #tpu.memory_space<vmem>>, vector<1x16xf32>,
        %parallel_loop3A_490 = vector.shape_cast %parallel_loop3A_489 : vector<1x16xf32> to vector<16xf32>
        %parallel_loop3A_491 = arith.index_cast %parallel_loop3A_380 : i32 to index
        %parallel_loop3A_492 = arith.constant 96 : index
        %parallel_loop3A_493 = tpu.vector_load %arg11[%parallel_loop3A_491, %parallel_loop3A_492] {strides = array<i32>} : memref<60x128xf32, #tpu.memory_space<vmem>>, vector<1x16xf32>,
        %parallel_loop3A_494 = vector.shape_cast %parallel_loop3A_493 : vector<1x16xf32> to vector<16xf32>
        %parallel_loop3A_495 = arith.addf %parallel_loop3A_490, %parallel_loop3A_494 : vector<16xf32>
        %parallel_loop3A_496 = arith.constant 0.000000e+00 : f32
        %parallel_loop3A_497 = vector.broadcast %parallel_loop3A_496 : f32 to vector<16xf32>
        %parallel_loop3A_498 = arith.maximumf %parallel_loop3A_495, %parallel_loop3A_497 : vector<16xf32>
        %parallel_loop3A_499 = arith.index_cast %parallel_loop3A_384 : i32 to index
        %parallel_loop3A_500 = arith.constant 96 : index
        %parallel_loop3A_501 = tpu.vector_load %arg8[%parallel_loop3A_499, %parallel_loop3A_500] {strides = array<i32>} : memref<200x128xf32, #tpu.memory_space<vmem>>, vector<1x16xf32>,
        %parallel_loop3A_502 = vector.shape_cast %parallel_loop3A_501 : vector<1x16xf32> to vector<16xf32>
        %parallel_loop3A_503 = vector.shape_cast %parallel_loop3A_498 : vector<16xf32> to vector<1x16xf32>
        tpu.vector_store %arg8[%parallel_loop3A_499, %parallel_loop3A_500], %parallel_loop3A_503 {strides = array<i32>} : memref<200x128xf32, #tpu.memory_space<vmem>>, vector<1x16xf32>,
        %parallel_loop3A_504 = arith.index_cast %parallel_loop3A_384 : i32 to index
        %parallel_loop3A_505 = arith.constant 112 : index
        %parallel_loop3A_506 = tpu.vector_load %arg6[%parallel_loop3A_504, %parallel_loop3A_505] {strides = array<i32>} : memref<200x128xf32, #tpu.memory_space<vmem>>, vector<1x16xf32>,
        %parallel_loop3A_507 = vector.shape_cast %parallel_loop3A_506 : vector<1x16xf32> to vector<16xf32>
        %parallel_loop3A_508 = arith.index_cast %parallel_loop3A_380 : i32 to index
        %parallel_loop3A_509 = arith.constant 112 : index
        %parallel_loop3A_510 = tpu.vector_load %arg11[%parallel_loop3A_508, %parallel_loop3A_509] {strides = array<i32>} : memref<60x128xf32, #tpu.memory_space<vmem>>, vector<1x16xf32>,
        %parallel_loop3A_511 = vector.shape_cast %parallel_loop3A_510 : vector<1x16xf32> to vector<16xf32>
        %parallel_loop3A_512 = arith.addf %parallel_loop3A_507, %parallel_loop3A_511 : vector<16xf32>
        %parallel_loop3A_513 = arith.constant 0.000000e+00 : f32
        %parallel_loop3A_514 = vector.broadcast %parallel_loop3A_513 : f32 to vector<16xf32>
        %parallel_loop3A_515 = arith.maximumf %parallel_loop3A_512, %parallel_loop3A_514 : vector<16xf32>
        %parallel_loop3A_516 = arith.index_cast %parallel_loop3A_384 : i32 to index
        %parallel_loop3A_517 = arith.constant 112 : index
        %parallel_loop3A_518 = tpu.vector_load %arg8[%parallel_loop3A_516, %parallel_loop3A_517] {strides = array<i32>} : memref<200x128xf32, #tpu.memory_space<vmem>>, vector<1x16xf32>,
        %parallel_loop3A_519 = vector.shape_cast %parallel_loop3A_518 : vector<1x16xf32> to vector<16xf32>
        %parallel_loop3A_520 = vector.shape_cast %parallel_loop3A_515 : vector<16xf32> to vector<1x16xf32>
        tpu.vector_store %arg8[%parallel_loop3A_516, %parallel_loop3A_517], %parallel_loop3A_520 {strides = array<i32>} : memref<200x128xf32, #tpu.memory_space<vmem>>, vector<1x16xf32>,
        %parallel_loop3A_521 = vector.extract_strided_slice %parallel_loop3A_94 {offsets = [3], sizes = [1], strides = [1]} : vector<16xi32> to vector<1xi32>
        %parallel_loop3A_522 = vector.extract %parallel_loop3A_521[0] : i32 from vector<1xi32>
        %parallel_loop3A_523 = arith.constant 8 : i32
        %parallel_loop3A_524 = arith.muli %parallel_loop3A_88, %parallel_loop3A_523 : i32
        %parallel_loop3A_525 = arith.constant 3 : i32
        %parallel_loop3A_526 = arith.addi %parallel_loop3A_524, %parallel_loop3A_525 : i32
        %parallel_loop3A_527 = arith.index_cast %parallel_loop3A_526 : i32 to index
        %parallel_loop3A_528 = arith.constant 0 : index
        %parallel_loop3A_529 = tpu.vector_load %arg6[%parallel_loop3A_527, %parallel_loop3A_528] {strides = array<i32>} : memref<200x128xf32, #tpu.memory_space<vmem>>, vector<1x16xf32>,
        %parallel_loop3A_530 = vector.shape_cast %parallel_loop3A_529 : vector<1x16xf32> to vector<16xf32>
        %parallel_loop3A_531 = arith.index_cast %parallel_loop3A_522 : i32 to index
        %parallel_loop3A_532 = arith.constant 0 : index
        %parallel_loop3A_533 = tpu.vector_load %arg11[%parallel_loop3A_531, %parallel_loop3A_532] {strides = array<i32>} : memref<60x128xf32, #tpu.memory_space<vmem>>, vector<1x16xf32>,
        %parallel_loop3A_534 = vector.shape_cast %parallel_loop3A_533 : vector<1x16xf32> to vector<16xf32>
        %parallel_loop3A_535 = arith.addf %parallel_loop3A_530, %parallel_loop3A_534 : vector<16xf32>
        %parallel_loop3A_536 = arith.constant 0.000000e+00 : f32
        %parallel_loop3A_537 = vector.broadcast %parallel_loop3A_536 : f32 to vector<16xf32>
        %parallel_loop3A_538 = arith.maximumf %parallel_loop3A_535, %parallel_loop3A_537 : vector<16xf32>
        %parallel_loop3A_539 = arith.index_cast %parallel_loop3A_526 : i32 to index
        %parallel_loop3A_540 = arith.constant 0 : index
        %parallel_loop3A_541 = tpu.vector_load %arg8[%parallel_loop3A_539, %parallel_loop3A_540] {strides = array<i32>} : memref<200x128xf32, #tpu.memory_space<vmem>>, vector<1x16xf32>,
        %parallel_loop3A_542 = vector.shape_cast %parallel_loop3A_541 : vector<1x16xf32> to vector<16xf32>
        %parallel_loop3A_543 = vector.shape_cast %parallel_loop3A_538 : vector<16xf32> to vector<1x16xf32>
        tpu.vector_store %arg8[%parallel_loop3A_539, %parallel_loop3A_540], %parallel_loop3A_543 {strides = array<i32>} : memref<200x128xf32, #tpu.memory_space<vmem>>, vector<1x16xf32>,
        %parallel_loop3A_544 = arith.index_cast %parallel_loop3A_526 : i32 to index
        %parallel_loop3A_545 = arith.constant 16 : index
        %parallel_loop3A_546 = tpu.vector_load %arg6[%parallel_loop3A_544, %parallel_loop3A_545] {strides = array<i32>} : memref<200x128xf32, #tpu.memory_space<vmem>>, vector<1x16xf32>,
        %parallel_loop3A_547 = vector.shape_cast %parallel_loop3A_546 : vector<1x16xf32> to vector<16xf32>
        %parallel_loop3A_548 = arith.index_cast %parallel_loop3A_522 : i32 to index
        %parallel_loop3A_549 = arith.constant 16 : index
        %parallel_loop3A_550 = tpu.vector_load %arg11[%parallel_loop3A_548, %parallel_loop3A_549] {strides = array<i32>} : memref<60x128xf32, #tpu.memory_space<vmem>>, vector<1x16xf32>,
        %parallel_loop3A_551 = vector.shape_cast %parallel_loop3A_550 : vector<1x16xf32> to vector<16xf32>
        %parallel_loop3A_552 = arith.addf %parallel_loop3A_547, %parallel_loop3A_551 : vector<16xf32>
        %parallel_loop3A_553 = arith.constant 0.000000e+00 : f32
        %parallel_loop3A_554 = vector.broadcast %parallel_loop3A_553 : f32 to vector<16xf32>
        %parallel_loop3A_555 = arith.maximumf %parallel_loop3A_552, %parallel_loop3A_554 : vector<16xf32>
        %parallel_loop3A_556 = arith.index_cast %parallel_loop3A_526 : i32 to index
        %parallel_loop3A_557 = arith.constant 16 : index
        %parallel_loop3A_558 = tpu.vector_load %arg8[%parallel_loop3A_556, %parallel_loop3A_557] {strides = array<i32>} : memref<200x128xf32, #tpu.memory_space<vmem>>, vector<1x16xf32>,
        %parallel_loop3A_559 = vector.shape_cast %parallel_loop3A_558 : vector<1x16xf32> to vector<16xf32>
        %parallel_loop3A_560 = vector.shape_cast %parallel_loop3A_555 : vector<16xf32> to vector<1x16xf32>
        tpu.vector_store %arg8[%parallel_loop3A_556, %parallel_loop3A_557], %parallel_loop3A_560 {strides = array<i32>} : memref<200x128xf32, #tpu.memory_space<vmem>>, vector<1x16xf32>,
        %parallel_loop3A_561 = arith.index_cast %parallel_loop3A_526 : i32 to index
        %parallel_loop3A_562 = arith.constant 32 : index
        %parallel_loop3A_563 = tpu.vector_load %arg6[%parallel_loop3A_561, %parallel_loop3A_562] {strides = array<i32>} : memref<200x128xf32, #tpu.memory_space<vmem>>, vector<1x16xf32>,
        %parallel_loop3A_564 = vector.shape_cast %parallel_loop3A_563 : vector<1x16xf32> to vector<16xf32>
        %parallel_loop3A_565 = arith.index_cast %parallel_loop3A_522 : i32 to index
        %parallel_loop3A_566 = arith.constant 32 : index
        %parallel_loop3A_567 = tpu.vector_load %arg11[%parallel_loop3A_565, %parallel_loop3A_566] {strides = array<i32>} : memref<60x128xf32, #tpu.memory_space<vmem>>, vector<1x16xf32>,
        %parallel_loop3A_568 = vector.shape_cast %parallel_loop3A_567 : vector<1x16xf32> to vector<16xf32>
        %parallel_loop3A_569 = arith.addf %parallel_loop3A_564, %parallel_loop3A_568 : vector<16xf32>
        %parallel_loop3A_570 = arith.constant 0.000000e+00 : f32
        %parallel_loop3A_571 = vector.broadcast %parallel_loop3A_570 : f32 to vector<16xf32>
        %parallel_loop3A_572 = arith.maximumf %parallel_loop3A_569, %parallel_loop3A_571 : vector<16xf32>
        %parallel_loop3A_573 = arith.index_cast %parallel_loop3A_526 : i32 to index
        %parallel_loop3A_574 = arith.constant 32 : index
        %parallel_loop3A_575 = tpu.vector_load %arg8[%parallel_loop3A_573, %parallel_loop3A_574] {strides = array<i32>} : memref<200x128xf32, #tpu.memory_space<vmem>>, vector<1x16xf32>,
        %parallel_loop3A_576 = vector.shape_cast %parallel_loop3A_575 : vector<1x16xf32> to vector<16xf32>
        %parallel_loop3A_577 = vector.shape_cast %parallel_loop3A_572 : vector<16xf32> to vector<1x16xf32>
        tpu.vector_store %arg8[%parallel_loop3A_573, %parallel_loop3A_574], %parallel_loop3A_577 {strides = array<i32>} : memref<200x128xf32, #tpu.memory_space<vmem>>, vector<1x16xf32>,
        %parallel_loop3A_578 = arith.index_cast %parallel_loop3A_526 : i32 to index
        %parallel_loop3A_579 = arith.constant 48 : index
        %parallel_loop3A_580 = tpu.vector_load %arg6[%parallel_loop3A_578, %parallel_loop3A_579] {strides = array<i32>} : memref<200x128xf32, #tpu.memory_space<vmem>>, vector<1x16xf32>,
        %parallel_loop3A_581 = vector.shape_cast %parallel_loop3A_580 : vector<1x16xf32> to vector<16xf32>
        %parallel_loop3A_582 = arith.index_cast %parallel_loop3A_522 : i32 to index
        %parallel_loop3A_583 = arith.constant 48 : index
        %parallel_loop3A_584 = tpu.vector_load %arg11[%parallel_loop3A_582, %parallel_loop3A_583] {strides = array<i32>} : memref<60x128xf32, #tpu.memory_space<vmem>>, vector<1x16xf32>,
        %parallel_loop3A_585 = vector.shape_cast %parallel_loop3A_584 : vector<1x16xf32> to vector<16xf32>
        %parallel_loop3A_586 = arith.addf %parallel_loop3A_581, %parallel_loop3A_585 : vector<16xf32>
        %parallel_loop3A_587 = arith.constant 0.000000e+00 : f32
        %parallel_loop3A_588 = vector.broadcast %parallel_loop3A_587 : f32 to vector<16xf32>
        %parallel_loop3A_589 = arith.maximumf %parallel_loop3A_586, %parallel_loop3A_588 : vector<16xf32>
        %parallel_loop3A_590 = arith.index_cast %parallel_loop3A_526 : i32 to index
        %parallel_loop3A_591 = arith.constant 48 : index
        %parallel_loop3A_592 = tpu.vector_load %arg8[%parallel_loop3A_590, %parallel_loop3A_591] {strides = array<i32>} : memref<200x128xf32, #tpu.memory_space<vmem>>, vector<1x16xf32>,
        %parallel_loop3A_593 = vector.shape_cast %parallel_loop3A_592 : vector<1x16xf32> to vector<16xf32>
        %parallel_loop3A_594 = vector.shape_cast %parallel_loop3A_589 : vector<16xf32> to vector<1x16xf32>
        tpu.vector_store %arg8[%parallel_loop3A_590, %parallel_loop3A_591], %parallel_loop3A_594 {strides = array<i32>} : memref<200x128xf32, #tpu.memory_space<vmem>>, vector<1x16xf32>,
        %parallel_loop3A_595 = arith.index_cast %parallel_loop3A_526 : i32 to index
        %parallel_loop3A_596 = arith.constant 64 : index
        %parallel_loop3A_597 = tpu.vector_load %arg6[%parallel_loop3A_595, %parallel_loop3A_596] {strides = array<i32>} : memref<200x128xf32, #tpu.memory_space<vmem>>, vector<1x16xf32>,
        %parallel_loop3A_598 = vector.shape_cast %parallel_loop3A_597 : vector<1x16xf32> to vector<16xf32>
        %parallel_loop3A_599 = arith.index_cast %parallel_loop3A_522 : i32 to index
        %parallel_loop3A_600 = arith.constant 64 : index
        %parallel_loop3A_601 = tpu.vector_load %arg11[%parallel_loop3A_599, %parallel_loop3A_600] {strides = array<i32>} : memref<60x128xf32, #tpu.memory_space<vmem>>, vector<1x16xf32>,
        %parallel_loop3A_602 = vector.shape_cast %parallel_loop3A_601 : vector<1x16xf32> to vector<16xf32>
        %parallel_loop3A_603 = arith.addf %parallel_loop3A_598, %parallel_loop3A_602 : vector<16xf32>
        %parallel_loop3A_604 = arith.constant 0.000000e+00 : f32
        %parallel_loop3A_605 = vector.broadcast %parallel_loop3A_604 : f32 to vector<16xf32>
        %parallel_loop3A_606 = arith.maximumf %parallel_loop3A_603, %parallel_loop3A_605 : vector<16xf32>
        %parallel_loop3A_607 = arith.index_cast %parallel_loop3A_526 : i32 to index
        %parallel_loop3A_608 = arith.constant 64 : index
        %parallel_loop3A_609 = tpu.vector_load %arg8[%parallel_loop3A_607, %parallel_loop3A_608] {strides = array<i32>} : memref<200x128xf32, #tpu.memory_space<vmem>>, vector<1x16xf32>,
        %parallel_loop3A_610 = vector.shape_cast %parallel_loop3A_609 : vector<1x16xf32> to vector<16xf32>
        %parallel_loop3A_611 = vector.shape_cast %parallel_loop3A_606 : vector<16xf32> to vector<1x16xf32>
        tpu.vector_store %arg8[%parallel_loop3A_607, %parallel_loop3A_608], %parallel_loop3A_611 {strides = array<i32>} : memref<200x128xf32, #tpu.memory_space<vmem>>, vector<1x16xf32>,
        %parallel_loop3A_612 = arith.index_cast %parallel_loop3A_526 : i32 to index
        %parallel_loop3A_613 = arith.constant 80 : index
        %parallel_loop3A_614 = tpu.vector_load %arg6[%parallel_loop3A_612, %parallel_loop3A_613] {strides = array<i32>} : memref<200x128xf32, #tpu.memory_space<vmem>>, vector<1x16xf32>,
        %parallel_loop3A_615 = vector.shape_cast %parallel_loop3A_614 : vector<1x16xf32> to vector<16xf32>
        %parallel_loop3A_616 = arith.index_cast %parallel_loop3A_522 : i32 to index
        %parallel_loop3A_617 = arith.constant 80 : index
        %parallel_loop3A_618 = tpu.vector_load %arg11[%parallel_loop3A_616, %parallel_loop3A_617] {strides = array<i32>} : memref<60x128xf32, #tpu.memory_space<vmem>>, vector<1x16xf32>,
        %parallel_loop3A_619 = vector.shape_cast %parallel_loop3A_618 : vector<1x16xf32> to vector<16xf32>
        %parallel_loop3A_620 = arith.addf %parallel_loop3A_615, %parallel_loop3A_619 : vector<16xf32>
        %parallel_loop3A_621 = arith.constant 0.000000e+00 : f32
        %parallel_loop3A_622 = vector.broadcast %parallel_loop3A_621 : f32 to vector<16xf32>
        %parallel_loop3A_623 = arith.maximumf %parallel_loop3A_620, %parallel_loop3A_622 : vector<16xf32>
        %parallel_loop3A_624 = arith.index_cast %parallel_loop3A_526 : i32 to index
        %parallel_loop3A_625 = arith.constant 80 : index
        %parallel_loop3A_626 = tpu.vector_load %arg8[%parallel_loop3A_624, %parallel_loop3A_625] {strides = array<i32>} : memref<200x128xf32, #tpu.memory_space<vmem>>, vector<1x16xf32>,
        %parallel_loop3A_627 = vector.shape_cast %parallel_loop3A_626 : vector<1x16xf32> to vector<16xf32>
        %parallel_loop3A_628 = vector.shape_cast %parallel_loop3A_623 : vector<16xf32> to vector<1x16xf32>
        tpu.vector_store %arg8[%parallel_loop3A_624, %parallel_loop3A_625], %parallel_loop3A_628 {strides = array<i32>} : memref<200x128xf32, #tpu.memory_space<vmem>>, vector<1x16xf32>,
        %parallel_loop3A_629 = arith.index_cast %parallel_loop3A_526 : i32 to index
        %parallel_loop3A_630 = arith.constant 96 : index
        %parallel_loop3A_631 = tpu.vector_load %arg6[%parallel_loop3A_629, %parallel_loop3A_630] {strides = array<i32>} : memref<200x128xf32, #tpu.memory_space<vmem>>, vector<1x16xf32>,
        %parallel_loop3A_632 = vector.shape_cast %parallel_loop3A_631 : vector<1x16xf32> to vector<16xf32>
        %parallel_loop3A_633 = arith.index_cast %parallel_loop3A_522 : i32 to index
        %parallel_loop3A_634 = arith.constant 96 : index
        %parallel_loop3A_635 = tpu.vector_load %arg11[%parallel_loop3A_633, %parallel_loop3A_634] {strides = array<i32>} : memref<60x128xf32, #tpu.memory_space<vmem>>, vector<1x16xf32>,
        %parallel_loop3A_636 = vector.shape_cast %parallel_loop3A_635 : vector<1x16xf32> to vector<16xf32>
        %parallel_loop3A_637 = arith.addf %parallel_loop3A_632, %parallel_loop3A_636 : vector<16xf32>
        %parallel_loop3A_638 = arith.constant 0.000000e+00 : f32
        %parallel_loop3A_639 = vector.broadcast %parallel_loop3A_638 : f32 to vector<16xf32>
        %parallel_loop3A_640 = arith.maximumf %parallel_loop3A_637, %parallel_loop3A_639 : vector<16xf32>
        %parallel_loop3A_641 = arith.index_cast %parallel_loop3A_526 : i32 to index
        %parallel_loop3A_642 = arith.constant 96 : index
        %parallel_loop3A_643 = tpu.vector_load %arg8[%parallel_loop3A_641, %parallel_loop3A_642] {strides = array<i32>} : memref<200x128xf32, #tpu.memory_space<vmem>>, vector<1x16xf32>,
        %parallel_loop3A_644 = vector.shape_cast %parallel_loop3A_643 : vector<1x16xf32> to vector<16xf32>
        %parallel_loop3A_645 = vector.shape_cast %parallel_loop3A_640 : vector<16xf32> to vector<1x16xf32>
        tpu.vector_store %arg8[%parallel_loop3A_641, %parallel_loop3A_642], %parallel_loop3A_645 {strides = array<i32>} : memref<200x128xf32, #tpu.memory_space<vmem>>, vector<1x16xf32>,
        %parallel_loop3A_646 = arith.index_cast %parallel_loop3A_526 : i32 to index
        %parallel_loop3A_647 = arith.constant 112 : index
        %parallel_loop3A_648 = tpu.vector_load %arg6[%parallel_loop3A_646, %parallel_loop3A_647] {strides = array<i32>} : memref<200x128xf32, #tpu.memory_space<vmem>>, vector<1x16xf32>,
        %parallel_loop3A_649 = vector.shape_cast %parallel_loop3A_648 : vector<1x16xf32> to vector<16xf32>
        %parallel_loop3A_650 = arith.index_cast %parallel_loop3A_522 : i32 to index
        %parallel_loop3A_651 = arith.constant 112 : index
        %parallel_loop3A_652 = tpu.vector_load %arg11[%parallel_loop3A_650, %parallel_loop3A_651] {strides = array<i32>} : memref<60x128xf32, #tpu.memory_space<vmem>>, vector<1x16xf32>,
        %parallel_loop3A_653 = vector.shape_cast %parallel_loop3A_652 : vector<1x16xf32> to vector<16xf32>
        %parallel_loop3A_654 = arith.addf %parallel_loop3A_649, %parallel_loop3A_653 : vector<16xf32>
        %parallel_loop3A_655 = arith.constant 0.000000e+00 : f32
        %parallel_loop3A_656 = vector.broadcast %parallel_loop3A_655 : f32 to vector<16xf32>
        %parallel_loop3A_657 = arith.maximumf %parallel_loop3A_654, %parallel_loop3A_656 : vector<16xf32>
        %parallel_loop3A_658 = arith.index_cast %parallel_loop3A_526 : i32 to index
        %parallel_loop3A_659 = arith.constant 112 : index
        %parallel_loop3A_660 = tpu.vector_load %arg8[%parallel_loop3A_658, %parallel_loop3A_659] {strides = array<i32>} : memref<200x128xf32, #tpu.memory_space<vmem>>, vector<1x16xf32>,
        %parallel_loop3A_661 = vector.shape_cast %parallel_loop3A_660 : vector<1x16xf32> to vector<16xf32>
        %parallel_loop3A_662 = vector.shape_cast %parallel_loop3A_657 : vector<16xf32> to vector<1x16xf32>
        tpu.vector_store %arg8[%parallel_loop3A_658, %parallel_loop3A_659], %parallel_loop3A_662 {strides = array<i32>} : memref<200x128xf32, #tpu.memory_space<vmem>>, vector<1x16xf32>,
        %parallel_loop3A_663 = vector.extract_strided_slice %parallel_loop3A_94 {offsets = [4], sizes = [1], strides = [1]} : vector<16xi32> to vector<1xi32>
        %parallel_loop3A_664 = vector.extract %parallel_loop3A_663[0] : i32 from vector<1xi32>
        %parallel_loop3A_665 = arith.constant 8 : i32
        %parallel_loop3A_666 = arith.muli %parallel_loop3A_88, %parallel_loop3A_665 : i32
        %parallel_loop3A_667 = arith.constant 4 : i32
        %parallel_loop3A_668 = arith.addi %parallel_loop3A_666, %parallel_loop3A_667 : i32
        %parallel_loop3A_669 = arith.index_cast %parallel_loop3A_668 : i32 to index
        %parallel_loop3A_670 = arith.constant 0 : index
        %parallel_loop3A_671 = tpu.vector_load %arg6[%parallel_loop3A_669, %parallel_loop3A_670] {strides = array<i32>} : memref<200x128xf32, #tpu.memory_space<vmem>>, vector<1x16xf32>,
        %parallel_loop3A_672 = vector.shape_cast %parallel_loop3A_671 : vector<1x16xf32> to vector<16xf32>
        %parallel_loop3A_673 = arith.index_cast %parallel_loop3A_664 : i32 to index
        %parallel_loop3A_674 = arith.constant 0 : index
        %parallel_loop3A_675 = tpu.vector_load %arg11[%parallel_loop3A_673, %parallel_loop3A_674] {strides = array<i32>} : memref<60x128xf32, #tpu.memory_space<vmem>>, vector<1x16xf32>,
        %parallel_loop3A_676 = vector.shape_cast %parallel_loop3A_675 : vector<1x16xf32> to vector<16xf32>
        %parallel_loop3A_677 = arith.addf %parallel_loop3A_672, %parallel_loop3A_676 : vector<16xf32>
        %parallel_loop3A_678 = arith.constant 0.000000e+00 : f32
        %parallel_loop3A_679 = vector.broadcast %parallel_loop3A_678 : f32 to vector<16xf32>
        %parallel_loop3A_680 = arith.maximumf %parallel_loop3A_677, %parallel_loop3A_679 : vector<16xf32>
        %parallel_loop3A_681 = arith.index_cast %parallel_loop3A_668 : i32 to index
        %parallel_loop3A_682 = arith.constant 0 : index
        %parallel_loop3A_683 = tpu.vector_load %arg8[%parallel_loop3A_681, %parallel_loop3A_682] {strides = array<i32>} : memref<200x128xf32, #tpu.memory_space<vmem>>, vector<1x16xf32>,
        %parallel_loop3A_684 = vector.shape_cast %parallel_loop3A_683 : vector<1x16xf32> to vector<16xf32>
        %parallel_loop3A_685 = vector.shape_cast %parallel_loop3A_680 : vector<16xf32> to vector<1x16xf32>
        tpu.vector_store %arg8[%parallel_loop3A_681, %parallel_loop3A_682], %parallel_loop3A_685 {strides = array<i32>} : memref<200x128xf32, #tpu.memory_space<vmem>>, vector<1x16xf32>,
        %parallel_loop3A_686 = arith.index_cast %parallel_loop3A_668 : i32 to index
        %parallel_loop3A_687 = arith.constant 16 : index
        %parallel_loop3A_688 = tpu.vector_load %arg6[%parallel_loop3A_686, %parallel_loop3A_687] {strides = array<i32>} : memref<200x128xf32, #tpu.memory_space<vmem>>, vector<1x16xf32>,
        %parallel_loop3A_689 = vector.shape_cast %parallel_loop3A_688 : vector<1x16xf32> to vector<16xf32>
        %parallel_loop3A_690 = arith.index_cast %parallel_loop3A_664 : i32 to index
        %parallel_loop3A_691 = arith.constant 16 : index
        %parallel_loop3A_692 = tpu.vector_load %arg11[%parallel_loop3A_690, %parallel_loop3A_691] {strides = array<i32>} : memref<60x128xf32, #tpu.memory_space<vmem>>, vector<1x16xf32>,
        %parallel_loop3A_693 = vector.shape_cast %parallel_loop3A_692 : vector<1x16xf32> to vector<16xf32>
        %parallel_loop3A_694 = arith.addf %parallel_loop3A_689, %parallel_loop3A_693 : vector<16xf32>
        %parallel_loop3A_695 = arith.constant 0.000000e+00 : f32
        %parallel_loop3A_696 = vector.broadcast %parallel_loop3A_695 : f32 to vector<16xf32>
        %parallel_loop3A_697 = arith.maximumf %parallel_loop3A_694, %parallel_loop3A_696 : vector<16xf32>
        %parallel_loop3A_698 = arith.index_cast %parallel_loop3A_668 : i32 to index
        %parallel_loop3A_699 = arith.constant 16 : index
        %parallel_loop3A_700 = tpu.vector_load %arg8[%parallel_loop3A_698, %parallel_loop3A_699] {strides = array<i32>} : memref<200x128xf32, #tpu.memory_space<vmem>>, vector<1x16xf32>,
        %parallel_loop3A_701 = vector.shape_cast %parallel_loop3A_700 : vector<1x16xf32> to vector<16xf32>
        %parallel_loop3A_702 = vector.shape_cast %parallel_loop3A_697 : vector<16xf32> to vector<1x16xf32>
        tpu.vector_store %arg8[%parallel_loop3A_698, %parallel_loop3A_699], %parallel_loop3A_702 {strides = array<i32>} : memref<200x128xf32, #tpu.memory_space<vmem>>, vector<1x16xf32>,
        %parallel_loop3A_703 = arith.index_cast %parallel_loop3A_668 : i32 to index
        %parallel_loop3A_704 = arith.constant 32 : index
        %parallel_loop3A_705 = tpu.vector_load %arg6[%parallel_loop3A_703, %parallel_loop3A_704] {strides = array<i32>} : memref<200x128xf32, #tpu.memory_space<vmem>>, vector<1x16xf32>,
        %parallel_loop3A_706 = vector.shape_cast %parallel_loop3A_705 : vector<1x16xf32> to vector<16xf32>
        %parallel_loop3A_707 = arith.index_cast %parallel_loop3A_664 : i32 to index
        %parallel_loop3A_708 = arith.constant 32 : index
        %parallel_loop3A_709 = tpu.vector_load %arg11[%parallel_loop3A_707, %parallel_loop3A_708] {strides = array<i32>} : memref<60x128xf32, #tpu.memory_space<vmem>>, vector<1x16xf32>,
        %parallel_loop3A_710 = vector.shape_cast %parallel_loop3A_709 : vector<1x16xf32> to vector<16xf32>
        %parallel_loop3A_711 = arith.addf %parallel_loop3A_706, %parallel_loop3A_710 : vector<16xf32>
        %parallel_loop3A_712 = arith.constant 0.000000e+00 : f32
        %parallel_loop3A_713 = vector.broadcast %parallel_loop3A_712 : f32 to vector<16xf32>
        %parallel_loop3A_714 = arith.maximumf %parallel_loop3A_711, %parallel_loop3A_713 : vector<16xf32>
        %parallel_loop3A_715 = arith.index_cast %parallel_loop3A_668 : i32 to index
        %parallel_loop3A_716 = arith.constant 32 : index
        %parallel_loop3A_717 = tpu.vector_load %arg8[%parallel_loop3A_715, %parallel_loop3A_716] {strides = array<i32>} : memref<200x128xf32, #tpu.memory_space<vmem>>, vector<1x16xf32>,
        %parallel_loop3A_718 = vector.shape_cast %parallel_loop3A_717 : vector<1x16xf32> to vector<16xf32>
        %parallel_loop3A_719 = vector.shape_cast %parallel_loop3A_714 : vector<16xf32> to vector<1x16xf32>
        tpu.vector_store %arg8[%parallel_loop3A_715, %parallel_loop3A_716], %parallel_loop3A_719 {strides = array<i32>} : memref<200x128xf32, #tpu.memory_space<vmem>>, vector<1x16xf32>,
        %parallel_loop3A_720 = arith.index_cast %parallel_loop3A_668 : i32 to index
        %parallel_loop3A_721 = arith.constant 48 : index
        %parallel_loop3A_722 = tpu.vector_load %arg6[%parallel_loop3A_720, %parallel_loop3A_721] {strides = array<i32>} : memref<200x128xf32, #tpu.memory_space<vmem>>, vector<1x16xf32>,
        %parallel_loop3A_723 = vector.shape_cast %parallel_loop3A_722 : vector<1x16xf32> to vector<16xf32>
        %parallel_loop3A_724 = arith.index_cast %parallel_loop3A_664 : i32 to index
        %parallel_loop3A_725 = arith.constant 48 : index
        %parallel_loop3A_726 = tpu.vector_load %arg11[%parallel_loop3A_724, %parallel_loop3A_725] {strides = array<i32>} : memref<60x128xf32, #tpu.memory_space<vmem>>, vector<1x16xf32>,
        %parallel_loop3A_727 = vector.shape_cast %parallel_loop3A_726 : vector<1x16xf32> to vector<16xf32>
        %parallel_loop3A_728 = arith.addf %parallel_loop3A_723, %parallel_loop3A_727 : vector<16xf32>
        %parallel_loop3A_729 = arith.constant 0.000000e+00 : f32
        %parallel_loop3A_730 = vector.broadcast %parallel_loop3A_729 : f32 to vector<16xf32>
        %parallel_loop3A_731 = arith.maximumf %parallel_loop3A_728, %parallel_loop3A_730 : vector<16xf32>
        %parallel_loop3A_732 = arith.index_cast %parallel_loop3A_668 : i32 to index
        %parallel_loop3A_733 = arith.constant 48 : index
        %parallel_loop3A_734 = tpu.vector_load %arg8[%parallel_loop3A_732, %parallel_loop3A_733] {strides = array<i32>} : memref<200x128xf32, #tpu.memory_space<vmem>>, vector<1x16xf32>,
        %parallel_loop3A_735 = vector.shape_cast %parallel_loop3A_734 : vector<1x16xf32> to vector<16xf32>
        %parallel_loop3A_736 = vector.shape_cast %parallel_loop3A_731 : vector<16xf32> to vector<1x16xf32>
        tpu.vector_store %arg8[%parallel_loop3A_732, %parallel_loop3A_733], %parallel_loop3A_736 {strides = array<i32>} : memref<200x128xf32, #tpu.memory_space<vmem>>, vector<1x16xf32>,
        %parallel_loop3A_737 = arith.index_cast %parallel_loop3A_668 : i32 to index
        %parallel_loop3A_738 = arith.constant 64 : index
        %parallel_loop3A_739 = tpu.vector_load %arg6[%parallel_loop3A_737, %parallel_loop3A_738] {strides = array<i32>} : memref<200x128xf32, #tpu.memory_space<vmem>>, vector<1x16xf32>,
        %parallel_loop3A_740 = vector.shape_cast %parallel_loop3A_739 : vector<1x16xf32> to vector<16xf32>
        %parallel_loop3A_741 = arith.index_cast %parallel_loop3A_664 : i32 to index
        %parallel_loop3A_742 = arith.constant 64 : index
        %parallel_loop3A_743 = tpu.vector_load %arg11[%parallel_loop3A_741, %parallel_loop3A_742] {strides = array<i32>} : memref<60x128xf32, #tpu.memory_space<vmem>>, vector<1x16xf32>,
        %parallel_loop3A_744 = vector.shape_cast %parallel_loop3A_743 : vector<1x16xf32> to vector<16xf32>
        %parallel_loop3A_745 = arith.addf %parallel_loop3A_740, %parallel_loop3A_744 : vector<16xf32>
        %parallel_loop3A_746 = arith.constant 0.000000e+00 : f32
        %parallel_loop3A_747 = vector.broadcast %parallel_loop3A_746 : f32 to vector<16xf32>
        %parallel_loop3A_748 = arith.maximumf %parallel_loop3A_745, %parallel_loop3A_747 : vector<16xf32>
        %parallel_loop3A_749 = arith.index_cast %parallel_loop3A_668 : i32 to index
        %parallel_loop3A_750 = arith.constant 64 : index
        %parallel_loop3A_751 = tpu.vector_load %arg8[%parallel_loop3A_749, %parallel_loop3A_750] {strides = array<i32>} : memref<200x128xf32, #tpu.memory_space<vmem>>, vector<1x16xf32>,
        %parallel_loop3A_752 = vector.shape_cast %parallel_loop3A_751 : vector<1x16xf32> to vector<16xf32>
        %parallel_loop3A_753 = vector.shape_cast %parallel_loop3A_748 : vector<16xf32> to vector<1x16xf32>
        tpu.vector_store %arg8[%parallel_loop3A_749, %parallel_loop3A_750], %parallel_loop3A_753 {strides = array<i32>} : memref<200x128xf32, #tpu.memory_space<vmem>>, vector<1x16xf32>,
        %parallel_loop3A_754 = arith.index_cast %parallel_loop3A_668 : i32 to index
        %parallel_loop3A_755 = arith.constant 80 : index
        %parallel_loop3A_756 = tpu.vector_load %arg6[%parallel_loop3A_754, %parallel_loop3A_755] {strides = array<i32>} : memref<200x128xf32, #tpu.memory_space<vmem>>, vector<1x16xf32>,
        %parallel_loop3A_757 = vector.shape_cast %parallel_loop3A_756 : vector<1x16xf32> to vector<16xf32>
        %parallel_loop3A_758 = arith.index_cast %parallel_loop3A_664 : i32 to index
        %parallel_loop3A_759 = arith.constant 80 : index
        %parallel_loop3A_760 = tpu.vector_load %arg11[%parallel_loop3A_758, %parallel_loop3A_759] {strides = array<i32>} : memref<60x128xf32, #tpu.memory_space<vmem>>, vector<1x16xf32>,
        %parallel_loop3A_761 = vector.shape_cast %parallel_loop3A_760 : vector<1x16xf32> to vector<16xf32>
        %parallel_loop3A_762 = arith.addf %parallel_loop3A_757, %parallel_loop3A_761 : vector<16xf32>
        %parallel_loop3A_763 = arith.constant 0.000000e+00 : f32
        %parallel_loop3A_764 = vector.broadcast %parallel_loop3A_763 : f32 to vector<16xf32>
        %parallel_loop3A_765 = arith.maximumf %parallel_loop3A_762, %parallel_loop3A_764 : vector<16xf32>
        %parallel_loop3A_766 = arith.index_cast %parallel_loop3A_668 : i32 to index
        %parallel_loop3A_767 = arith.constant 80 : index
        %parallel_loop3A_768 = tpu.vector_load %arg8[%parallel_loop3A_766, %parallel_loop3A_767] {strides = array<i32>} : memref<200x128xf32, #tpu.memory_space<vmem>>, vector<1x16xf32>,
        %parallel_loop3A_769 = vector.shape_cast %parallel_loop3A_768 : vector<1x16xf32> to vector<16xf32>
        %parallel_loop3A_770 = vector.shape_cast %parallel_loop3A_765 : vector<16xf32> to vector<1x16xf32>
        tpu.vector_store %arg8[%parallel_loop3A_766, %parallel_loop3A_767], %parallel_loop3A_770 {strides = array<i32>} : memref<200x128xf32, #tpu.memory_space<vmem>>, vector<1x16xf32>,
        %parallel_loop3A_771 = arith.index_cast %parallel_loop3A_668 : i32 to index
        %parallel_loop3A_772 = arith.constant 96 : index
        %parallel_loop3A_773 = tpu.vector_load %arg6[%parallel_loop3A_771, %parallel_loop3A_772] {strides = array<i32>} : memref<200x128xf32, #tpu.memory_space<vmem>>, vector<1x16xf32>,
        %parallel_loop3A_774 = vector.shape_cast %parallel_loop3A_773 : vector<1x16xf32> to vector<16xf32>
        %parallel_loop3A_775 = arith.index_cast %parallel_loop3A_664 : i32 to index
        %parallel_loop3A_776 = arith.constant 96 : index
        %parallel_loop3A_777 = tpu.vector_load %arg11[%parallel_loop3A_775, %parallel_loop3A_776] {strides = array<i32>} : memref<60x128xf32, #tpu.memory_space<vmem>>, vector<1x16xf32>,
        %parallel_loop3A_778 = vector.shape_cast %parallel_loop3A_777 : vector<1x16xf32> to vector<16xf32>
        %parallel_loop3A_779 = arith.addf %parallel_loop3A_774, %parallel_loop3A_778 : vector<16xf32>
        %parallel_loop3A_780 = arith.constant 0.000000e+00 : f32
        %parallel_loop3A_781 = vector.broadcast %parallel_loop3A_780 : f32 to vector<16xf32>
        %parallel_loop3A_782 = arith.maximumf %parallel_loop3A_779, %parallel_loop3A_781 : vector<16xf32>
        %parallel_loop3A_783 = arith.index_cast %parallel_loop3A_668 : i32 to index
        %parallel_loop3A_784 = arith.constant 96 : index
        %parallel_loop3A_785 = tpu.vector_load %arg8[%parallel_loop3A_783, %parallel_loop3A_784] {strides = array<i32>} : memref<200x128xf32, #tpu.memory_space<vmem>>, vector<1x16xf32>,
        %parallel_loop3A_786 = vector.shape_cast %parallel_loop3A_785 : vector<1x16xf32> to vector<16xf32>
        %parallel_loop3A_787 = vector.shape_cast %parallel_loop3A_782 : vector<16xf32> to vector<1x16xf32>
        tpu.vector_store %arg8[%parallel_loop3A_783, %parallel_loop3A_784], %parallel_loop3A_787 {strides = array<i32>} : memref<200x128xf32, #tpu.memory_space<vmem>>, vector<1x16xf32>,
        %parallel_loop3A_788 = arith.index_cast %parallel_loop3A_668 : i32 to index
        %parallel_loop3A_789 = arith.constant 112 : index
        %parallel_loop3A_790 = tpu.vector_load %arg6[%parallel_loop3A_788, %parallel_loop3A_789] {strides = array<i32>} : memref<200x128xf32, #tpu.memory_space<vmem>>, vector<1x16xf32>,
        %parallel_loop3A_791 = vector.shape_cast %parallel_loop3A_790 : vector<1x16xf32> to vector<16xf32>
        %parallel_loop3A_792 = arith.index_cast %parallel_loop3A_664 : i32 to index
        %parallel_loop3A_793 = arith.constant 112 : index
        %parallel_loop3A_794 = tpu.vector_load %arg11[%parallel_loop3A_792, %parallel_loop3A_793] {strides = array<i32>} : memref<60x128xf32, #tpu.memory_space<vmem>>, vector<1x16xf32>,
        %parallel_loop3A_795 = vector.shape_cast %parallel_loop3A_794 : vector<1x16xf32> to vector<16xf32>
        %parallel_loop3A_796 = arith.addf %parallel_loop3A_791, %parallel_loop3A_795 : vector<16xf32>
        %parallel_loop3A_797 = arith.constant 0.000000e+00 : f32
        %parallel_loop3A_798 = vector.broadcast %parallel_loop3A_797 : f32 to vector<16xf32>
        %parallel_loop3A_799 = arith.maximumf %parallel_loop3A_796, %parallel_loop3A_798 : vector<16xf32>
        %parallel_loop3A_800 = arith.index_cast %parallel_loop3A_668 : i32 to index
        %parallel_loop3A_801 = arith.constant 112 : index
        %parallel_loop3A_802 = tpu.vector_load %arg8[%parallel_loop3A_800, %parallel_loop3A_801] {strides = array<i32>} : memref<200x128xf32, #tpu.memory_space<vmem>>, vector<1x16xf32>,
        %parallel_loop3A_803 = vector.shape_cast %parallel_loop3A_802 : vector<1x16xf32> to vector<16xf32>
        %parallel_loop3A_804 = vector.shape_cast %parallel_loop3A_799 : vector<16xf32> to vector<1x16xf32>
        tpu.vector_store %arg8[%parallel_loop3A_800, %parallel_loop3A_801], %parallel_loop3A_804 {strides = array<i32>} : memref<200x128xf32, #tpu.memory_space<vmem>>, vector<1x16xf32>,
        %parallel_loop3A_805 = vector.extract_strided_slice %parallel_loop3A_94 {offsets = [5], sizes = [1], strides = [1]} : vector<16xi32> to vector<1xi32>
        %parallel_loop3A_806 = vector.extract %parallel_loop3A_805[0] : i32 from vector<1xi32>
        %parallel_loop3A_807 = arith.constant 8 : i32
        %parallel_loop3A_808 = arith.muli %parallel_loop3A_88, %parallel_loop3A_807 : i32
        %parallel_loop3A_809 = arith.constant 5 : i32
        %parallel_loop3A_810 = arith.addi %parallel_loop3A_808, %parallel_loop3A_809 : i32
        %parallel_loop3A_811 = arith.index_cast %parallel_loop3A_810 : i32 to index
        %parallel_loop3A_812 = arith.constant 0 : index
        %parallel_loop3A_813 = tpu.vector_load %arg6[%parallel_loop3A_811, %parallel_loop3A_812] {strides = array<i32>} : memref<200x128xf32, #tpu.memory_space<vmem>>, vector<1x16xf32>,
        %parallel_loop3A_814 = vector.shape_cast %parallel_loop3A_813 : vector<1x16xf32> to vector<16xf32>
        %parallel_loop3A_815 = arith.index_cast %parallel_loop3A_806 : i32 to index
        %parallel_loop3A_816 = arith.constant 0 : index
        %parallel_loop3A_817 = tpu.vector_load %arg11[%parallel_loop3A_815, %parallel_loop3A_816] {strides = array<i32>} : memref<60x128xf32, #tpu.memory_space<vmem>>, vector<1x16xf32>,
        %parallel_loop3A_818 = vector.shape_cast %parallel_loop3A_817 : vector<1x16xf32> to vector<16xf32>
        %parallel_loop3A_819 = arith.addf %parallel_loop3A_814, %parallel_loop3A_818 : vector<16xf32>
        %parallel_loop3A_820 = arith.constant 0.000000e+00 : f32
        %parallel_loop3A_821 = vector.broadcast %parallel_loop3A_820 : f32 to vector<16xf32>
        %parallel_loop3A_822 = arith.maximumf %parallel_loop3A_819, %parallel_loop3A_821 : vector<16xf32>
        %parallel_loop3A_823 = arith.index_cast %parallel_loop3A_810 : i32 to index
        %parallel_loop3A_824 = arith.constant 0 : index
        %parallel_loop3A_825 = tpu.vector_load %arg8[%parallel_loop3A_823, %parallel_loop3A_824] {strides = array<i32>} : memref<200x128xf32, #tpu.memory_space<vmem>>, vector<1x16xf32>,
        %parallel_loop3A_826 = vector.shape_cast %parallel_loop3A_825 : vector<1x16xf32> to vector<16xf32>
        %parallel_loop3A_827 = vector.shape_cast %parallel_loop3A_822 : vector<16xf32> to vector<1x16xf32>
        tpu.vector_store %arg8[%parallel_loop3A_823, %parallel_loop3A_824], %parallel_loop3A_827 {strides = array<i32>} : memref<200x128xf32, #tpu.memory_space<vmem>>, vector<1x16xf32>,
        %parallel_loop3A_828 = arith.index_cast %parallel_loop3A_810 : i32 to index
        %parallel_loop3A_829 = arith.constant 16 : index
        %parallel_loop3A_830 = tpu.vector_load %arg6[%parallel_loop3A_828, %parallel_loop3A_829] {strides = array<i32>} : memref<200x128xf32, #tpu.memory_space<vmem>>, vector<1x16xf32>,
        %parallel_loop3A_831 = vector.shape_cast %parallel_loop3A_830 : vector<1x16xf32> to vector<16xf32>
        %parallel_loop3A_832 = arith.index_cast %parallel_loop3A_806 : i32 to index
        %parallel_loop3A_833 = arith.constant 16 : index
        %parallel_loop3A_834 = tpu.vector_load %arg11[%parallel_loop3A_832, %parallel_loop3A_833] {strides = array<i32>} : memref<60x128xf32, #tpu.memory_space<vmem>>, vector<1x16xf32>,
        %parallel_loop3A_835 = vector.shape_cast %parallel_loop3A_834 : vector<1x16xf32> to vector<16xf32>
        %parallel_loop3A_836 = arith.addf %parallel_loop3A_831, %parallel_loop3A_835 : vector<16xf32>
        %parallel_loop3A_837 = arith.constant 0.000000e+00 : f32
        %parallel_loop3A_838 = vector.broadcast %parallel_loop3A_837 : f32 to vector<16xf32>
        %parallel_loop3A_839 = arith.maximumf %parallel_loop3A_836, %parallel_loop3A_838 : vector<16xf32>
        %parallel_loop3A_840 = arith.index_cast %parallel_loop3A_810 : i32 to index
        %parallel_loop3A_841 = arith.constant 16 : index
        %parallel_loop3A_842 = tpu.vector_load %arg8[%parallel_loop3A_840, %parallel_loop3A_841] {strides = array<i32>} : memref<200x128xf32, #tpu.memory_space<vmem>>, vector<1x16xf32>,
        %parallel_loop3A_843 = vector.shape_cast %parallel_loop3A_842 : vector<1x16xf32> to vector<16xf32>
        %parallel_loop3A_844 = vector.shape_cast %parallel_loop3A_839 : vector<16xf32> to vector<1x16xf32>
        tpu.vector_store %arg8[%parallel_loop3A_840, %parallel_loop3A_841], %parallel_loop3A_844 {strides = array<i32>} : memref<200x128xf32, #tpu.memory_space<vmem>>, vector<1x16xf32>,
        %parallel_loop3A_845 = arith.index_cast %parallel_loop3A_810 : i32 to index
        %parallel_loop3A_846 = arith.constant 32 : index
        %parallel_loop3A_847 = tpu.vector_load %arg6[%parallel_loop3A_845, %parallel_loop3A_846] {strides = array<i32>} : memref<200x128xf32, #tpu.memory_space<vmem>>, vector<1x16xf32>,
        %parallel_loop3A_848 = vector.shape_cast %parallel_loop3A_847 : vector<1x16xf32> to vector<16xf32>
        %parallel_loop3A_849 = arith.index_cast %parallel_loop3A_806 : i32 to index
        %parallel_loop3A_850 = arith.constant 32 : index
        %parallel_loop3A_851 = tpu.vector_load %arg11[%parallel_loop3A_849, %parallel_loop3A_850] {strides = array<i32>} : memref<60x128xf32, #tpu.memory_space<vmem>>, vector<1x16xf32>,
        %parallel_loop3A_852 = vector.shape_cast %parallel_loop3A_851 : vector<1x16xf32> to vector<16xf32>
        %parallel_loop3A_853 = arith.addf %parallel_loop3A_848, %parallel_loop3A_852 : vector<16xf32>
        %parallel_loop3A_854 = arith.constant 0.000000e+00 : f32
        %parallel_loop3A_855 = vector.broadcast %parallel_loop3A_854 : f32 to vector<16xf32>
        %parallel_loop3A_856 = arith.maximumf %parallel_loop3A_853, %parallel_loop3A_855 : vector<16xf32>
        %parallel_loop3A_857 = arith.index_cast %parallel_loop3A_810 : i32 to index
        %parallel_loop3A_858 = arith.constant 32 : index
        %parallel_loop3A_859 = tpu.vector_load %arg8[%parallel_loop3A_857, %parallel_loop3A_858] {strides = array<i32>} : memref<200x128xf32, #tpu.memory_space<vmem>>, vector<1x16xf32>,
        %parallel_loop3A_860 = vector.shape_cast %parallel_loop3A_859 : vector<1x16xf32> to vector<16xf32>
        %parallel_loop3A_861 = vector.shape_cast %parallel_loop3A_856 : vector<16xf32> to vector<1x16xf32>
        tpu.vector_store %arg8[%parallel_loop3A_857, %parallel_loop3A_858], %parallel_loop3A_861 {strides = array<i32>} : memref<200x128xf32, #tpu.memory_space<vmem>>, vector<1x16xf32>,
        %parallel_loop3A_862 = arith.index_cast %parallel_loop3A_810 : i32 to index
        %parallel_loop3A_863 = arith.constant 48 : index
        %parallel_loop3A_864 = tpu.vector_load %arg6[%parallel_loop3A_862, %parallel_loop3A_863] {strides = array<i32>} : memref<200x128xf32, #tpu.memory_space<vmem>>, vector<1x16xf32>,
        %parallel_loop3A_865 = vector.shape_cast %parallel_loop3A_864 : vector<1x16xf32> to vector<16xf32>
        %parallel_loop3A_866 = arith.index_cast %parallel_loop3A_806 : i32 to index
        %parallel_loop3A_867 = arith.constant 48 : index
        %parallel_loop3A_868 = tpu.vector_load %arg11[%parallel_loop3A_866, %parallel_loop3A_867] {strides = array<i32>} : memref<60x128xf32, #tpu.memory_space<vmem>>, vector<1x16xf32>,
        %parallel_loop3A_869 = vector.shape_cast %parallel_loop3A_868 : vector<1x16xf32> to vector<16xf32>
        %parallel_loop3A_870 = arith.addf %parallel_loop3A_865, %parallel_loop3A_869 : vector<16xf32>
        %parallel_loop3A_871 = arith.constant 0.000000e+00 : f32
        %parallel_loop3A_872 = vector.broadcast %parallel_loop3A_871 : f32 to vector<16xf32>
        %parallel_loop3A_873 = arith.maximumf %parallel_loop3A_870, %parallel_loop3A_872 : vector<16xf32>
        %parallel_loop3A_874 = arith.index_cast %parallel_loop3A_810 : i32 to index
        %parallel_loop3A_875 = arith.constant 48 : index
        %parallel_loop3A_876 = tpu.vector_load %arg8[%parallel_loop3A_874, %parallel_loop3A_875] {strides = array<i32>} : memref<200x128xf32, #tpu.memory_space<vmem>>, vector<1x16xf32>,
        %parallel_loop3A_877 = vector.shape_cast %parallel_loop3A_876 : vector<1x16xf32> to vector<16xf32>
        %parallel_loop3A_878 = vector.shape_cast %parallel_loop3A_873 : vector<16xf32> to vector<1x16xf32>
        tpu.vector_store %arg8[%parallel_loop3A_874, %parallel_loop3A_875], %parallel_loop3A_878 {strides = array<i32>} : memref<200x128xf32, #tpu.memory_space<vmem>>, vector<1x16xf32>,
        %parallel_loop3A_879 = arith.index_cast %parallel_loop3A_810 : i32 to index
        %parallel_loop3A_880 = arith.constant 64 : index
        %parallel_loop3A_881 = tpu.vector_load %arg6[%parallel_loop3A_879, %parallel_loop3A_880] {strides = array<i32>} : memref<200x128xf32, #tpu.memory_space<vmem>>, vector<1x16xf32>,
        %parallel_loop3A_882 = vector.shape_cast %parallel_loop3A_881 : vector<1x16xf32> to vector<16xf32>
        %parallel_loop3A_883 = arith.index_cast %parallel_loop3A_806 : i32 to index
        %parallel_loop3A_884 = arith.constant 64 : index
        %parallel_loop3A_885 = tpu.vector_load %arg11[%parallel_loop3A_883, %parallel_loop3A_884] {strides = array<i32>} : memref<60x128xf32, #tpu.memory_space<vmem>>, vector<1x16xf32>,
        %parallel_loop3A_886 = vector.shape_cast %parallel_loop3A_885 : vector<1x16xf32> to vector<16xf32>
        %parallel_loop3A_887 = arith.addf %parallel_loop3A_882, %parallel_loop3A_886 : vector<16xf32>
        %parallel_loop3A_888 = arith.constant 0.000000e+00 : f32
        %parallel_loop3A_889 = vector.broadcast %parallel_loop3A_888 : f32 to vector<16xf32>
        %parallel_loop3A_890 = arith.maximumf %parallel_loop3A_887, %parallel_loop3A_889 : vector<16xf32>
        %parallel_loop3A_891 = arith.index_cast %parallel_loop3A_810 : i32 to index
        %parallel_loop3A_892 = arith.constant 64 : index
        %parallel_loop3A_893 = tpu.vector_load %arg8[%parallel_loop3A_891, %parallel_loop3A_892] {strides = array<i32>} : memref<200x128xf32, #tpu.memory_space<vmem>>, vector<1x16xf32>,
        %parallel_loop3A_894 = vector.shape_cast %parallel_loop3A_893 : vector<1x16xf32> to vector<16xf32>
        %parallel_loop3A_895 = vector.shape_cast %parallel_loop3A_890 : vector<16xf32> to vector<1x16xf32>
        tpu.vector_store %arg8[%parallel_loop3A_891, %parallel_loop3A_892], %parallel_loop3A_895 {strides = array<i32>} : memref<200x128xf32, #tpu.memory_space<vmem>>, vector<1x16xf32>,
        %parallel_loop3A_896 = arith.index_cast %parallel_loop3A_810 : i32 to index
        %parallel_loop3A_897 = arith.constant 80 : index
        %parallel_loop3A_898 = tpu.vector_load %arg6[%parallel_loop3A_896, %parallel_loop3A_897] {strides = array<i32>} : memref<200x128xf32, #tpu.memory_space<vmem>>, vector<1x16xf32>,
        %parallel_loop3A_899 = vector.shape_cast %parallel_loop3A_898 : vector<1x16xf32> to vector<16xf32>
        %parallel_loop3A_900 = arith.index_cast %parallel_loop3A_806 : i32 to index
        %parallel_loop3A_901 = arith.constant 80 : index
        %parallel_loop3A_902 = tpu.vector_load %arg11[%parallel_loop3A_900, %parallel_loop3A_901] {strides = array<i32>} : memref<60x128xf32, #tpu.memory_space<vmem>>, vector<1x16xf32>,
        %parallel_loop3A_903 = vector.shape_cast %parallel_loop3A_902 : vector<1x16xf32> to vector<16xf32>
        %parallel_loop3A_904 = arith.addf %parallel_loop3A_899, %parallel_loop3A_903 : vector<16xf32>
        %parallel_loop3A_905 = arith.constant 0.000000e+00 : f32
        %parallel_loop3A_906 = vector.broadcast %parallel_loop3A_905 : f32 to vector<16xf32>
        %parallel_loop3A_907 = arith.maximumf %parallel_loop3A_904, %parallel_loop3A_906 : vector<16xf32>
        %parallel_loop3A_908 = arith.index_cast %parallel_loop3A_810 : i32 to index
        %parallel_loop3A_909 = arith.constant 80 : index
        %parallel_loop3A_910 = tpu.vector_load %arg8[%parallel_loop3A_908, %parallel_loop3A_909] {strides = array<i32>} : memref<200x128xf32, #tpu.memory_space<vmem>>, vector<1x16xf32>,
        %parallel_loop3A_911 = vector.shape_cast %parallel_loop3A_910 : vector<1x16xf32> to vector<16xf32>
        %parallel_loop3A_912 = vector.shape_cast %parallel_loop3A_907 : vector<16xf32> to vector<1x16xf32>
        tpu.vector_store %arg8[%parallel_loop3A_908, %parallel_loop3A_909], %parallel_loop3A_912 {strides = array<i32>} : memref<200x128xf32, #tpu.memory_space<vmem>>, vector<1x16xf32>,
        %parallel_loop3A_913 = arith.index_cast %parallel_loop3A_810 : i32 to index
        %parallel_loop3A_914 = arith.constant 96 : index
        %parallel_loop3A_915 = tpu.vector_load %arg6[%parallel_loop3A_913, %parallel_loop3A_914] {strides = array<i32>} : memref<200x128xf32, #tpu.memory_space<vmem>>, vector<1x16xf32>,
        %parallel_loop3A_916 = vector.shape_cast %parallel_loop3A_915 : vector<1x16xf32> to vector<16xf32>
        %parallel_loop3A_917 = arith.index_cast %parallel_loop3A_806 : i32 to index
        %parallel_loop3A_918 = arith.constant 96 : index
        %parallel_loop3A_919 = tpu.vector_load %arg11[%parallel_loop3A_917, %parallel_loop3A_918] {strides = array<i32>} : memref<60x128xf32, #tpu.memory_space<vmem>>, vector<1x16xf32>,
        %parallel_loop3A_920 = vector.shape_cast %parallel_loop3A_919 : vector<1x16xf32> to vector<16xf32>
        %parallel_loop3A_921 = arith.addf %parallel_loop3A_916, %parallel_loop3A_920 : vector<16xf32>
        %parallel_loop3A_922 = arith.constant 0.000000e+00 : f32
        %parallel_loop3A_923 = vector.broadcast %parallel_loop3A_922 : f32 to vector<16xf32>
        %parallel_loop3A_924 = arith.maximumf %parallel_loop3A_921, %parallel_loop3A_923 : vector<16xf32>
        %parallel_loop3A_925 = arith.index_cast %parallel_loop3A_810 : i32 to index
        %parallel_loop3A_926 = arith.constant 96 : index
        %parallel_loop3A_927 = tpu.vector_load %arg8[%parallel_loop3A_925, %parallel_loop3A_926] {strides = array<i32>} : memref<200x128xf32, #tpu.memory_space<vmem>>, vector<1x16xf32>,
        %parallel_loop3A_928 = vector.shape_cast %parallel_loop3A_927 : vector<1x16xf32> to vector<16xf32>
        %parallel_loop3A_929 = vector.shape_cast %parallel_loop3A_924 : vector<16xf32> to vector<1x16xf32>
        tpu.vector_store %arg8[%parallel_loop3A_925, %parallel_loop3A_926], %parallel_loop3A_929 {strides = array<i32>} : memref<200x128xf32, #tpu.memory_space<vmem>>, vector<1x16xf32>,
        %parallel_loop3A_930 = arith.index_cast %parallel_loop3A_810 : i32 to index
        %parallel_loop3A_931 = arith.constant 112 : index
        %parallel_loop3A_932 = tpu.vector_load %arg6[%parallel_loop3A_930, %parallel_loop3A_931] {strides = array<i32>} : memref<200x128xf32, #tpu.memory_space<vmem>>, vector<1x16xf32>,
        %parallel_loop3A_933 = vector.shape_cast %parallel_loop3A_932 : vector<1x16xf32> to vector<16xf32>
        %parallel_loop3A_934 = arith.index_cast %parallel_loop3A_806 : i32 to index
        %parallel_loop3A_935 = arith.constant 112 : index
        %parallel_loop3A_936 = tpu.vector_load %arg11[%parallel_loop3A_934, %parallel_loop3A_935] {strides = array<i32>} : memref<60x128xf32, #tpu.memory_space<vmem>>, vector<1x16xf32>,
        %parallel_loop3A_937 = vector.shape_cast %parallel_loop3A_936 : vector<1x16xf32> to vector<16xf32>
        %parallel_loop3A_938 = arith.addf %parallel_loop3A_933, %parallel_loop3A_937 : vector<16xf32>
        %parallel_loop3A_939 = arith.constant 0.000000e+00 : f32
        %parallel_loop3A_940 = vector.broadcast %parallel_loop3A_939 : f32 to vector<16xf32>
        %parallel_loop3A_941 = arith.maximumf %parallel_loop3A_938, %parallel_loop3A_940 : vector<16xf32>
        %parallel_loop3A_942 = arith.index_cast %parallel_loop3A_810 : i32 to index
        %parallel_loop3A_943 = arith.constant 112 : index
        %parallel_loop3A_944 = tpu.vector_load %arg8[%parallel_loop3A_942, %parallel_loop3A_943] {strides = array<i32>} : memref<200x128xf32, #tpu.memory_space<vmem>>, vector<1x16xf32>,
        %parallel_loop3A_945 = vector.shape_cast %parallel_loop3A_944 : vector<1x16xf32> to vector<16xf32>
        %parallel_loop3A_946 = vector.shape_cast %parallel_loop3A_941 : vector<16xf32> to vector<1x16xf32>
        tpu.vector_store %arg8[%parallel_loop3A_942, %parallel_loop3A_943], %parallel_loop3A_946 {strides = array<i32>} : memref<200x128xf32, #tpu.memory_space<vmem>>, vector<1x16xf32>,
        %parallel_loop3A_947 = vector.extract_strided_slice %parallel_loop3A_94 {offsets = [6], sizes = [1], strides = [1]} : vector<16xi32> to vector<1xi32>
        %parallel_loop3A_948 = vector.extract %parallel_loop3A_947[0] : i32 from vector<1xi32>
        %parallel_loop3A_949 = arith.constant 8 : i32
        %parallel_loop3A_950 = arith.muli %parallel_loop3A_88, %parallel_loop3A_949 : i32
        %parallel_loop3A_951 = arith.constant 6 : i32
        %parallel_loop3A_952 = arith.addi %parallel_loop3A_950, %parallel_loop3A_951 : i32
        %parallel_loop3A_953 = arith.index_cast %parallel_loop3A_952 : i32 to index
        %parallel_loop3A_954 = arith.constant 0 : index
        %parallel_loop3A_955 = tpu.vector_load %arg6[%parallel_loop3A_953, %parallel_loop3A_954] {strides = array<i32>} : memref<200x128xf32, #tpu.memory_space<vmem>>, vector<1x16xf32>,
        %parallel_loop3A_956 = vector.shape_cast %parallel_loop3A_955 : vector<1x16xf32> to vector<16xf32>
        %parallel_loop3A_957 = arith.index_cast %parallel_loop3A_948 : i32 to index
        %parallel_loop3A_958 = arith.constant 0 : index
        %parallel_loop3A_959 = tpu.vector_load %arg11[%parallel_loop3A_957, %parallel_loop3A_958] {strides = array<i32>} : memref<60x128xf32, #tpu.memory_space<vmem>>, vector<1x16xf32>,
        %parallel_loop3A_960 = vector.shape_cast %parallel_loop3A_959 : vector<1x16xf32> to vector<16xf32>
        %parallel_loop3A_961 = arith.addf %parallel_loop3A_956, %parallel_loop3A_960 : vector<16xf32>
        %parallel_loop3A_962 = arith.constant 0.000000e+00 : f32
        %parallel_loop3A_963 = vector.broadcast %parallel_loop3A_962 : f32 to vector<16xf32>
        %parallel_loop3A_964 = arith.maximumf %parallel_loop3A_961, %parallel_loop3A_963 : vector<16xf32>
        %parallel_loop3A_965 = arith.index_cast %parallel_loop3A_952 : i32 to index
        %parallel_loop3A_966 = arith.constant 0 : index
        %parallel_loop3A_967 = tpu.vector_load %arg8[%parallel_loop3A_965, %parallel_loop3A_966] {strides = array<i32>} : memref<200x128xf32, #tpu.memory_space<vmem>>, vector<1x16xf32>,
        %parallel_loop3A_968 = vector.shape_cast %parallel_loop3A_967 : vector<1x16xf32> to vector<16xf32>
        %parallel_loop3A_969 = vector.shape_cast %parallel_loop3A_964 : vector<16xf32> to vector<1x16xf32>
        tpu.vector_store %arg8[%parallel_loop3A_965, %parallel_loop3A_966], %parallel_loop3A_969 {strides = array<i32>} : memref<200x128xf32, #tpu.memory_space<vmem>>, vector<1x16xf32>,
        %parallel_loop3A_970 = arith.index_cast %parallel_loop3A_952 : i32 to index
        %parallel_loop3A_971 = arith.constant 16 : index
        %parallel_loop3A_972 = tpu.vector_load %arg6[%parallel_loop3A_970, %parallel_loop3A_971] {strides = array<i32>} : memref<200x128xf32, #tpu.memory_space<vmem>>, vector<1x16xf32>,
        %parallel_loop3A_973 = vector.shape_cast %parallel_loop3A_972 : vector<1x16xf32> to vector<16xf32>
        %parallel_loop3A_974 = arith.index_cast %parallel_loop3A_948 : i32 to index
        %parallel_loop3A_975 = arith.constant 16 : index
        %parallel_loop3A_976 = tpu.vector_load %arg11[%parallel_loop3A_974, %parallel_loop3A_975] {strides = array<i32>} : memref<60x128xf32, #tpu.memory_space<vmem>>, vector<1x16xf32>,
        %parallel_loop3A_977 = vector.shape_cast %parallel_loop3A_976 : vector<1x16xf32> to vector<16xf32>
        %parallel_loop3A_978 = arith.addf %parallel_loop3A_973, %parallel_loop3A_977 : vector<16xf32>
        %parallel_loop3A_979 = arith.constant 0.000000e+00 : f32
        %parallel_loop3A_980 = vector.broadcast %parallel_loop3A_979 : f32 to vector<16xf32>
        %parallel_loop3A_981 = arith.maximumf %parallel_loop3A_978, %parallel_loop3A_980 : vector<16xf32>
        %parallel_loop3A_982 = arith.index_cast %parallel_loop3A_952 : i32 to index
        %parallel_loop3A_983 = arith.constant 16 : index
        %parallel_loop3A_984 = tpu.vector_load %arg8[%parallel_loop3A_982, %parallel_loop3A_983] {strides = array<i32>} : memref<200x128xf32, #tpu.memory_space<vmem>>, vector<1x16xf32>,
        %parallel_loop3A_985 = vector.shape_cast %parallel_loop3A_984 : vector<1x16xf32> to vector<16xf32>
        %parallel_loop3A_986 = vector.shape_cast %parallel_loop3A_981 : vector<16xf32> to vector<1x16xf32>
        tpu.vector_store %arg8[%parallel_loop3A_982, %parallel_loop3A_983], %parallel_loop3A_986 {strides = array<i32>} : memref<200x128xf32, #tpu.memory_space<vmem>>, vector<1x16xf32>,
        %parallel_loop3A_987 = arith.index_cast %parallel_loop3A_952 : i32 to index
        %parallel_loop3A_988 = arith.constant 32 : index
        %parallel_loop3A_989 = tpu.vector_load %arg6[%parallel_loop3A_987, %parallel_loop3A_988] {strides = array<i32>} : memref<200x128xf32, #tpu.memory_space<vmem>>, vector<1x16xf32>,
        %parallel_loop3A_990 = vector.shape_cast %parallel_loop3A_989 : vector<1x16xf32> to vector<16xf32>
        %parallel_loop3A_991 = arith.index_cast %parallel_loop3A_948 : i32 to index
        %parallel_loop3A_992 = arith.constant 32 : index
        %parallel_loop3A_993 = tpu.vector_load %arg11[%parallel_loop3A_991, %parallel_loop3A_992] {strides = array<i32>} : memref<60x128xf32, #tpu.memory_space<vmem>>, vector<1x16xf32>,
        %parallel_loop3A_994 = vector.shape_cast %parallel_loop3A_993 : vector<1x16xf32> to vector<16xf32>
        %parallel_loop3A_995 = arith.addf %parallel_loop3A_990, %parallel_loop3A_994 : vector<16xf32>
        %parallel_loop3A_996 = arith.constant 0.000000e+00 : f32
        %parallel_loop3A_997 = vector.broadcast %parallel_loop3A_996 : f32 to vector<16xf32>
        %parallel_loop3A_998 = arith.maximumf %parallel_loop3A_995, %parallel_loop3A_997 : vector<16xf32>
        %parallel_loop3A_999 = arith.index_cast %parallel_loop3A_952 : i32 to index
        %parallel_loop3A_1000 = arith.constant 32 : index
        %parallel_loop3A_1001 = tpu.vector_load %arg8[%parallel_loop3A_999, %parallel_loop3A_1000] {strides = array<i32>} : memref<200x128xf32, #tpu.memory_space<vmem>>, vector<1x16xf32>,
        %parallel_loop3A_1002 = vector.shape_cast %parallel_loop3A_1001 : vector<1x16xf32> to vector<16xf32>
        %parallel_loop3A_1003 = vector.shape_cast %parallel_loop3A_998 : vector<16xf32> to vector<1x16xf32>
        tpu.vector_store %arg8[%parallel_loop3A_999, %parallel_loop3A_1000], %parallel_loop3A_1003 {strides = array<i32>} : memref<200x128xf32, #tpu.memory_space<vmem>>, vector<1x16xf32>,
        %parallel_loop3A_1004 = arith.index_cast %parallel_loop3A_952 : i32 to index
        %parallel_loop3A_1005 = arith.constant 48 : index
        %parallel_loop3A_1006 = tpu.vector_load %arg6[%parallel_loop3A_1004, %parallel_loop3A_1005] {strides = array<i32>} : memref<200x128xf32, #tpu.memory_space<vmem>>, vector<1x16xf32>,
        %parallel_loop3A_1007 = vector.shape_cast %parallel_loop3A_1006 : vector<1x16xf32> to vector<16xf32>
        %parallel_loop3A_1008 = arith.index_cast %parallel_loop3A_948 : i32 to index
        %parallel_loop3A_1009 = arith.constant 48 : index
        %parallel_loop3A_1010 = tpu.vector_load %arg11[%parallel_loop3A_1008, %parallel_loop3A_1009] {strides = array<i32>} : memref<60x128xf32, #tpu.memory_space<vmem>>, vector<1x16xf32>,
        %parallel_loop3A_1011 = vector.shape_cast %parallel_loop3A_1010 : vector<1x16xf32> to vector<16xf32>
        %parallel_loop3A_1012 = arith.addf %parallel_loop3A_1007, %parallel_loop3A_1011 : vector<16xf32>
        %parallel_loop3A_1013 = arith.constant 0.000000e+00 : f32
        %parallel_loop3A_1014 = vector.broadcast %parallel_loop3A_1013 : f32 to vector<16xf32>
        %parallel_loop3A_1015 = arith.maximumf %parallel_loop3A_1012, %parallel_loop3A_1014 : vector<16xf32>
        %parallel_loop3A_1016 = arith.index_cast %parallel_loop3A_952 : i32 to index
        %parallel_loop3A_1017 = arith.constant 48 : index
        %parallel_loop3A_1018 = tpu.vector_load %arg8[%parallel_loop3A_1016, %parallel_loop3A_1017] {strides = array<i32>} : memref<200x128xf32, #tpu.memory_space<vmem>>, vector<1x16xf32>,
        %parallel_loop3A_1019 = vector.shape_cast %parallel_loop3A_1018 : vector<1x16xf32> to vector<16xf32>
        %parallel_loop3A_1020 = vector.shape_cast %parallel_loop3A_1015 : vector<16xf32> to vector<1x16xf32>
        tpu.vector_store %arg8[%parallel_loop3A_1016, %parallel_loop3A_1017], %parallel_loop3A_1020 {strides = array<i32>} : memref<200x128xf32, #tpu.memory_space<vmem>>, vector<1x16xf32>,
        %parallel_loop3A_1021 = arith.index_cast %parallel_loop3A_952 : i32 to index
        %parallel_loop3A_1022 = arith.constant 64 : index
        %parallel_loop3A_1023 = tpu.vector_load %arg6[%parallel_loop3A_1021, %parallel_loop3A_1022] {strides = array<i32>} : memref<200x128xf32, #tpu.memory_space<vmem>>, vector<1x16xf32>,
        %parallel_loop3A_1024 = vector.shape_cast %parallel_loop3A_1023 : vector<1x16xf32> to vector<16xf32>
        %parallel_loop3A_1025 = arith.index_cast %parallel_loop3A_948 : i32 to index
        %parallel_loop3A_1026 = arith.constant 64 : index
        %parallel_loop3A_1027 = tpu.vector_load %arg11[%parallel_loop3A_1025, %parallel_loop3A_1026] {strides = array<i32>} : memref<60x128xf32, #tpu.memory_space<vmem>>, vector<1x16xf32>,
        %parallel_loop3A_1028 = vector.shape_cast %parallel_loop3A_1027 : vector<1x16xf32> to vector<16xf32>
        %parallel_loop3A_1029 = arith.addf %parallel_loop3A_1024, %parallel_loop3A_1028 : vector<16xf32>
        %parallel_loop3A_1030 = arith.constant 0.000000e+00 : f32
        %parallel_loop3A_1031 = vector.broadcast %parallel_loop3A_1030 : f32 to vector<16xf32>
        %parallel_loop3A_1032 = arith.maximumf %parallel_loop3A_1029, %parallel_loop3A_1031 : vector<16xf32>
        %parallel_loop3A_1033 = arith.index_cast %parallel_loop3A_952 : i32 to index
        %parallel_loop3A_1034 = arith.constant 64 : index
        %parallel_loop3A_1035 = tpu.vector_load %arg8[%parallel_loop3A_1033, %parallel_loop3A_1034] {strides = array<i32>} : memref<200x128xf32, #tpu.memory_space<vmem>>, vector<1x16xf32>,
        %parallel_loop3A_1036 = vector.shape_cast %parallel_loop3A_1035 : vector<1x16xf32> to vector<16xf32>
        %parallel_loop3A_1037 = vector.shape_cast %parallel_loop3A_1032 : vector<16xf32> to vector<1x16xf32>
        tpu.vector_store %arg8[%parallel_loop3A_1033, %parallel_loop3A_1034], %parallel_loop3A_1037 {strides = array<i32>} : memref<200x128xf32, #tpu.memory_space<vmem>>, vector<1x16xf32>,
        %parallel_loop3A_1038 = arith.index_cast %parallel_loop3A_952 : i32 to index
        %parallel_loop3A_1039 = arith.constant 80 : index
        %parallel_loop3A_1040 = tpu.vector_load %arg6[%parallel_loop3A_1038, %parallel_loop3A_1039] {strides = array<i32>} : memref<200x128xf32, #tpu.memory_space<vmem>>, vector<1x16xf32>,
        %parallel_loop3A_1041 = vector.shape_cast %parallel_loop3A_1040 : vector<1x16xf32> to vector<16xf32>
        %parallel_loop3A_1042 = arith.index_cast %parallel_loop3A_948 : i32 to index
        %parallel_loop3A_1043 = arith.constant 80 : index
        %parallel_loop3A_1044 = tpu.vector_load %arg11[%parallel_loop3A_1042, %parallel_loop3A_1043] {strides = array<i32>} : memref<60x128xf32, #tpu.memory_space<vmem>>, vector<1x16xf32>,
        %parallel_loop3A_1045 = vector.shape_cast %parallel_loop3A_1044 : vector<1x16xf32> to vector<16xf32>
        %parallel_loop3A_1046 = arith.addf %parallel_loop3A_1041, %parallel_loop3A_1045 : vector<16xf32>
        %parallel_loop3A_1047 = arith.constant 0.000000e+00 : f32
        %parallel_loop3A_1048 = vector.broadcast %parallel_loop3A_1047 : f32 to vector<16xf32>
        %parallel_loop3A_1049 = arith.maximumf %parallel_loop3A_1046, %parallel_loop3A_1048 : vector<16xf32>
        %parallel_loop3A_1050 = arith.index_cast %parallel_loop3A_952 : i32 to index
        %parallel_loop3A_1051 = arith.constant 80 : index
        %parallel_loop3A_1052 = tpu.vector_load %arg8[%parallel_loop3A_1050, %parallel_loop3A_1051] {strides = array<i32>} : memref<200x128xf32, #tpu.memory_space<vmem>>, vector<1x16xf32>,
        %parallel_loop3A_1053 = vector.shape_cast %parallel_loop3A_1052 : vector<1x16xf32> to vector<16xf32>
        %parallel_loop3A_1054 = vector.shape_cast %parallel_loop3A_1049 : vector<16xf32> to vector<1x16xf32>
        tpu.vector_store %arg8[%parallel_loop3A_1050, %parallel_loop3A_1051], %parallel_loop3A_1054 {strides = array<i32>} : memref<200x128xf32, #tpu.memory_space<vmem>>, vector<1x16xf32>,
        %parallel_loop3A_1055 = arith.index_cast %parallel_loop3A_952 : i32 to index
        %parallel_loop3A_1056 = arith.constant 96 : index
        %parallel_loop3A_1057 = tpu.vector_load %arg6[%parallel_loop3A_1055, %parallel_loop3A_1056] {strides = array<i32>} : memref<200x128xf32, #tpu.memory_space<vmem>>, vector<1x16xf32>,
        %parallel_loop3A_1058 = vector.shape_cast %parallel_loop3A_1057 : vector<1x16xf32> to vector<16xf32>
        %parallel_loop3A_1059 = arith.index_cast %parallel_loop3A_948 : i32 to index
        %parallel_loop3A_1060 = arith.constant 96 : index
        %parallel_loop3A_1061 = tpu.vector_load %arg11[%parallel_loop3A_1059, %parallel_loop3A_1060] {strides = array<i32>} : memref<60x128xf32, #tpu.memory_space<vmem>>, vector<1x16xf32>,
        %parallel_loop3A_1062 = vector.shape_cast %parallel_loop3A_1061 : vector<1x16xf32> to vector<16xf32>
        %parallel_loop3A_1063 = arith.addf %parallel_loop3A_1058, %parallel_loop3A_1062 : vector<16xf32>
        %parallel_loop3A_1064 = arith.constant 0.000000e+00 : f32
        %parallel_loop3A_1065 = vector.broadcast %parallel_loop3A_1064 : f32 to vector<16xf32>
        %parallel_loop3A_1066 = arith.maximumf %parallel_loop3A_1063, %parallel_loop3A_1065 : vector<16xf32>
        %parallel_loop3A_1067 = arith.index_cast %parallel_loop3A_952 : i32 to index
        %parallel_loop3A_1068 = arith.constant 96 : index
        %parallel_loop3A_1069 = tpu.vector_load %arg8[%parallel_loop3A_1067, %parallel_loop3A_1068] {strides = array<i32>} : memref<200x128xf32, #tpu.memory_space<vmem>>, vector<1x16xf32>,
        %parallel_loop3A_1070 = vector.shape_cast %parallel_loop3A_1069 : vector<1x16xf32> to vector<16xf32>
        %parallel_loop3A_1071 = vector.shape_cast %parallel_loop3A_1066 : vector<16xf32> to vector<1x16xf32>
        tpu.vector_store %arg8[%parallel_loop3A_1067, %parallel_loop3A_1068], %parallel_loop3A_1071 {strides = array<i32>} : memref<200x128xf32, #tpu.memory_space<vmem>>, vector<1x16xf32>,
        %parallel_loop3A_1072 = arith.index_cast %parallel_loop3A_952 : i32 to index
        %parallel_loop3A_1073 = arith.constant 112 : index
        %parallel_loop3A_1074 = tpu.vector_load %arg6[%parallel_loop3A_1072, %parallel_loop3A_1073] {strides = array<i32>} : memref<200x128xf32, #tpu.memory_space<vmem>>, vector<1x16xf32>,
        %parallel_loop3A_1075 = vector.shape_cast %parallel_loop3A_1074 : vector<1x16xf32> to vector<16xf32>
        %parallel_loop3A_1076 = arith.index_cast %parallel_loop3A_948 : i32 to index
        %parallel_loop3A_1077 = arith.constant 112 : index
        %parallel_loop3A_1078 = tpu.vector_load %arg11[%parallel_loop3A_1076, %parallel_loop3A_1077] {strides = array<i32>} : memref<60x128xf32, #tpu.memory_space<vmem>>, vector<1x16xf32>,
        %parallel_loop3A_1079 = vector.shape_cast %parallel_loop3A_1078 : vector<1x16xf32> to vector<16xf32>
        %parallel_loop3A_1080 = arith.addf %parallel_loop3A_1075, %parallel_loop3A_1079 : vector<16xf32>
        %parallel_loop3A_1081 = arith.constant 0.000000e+00 : f32
        %parallel_loop3A_1082 = vector.broadcast %parallel_loop3A_1081 : f32 to vector<16xf32>
        %parallel_loop3A_1083 = arith.maximumf %parallel_loop3A_1080, %parallel_loop3A_1082 : vector<16xf32>
        %parallel_loop3A_1084 = arith.index_cast %parallel_loop3A_952 : i32 to index
        %parallel_loop3A_1085 = arith.constant 112 : index
        %parallel_loop3A_1086 = tpu.vector_load %arg8[%parallel_loop3A_1084, %parallel_loop3A_1085] {strides = array<i32>} : memref<200x128xf32, #tpu.memory_space<vmem>>, vector<1x16xf32>,
        %parallel_loop3A_1087 = vector.shape_cast %parallel_loop3A_1086 : vector<1x16xf32> to vector<16xf32>
        %parallel_loop3A_1088 = vector.shape_cast %parallel_loop3A_1083 : vector<16xf32> to vector<1x16xf32>
        tpu.vector_store %arg8[%parallel_loop3A_1084, %parallel_loop3A_1085], %parallel_loop3A_1088 {strides = array<i32>} : memref<200x128xf32, #tpu.memory_space<vmem>>, vector<1x16xf32>,
        %parallel_loop3A_1089 = vector.extract_strided_slice %parallel_loop3A_94 {offsets = [7], sizes = [1], strides = [1]} : vector<16xi32> to vector<1xi32>
        %parallel_loop3A_1090 = vector.extract %parallel_loop3A_1089[0] : i32 from vector<1xi32>
        %parallel_loop3A_1091 = arith.constant 8 : i32
        %parallel_loop3A_1092 = arith.muli %parallel_loop3A_88, %parallel_loop3A_1091 : i32
        %parallel_loop3A_1093 = arith.constant 7 : i32
        %parallel_loop3A_1094 = arith.addi %parallel_loop3A_1092, %parallel_loop3A_1093 : i32
        %parallel_loop3A_1095 = arith.index_cast %parallel_loop3A_1094 : i32 to index
        %parallel_loop3A_1096 = arith.constant 0 : index
        %parallel_loop3A_1097 = tpu.vector_load %arg6[%parallel_loop3A_1095, %parallel_loop3A_1096] {strides = array<i32>} : memref<200x128xf32, #tpu.memory_space<vmem>>, vector<1x16xf32>,
        %parallel_loop3A_1098 = vector.shape_cast %parallel_loop3A_1097 : vector<1x16xf32> to vector<16xf32>
        %parallel_loop3A_1099 = arith.index_cast %parallel_loop3A_1090 : i32 to index
        %parallel_loop3A_1100 = arith.constant 0 : index
        %parallel_loop3A_1101 = tpu.vector_load %arg11[%parallel_loop3A_1099, %parallel_loop3A_1100] {strides = array<i32>} : memref<60x128xf32, #tpu.memory_space<vmem>>, vector<1x16xf32>,
        %parallel_loop3A_1102 = vector.shape_cast %parallel_loop3A_1101 : vector<1x16xf32> to vector<16xf32>
        %parallel_loop3A_1103 = arith.addf %parallel_loop3A_1098, %parallel_loop3A_1102 : vector<16xf32>
        %parallel_loop3A_1104 = arith.constant 0.000000e+00 : f32
        %parallel_loop3A_1105 = vector.broadcast %parallel_loop3A_1104 : f32 to vector<16xf32>
        %parallel_loop3A_1106 = arith.maximumf %parallel_loop3A_1103, %parallel_loop3A_1105 : vector<16xf32>
        %parallel_loop3A_1107 = arith.index_cast %parallel_loop3A_1094 : i32 to index
        %parallel_loop3A_1108 = arith.constant 0 : index
        %parallel_loop3A_1109 = tpu.vector_load %arg8[%parallel_loop3A_1107, %parallel_loop3A_1108] {strides = array<i32>} : memref<200x128xf32, #tpu.memory_space<vmem>>, vector<1x16xf32>,
        %parallel_loop3A_1110 = vector.shape_cast %parallel_loop3A_1109 : vector<1x16xf32> to vector<16xf32>
        %parallel_loop3A_1111 = vector.shape_cast %parallel_loop3A_1106 : vector<16xf32> to vector<1x16xf32>
        tpu.vector_store %arg8[%parallel_loop3A_1107, %parallel_loop3A_1108], %parallel_loop3A_1111 {strides = array<i32>} : memref<200x128xf32, #tpu.memory_space<vmem>>, vector<1x16xf32>,
        %parallel_loop3A_1112 = arith.index_cast %parallel_loop3A_1094 : i32 to index
        %parallel_loop3A_1113 = arith.constant 16 : index
        %parallel_loop3A_1114 = tpu.vector_load %arg6[%parallel_loop3A_1112, %parallel_loop3A_1113] {strides = array<i32>} : memref<200x128xf32, #tpu.memory_space<vmem>>, vector<1x16xf32>,
        %parallel_loop3A_1115 = vector.shape_cast %parallel_loop3A_1114 : vector<1x16xf32> to vector<16xf32>
        %parallel_loop3A_1116 = arith.index_cast %parallel_loop3A_1090 : i32 to index
        %parallel_loop3A_1117 = arith.constant 16 : index
        %parallel_loop3A_1118 = tpu.vector_load %arg11[%parallel_loop3A_1116, %parallel_loop3A_1117] {strides = array<i32>} : memref<60x128xf32, #tpu.memory_space<vmem>>, vector<1x16xf32>,
        %parallel_loop3A_1119 = vector.shape_cast %parallel_loop3A_1118 : vector<1x16xf32> to vector<16xf32>
        %parallel_loop3A_1120 = arith.addf %parallel_loop3A_1115, %parallel_loop3A_1119 : vector<16xf32>
        %parallel_loop3A_1121 = arith.constant 0.000000e+00 : f32
        %parallel_loop3A_1122 = vector.broadcast %parallel_loop3A_1121 : f32 to vector<16xf32>
        %parallel_loop3A_1123 = arith.maximumf %parallel_loop3A_1120, %parallel_loop3A_1122 : vector<16xf32>
        %parallel_loop3A_1124 = arith.index_cast %parallel_loop3A_1094 : i32 to index
        %parallel_loop3A_1125 = arith.constant 16 : index
        %parallel_loop3A_1126 = tpu.vector_load %arg8[%parallel_loop3A_1124, %parallel_loop3A_1125] {strides = array<i32>} : memref<200x128xf32, #tpu.memory_space<vmem>>, vector<1x16xf32>,
        %parallel_loop3A_1127 = vector.shape_cast %parallel_loop3A_1126 : vector<1x16xf32> to vector<16xf32>
        %parallel_loop3A_1128 = vector.shape_cast %parallel_loop3A_1123 : vector<16xf32> to vector<1x16xf32>
        tpu.vector_store %arg8[%parallel_loop3A_1124, %parallel_loop3A_1125], %parallel_loop3A_1128 {strides = array<i32>} : memref<200x128xf32, #tpu.memory_space<vmem>>, vector<1x16xf32>,
        %parallel_loop3A_1129 = arith.index_cast %parallel_loop3A_1094 : i32 to index
        %parallel_loop3A_1130 = arith.constant 32 : index
        %parallel_loop3A_1131 = tpu.vector_load %arg6[%parallel_loop3A_1129, %parallel_loop3A_1130] {strides = array<i32>} : memref<200x128xf32, #tpu.memory_space<vmem>>, vector<1x16xf32>,
        %parallel_loop3A_1132 = vector.shape_cast %parallel_loop3A_1131 : vector<1x16xf32> to vector<16xf32>
        %parallel_loop3A_1133 = arith.index_cast %parallel_loop3A_1090 : i32 to index
        %parallel_loop3A_1134 = arith.constant 32 : index
        %parallel_loop3A_1135 = tpu.vector_load %arg11[%parallel_loop3A_1133, %parallel_loop3A_1134] {strides = array<i32>} : memref<60x128xf32, #tpu.memory_space<vmem>>, vector<1x16xf32>,
        %parallel_loop3A_1136 = vector.shape_cast %parallel_loop3A_1135 : vector<1x16xf32> to vector<16xf32>
        %parallel_loop3A_1137 = arith.addf %parallel_loop3A_1132, %parallel_loop3A_1136 : vector<16xf32>
        %parallel_loop3A_1138 = arith.constant 0.000000e+00 : f32
        %parallel_loop3A_1139 = vector.broadcast %parallel_loop3A_1138 : f32 to vector<16xf32>
        %parallel_loop3A_1140 = arith.maximumf %parallel_loop3A_1137, %parallel_loop3A_1139 : vector<16xf32>
        %parallel_loop3A_1141 = arith.index_cast %parallel_loop3A_1094 : i32 to index
        %parallel_loop3A_1142 = arith.constant 32 : index
        %parallel_loop3A_1143 = tpu.vector_load %arg8[%parallel_loop3A_1141, %parallel_loop3A_1142] {strides = array<i32>} : memref<200x128xf32, #tpu.memory_space<vmem>>, vector<1x16xf32>,
        %parallel_loop3A_1144 = vector.shape_cast %parallel_loop3A_1143 : vector<1x16xf32> to vector<16xf32>
        %parallel_loop3A_1145 = vector.shape_cast %parallel_loop3A_1140 : vector<16xf32> to vector<1x16xf32>
        tpu.vector_store %arg8[%parallel_loop3A_1141, %parallel_loop3A_1142], %parallel_loop3A_1145 {strides = array<i32>} : memref<200x128xf32, #tpu.memory_space<vmem>>, vector<1x16xf32>,
        %parallel_loop3A_1146 = arith.index_cast %parallel_loop3A_1094 : i32 to index
        %parallel_loop3A_1147 = arith.constant 48 : index
        %parallel_loop3A_1148 = tpu.vector_load %arg6[%parallel_loop3A_1146, %parallel_loop3A_1147] {strides = array<i32>} : memref<200x128xf32, #tpu.memory_space<vmem>>, vector<1x16xf32>,
        %parallel_loop3A_1149 = vector.shape_cast %parallel_loop3A_1148 : vector<1x16xf32> to vector<16xf32>
        %parallel_loop3A_1150 = arith.index_cast %parallel_loop3A_1090 : i32 to index
        %parallel_loop3A_1151 = arith.constant 48 : index
        %parallel_loop3A_1152 = tpu.vector_load %arg11[%parallel_loop3A_1150, %parallel_loop3A_1151] {strides = array<i32>} : memref<60x128xf32, #tpu.memory_space<vmem>>, vector<1x16xf32>,
        %parallel_loop3A_1153 = vector.shape_cast %parallel_loop3A_1152 : vector<1x16xf32> to vector<16xf32>
        %parallel_loop3A_1154 = arith.addf %parallel_loop3A_1149, %parallel_loop3A_1153 : vector<16xf32>
        %parallel_loop3A_1155 = arith.constant 0.000000e+00 : f32
        %parallel_loop3A_1156 = vector.broadcast %parallel_loop3A_1155 : f32 to vector<16xf32>
        %parallel_loop3A_1157 = arith.maximumf %parallel_loop3A_1154, %parallel_loop3A_1156 : vector<16xf32>
        %parallel_loop3A_1158 = arith.index_cast %parallel_loop3A_1094 : i32 to index
        %parallel_loop3A_1159 = arith.constant 48 : index
        %parallel_loop3A_1160 = tpu.vector_load %arg8[%parallel_loop3A_1158, %parallel_loop3A_1159] {strides = array<i32>} : memref<200x128xf32, #tpu.memory_space<vmem>>, vector<1x16xf32>,
        %parallel_loop3A_1161 = vector.shape_cast %parallel_loop3A_1160 : vector<1x16xf32> to vector<16xf32>
        %parallel_loop3A_1162 = vector.shape_cast %parallel_loop3A_1157 : vector<16xf32> to vector<1x16xf32>
        tpu.vector_store %arg8[%parallel_loop3A_1158, %parallel_loop3A_1159], %parallel_loop3A_1162 {strides = array<i32>} : memref<200x128xf32, #tpu.memory_space<vmem>>, vector<1x16xf32>,
        %parallel_loop3A_1163 = arith.index_cast %parallel_loop3A_1094 : i32 to index
        %parallel_loop3A_1164 = arith.constant 64 : index
        %parallel_loop3A_1165 = tpu.vector_load %arg6[%parallel_loop3A_1163, %parallel_loop3A_1164] {strides = array<i32>} : memref<200x128xf32, #tpu.memory_space<vmem>>, vector<1x16xf32>,
        %parallel_loop3A_1166 = vector.shape_cast %parallel_loop3A_1165 : vector<1x16xf32> to vector<16xf32>
        %parallel_loop3A_1167 = arith.index_cast %parallel_loop3A_1090 : i32 to index
        %parallel_loop3A_1168 = arith.constant 64 : index
        %parallel_loop3A_1169 = tpu.vector_load %arg11[%parallel_loop3A_1167, %parallel_loop3A_1168] {strides = array<i32>} : memref<60x128xf32, #tpu.memory_space<vmem>>, vector<1x16xf32>,
        %parallel_loop3A_1170 = vector.shape_cast %parallel_loop3A_1169 : vector<1x16xf32> to vector<16xf32>
        %parallel_loop3A_1171 = arith.addf %parallel_loop3A_1166, %parallel_loop3A_1170 : vector<16xf32>
        %parallel_loop3A_1172 = arith.constant 0.000000e+00 : f32
        %parallel_loop3A_1173 = vector.broadcast %parallel_loop3A_1172 : f32 to vector<16xf32>
        %parallel_loop3A_1174 = arith.maximumf %parallel_loop3A_1171, %parallel_loop3A_1173 : vector<16xf32>
        %parallel_loop3A_1175 = arith.index_cast %parallel_loop3A_1094 : i32 to index
        %parallel_loop3A_1176 = arith.constant 64 : index
        %parallel_loop3A_1177 = tpu.vector_load %arg8[%parallel_loop3A_1175, %parallel_loop3A_1176] {strides = array<i32>} : memref<200x128xf32, #tpu.memory_space<vmem>>, vector<1x16xf32>,
        %parallel_loop3A_1178 = vector.shape_cast %parallel_loop3A_1177 : vector<1x16xf32> to vector<16xf32>
        %parallel_loop3A_1179 = vector.shape_cast %parallel_loop3A_1174 : vector<16xf32> to vector<1x16xf32>
        tpu.vector_store %arg8[%parallel_loop3A_1175, %parallel_loop3A_1176], %parallel_loop3A_1179 {strides = array<i32>} : memref<200x128xf32, #tpu.memory_space<vmem>>, vector<1x16xf32>,
        %parallel_loop3A_1180 = arith.index_cast %parallel_loop3A_1094 : i32 to index
        %parallel_loop3A_1181 = arith.constant 80 : index
        %parallel_loop3A_1182 = tpu.vector_load %arg6[%parallel_loop3A_1180, %parallel_loop3A_1181] {strides = array<i32>} : memref<200x128xf32, #tpu.memory_space<vmem>>, vector<1x16xf32>,
        %parallel_loop3A_1183 = vector.shape_cast %parallel_loop3A_1182 : vector<1x16xf32> to vector<16xf32>
        %parallel_loop3A_1184 = arith.index_cast %parallel_loop3A_1090 : i32 to index
        %parallel_loop3A_1185 = arith.constant 80 : index
        %parallel_loop3A_1186 = tpu.vector_load %arg11[%parallel_loop3A_1184, %parallel_loop3A_1185] {strides = array<i32>} : memref<60x128xf32, #tpu.memory_space<vmem>>, vector<1x16xf32>,
        %parallel_loop3A_1187 = vector.shape_cast %parallel_loop3A_1186 : vector<1x16xf32> to vector<16xf32>
        %parallel_loop3A_1188 = arith.addf %parallel_loop3A_1183, %parallel_loop3A_1187 : vector<16xf32>
        %parallel_loop3A_1189 = arith.constant 0.000000e+00 : f32
        %parallel_loop3A_1190 = vector.broadcast %parallel_loop3A_1189 : f32 to vector<16xf32>
        %parallel_loop3A_1191 = arith.maximumf %parallel_loop3A_1188, %parallel_loop3A_1190 : vector<16xf32>
        %parallel_loop3A_1192 = arith.index_cast %parallel_loop3A_1094 : i32 to index
        %parallel_loop3A_1193 = arith.constant 80 : index
        %parallel_loop3A_1194 = tpu.vector_load %arg8[%parallel_loop3A_1192, %parallel_loop3A_1193] {strides = array<i32>} : memref<200x128xf32, #tpu.memory_space<vmem>>, vector<1x16xf32>,
        %parallel_loop3A_1195 = vector.shape_cast %parallel_loop3A_1194 : vector<1x16xf32> to vector<16xf32>
        %parallel_loop3A_1196 = vector.shape_cast %parallel_loop3A_1191 : vector<16xf32> to vector<1x16xf32>
        tpu.vector_store %arg8[%parallel_loop3A_1192, %parallel_loop3A_1193], %parallel_loop3A_1196 {strides = array<i32>} : memref<200x128xf32, #tpu.memory_space<vmem>>, vector<1x16xf32>,
        %parallel_loop3A_1197 = arith.index_cast %parallel_loop3A_1094 : i32 to index
        %parallel_loop3A_1198 = arith.constant 96 : index
        %parallel_loop3A_1199 = tpu.vector_load %arg6[%parallel_loop3A_1197, %parallel_loop3A_1198] {strides = array<i32>} : memref<200x128xf32, #tpu.memory_space<vmem>>, vector<1x16xf32>,
        %parallel_loop3A_1200 = vector.shape_cast %parallel_loop3A_1199 : vector<1x16xf32> to vector<16xf32>
        %parallel_loop3A_1201 = arith.index_cast %parallel_loop3A_1090 : i32 to index
        %parallel_loop3A_1202 = arith.constant 96 : index
        %parallel_loop3A_1203 = tpu.vector_load %arg11[%parallel_loop3A_1201, %parallel_loop3A_1202] {strides = array<i32>} : memref<60x128xf32, #tpu.memory_space<vmem>>, vector<1x16xf32>,
        %parallel_loop3A_1204 = vector.shape_cast %parallel_loop3A_1203 : vector<1x16xf32> to vector<16xf32>
        %parallel_loop3A_1205 = arith.addf %parallel_loop3A_1200, %parallel_loop3A_1204 : vector<16xf32>
        %parallel_loop3A_1206 = arith.constant 0.000000e+00 : f32
        %parallel_loop3A_1207 = vector.broadcast %parallel_loop3A_1206 : f32 to vector<16xf32>
        %parallel_loop3A_1208 = arith.maximumf %parallel_loop3A_1205, %parallel_loop3A_1207 : vector<16xf32>
        %parallel_loop3A_1209 = arith.index_cast %parallel_loop3A_1094 : i32 to index
        %parallel_loop3A_1210 = arith.constant 96 : index
        %parallel_loop3A_1211 = tpu.vector_load %arg8[%parallel_loop3A_1209, %parallel_loop3A_1210] {strides = array<i32>} : memref<200x128xf32, #tpu.memory_space<vmem>>, vector<1x16xf32>,
        %parallel_loop3A_1212 = vector.shape_cast %parallel_loop3A_1211 : vector<1x16xf32> to vector<16xf32>
        %parallel_loop3A_1213 = vector.shape_cast %parallel_loop3A_1208 : vector<16xf32> to vector<1x16xf32>
        tpu.vector_store %arg8[%parallel_loop3A_1209, %parallel_loop3A_1210], %parallel_loop3A_1213 {strides = array<i32>} : memref<200x128xf32, #tpu.memory_space<vmem>>, vector<1x16xf32>,
        %parallel_loop3A_1214 = arith.index_cast %parallel_loop3A_1094 : i32 to index
        %parallel_loop3A_1215 = arith.constant 112 : index
        %parallel_loop3A_1216 = tpu.vector_load %arg6[%parallel_loop3A_1214, %parallel_loop3A_1215] {strides = array<i32>} : memref<200x128xf32, #tpu.memory_space<vmem>>, vector<1x16xf32>,
        %parallel_loop3A_1217 = vector.shape_cast %parallel_loop3A_1216 : vector<1x16xf32> to vector<16xf32>
        %parallel_loop3A_1218 = arith.index_cast %parallel_loop3A_1090 : i32 to index
        %parallel_loop3A_1219 = arith.constant 112 : index
        %parallel_loop3A_1220 = tpu.vector_load %arg11[%parallel_loop3A_1218, %parallel_loop3A_1219] {strides = array<i32>} : memref<60x128xf32, #tpu.memory_space<vmem>>, vector<1x16xf32>,
        %parallel_loop3A_1221 = vector.shape_cast %parallel_loop3A_1220 : vector<1x16xf32> to vector<16xf32>
        %parallel_loop3A_1222 = arith.addf %parallel_loop3A_1217, %parallel_loop3A_1221 : vector<16xf32>
        %parallel_loop3A_1223 = arith.constant 0.000000e+00 : f32
        %parallel_loop3A_1224 = vector.broadcast %parallel_loop3A_1223 : f32 to vector<16xf32>
        %parallel_loop3A_1225 = arith.maximumf %parallel_loop3A_1222, %parallel_loop3A_1224 : vector<16xf32>
        %parallel_loop3A_1226 = arith.index_cast %parallel_loop3A_1094 : i32 to index
        %parallel_loop3A_1227 = arith.constant 112 : index
        %parallel_loop3A_1228 = tpu.vector_load %arg8[%parallel_loop3A_1226, %parallel_loop3A_1227] {strides = array<i32>} : memref<200x128xf32, #tpu.memory_space<vmem>>, vector<1x16xf32>,
        %parallel_loop3A_1229 = vector.shape_cast %parallel_loop3A_1228 : vector<1x16xf32> to vector<16xf32>
        %parallel_loop3A_1230 = vector.shape_cast %parallel_loop3A_1225 : vector<16xf32> to vector<1x16xf32>
        tpu.vector_store %arg8[%parallel_loop3A_1226, %parallel_loop3A_1227], %parallel_loop3A_1230 {strides = array<i32>} : memref<200x128xf32, #tpu.memory_space<vmem>>, vector<1x16xf32>,
      } {sc.loop_unroll_factor = 1 : i64, sc.parallel_access}
      %mul3A_48 = arith.constant 200 : i32
      %mul3A_49 = arith.muli %mul3A_26, %mul3A_48 : i32
      %add3A_50 = arith.addi %mul3A_2, %mul3A_49 : i32
      %dma_start3A_51 = arith.constant 0 : i32
      %dma_start3A_52 = tpu.memref_slice %arg5[%add3A_50, %dma_start3A_51] : memref<320000x128xf32, #tpu.memory_space<hbm>> -> memref<200x128xf32, #tpu.memory_space<hbm>>
      %dma_start3A_53 = arith.constant 0 : i32
      %dma_start3A_54 = tpu.memref_slice %arg5[%add3A_50, %dma_start3A_53] : memref<320000x128xf32, #tpu.memory_space<hbm>> -> memref<200x128xf32, #tpu.memory_space<hbm>>
      tpu.enqueue_dma source(%arg8 : memref<200x128xf32, #tpu.memory_space<vmem>>) target(%dma_start3A_54 : memref<200x128xf32, #tpu.memory_space<hbm>>) target_semaphore(%arg14 : memref<!tpu.dma_semaphore, #tpu.memory_space<semaphore_mem>>)
      %add3A_55 = arith.constant 1 : i32
      %add3A_56 = arith.addi %scan3A_24, %add3A_55 : i32
      %lt3A = arith.constant 25 : i32
      %lt3A_57 = arith.cmpi slt, %add3A_56, %lt3A : i32
      %convert_element_type3A_58 = arith.extui %lt3A_57 : i1 to i32
      %cond3A_59 = arith.constant 0 : i32
      %cond3A_60 = arith.cmpi ne, %convert_element_type3A_58, %cond3A_59 : i32
      scf.if %cond3A_60 {
        %add3A_88 = arith.constant 2 : i32
        %add3A_89 = arith.addi %mul3A_26, %add3A_88 : i32
        %mul3A_90 = arith.constant 200 : i32
        %mul3A_91 = arith.muli %add3A_89, %mul3A_90 : i32
        %add3A_92 = arith.addi %mul3A_2, %mul3A_91 : i32
        %dma_start3A_93 = arith.constant 0 : i32
        %dma_start3A_94 = tpu.memref_slice %arg2[%add3A_92, %dma_start3A_93] : memref<320000x128xf32, #tpu.memory_space<hbm>> -> memref<200x128xf32, #tpu.memory_space<hbm>>
        %dma_start3A_95 = arith.constant 0 : i32
        %dma_start3A_96 = tpu.memref_slice %arg2[%add3A_92, %dma_start3A_95] : memref<320000x128xf32, #tpu.memory_space<hbm>> -> memref<200x128xf32, #tpu.memory_space<hbm>>
        tpu.enqueue_dma source(%dma_start3A_96 : memref<200x128xf32, #tpu.memory_space<hbm>>) target(%arg6 : memref<200x128xf32, #tpu.memory_space<vmem>>) target_semaphore(%arg12 : memref<!tpu.dma_semaphore, #tpu.memory_space<semaphore_mem>>)
      } else {
      }
      %dma_wait3A_61 = arith.constant 0 : i32
      %dma_wait3A_62 = arith.constant 0 : i32
      %dma_wait3A_63 = tpu.memref_slice %arg2[%dma_wait3A_61, %dma_wait3A_62] : memref<320000x128xf32, #tpu.memory_space<hbm>> -> memref<200x128xf32, #tpu.memory_space<hbm>>
      %dma_wait3A_64 = arith.constant 0 : i32
      %dma_wait3A_65 = arith.constant 0 : i32
      %dma_wait3A_66 = tpu.memref_slice %arg2[%dma_wait3A_64, %dma_wait3A_65] : memref<320000x128xf32, #tpu.memory_space<hbm>> -> memref<200x128xf32, #tpu.memory_space<hbm>>
      tpu.wait_dma2 semaphore(%arg13 : memref<!tpu.dma_semaphore, #tpu.memory_space<semaphore_mem>>) src(%dma_wait3A_66 : memref<200x128xf32, #tpu.memory_space<hbm>>) dst(%arg7 : memref<200x128xf32, #tpu.memory_space<vmem>>)
      %gt3A_67 = arith.constant 0 : i32
      %gt3A_68 = arith.cmpi sgt, %scan3A_24, %gt3A_67 : i32
      %convert_element_type3A_69 = arith.extui %gt3A_68 : i1 to i32
      %cond3A_70 = arith.constant 0 : i32
      %cond3A_71 = arith.cmpi ne, %convert_element_type3A_69, %cond3A_70 : i32
      scf.if %cond3A_71 {
        %dma_wait3A_88 = arith.constant 0 : i32
        %dma_wait3A_89 = arith.constant 0 : i32
        %dma_wait3A_90 = tpu.memref_slice %arg5[%dma_wait3A_88, %dma_wait3A_89] : memref<320000x128xf32, #tpu.memory_space<hbm>> -> memref<200x128xf32, #tpu.memory_space<hbm>>
        %dma_wait3A_91 = arith.constant 0 : i32
        %dma_wait3A_92 = arith.constant 0 : i32
        %dma_wait3A_93 = tpu.memref_slice %arg5[%dma_wait3A_91, %dma_wait3A_92] : memref<320000x128xf32, #tpu.memory_space<hbm>> -> memref<200x128xf32, #tpu.memory_space<hbm>>
        tpu.wait_dma2 semaphore(%arg15 : memref<!tpu.dma_semaphore, #tpu.memory_space<semaphore_mem>>) src(%arg9 : memref<200x128xf32, #tpu.memory_space<vmem>>) dst(%dma_wait3A_93 : memref<200x128xf32, #tpu.memory_space<hbm>>)
      } else {
      }
      %add3A_72 = arith.constant 1 : i32
      %add3A_73 = arith.addi %mul3A_26, %add3A_72 : i32
      %mul3A_74 = arith.constant 200 : i32
      %mul3A_75 = arith.muli %add3A_73, %mul3A_74 : i32
      %parallel_loop3A_76 = arith.constant 0 : i32
      %parallel_loop3A_77 = arith.constant 25 : i32
      %parallel_loop3A_78 = arith.constant 1 : i32
      scf.for %parallel_loop3A_88 = %parallel_loop3A_76 to %parallel_loop3A_77 step %parallel_loop3A_78  : i32 {
        %parallel_loop3A_89 = arith.constant 8 : i32
        %parallel_loop3A_90 = arith.muli %parallel_loop3A_88, %parallel_loop3A_89 : i32
        %parallel_loop3A_91 = arith.addi %mul3A_75, %parallel_loop3A_90 : i32
        %parallel_loop3A_92 = arith.index_cast %parallel_loop3A_91 : i32 to index
        %parallel_loop3A_93 = tpu.vector_load %arg10[%parallel_loop3A_92] {strides = array<i32>} : memref<10008xi32, #tpu.memory_space<vmem>>, vector<16xi32>,
        %parallel_loop3A_94 = vector.shape_cast %parallel_loop3A_93 : vector<16xi32> to vector<16xi32>
        %parallel_loop3A_95 = vector.extract_strided_slice %parallel_loop3A_94 {offsets = [0], sizes = [1], strides = [1]} : vector<16xi32> to vector<1xi32>
        %parallel_loop3A_96 = vector.extract %parallel_loop3A_95[0] : i32 from vector<1xi32>
        %parallel_loop3A_97 = arith.constant 8 : i32
        %parallel_loop3A_98 = arith.muli %parallel_loop3A_88, %parallel_loop3A_97 : i32
        %parallel_loop3A_99 = arith.constant 0 : i32
        %parallel_loop3A_100 = arith.addi %parallel_loop3A_98, %parallel_loop3A_99 : i32
        %parallel_loop3A_101 = arith.index_cast %parallel_loop3A_100 : i32 to index
        %parallel_loop3A_102 = arith.constant 0 : index
        %parallel_loop3A_103 = tpu.vector_load %arg7[%parallel_loop3A_101, %parallel_loop3A_102] {strides = array<i32>} : memref<200x128xf32, #tpu.memory_space<vmem>>, vector<1x16xf32>,
        %parallel_loop3A_104 = vector.shape_cast %parallel_loop3A_103 : vector<1x16xf32> to vector<16xf32>
        %parallel_loop3A_105 = arith.index_cast %parallel_loop3A_96 : i32 to index
        %parallel_loop3A_106 = arith.constant 0 : index
        %parallel_loop3A_107 = tpu.vector_load %arg11[%parallel_loop3A_105, %parallel_loop3A_106] {strides = array<i32>} : memref<60x128xf32, #tpu.memory_space<vmem>>, vector<1x16xf32>,
        %parallel_loop3A_108 = vector.shape_cast %parallel_loop3A_107 : vector<1x16xf32> to vector<16xf32>
        %parallel_loop3A_109 = arith.addf %parallel_loop3A_104, %parallel_loop3A_108 : vector<16xf32>
        %parallel_loop3A_110 = arith.constant 0.000000e+00 : f32
        %parallel_loop3A_111 = vector.broadcast %parallel_loop3A_110 : f32 to vector<16xf32>
        %parallel_loop3A_112 = arith.maximumf %parallel_loop3A_109, %parallel_loop3A_111 : vector<16xf32>
        %parallel_loop3A_113 = arith.index_cast %parallel_loop3A_100 : i32 to index
        %parallel_loop3A_114 = arith.constant 0 : index
        %parallel_loop3A_115 = tpu.vector_load %arg9[%parallel_loop3A_113, %parallel_loop3A_114] {strides = array<i32>} : memref<200x128xf32, #tpu.memory_space<vmem>>, vector<1x16xf32>,
        %parallel_loop3A_116 = vector.shape_cast %parallel_loop3A_115 : vector<1x16xf32> to vector<16xf32>
        %parallel_loop3A_117 = vector.shape_cast %parallel_loop3A_112 : vector<16xf32> to vector<1x16xf32>
        tpu.vector_store %arg9[%parallel_loop3A_113, %parallel_loop3A_114], %parallel_loop3A_117 {strides = array<i32>} : memref<200x128xf32, #tpu.memory_space<vmem>>, vector<1x16xf32>,
        %parallel_loop3A_118 = arith.index_cast %parallel_loop3A_100 : i32 to index
        %parallel_loop3A_119 = arith.constant 16 : index
        %parallel_loop3A_120 = tpu.vector_load %arg7[%parallel_loop3A_118, %parallel_loop3A_119] {strides = array<i32>} : memref<200x128xf32, #tpu.memory_space<vmem>>, vector<1x16xf32>,
        %parallel_loop3A_121 = vector.shape_cast %parallel_loop3A_120 : vector<1x16xf32> to vector<16xf32>
        %parallel_loop3A_122 = arith.index_cast %parallel_loop3A_96 : i32 to index
        %parallel_loop3A_123 = arith.constant 16 : index
        %parallel_loop3A_124 = tpu.vector_load %arg11[%parallel_loop3A_122, %parallel_loop3A_123] {strides = array<i32>} : memref<60x128xf32, #tpu.memory_space<vmem>>, vector<1x16xf32>,
        %parallel_loop3A_125 = vector.shape_cast %parallel_loop3A_124 : vector<1x16xf32> to vector<16xf32>
        %parallel_loop3A_126 = arith.addf %parallel_loop3A_121, %parallel_loop3A_125 : vector<16xf32>
        %parallel_loop3A_127 = arith.constant 0.000000e+00 : f32
        %parallel_loop3A_128 = vector.broadcast %parallel_loop3A_127 : f32 to vector<16xf32>
        %parallel_loop3A_129 = arith.maximumf %parallel_loop3A_126, %parallel_loop3A_128 : vector<16xf32>
        %parallel_loop3A_130 = arith.index_cast %parallel_loop3A_100 : i32 to index
        %parallel_loop3A_131 = arith.constant 16 : index
        %parallel_loop3A_132 = tpu.vector_load %arg9[%parallel_loop3A_130, %parallel_loop3A_131] {strides = array<i32>} : memref<200x128xf32, #tpu.memory_space<vmem>>, vector<1x16xf32>,
        %parallel_loop3A_133 = vector.shape_cast %parallel_loop3A_132 : vector<1x16xf32> to vector<16xf32>
        %parallel_loop3A_134 = vector.shape_cast %parallel_loop3A_129 : vector<16xf32> to vector<1x16xf32>
        tpu.vector_store %arg9[%parallel_loop3A_130, %parallel_loop3A_131], %parallel_loop3A_134 {strides = array<i32>} : memref<200x128xf32, #tpu.memory_space<vmem>>, vector<1x16xf32>,
        %parallel_loop3A_135 = arith.index_cast %parallel_loop3A_100 : i32 to index
        %parallel_loop3A_136 = arith.constant 32 : index
        %parallel_loop3A_137 = tpu.vector_load %arg7[%parallel_loop3A_135, %parallel_loop3A_136] {strides = array<i32>} : memref<200x128xf32, #tpu.memory_space<vmem>>, vector<1x16xf32>,
        %parallel_loop3A_138 = vector.shape_cast %parallel_loop3A_137 : vector<1x16xf32> to vector<16xf32>
        %parallel_loop3A_139 = arith.index_cast %parallel_loop3A_96 : i32 to index
        %parallel_loop3A_140 = arith.constant 32 : index
        %parallel_loop3A_141 = tpu.vector_load %arg11[%parallel_loop3A_139, %parallel_loop3A_140] {strides = array<i32>} : memref<60x128xf32, #tpu.memory_space<vmem>>, vector<1x16xf32>,
        %parallel_loop3A_142 = vector.shape_cast %parallel_loop3A_141 : vector<1x16xf32> to vector<16xf32>
        %parallel_loop3A_143 = arith.addf %parallel_loop3A_138, %parallel_loop3A_142 : vector<16xf32>
        %parallel_loop3A_144 = arith.constant 0.000000e+00 : f32
        %parallel_loop3A_145 = vector.broadcast %parallel_loop3A_144 : f32 to vector<16xf32>
        %parallel_loop3A_146 = arith.maximumf %parallel_loop3A_143, %parallel_loop3A_145 : vector<16xf32>
        %parallel_loop3A_147 = arith.index_cast %parallel_loop3A_100 : i32 to index
        %parallel_loop3A_148 = arith.constant 32 : index
        %parallel_loop3A_149 = tpu.vector_load %arg9[%parallel_loop3A_147, %parallel_loop3A_148] {strides = array<i32>} : memref<200x128xf32, #tpu.memory_space<vmem>>, vector<1x16xf32>,
        %parallel_loop3A_150 = vector.shape_cast %parallel_loop3A_149 : vector<1x16xf32> to vector<16xf32>
        %parallel_loop3A_151 = vector.shape_cast %parallel_loop3A_146 : vector<16xf32> to vector<1x16xf32>
        tpu.vector_store %arg9[%parallel_loop3A_147, %parallel_loop3A_148], %parallel_loop3A_151 {strides = array<i32>} : memref<200x128xf32, #tpu.memory_space<vmem>>, vector<1x16xf32>,
        %parallel_loop3A_152 = arith.index_cast %parallel_loop3A_100 : i32 to index
        %parallel_loop3A_153 = arith.constant 48 : index
        %parallel_loop3A_154 = tpu.vector_load %arg7[%parallel_loop3A_152, %parallel_loop3A_153] {strides = array<i32>} : memref<200x128xf32, #tpu.memory_space<vmem>>, vector<1x16xf32>,
        %parallel_loop3A_155 = vector.shape_cast %parallel_loop3A_154 : vector<1x16xf32> to vector<16xf32>
        %parallel_loop3A_156 = arith.index_cast %parallel_loop3A_96 : i32 to index
        %parallel_loop3A_157 = arith.constant 48 : index
        %parallel_loop3A_158 = tpu.vector_load %arg11[%parallel_loop3A_156, %parallel_loop3A_157] {strides = array<i32>} : memref<60x128xf32, #tpu.memory_space<vmem>>, vector<1x16xf32>,
        %parallel_loop3A_159 = vector.shape_cast %parallel_loop3A_158 : vector<1x16xf32> to vector<16xf32>
        %parallel_loop3A_160 = arith.addf %parallel_loop3A_155, %parallel_loop3A_159 : vector<16xf32>
        %parallel_loop3A_161 = arith.constant 0.000000e+00 : f32
        %parallel_loop3A_162 = vector.broadcast %parallel_loop3A_161 : f32 to vector<16xf32>
        %parallel_loop3A_163 = arith.maximumf %parallel_loop3A_160, %parallel_loop3A_162 : vector<16xf32>
        %parallel_loop3A_164 = arith.index_cast %parallel_loop3A_100 : i32 to index
        %parallel_loop3A_165 = arith.constant 48 : index
        %parallel_loop3A_166 = tpu.vector_load %arg9[%parallel_loop3A_164, %parallel_loop3A_165] {strides = array<i32>} : memref<200x128xf32, #tpu.memory_space<vmem>>, vector<1x16xf32>,
        %parallel_loop3A_167 = vector.shape_cast %parallel_loop3A_166 : vector<1x16xf32> to vector<16xf32>
        %parallel_loop3A_168 = vector.shape_cast %parallel_loop3A_163 : vector<16xf32> to vector<1x16xf32>
        tpu.vector_store %arg9[%parallel_loop3A_164, %parallel_loop3A_165], %parallel_loop3A_168 {strides = array<i32>} : memref<200x128xf32, #tpu.memory_space<vmem>>, vector<1x16xf32>,
        %parallel_loop3A_169 = arith.index_cast %parallel_loop3A_100 : i32 to index
        %parallel_loop3A_170 = arith.constant 64 : index
        %parallel_loop3A_171 = tpu.vector_load %arg7[%parallel_loop3A_169, %parallel_loop3A_170] {strides = array<i32>} : memref<200x128xf32, #tpu.memory_space<vmem>>, vector<1x16xf32>,
        %parallel_loop3A_172 = vector.shape_cast %parallel_loop3A_171 : vector<1x16xf32> to vector<16xf32>
        %parallel_loop3A_173 = arith.index_cast %parallel_loop3A_96 : i32 to index
        %parallel_loop3A_174 = arith.constant 64 : index
        %parallel_loop3A_175 = tpu.vector_load %arg11[%parallel_loop3A_173, %parallel_loop3A_174] {strides = array<i32>} : memref<60x128xf32, #tpu.memory_space<vmem>>, vector<1x16xf32>,
        %parallel_loop3A_176 = vector.shape_cast %parallel_loop3A_175 : vector<1x16xf32> to vector<16xf32>
        %parallel_loop3A_177 = arith.addf %parallel_loop3A_172, %parallel_loop3A_176 : vector<16xf32>
        %parallel_loop3A_178 = arith.constant 0.000000e+00 : f32
        %parallel_loop3A_179 = vector.broadcast %parallel_loop3A_178 : f32 to vector<16xf32>
        %parallel_loop3A_180 = arith.maximumf %parallel_loop3A_177, %parallel_loop3A_179 : vector<16xf32>
        %parallel_loop3A_181 = arith.index_cast %parallel_loop3A_100 : i32 to index
        %parallel_loop3A_182 = arith.constant 64 : index
        %parallel_loop3A_183 = tpu.vector_load %arg9[%parallel_loop3A_181, %parallel_loop3A_182] {strides = array<i32>} : memref<200x128xf32, #tpu.memory_space<vmem>>, vector<1x16xf32>,
        %parallel_loop3A_184 = vector.shape_cast %parallel_loop3A_183 : vector<1x16xf32> to vector<16xf32>
        %parallel_loop3A_185 = vector.shape_cast %parallel_loop3A_180 : vector<16xf32> to vector<1x16xf32>
        tpu.vector_store %arg9[%parallel_loop3A_181, %parallel_loop3A_182], %parallel_loop3A_185 {strides = array<i32>} : memref<200x128xf32, #tpu.memory_space<vmem>>, vector<1x16xf32>,
        %parallel_loop3A_186 = arith.index_cast %parallel_loop3A_100 : i32 to index
        %parallel_loop3A_187 = arith.constant 80 : index
        %parallel_loop3A_188 = tpu.vector_load %arg7[%parallel_loop3A_186, %parallel_loop3A_187] {strides = array<i32>} : memref<200x128xf32, #tpu.memory_space<vmem>>, vector<1x16xf32>,
        %parallel_loop3A_189 = vector.shape_cast %parallel_loop3A_188 : vector<1x16xf32> to vector<16xf32>
        %parallel_loop3A_190 = arith.index_cast %parallel_loop3A_96 : i32 to index
        %parallel_loop3A_191 = arith.constant 80 : index
        %parallel_loop3A_192 = tpu.vector_load %arg11[%parallel_loop3A_190, %parallel_loop3A_191] {strides = array<i32>} : memref<60x128xf32, #tpu.memory_space<vmem>>, vector<1x16xf32>,
        %parallel_loop3A_193 = vector.shape_cast %parallel_loop3A_192 : vector<1x16xf32> to vector<16xf32>
        %parallel_loop3A_194 = arith.addf %parallel_loop3A_189, %parallel_loop3A_193 : vector<16xf32>
        %parallel_loop3A_195 = arith.constant 0.000000e+00 : f32
        %parallel_loop3A_196 = vector.broadcast %parallel_loop3A_195 : f32 to vector<16xf32>
        %parallel_loop3A_197 = arith.maximumf %parallel_loop3A_194, %parallel_loop3A_196 : vector<16xf32>
        %parallel_loop3A_198 = arith.index_cast %parallel_loop3A_100 : i32 to index
        %parallel_loop3A_199 = arith.constant 80 : index
        %parallel_loop3A_200 = tpu.vector_load %arg9[%parallel_loop3A_198, %parallel_loop3A_199] {strides = array<i32>} : memref<200x128xf32, #tpu.memory_space<vmem>>, vector<1x16xf32>,
        %parallel_loop3A_201 = vector.shape_cast %parallel_loop3A_200 : vector<1x16xf32> to vector<16xf32>
        %parallel_loop3A_202 = vector.shape_cast %parallel_loop3A_197 : vector<16xf32> to vector<1x16xf32>
        tpu.vector_store %arg9[%parallel_loop3A_198, %parallel_loop3A_199], %parallel_loop3A_202 {strides = array<i32>} : memref<200x128xf32, #tpu.memory_space<vmem>>, vector<1x16xf32>,
        %parallel_loop3A_203 = arith.index_cast %parallel_loop3A_100 : i32 to index
        %parallel_loop3A_204 = arith.constant 96 : index
        %parallel_loop3A_205 = tpu.vector_load %arg7[%parallel_loop3A_203, %parallel_loop3A_204] {strides = array<i32>} : memref<200x128xf32, #tpu.memory_space<vmem>>, vector<1x16xf32>,
        %parallel_loop3A_206 = vector.shape_cast %parallel_loop3A_205 : vector<1x16xf32> to vector<16xf32>
        %parallel_loop3A_207 = arith.index_cast %parallel_loop3A_96 : i32 to index
        %parallel_loop3A_208 = arith.constant 96 : index
        %parallel_loop3A_209 = tpu.vector_load %arg11[%parallel_loop3A_207, %parallel_loop3A_208] {strides = array<i32>} : memref<60x128xf32, #tpu.memory_space<vmem>>, vector<1x16xf32>,
        %parallel_loop3A_210 = vector.shape_cast %parallel_loop3A_209 : vector<1x16xf32> to vector<16xf32>
        %parallel_loop3A_211 = arith.addf %parallel_loop3A_206, %parallel_loop3A_210 : vector<16xf32>
        %parallel_loop3A_212 = arith.constant 0.000000e+00 : f32
        %parallel_loop3A_213 = vector.broadcast %parallel_loop3A_212 : f32 to vector<16xf32>
        %parallel_loop3A_214 = arith.maximumf %parallel_loop3A_211, %parallel_loop3A_213 : vector<16xf32>
        %parallel_loop3A_215 = arith.index_cast %parallel_loop3A_100 : i32 to index
        %parallel_loop3A_216 = arith.constant 96 : index
        %parallel_loop3A_217 = tpu.vector_load %arg9[%parallel_loop3A_215, %parallel_loop3A_216] {strides = array<i32>} : memref<200x128xf32, #tpu.memory_space<vmem>>, vector<1x16xf32>,
        %parallel_loop3A_218 = vector.shape_cast %parallel_loop3A_217 : vector<1x16xf32> to vector<16xf32>
        %parallel_loop3A_219 = vector.shape_cast %parallel_loop3A_214 : vector<16xf32> to vector<1x16xf32>
        tpu.vector_store %arg9[%parallel_loop3A_215, %parallel_loop3A_216], %parallel_loop3A_219 {strides = array<i32>} : memref<200x128xf32, #tpu.memory_space<vmem>>, vector<1x16xf32>,
        %parallel_loop3A_220 = arith.index_cast %parallel_loop3A_100 : i32 to index
        %parallel_loop3A_221 = arith.constant 112 : index
        %parallel_loop3A_222 = tpu.vector_load %arg7[%parallel_loop3A_220, %parallel_loop3A_221] {strides = array<i32>} : memref<200x128xf32, #tpu.memory_space<vmem>>, vector<1x16xf32>,
        %parallel_loop3A_223 = vector.shape_cast %parallel_loop3A_222 : vector<1x16xf32> to vector<16xf32>
        %parallel_loop3A_224 = arith.index_cast %parallel_loop3A_96 : i32 to index
        %parallel_loop3A_225 = arith.constant 112 : index
        %parallel_loop3A_226 = tpu.vector_load %arg11[%parallel_loop3A_224, %parallel_loop3A_225] {strides = array<i32>} : memref<60x128xf32, #tpu.memory_space<vmem>>, vector<1x16xf32>,
        %parallel_loop3A_227 = vector.shape_cast %parallel_loop3A_226 : vector<1x16xf32> to vector<16xf32>
        %parallel_loop3A_228 = arith.addf %parallel_loop3A_223, %parallel_loop3A_227 : vector<16xf32>
        %parallel_loop3A_229 = arith.constant 0.000000e+00 : f32
        %parallel_loop3A_230 = vector.broadcast %parallel_loop3A_229 : f32 to vector<16xf32>
        %parallel_loop3A_231 = arith.maximumf %parallel_loop3A_228, %parallel_loop3A_230 : vector<16xf32>
        %parallel_loop3A_232 = arith.index_cast %parallel_loop3A_100 : i32 to index
        %parallel_loop3A_233 = arith.constant 112 : index
        %parallel_loop3A_234 = tpu.vector_load %arg9[%parallel_loop3A_232, %parallel_loop3A_233] {strides = array<i32>} : memref<200x128xf32, #tpu.memory_space<vmem>>, vector<1x16xf32>,
        %parallel_loop3A_235 = vector.shape_cast %parallel_loop3A_234 : vector<1x16xf32> to vector<16xf32>
        %parallel_loop3A_236 = vector.shape_cast %parallel_loop3A_231 : vector<16xf32> to vector<1x16xf32>
        tpu.vector_store %arg9[%parallel_loop3A_232, %parallel_loop3A_233], %parallel_loop3A_236 {strides = array<i32>} : memref<200x128xf32, #tpu.memory_space<vmem>>, vector<1x16xf32>,
        %parallel_loop3A_237 = vector.extract_strided_slice %parallel_loop3A_94 {offsets = [1], sizes = [1], strides = [1]} : vector<16xi32> to vector<1xi32>
        %parallel_loop3A_238 = vector.extract %parallel_loop3A_237[0] : i32 from vector<1xi32>
        %parallel_loop3A_239 = arith.constant 8 : i32
        %parallel_loop3A_240 = arith.muli %parallel_loop3A_88, %parallel_loop3A_239 : i32
        %parallel_loop3A_241 = arith.constant 1 : i32
        %parallel_loop3A_242 = arith.addi %parallel_loop3A_240, %parallel_loop3A_241 : i32
        %parallel_loop3A_243 = arith.index_cast %parallel_loop3A_242 : i32 to index
        %parallel_loop3A_244 = arith.constant 0 : index
        %parallel_loop3A_245 = tpu.vector_load %arg7[%parallel_loop3A_243, %parallel_loop3A_244] {strides = array<i32>} : memref<200x128xf32, #tpu.memory_space<vmem>>, vector<1x16xf32>,
        %parallel_loop3A_246 = vector.shape_cast %parallel_loop3A_245 : vector<1x16xf32> to vector<16xf32>
        %parallel_loop3A_247 = arith.index_cast %parallel_loop3A_238 : i32 to index
        %parallel_loop3A_248 = arith.constant 0 : index
        %parallel_loop3A_249 = tpu.vector_load %arg11[%parallel_loop3A_247, %parallel_loop3A_248] {strides = array<i32>} : memref<60x128xf32, #tpu.memory_space<vmem>>, vector<1x16xf32>,
        %parallel_loop3A_250 = vector.shape_cast %parallel_loop3A_249 : vector<1x16xf32> to vector<16xf32>
        %parallel_loop3A_251 = arith.addf %parallel_loop3A_246, %parallel_loop3A_250 : vector<16xf32>
        %parallel_loop3A_252 = arith.constant 0.000000e+00 : f32
        %parallel_loop3A_253 = vector.broadcast %parallel_loop3A_252 : f32 to vector<16xf32>
        %parallel_loop3A_254 = arith.maximumf %parallel_loop3A_251, %parallel_loop3A_253 : vector<16xf32>
        %parallel_loop3A_255 = arith.index_cast %parallel_loop3A_242 : i32 to index
        %parallel_loop3A_256 = arith.constant 0 : index
        %parallel_loop3A_257 = tpu.vector_load %arg9[%parallel_loop3A_255, %parallel_loop3A_256] {strides = array<i32>} : memref<200x128xf32, #tpu.memory_space<vmem>>, vector<1x16xf32>,
        %parallel_loop3A_258 = vector.shape_cast %parallel_loop3A_257 : vector<1x16xf32> to vector<16xf32>
        %parallel_loop3A_259 = vector.shape_cast %parallel_loop3A_254 : vector<16xf32> to vector<1x16xf32>
        tpu.vector_store %arg9[%parallel_loop3A_255, %parallel_loop3A_256], %parallel_loop3A_259 {strides = array<i32>} : memref<200x128xf32, #tpu.memory_space<vmem>>, vector<1x16xf32>,
        %parallel_loop3A_260 = arith.index_cast %parallel_loop3A_242 : i32 to index
        %parallel_loop3A_261 = arith.constant 16 : index
        %parallel_loop3A_262 = tpu.vector_load %arg7[%parallel_loop3A_260, %parallel_loop3A_261] {strides = array<i32>} : memref<200x128xf32, #tpu.memory_space<vmem>>, vector<1x16xf32>,
        %parallel_loop3A_263 = vector.shape_cast %parallel_loop3A_262 : vector<1x16xf32> to vector<16xf32>
        %parallel_loop3A_264 = arith.index_cast %parallel_loop3A_238 : i32 to index
        %parallel_loop3A_265 = arith.constant 16 : index
        %parallel_loop3A_266 = tpu.vector_load %arg11[%parallel_loop3A_264, %parallel_loop3A_265] {strides = array<i32>} : memref<60x128xf32, #tpu.memory_space<vmem>>, vector<1x16xf32>,
        %parallel_loop3A_267 = vector.shape_cast %parallel_loop3A_266 : vector<1x16xf32> to vector<16xf32>
        %parallel_loop3A_268 = arith.addf %parallel_loop3A_263, %parallel_loop3A_267 : vector<16xf32>
        %parallel_loop3A_269 = arith.constant 0.000000e+00 : f32
        %parallel_loop3A_270 = vector.broadcast %parallel_loop3A_269 : f32 to vector<16xf32>
        %parallel_loop3A_271 = arith.maximumf %parallel_loop3A_268, %parallel_loop3A_270 : vector<16xf32>
        %parallel_loop3A_272 = arith.index_cast %parallel_loop3A_242 : i32 to index
        %parallel_loop3A_273 = arith.constant 16 : index
        %parallel_loop3A_274 = tpu.vector_load %arg9[%parallel_loop3A_272, %parallel_loop3A_273] {strides = array<i32>} : memref<200x128xf32, #tpu.memory_space<vmem>>, vector<1x16xf32>,
        %parallel_loop3A_275 = vector.shape_cast %parallel_loop3A_274 : vector<1x16xf32> to vector<16xf32>
        %parallel_loop3A_276 = vector.shape_cast %parallel_loop3A_271 : vector<16xf32> to vector<1x16xf32>
        tpu.vector_store %arg9[%parallel_loop3A_272, %parallel_loop3A_273], %parallel_loop3A_276 {strides = array<i32>} : memref<200x128xf32, #tpu.memory_space<vmem>>, vector<1x16xf32>,
        %parallel_loop3A_277 = arith.index_cast %parallel_loop3A_242 : i32 to index
        %parallel_loop3A_278 = arith.constant 32 : index
        %parallel_loop3A_279 = tpu.vector_load %arg7[%parallel_loop3A_277, %parallel_loop3A_278] {strides = array<i32>} : memref<200x128xf32, #tpu.memory_space<vmem>>, vector<1x16xf32>,
        %parallel_loop3A_280 = vector.shape_cast %parallel_loop3A_279 : vector<1x16xf32> to vector<16xf32>
        %parallel_loop3A_281 = arith.index_cast %parallel_loop3A_238 : i32 to index
        %parallel_loop3A_282 = arith.constant 32 : index
        %parallel_loop3A_283 = tpu.vector_load %arg11[%parallel_loop3A_281, %parallel_loop3A_282] {strides = array<i32>} : memref<60x128xf32, #tpu.memory_space<vmem>>, vector<1x16xf32>,
        %parallel_loop3A_284 = vector.shape_cast %parallel_loop3A_283 : vector<1x16xf32> to vector<16xf32>
        %parallel_loop3A_285 = arith.addf %parallel_loop3A_280, %parallel_loop3A_284 : vector<16xf32>
        %parallel_loop3A_286 = arith.constant 0.000000e+00 : f32
        %parallel_loop3A_287 = vector.broadcast %parallel_loop3A_286 : f32 to vector<16xf32>
        %parallel_loop3A_288 = arith.maximumf %parallel_loop3A_285, %parallel_loop3A_287 : vector<16xf32>
        %parallel_loop3A_289 = arith.index_cast %parallel_loop3A_242 : i32 to index
        %parallel_loop3A_290 = arith.constant 32 : index
        %parallel_loop3A_291 = tpu.vector_load %arg9[%parallel_loop3A_289, %parallel_loop3A_290] {strides = array<i32>} : memref<200x128xf32, #tpu.memory_space<vmem>>, vector<1x16xf32>,
        %parallel_loop3A_292 = vector.shape_cast %parallel_loop3A_291 : vector<1x16xf32> to vector<16xf32>
        %parallel_loop3A_293 = vector.shape_cast %parallel_loop3A_288 : vector<16xf32> to vector<1x16xf32>
        tpu.vector_store %arg9[%parallel_loop3A_289, %parallel_loop3A_290], %parallel_loop3A_293 {strides = array<i32>} : memref<200x128xf32, #tpu.memory_space<vmem>>, vector<1x16xf32>,
        %parallel_loop3A_294 = arith.index_cast %parallel_loop3A_242 : i32 to index
        %parallel_loop3A_295 = arith.constant 48 : index
        %parallel_loop3A_296 = tpu.vector_load %arg7[%parallel_loop3A_294, %parallel_loop3A_295] {strides = array<i32>} : memref<200x128xf32, #tpu.memory_space<vmem>>, vector<1x16xf32>,
        %parallel_loop3A_297 = vector.shape_cast %parallel_loop3A_296 : vector<1x16xf32> to vector<16xf32>
        %parallel_loop3A_298 = arith.index_cast %parallel_loop3A_238 : i32 to index
        %parallel_loop3A_299 = arith.constant 48 : index
        %parallel_loop3A_300 = tpu.vector_load %arg11[%parallel_loop3A_298, %parallel_loop3A_299] {strides = array<i32>} : memref<60x128xf32, #tpu.memory_space<vmem>>, vector<1x16xf32>,
        %parallel_loop3A_301 = vector.shape_cast %parallel_loop3A_300 : vector<1x16xf32> to vector<16xf32>
        %parallel_loop3A_302 = arith.addf %parallel_loop3A_297, %parallel_loop3A_301 : vector<16xf32>
        %parallel_loop3A_303 = arith.constant 0.000000e+00 : f32
        %parallel_loop3A_304 = vector.broadcast %parallel_loop3A_303 : f32 to vector<16xf32>
        %parallel_loop3A_305 = arith.maximumf %parallel_loop3A_302, %parallel_loop3A_304 : vector<16xf32>
        %parallel_loop3A_306 = arith.index_cast %parallel_loop3A_242 : i32 to index
        %parallel_loop3A_307 = arith.constant 48 : index
        %parallel_loop3A_308 = tpu.vector_load %arg9[%parallel_loop3A_306, %parallel_loop3A_307] {strides = array<i32>} : memref<200x128xf32, #tpu.memory_space<vmem>>, vector<1x16xf32>,
        %parallel_loop3A_309 = vector.shape_cast %parallel_loop3A_308 : vector<1x16xf32> to vector<16xf32>
        %parallel_loop3A_310 = vector.shape_cast %parallel_loop3A_305 : vector<16xf32> to vector<1x16xf32>
        tpu.vector_store %arg9[%parallel_loop3A_306, %parallel_loop3A_307], %parallel_loop3A_310 {strides = array<i32>} : memref<200x128xf32, #tpu.memory_space<vmem>>, vector<1x16xf32>,
        %parallel_loop3A_311 = arith.index_cast %parallel_loop3A_242 : i32 to index
        %parallel_loop3A_312 = arith.constant 64 : index
        %parallel_loop3A_313 = tpu.vector_load %arg7[%parallel_loop3A_311, %parallel_loop3A_312] {strides = array<i32>} : memref<200x128xf32, #tpu.memory_space<vmem>>, vector<1x16xf32>,
        %parallel_loop3A_314 = vector.shape_cast %parallel_loop3A_313 : vector<1x16xf32> to vector<16xf32>
        %parallel_loop3A_315 = arith.index_cast %parallel_loop3A_238 : i32 to index
        %parallel_loop3A_316 = arith.constant 64 : index
        %parallel_loop3A_317 = tpu.vector_load %arg11[%parallel_loop3A_315, %parallel_loop3A_316] {strides = array<i32>} : memref<60x128xf32, #tpu.memory_space<vmem>>, vector<1x16xf32>,
        %parallel_loop3A_318 = vector.shape_cast %parallel_loop3A_317 : vector<1x16xf32> to vector<16xf32>
        %parallel_loop3A_319 = arith.addf %parallel_loop3A_314, %parallel_loop3A_318 : vector<16xf32>
        %parallel_loop3A_320 = arith.constant 0.000000e+00 : f32
        %parallel_loop3A_321 = vector.broadcast %parallel_loop3A_320 : f32 to vector<16xf32>
        %parallel_loop3A_322 = arith.maximumf %parallel_loop3A_319, %parallel_loop3A_321 : vector<16xf32>
        %parallel_loop3A_323 = arith.index_cast %parallel_loop3A_242 : i32 to index
        %parallel_loop3A_324 = arith.constant 64 : index
        %parallel_loop3A_325 = tpu.vector_load %arg9[%parallel_loop3A_323, %parallel_loop3A_324] {strides = array<i32>} : memref<200x128xf32, #tpu.memory_space<vmem>>, vector<1x16xf32>,
        %parallel_loop3A_326 = vector.shape_cast %parallel_loop3A_325 : vector<1x16xf32> to vector<16xf32>
        %parallel_loop3A_327 = vector.shape_cast %parallel_loop3A_322 : vector<16xf32> to vector<1x16xf32>
        tpu.vector_store %arg9[%parallel_loop3A_323, %parallel_loop3A_324], %parallel_loop3A_327 {strides = array<i32>} : memref<200x128xf32, #tpu.memory_space<vmem>>, vector<1x16xf32>,
        %parallel_loop3A_328 = arith.index_cast %parallel_loop3A_242 : i32 to index
        %parallel_loop3A_329 = arith.constant 80 : index
        %parallel_loop3A_330 = tpu.vector_load %arg7[%parallel_loop3A_328, %parallel_loop3A_329] {strides = array<i32>} : memref<200x128xf32, #tpu.memory_space<vmem>>, vector<1x16xf32>,
        %parallel_loop3A_331 = vector.shape_cast %parallel_loop3A_330 : vector<1x16xf32> to vector<16xf32>
        %parallel_loop3A_332 = arith.index_cast %parallel_loop3A_238 : i32 to index
        %parallel_loop3A_333 = arith.constant 80 : index
        %parallel_loop3A_334 = tpu.vector_load %arg11[%parallel_loop3A_332, %parallel_loop3A_333] {strides = array<i32>} : memref<60x128xf32, #tpu.memory_space<vmem>>, vector<1x16xf32>,
        %parallel_loop3A_335 = vector.shape_cast %parallel_loop3A_334 : vector<1x16xf32> to vector<16xf32>
        %parallel_loop3A_336 = arith.addf %parallel_loop3A_331, %parallel_loop3A_335 : vector<16xf32>
        %parallel_loop3A_337 = arith.constant 0.000000e+00 : f32
        %parallel_loop3A_338 = vector.broadcast %parallel_loop3A_337 : f32 to vector<16xf32>
        %parallel_loop3A_339 = arith.maximumf %parallel_loop3A_336, %parallel_loop3A_338 : vector<16xf32>
        %parallel_loop3A_340 = arith.index_cast %parallel_loop3A_242 : i32 to index
        %parallel_loop3A_341 = arith.constant 80 : index
        %parallel_loop3A_342 = tpu.vector_load %arg9[%parallel_loop3A_340, %parallel_loop3A_341] {strides = array<i32>} : memref<200x128xf32, #tpu.memory_space<vmem>>, vector<1x16xf32>,
        %parallel_loop3A_343 = vector.shape_cast %parallel_loop3A_342 : vector<1x16xf32> to vector<16xf32>
        %parallel_loop3A_344 = vector.shape_cast %parallel_loop3A_339 : vector<16xf32> to vector<1x16xf32>
        tpu.vector_store %arg9[%parallel_loop3A_340, %parallel_loop3A_341], %parallel_loop3A_344 {strides = array<i32>} : memref<200x128xf32, #tpu.memory_space<vmem>>, vector<1x16xf32>,
        %parallel_loop3A_345 = arith.index_cast %parallel_loop3A_242 : i32 to index
        %parallel_loop3A_346 = arith.constant 96 : index
        %parallel_loop3A_347 = tpu.vector_load %arg7[%parallel_loop3A_345, %parallel_loop3A_346] {strides = array<i32>} : memref<200x128xf32, #tpu.memory_space<vmem>>, vector<1x16xf32>,
        %parallel_loop3A_348 = vector.shape_cast %parallel_loop3A_347 : vector<1x16xf32> to vector<16xf32>
        %parallel_loop3A_349 = arith.index_cast %parallel_loop3A_238 : i32 to index
        %parallel_loop3A_350 = arith.constant 96 : index
        %parallel_loop3A_351 = tpu.vector_load %arg11[%parallel_loop3A_349, %parallel_loop3A_350] {strides = array<i32>} : memref<60x128xf32, #tpu.memory_space<vmem>>, vector<1x16xf32>,
        %parallel_loop3A_352 = vector.shape_cast %parallel_loop3A_351 : vector<1x16xf32> to vector<16xf32>
        %parallel_loop3A_353 = arith.addf %parallel_loop3A_348, %parallel_loop3A_352 : vector<16xf32>
        %parallel_loop3A_354 = arith.constant 0.000000e+00 : f32
        %parallel_loop3A_355 = vector.broadcast %parallel_loop3A_354 : f32 to vector<16xf32>
        %parallel_loop3A_356 = arith.maximumf %parallel_loop3A_353, %parallel_loop3A_355 : vector<16xf32>
        %parallel_loop3A_357 = arith.index_cast %parallel_loop3A_242 : i32 to index
        %parallel_loop3A_358 = arith.constant 96 : index
        %parallel_loop3A_359 = tpu.vector_load %arg9[%parallel_loop3A_357, %parallel_loop3A_358] {strides = array<i32>} : memref<200x128xf32, #tpu.memory_space<vmem>>, vector<1x16xf32>,
        %parallel_loop3A_360 = vector.shape_cast %parallel_loop3A_359 : vector<1x16xf32> to vector<16xf32>
        %parallel_loop3A_361 = vector.shape_cast %parallel_loop3A_356 : vector<16xf32> to vector<1x16xf32>
        tpu.vector_store %arg9[%parallel_loop3A_357, %parallel_loop3A_358], %parallel_loop3A_361 {strides = array<i32>} : memref<200x128xf32, #tpu.memory_space<vmem>>, vector<1x16xf32>,
        %parallel_loop3A_362 = arith.index_cast %parallel_loop3A_242 : i32 to index
        %parallel_loop3A_363 = arith.constant 112 : index
        %parallel_loop3A_364 = tpu.vector_load %arg7[%parallel_loop3A_362, %parallel_loop3A_363] {strides = array<i32>} : memref<200x128xf32, #tpu.memory_space<vmem>>, vector<1x16xf32>,
        %parallel_loop3A_365 = vector.shape_cast %parallel_loop3A_364 : vector<1x16xf32> to vector<16xf32>
        %parallel_loop3A_366 = arith.index_cast %parallel_loop3A_238 : i32 to index
        %parallel_loop3A_367 = arith.constant 112 : index
        %parallel_loop3A_368 = tpu.vector_load %arg11[%parallel_loop3A_366, %parallel_loop3A_367] {strides = array<i32>} : memref<60x128xf32, #tpu.memory_space<vmem>>, vector<1x16xf32>,
        %parallel_loop3A_369 = vector.shape_cast %parallel_loop3A_368 : vector<1x16xf32> to vector<16xf32>
        %parallel_loop3A_370 = arith.addf %parallel_loop3A_365, %parallel_loop3A_369 : vector<16xf32>
        %parallel_loop3A_371 = arith.constant 0.000000e+00 : f32
        %parallel_loop3A_372 = vector.broadcast %parallel_loop3A_371 : f32 to vector<16xf32>
        %parallel_loop3A_373 = arith.maximumf %parallel_loop3A_370, %parallel_loop3A_372 : vector<16xf32>
        %parallel_loop3A_374 = arith.index_cast %parallel_loop3A_242 : i32 to index
        %parallel_loop3A_375 = arith.constant 112 : index
        %parallel_loop3A_376 = tpu.vector_load %arg9[%parallel_loop3A_374, %parallel_loop3A_375] {strides = array<i32>} : memref<200x128xf32, #tpu.memory_space<vmem>>, vector<1x16xf32>,
        %parallel_loop3A_377 = vector.shape_cast %parallel_loop3A_376 : vector<1x16xf32> to vector<16xf32>
        %parallel_loop3A_378 = vector.shape_cast %parallel_loop3A_373 : vector<16xf32> to vector<1x16xf32>
        tpu.vector_store %arg9[%parallel_loop3A_374, %parallel_loop3A_375], %parallel_loop3A_378 {strides = array<i32>} : memref<200x128xf32, #tpu.memory_space<vmem>>, vector<1x16xf32>,
        %parallel_loop3A_379 = vector.extract_strided_slice %parallel_loop3A_94 {offsets = [2], sizes = [1], strides = [1]} : vector<16xi32> to vector<1xi32>
        %parallel_loop3A_380 = vector.extract %parallel_loop3A_379[0] : i32 from vector<1xi32>
        %parallel_loop3A_381 = arith.constant 8 : i32
        %parallel_loop3A_382 = arith.muli %parallel_loop3A_88, %parallel_loop3A_381 : i32
        %parallel_loop3A_383 = arith.constant 2 : i32
        %parallel_loop3A_384 = arith.addi %parallel_loop3A_382, %parallel_loop3A_383 : i32
        %parallel_loop3A_385 = arith.index_cast %parallel_loop3A_384 : i32 to index
        %parallel_loop3A_386 = arith.constant 0 : index
        %parallel_loop3A_387 = tpu.vector_load %arg7[%parallel_loop3A_385, %parallel_loop3A_386] {strides = array<i32>} : memref<200x128xf32, #tpu.memory_space<vmem>>, vector<1x16xf32>,
        %parallel_loop3A_388 = vector.shape_cast %parallel_loop3A_387 : vector<1x16xf32> to vector<16xf32>
        %parallel_loop3A_389 = arith.index_cast %parallel_loop3A_380 : i32 to index
        %parallel_loop3A_390 = arith.constant 0 : index
        %parallel_loop3A_391 = tpu.vector_load %arg11[%parallel_loop3A_389, %parallel_loop3A_390] {strides = array<i32>} : memref<60x128xf32, #tpu.memory_space<vmem>>, vector<1x16xf32>,
        %parallel_loop3A_392 = vector.shape_cast %parallel_loop3A_391 : vector<1x16xf32> to vector<16xf32>
        %parallel_loop3A_393 = arith.addf %parallel_loop3A_388, %parallel_loop3A_392 : vector<16xf32>
        %parallel_loop3A_394 = arith.constant 0.000000e+00 : f32
        %parallel_loop3A_395 = vector.broadcast %parallel_loop3A_394 : f32 to vector<16xf32>
        %parallel_loop3A_396 = arith.maximumf %parallel_loop3A_393, %parallel_loop3A_395 : vector<16xf32>
        %parallel_loop3A_397 = arith.index_cast %parallel_loop3A_384 : i32 to index
        %parallel_loop3A_398 = arith.constant 0 : index
        %parallel_loop3A_399 = tpu.vector_load %arg9[%parallel_loop3A_397, %parallel_loop3A_398] {strides = array<i32>} : memref<200x128xf32, #tpu.memory_space<vmem>>, vector<1x16xf32>,
        %parallel_loop3A_400 = vector.shape_cast %parallel_loop3A_399 : vector<1x16xf32> to vector<16xf32>
        %parallel_loop3A_401 = vector.shape_cast %parallel_loop3A_396 : vector<16xf32> to vector<1x16xf32>
        tpu.vector_store %arg9[%parallel_loop3A_397, %parallel_loop3A_398], %parallel_loop3A_401 {strides = array<i32>} : memref<200x128xf32, #tpu.memory_space<vmem>>, vector<1x16xf32>,
        %parallel_loop3A_402 = arith.index_cast %parallel_loop3A_384 : i32 to index
        %parallel_loop3A_403 = arith.constant 16 : index
        %parallel_loop3A_404 = tpu.vector_load %arg7[%parallel_loop3A_402, %parallel_loop3A_403] {strides = array<i32>} : memref<200x128xf32, #tpu.memory_space<vmem>>, vector<1x16xf32>,
        %parallel_loop3A_405 = vector.shape_cast %parallel_loop3A_404 : vector<1x16xf32> to vector<16xf32>
        %parallel_loop3A_406 = arith.index_cast %parallel_loop3A_380 : i32 to index
        %parallel_loop3A_407 = arith.constant 16 : index
        %parallel_loop3A_408 = tpu.vector_load %arg11[%parallel_loop3A_406, %parallel_loop3A_407] {strides = array<i32>} : memref<60x128xf32, #tpu.memory_space<vmem>>, vector<1x16xf32>,
        %parallel_loop3A_409 = vector.shape_cast %parallel_loop3A_408 : vector<1x16xf32> to vector<16xf32>
        %parallel_loop3A_410 = arith.addf %parallel_loop3A_405, %parallel_loop3A_409 : vector<16xf32>
        %parallel_loop3A_411 = arith.constant 0.000000e+00 : f32
        %parallel_loop3A_412 = vector.broadcast %parallel_loop3A_411 : f32 to vector<16xf32>
        %parallel_loop3A_413 = arith.maximumf %parallel_loop3A_410, %parallel_loop3A_412 : vector<16xf32>
        %parallel_loop3A_414 = arith.index_cast %parallel_loop3A_384 : i32 to index
        %parallel_loop3A_415 = arith.constant 16 : index
        %parallel_loop3A_416 = tpu.vector_load %arg9[%parallel_loop3A_414, %parallel_loop3A_415] {strides = array<i32>} : memref<200x128xf32, #tpu.memory_space<vmem>>, vector<1x16xf32>,
        %parallel_loop3A_417 = vector.shape_cast %parallel_loop3A_416 : vector<1x16xf32> to vector<16xf32>
        %parallel_loop3A_418 = vector.shape_cast %parallel_loop3A_413 : vector<16xf32> to vector<1x16xf32>
        tpu.vector_store %arg9[%parallel_loop3A_414, %parallel_loop3A_415], %parallel_loop3A_418 {strides = array<i32>} : memref<200x128xf32, #tpu.memory_space<vmem>>, vector<1x16xf32>,
        %parallel_loop3A_419 = arith.index_cast %parallel_loop3A_384 : i32 to index
        %parallel_loop3A_420 = arith.constant 32 : index
        %parallel_loop3A_421 = tpu.vector_load %arg7[%parallel_loop3A_419, %parallel_loop3A_420] {strides = array<i32>} : memref<200x128xf32, #tpu.memory_space<vmem>>, vector<1x16xf32>,
        %parallel_loop3A_422 = vector.shape_cast %parallel_loop3A_421 : vector<1x16xf32> to vector<16xf32>
        %parallel_loop3A_423 = arith.index_cast %parallel_loop3A_380 : i32 to index
        %parallel_loop3A_424 = arith.constant 32 : index
        %parallel_loop3A_425 = tpu.vector_load %arg11[%parallel_loop3A_423, %parallel_loop3A_424] {strides = array<i32>} : memref<60x128xf32, #tpu.memory_space<vmem>>, vector<1x16xf32>,
        %parallel_loop3A_426 = vector.shape_cast %parallel_loop3A_425 : vector<1x16xf32> to vector<16xf32>
        %parallel_loop3A_427 = arith.addf %parallel_loop3A_422, %parallel_loop3A_426 : vector<16xf32>
        %parallel_loop3A_428 = arith.constant 0.000000e+00 : f32
        %parallel_loop3A_429 = vector.broadcast %parallel_loop3A_428 : f32 to vector<16xf32>
        %parallel_loop3A_430 = arith.maximumf %parallel_loop3A_427, %parallel_loop3A_429 : vector<16xf32>
        %parallel_loop3A_431 = arith.index_cast %parallel_loop3A_384 : i32 to index
        %parallel_loop3A_432 = arith.constant 32 : index
        %parallel_loop3A_433 = tpu.vector_load %arg9[%parallel_loop3A_431, %parallel_loop3A_432] {strides = array<i32>} : memref<200x128xf32, #tpu.memory_space<vmem>>, vector<1x16xf32>,
        %parallel_loop3A_434 = vector.shape_cast %parallel_loop3A_433 : vector<1x16xf32> to vector<16xf32>
        %parallel_loop3A_435 = vector.shape_cast %parallel_loop3A_430 : vector<16xf32> to vector<1x16xf32>
        tpu.vector_store %arg9[%parallel_loop3A_431, %parallel_loop3A_432], %parallel_loop3A_435 {strides = array<i32>} : memref<200x128xf32, #tpu.memory_space<vmem>>, vector<1x16xf32>,
        %parallel_loop3A_436 = arith.index_cast %parallel_loop3A_384 : i32 to index
        %parallel_loop3A_437 = arith.constant 48 : index
        %parallel_loop3A_438 = tpu.vector_load %arg7[%parallel_loop3A_436, %parallel_loop3A_437] {strides = array<i32>} : memref<200x128xf32, #tpu.memory_space<vmem>>, vector<1x16xf32>,
        %parallel_loop3A_439 = vector.shape_cast %parallel_loop3A_438 : vector<1x16xf32> to vector<16xf32>
        %parallel_loop3A_440 = arith.index_cast %parallel_loop3A_380 : i32 to index
        %parallel_loop3A_441 = arith.constant 48 : index
        %parallel_loop3A_442 = tpu.vector_load %arg11[%parallel_loop3A_440, %parallel_loop3A_441] {strides = array<i32>} : memref<60x128xf32, #tpu.memory_space<vmem>>, vector<1x16xf32>,
        %parallel_loop3A_443 = vector.shape_cast %parallel_loop3A_442 : vector<1x16xf32> to vector<16xf32>
        %parallel_loop3A_444 = arith.addf %parallel_loop3A_439, %parallel_loop3A_443 : vector<16xf32>
        %parallel_loop3A_445 = arith.constant 0.000000e+00 : f32
        %parallel_loop3A_446 = vector.broadcast %parallel_loop3A_445 : f32 to vector<16xf32>
        %parallel_loop3A_447 = arith.maximumf %parallel_loop3A_444, %parallel_loop3A_446 : vector<16xf32>
        %parallel_loop3A_448 = arith.index_cast %parallel_loop3A_384 : i32 to index
        %parallel_loop3A_449 = arith.constant 48 : index
        %parallel_loop3A_450 = tpu.vector_load %arg9[%parallel_loop3A_448, %parallel_loop3A_449] {strides = array<i32>} : memref<200x128xf32, #tpu.memory_space<vmem>>, vector<1x16xf32>,
        %parallel_loop3A_451 = vector.shape_cast %parallel_loop3A_450 : vector<1x16xf32> to vector<16xf32>
        %parallel_loop3A_452 = vector.shape_cast %parallel_loop3A_447 : vector<16xf32> to vector<1x16xf32>
        tpu.vector_store %arg9[%parallel_loop3A_448, %parallel_loop3A_449], %parallel_loop3A_452 {strides = array<i32>} : memref<200x128xf32, #tpu.memory_space<vmem>>, vector<1x16xf32>,
        %parallel_loop3A_453 = arith.index_cast %parallel_loop3A_384 : i32 to index
        %parallel_loop3A_454 = arith.constant 64 : index
        %parallel_loop3A_455 = tpu.vector_load %arg7[%parallel_loop3A_453, %parallel_loop3A_454] {strides = array<i32>} : memref<200x128xf32, #tpu.memory_space<vmem>>, vector<1x16xf32>,
        %parallel_loop3A_456 = vector.shape_cast %parallel_loop3A_455 : vector<1x16xf32> to vector<16xf32>
        %parallel_loop3A_457 = arith.index_cast %parallel_loop3A_380 : i32 to index
        %parallel_loop3A_458 = arith.constant 64 : index
        %parallel_loop3A_459 = tpu.vector_load %arg11[%parallel_loop3A_457, %parallel_loop3A_458] {strides = array<i32>} : memref<60x128xf32, #tpu.memory_space<vmem>>, vector<1x16xf32>,
        %parallel_loop3A_460 = vector.shape_cast %parallel_loop3A_459 : vector<1x16xf32> to vector<16xf32>
        %parallel_loop3A_461 = arith.addf %parallel_loop3A_456, %parallel_loop3A_460 : vector<16xf32>
        %parallel_loop3A_462 = arith.constant 0.000000e+00 : f32
        %parallel_loop3A_463 = vector.broadcast %parallel_loop3A_462 : f32 to vector<16xf32>
        %parallel_loop3A_464 = arith.maximumf %parallel_loop3A_461, %parallel_loop3A_463 : vector<16xf32>
        %parallel_loop3A_465 = arith.index_cast %parallel_loop3A_384 : i32 to index
        %parallel_loop3A_466 = arith.constant 64 : index
        %parallel_loop3A_467 = tpu.vector_load %arg9[%parallel_loop3A_465, %parallel_loop3A_466] {strides = array<i32>} : memref<200x128xf32, #tpu.memory_space<vmem>>, vector<1x16xf32>,
        %parallel_loop3A_468 = vector.shape_cast %parallel_loop3A_467 : vector<1x16xf32> to vector<16xf32>
        %parallel_loop3A_469 = vector.shape_cast %parallel_loop3A_464 : vector<16xf32> to vector<1x16xf32>
        tpu.vector_store %arg9[%parallel_loop3A_465, %parallel_loop3A_466], %parallel_loop3A_469 {strides = array<i32>} : memref<200x128xf32, #tpu.memory_space<vmem>>, vector<1x16xf32>,
        %parallel_loop3A_470 = arith.index_cast %parallel_loop3A_384 : i32 to index
        %parallel_loop3A_471 = arith.constant 80 : index
        %parallel_loop3A_472 = tpu.vector_load %arg7[%parallel_loop3A_470, %parallel_loop3A_471] {strides = array<i32>} : memref<200x128xf32, #tpu.memory_space<vmem>>, vector<1x16xf32>,
        %parallel_loop3A_473 = vector.shape_cast %parallel_loop3A_472 : vector<1x16xf32> to vector<16xf32>
        %parallel_loop3A_474 = arith.index_cast %parallel_loop3A_380 : i32 to index
        %parallel_loop3A_475 = arith.constant 80 : index
        %parallel_loop3A_476 = tpu.vector_load %arg11[%parallel_loop3A_474, %parallel_loop3A_475] {strides = array<i32>} : memref<60x128xf32, #tpu.memory_space<vmem>>, vector<1x16xf32>,
        %parallel_loop3A_477 = vector.shape_cast %parallel_loop3A_476 : vector<1x16xf32> to vector<16xf32>
        %parallel_loop3A_478 = arith.addf %parallel_loop3A_473, %parallel_loop3A_477 : vector<16xf32>
        %parallel_loop3A_479 = arith.constant 0.000000e+00 : f32
        %parallel_loop3A_480 = vector.broadcast %parallel_loop3A_479 : f32 to vector<16xf32>
        %parallel_loop3A_481 = arith.maximumf %parallel_loop3A_478, %parallel_loop3A_480 : vector<16xf32>
        %parallel_loop3A_482 = arith.index_cast %parallel_loop3A_384 : i32 to index
        %parallel_loop3A_483 = arith.constant 80 : index
        %parallel_loop3A_484 = tpu.vector_load %arg9[%parallel_loop3A_482, %parallel_loop3A_483] {strides = array<i32>} : memref<200x128xf32, #tpu.memory_space<vmem>>, vector<1x16xf32>,
        %parallel_loop3A_485 = vector.shape_cast %parallel_loop3A_484 : vector<1x16xf32> to vector<16xf32>
        %parallel_loop3A_486 = vector.shape_cast %parallel_loop3A_481 : vector<16xf32> to vector<1x16xf32>
        tpu.vector_store %arg9[%parallel_loop3A_482, %parallel_loop3A_483], %parallel_loop3A_486 {strides = array<i32>} : memref<200x128xf32, #tpu.memory_space<vmem>>, vector<1x16xf32>,
        %parallel_loop3A_487 = arith.index_cast %parallel_loop3A_384 : i32 to index
        %parallel_loop3A_488 = arith.constant 96 : index
        %parallel_loop3A_489 = tpu.vector_load %arg7[%parallel_loop3A_487, %parallel_loop3A_488] {strides = array<i32>} : memref<200x128xf32, #tpu.memory_space<vmem>>, vector<1x16xf32>,
        %parallel_loop3A_490 = vector.shape_cast %parallel_loop3A_489 : vector<1x16xf32> to vector<16xf32>
        %parallel_loop3A_491 = arith.index_cast %parallel_loop3A_380 : i32 to index
        %parallel_loop3A_492 = arith.constant 96 : index
        %parallel_loop3A_493 = tpu.vector_load %arg11[%parallel_loop3A_491, %parallel_loop3A_492] {strides = array<i32>} : memref<60x128xf32, #tpu.memory_space<vmem>>, vector<1x16xf32>,
        %parallel_loop3A_494 = vector.shape_cast %parallel_loop3A_493 : vector<1x16xf32> to vector<16xf32>
        %parallel_loop3A_495 = arith.addf %parallel_loop3A_490, %parallel_loop3A_494 : vector<16xf32>
        %parallel_loop3A_496 = arith.constant 0.000000e+00 : f32
        %parallel_loop3A_497 = vector.broadcast %parallel_loop3A_496 : f32 to vector<16xf32>
        %parallel_loop3A_498 = arith.maximumf %parallel_loop3A_495, %parallel_loop3A_497 : vector<16xf32>
        %parallel_loop3A_499 = arith.index_cast %parallel_loop3A_384 : i32 to index
        %parallel_loop3A_500 = arith.constant 96 : index
        %parallel_loop3A_501 = tpu.vector_load %arg9[%parallel_loop3A_499, %parallel_loop3A_500] {strides = array<i32>} : memref<200x128xf32, #tpu.memory_space<vmem>>, vector<1x16xf32>,
        %parallel_loop3A_502 = vector.shape_cast %parallel_loop3A_501 : vector<1x16xf32> to vector<16xf32>
        %parallel_loop3A_503 = vector.shape_cast %parallel_loop3A_498 : vector<16xf32> to vector<1x16xf32>
        tpu.vector_store %arg9[%parallel_loop3A_499, %parallel_loop3A_500], %parallel_loop3A_503 {strides = array<i32>} : memref<200x128xf32, #tpu.memory_space<vmem>>, vector<1x16xf32>,
        %parallel_loop3A_504 = arith.index_cast %parallel_loop3A_384 : i32 to index
        %parallel_loop3A_505 = arith.constant 112 : index
        %parallel_loop3A_506 = tpu.vector_load %arg7[%parallel_loop3A_504, %parallel_loop3A_505] {strides = array<i32>} : memref<200x128xf32, #tpu.memory_space<vmem>>, vector<1x16xf32>,
        %parallel_loop3A_507 = vector.shape_cast %parallel_loop3A_506 : vector<1x16xf32> to vector<16xf32>
        %parallel_loop3A_508 = arith.index_cast %parallel_loop3A_380 : i32 to index
        %parallel_loop3A_509 = arith.constant 112 : index
        %parallel_loop3A_510 = tpu.vector_load %arg11[%parallel_loop3A_508, %parallel_loop3A_509] {strides = array<i32>} : memref<60x128xf32, #tpu.memory_space<vmem>>, vector<1x16xf32>,
        %parallel_loop3A_511 = vector.shape_cast %parallel_loop3A_510 : vector<1x16xf32> to vector<16xf32>
        %parallel_loop3A_512 = arith.addf %parallel_loop3A_507, %parallel_loop3A_511 : vector<16xf32>
        %parallel_loop3A_513 = arith.constant 0.000000e+00 : f32
        %parallel_loop3A_514 = vector.broadcast %parallel_loop3A_513 : f32 to vector<16xf32>
        %parallel_loop3A_515 = arith.maximumf %parallel_loop3A_512, %parallel_loop3A_514 : vector<16xf32>
        %parallel_loop3A_516 = arith.index_cast %parallel_loop3A_384 : i32 to index
        %parallel_loop3A_517 = arith.constant 112 : index
        %parallel_loop3A_518 = tpu.vector_load %arg9[%parallel_loop3A_516, %parallel_loop3A_517] {strides = array<i32>} : memref<200x128xf32, #tpu.memory_space<vmem>>, vector<1x16xf32>,
        %parallel_loop3A_519 = vector.shape_cast %parallel_loop3A_518 : vector<1x16xf32> to vector<16xf32>
        %parallel_loop3A_520 = vector.shape_cast %parallel_loop3A_515 : vector<16xf32> to vector<1x16xf32>
        tpu.vector_store %arg9[%parallel_loop3A_516, %parallel_loop3A_517], %parallel_loop3A_520 {strides = array<i32>} : memref<200x128xf32, #tpu.memory_space<vmem>>, vector<1x16xf32>,
        %parallel_loop3A_521 = vector.extract_strided_slice %parallel_loop3A_94 {offsets = [3], sizes = [1], strides = [1]} : vector<16xi32> to vector<1xi32>
        %parallel_loop3A_522 = vector.extract %parallel_loop3A_521[0] : i32 from vector<1xi32>
        %parallel_loop3A_523 = arith.constant 8 : i32
        %parallel_loop3A_524 = arith.muli %parallel_loop3A_88, %parallel_loop3A_523 : i32
        %parallel_loop3A_525 = arith.constant 3 : i32
        %parallel_loop3A_526 = arith.addi %parallel_loop3A_524, %parallel_loop3A_525 : i32
        %parallel_loop3A_527 = arith.index_cast %parallel_loop3A_526 : i32 to index
        %parallel_loop3A_528 = arith.constant 0 : index
        %parallel_loop3A_529 = tpu.vector_load %arg7[%parallel_loop3A_527, %parallel_loop3A_528] {strides = array<i32>} : memref<200x128xf32, #tpu.memory_space<vmem>>, vector<1x16xf32>,
        %parallel_loop3A_530 = vector.shape_cast %parallel_loop3A_529 : vector<1x16xf32> to vector<16xf32>
        %parallel_loop3A_531 = arith.index_cast %parallel_loop3A_522 : i32 to index
        %parallel_loop3A_532 = arith.constant 0 : index
        %parallel_loop3A_533 = tpu.vector_load %arg11[%parallel_loop3A_531, %parallel_loop3A_532] {strides = array<i32>} : memref<60x128xf32, #tpu.memory_space<vmem>>, vector<1x16xf32>,
        %parallel_loop3A_534 = vector.shape_cast %parallel_loop3A_533 : vector<1x16xf32> to vector<16xf32>
        %parallel_loop3A_535 = arith.addf %parallel_loop3A_530, %parallel_loop3A_534 : vector<16xf32>
        %parallel_loop3A_536 = arith.constant 0.000000e+00 : f32
        %parallel_loop3A_537 = vector.broadcast %parallel_loop3A_536 : f32 to vector<16xf32>
        %parallel_loop3A_538 = arith.maximumf %parallel_loop3A_535, %parallel_loop3A_537 : vector<16xf32>
        %parallel_loop3A_539 = arith.index_cast %parallel_loop3A_526 : i32 to index
        %parallel_loop3A_540 = arith.constant 0 : index
        %parallel_loop3A_541 = tpu.vector_load %arg9[%parallel_loop3A_539, %parallel_loop3A_540] {strides = array<i32>} : memref<200x128xf32, #tpu.memory_space<vmem>>, vector<1x16xf32>,
        %parallel_loop3A_542 = vector.shape_cast %parallel_loop3A_541 : vector<1x16xf32> to vector<16xf32>
        %parallel_loop3A_543 = vector.shape_cast %parallel_loop3A_538 : vector<16xf32> to vector<1x16xf32>
        tpu.vector_store %arg9[%parallel_loop3A_539, %parallel_loop3A_540], %parallel_loop3A_543 {strides = array<i32>} : memref<200x128xf32, #tpu.memory_space<vmem>>, vector<1x16xf32>,
        %parallel_loop3A_544 = arith.index_cast %parallel_loop3A_526 : i32 to index
        %parallel_loop3A_545 = arith.constant 16 : index
        %parallel_loop3A_546 = tpu.vector_load %arg7[%parallel_loop3A_544, %parallel_loop3A_545] {strides = array<i32>} : memref<200x128xf32, #tpu.memory_space<vmem>>, vector<1x16xf32>,
        %parallel_loop3A_547 = vector.shape_cast %parallel_loop3A_546 : vector<1x16xf32> to vector<16xf32>
        %parallel_loop3A_548 = arith.index_cast %parallel_loop3A_522 : i32 to index
        %parallel_loop3A_549 = arith.constant 16 : index
        %parallel_loop3A_550 = tpu.vector_load %arg11[%parallel_loop3A_548, %parallel_loop3A_549] {strides = array<i32>} : memref<60x128xf32, #tpu.memory_space<vmem>>, vector<1x16xf32>,
        %parallel_loop3A_551 = vector.shape_cast %parallel_loop3A_550 : vector<1x16xf32> to vector<16xf32>
        %parallel_loop3A_552 = arith.addf %parallel_loop3A_547, %parallel_loop3A_551 : vector<16xf32>
        %parallel_loop3A_553 = arith.constant 0.000000e+00 : f32
        %parallel_loop3A_554 = vector.broadcast %parallel_loop3A_553 : f32 to vector<16xf32>
        %parallel_loop3A_555 = arith.maximumf %parallel_loop3A_552, %parallel_loop3A_554 : vector<16xf32>
        %parallel_loop3A_556 = arith.index_cast %parallel_loop3A_526 : i32 to index
        %parallel_loop3A_557 = arith.constant 16 : index
        %parallel_loop3A_558 = tpu.vector_load %arg9[%parallel_loop3A_556, %parallel_loop3A_557] {strides = array<i32>} : memref<200x128xf32, #tpu.memory_space<vmem>>, vector<1x16xf32>,
        %parallel_loop3A_559 = vector.shape_cast %parallel_loop3A_558 : vector<1x16xf32> to vector<16xf32>
        %parallel_loop3A_560 = vector.shape_cast %parallel_loop3A_555 : vector<16xf32> to vector<1x16xf32>
        tpu.vector_store %arg9[%parallel_loop3A_556, %parallel_loop3A_557], %parallel_loop3A_560 {strides = array<i32>} : memref<200x128xf32, #tpu.memory_space<vmem>>, vector<1x16xf32>,
        %parallel_loop3A_561 = arith.index_cast %parallel_loop3A_526 : i32 to index
        %parallel_loop3A_562 = arith.constant 32 : index
        %parallel_loop3A_563 = tpu.vector_load %arg7[%parallel_loop3A_561, %parallel_loop3A_562] {strides = array<i32>} : memref<200x128xf32, #tpu.memory_space<vmem>>, vector<1x16xf32>,
        %parallel_loop3A_564 = vector.shape_cast %parallel_loop3A_563 : vector<1x16xf32> to vector<16xf32>
        %parallel_loop3A_565 = arith.index_cast %parallel_loop3A_522 : i32 to index
        %parallel_loop3A_566 = arith.constant 32 : index
        %parallel_loop3A_567 = tpu.vector_load %arg11[%parallel_loop3A_565, %parallel_loop3A_566] {strides = array<i32>} : memref<60x128xf32, #tpu.memory_space<vmem>>, vector<1x16xf32>,
        %parallel_loop3A_568 = vector.shape_cast %parallel_loop3A_567 : vector<1x16xf32> to vector<16xf32>
        %parallel_loop3A_569 = arith.addf %parallel_loop3A_564, %parallel_loop3A_568 : vector<16xf32>
        %parallel_loop3A_570 = arith.constant 0.000000e+00 : f32
        %parallel_loop3A_571 = vector.broadcast %parallel_loop3A_570 : f32 to vector<16xf32>
        %parallel_loop3A_572 = arith.maximumf %parallel_loop3A_569, %parallel_loop3A_571 : vector<16xf32>
        %parallel_loop3A_573 = arith.index_cast %parallel_loop3A_526 : i32 to index
        %parallel_loop3A_574 = arith.constant 32 : index
        %parallel_loop3A_575 = tpu.vector_load %arg9[%parallel_loop3A_573, %parallel_loop3A_574] {strides = array<i32>} : memref<200x128xf32, #tpu.memory_space<vmem>>, vector<1x16xf32>,
        %parallel_loop3A_576 = vector.shape_cast %parallel_loop3A_575 : vector<1x16xf32> to vector<16xf32>
        %parallel_loop3A_577 = vector.shape_cast %parallel_loop3A_572 : vector<16xf32> to vector<1x16xf32>
        tpu.vector_store %arg9[%parallel_loop3A_573, %parallel_loop3A_574], %parallel_loop3A_577 {strides = array<i32>} : memref<200x128xf32, #tpu.memory_space<vmem>>, vector<1x16xf32>,
        %parallel_loop3A_578 = arith.index_cast %parallel_loop3A_526 : i32 to index
        %parallel_loop3A_579 = arith.constant 48 : index
        %parallel_loop3A_580 = tpu.vector_load %arg7[%parallel_loop3A_578, %parallel_loop3A_579] {strides = array<i32>} : memref<200x128xf32, #tpu.memory_space<vmem>>, vector<1x16xf32>,
        %parallel_loop3A_581 = vector.shape_cast %parallel_loop3A_580 : vector<1x16xf32> to vector<16xf32>
        %parallel_loop3A_582 = arith.index_cast %parallel_loop3A_522 : i32 to index
        %parallel_loop3A_583 = arith.constant 48 : index
        %parallel_loop3A_584 = tpu.vector_load %arg11[%parallel_loop3A_582, %parallel_loop3A_583] {strides = array<i32>} : memref<60x128xf32, #tpu.memory_space<vmem>>, vector<1x16xf32>,
        %parallel_loop3A_585 = vector.shape_cast %parallel_loop3A_584 : vector<1x16xf32> to vector<16xf32>
        %parallel_loop3A_586 = arith.addf %parallel_loop3A_581, %parallel_loop3A_585 : vector<16xf32>
        %parallel_loop3A_587 = arith.constant 0.000000e+00 : f32
        %parallel_loop3A_588 = vector.broadcast %parallel_loop3A_587 : f32 to vector<16xf32>
        %parallel_loop3A_589 = arith.maximumf %parallel_loop3A_586, %parallel_loop3A_588 : vector<16xf32>
        %parallel_loop3A_590 = arith.index_cast %parallel_loop3A_526 : i32 to index
        %parallel_loop3A_591 = arith.constant 48 : index
        %parallel_loop3A_592 = tpu.vector_load %arg9[%parallel_loop3A_590, %parallel_loop3A_591] {strides = array<i32>} : memref<200x128xf32, #tpu.memory_space<vmem>>, vector<1x16xf32>,
        %parallel_loop3A_593 = vector.shape_cast %parallel_loop3A_592 : vector<1x16xf32> to vector<16xf32>
        %parallel_loop3A_594 = vector.shape_cast %parallel_loop3A_589 : vector<16xf32> to vector<1x16xf32>
        tpu.vector_store %arg9[%parallel_loop3A_590, %parallel_loop3A_591], %parallel_loop3A_594 {strides = array<i32>} : memref<200x128xf32, #tpu.memory_space<vmem>>, vector<1x16xf32>,
        %parallel_loop3A_595 = arith.index_cast %parallel_loop3A_526 : i32 to index
        %parallel_loop3A_596 = arith.constant 64 : index
        %parallel_loop3A_597 = tpu.vector_load %arg7[%parallel_loop3A_595, %parallel_loop3A_596] {strides = array<i32>} : memref<200x128xf32, #tpu.memory_space<vmem>>, vector<1x16xf32>,
        %parallel_loop3A_598 = vector.shape_cast %parallel_loop3A_597 : vector<1x16xf32> to vector<16xf32>
        %parallel_loop3A_599 = arith.index_cast %parallel_loop3A_522 : i32 to index
        %parallel_loop3A_600 = arith.constant 64 : index
        %parallel_loop3A_601 = tpu.vector_load %arg11[%parallel_loop3A_599, %parallel_loop3A_600] {strides = array<i32>} : memref<60x128xf32, #tpu.memory_space<vmem>>, vector<1x16xf32>,
        %parallel_loop3A_602 = vector.shape_cast %parallel_loop3A_601 : vector<1x16xf32> to vector<16xf32>
        %parallel_loop3A_603 = arith.addf %parallel_loop3A_598, %parallel_loop3A_602 : vector<16xf32>
        %parallel_loop3A_604 = arith.constant 0.000000e+00 : f32
        %parallel_loop3A_605 = vector.broadcast %parallel_loop3A_604 : f32 to vector<16xf32>
        %parallel_loop3A_606 = arith.maximumf %parallel_loop3A_603, %parallel_loop3A_605 : vector<16xf32>
        %parallel_loop3A_607 = arith.index_cast %parallel_loop3A_526 : i32 to index
        %parallel_loop3A_608 = arith.constant 64 : index
        %parallel_loop3A_609 = tpu.vector_load %arg9[%parallel_loop3A_607, %parallel_loop3A_608] {strides = array<i32>} : memref<200x128xf32, #tpu.memory_space<vmem>>, vector<1x16xf32>,
        %parallel_loop3A_610 = vector.shape_cast %parallel_loop3A_609 : vector<1x16xf32> to vector<16xf32>
        %parallel_loop3A_611 = vector.shape_cast %parallel_loop3A_606 : vector<16xf32> to vector<1x16xf32>
        tpu.vector_store %arg9[%parallel_loop3A_607, %parallel_loop3A_608], %parallel_loop3A_611 {strides = array<i32>} : memref<200x128xf32, #tpu.memory_space<vmem>>, vector<1x16xf32>,
        %parallel_loop3A_612 = arith.index_cast %parallel_loop3A_526 : i32 to index
        %parallel_loop3A_613 = arith.constant 80 : index
        %parallel_loop3A_614 = tpu.vector_load %arg7[%parallel_loop3A_612, %parallel_loop3A_613] {strides = array<i32>} : memref<200x128xf32, #tpu.memory_space<vmem>>, vector<1x16xf32>,
        %parallel_loop3A_615 = vector.shape_cast %parallel_loop3A_614 : vector<1x16xf32> to vector<16xf32>
        %parallel_loop3A_616 = arith.index_cast %parallel_loop3A_522 : i32 to index
        %parallel_loop3A_617 = arith.constant 80 : index
        %parallel_loop3A_618 = tpu.vector_load %arg11[%parallel_loop3A_616, %parallel_loop3A_617] {strides = array<i32>} : memref<60x128xf32, #tpu.memory_space<vmem>>, vector<1x16xf32>,
        %parallel_loop3A_619 = vector.shape_cast %parallel_loop3A_618 : vector<1x16xf32> to vector<16xf32>
        %parallel_loop3A_620 = arith.addf %parallel_loop3A_615, %parallel_loop3A_619 : vector<16xf32>
        %parallel_loop3A_621 = arith.constant 0.000000e+00 : f32
        %parallel_loop3A_622 = vector.broadcast %parallel_loop3A_621 : f32 to vector<16xf32>
        %parallel_loop3A_623 = arith.maximumf %parallel_loop3A_620, %parallel_loop3A_622 : vector<16xf32>
        %parallel_loop3A_624 = arith.index_cast %parallel_loop3A_526 : i32 to index
        %parallel_loop3A_625 = arith.constant 80 : index
        %parallel_loop3A_626 = tpu.vector_load %arg9[%parallel_loop3A_624, %parallel_loop3A_625] {strides = array<i32>} : memref<200x128xf32, #tpu.memory_space<vmem>>, vector<1x16xf32>,
        %parallel_loop3A_627 = vector.shape_cast %parallel_loop3A_626 : vector<1x16xf32> to vector<16xf32>
        %parallel_loop3A_628 = vector.shape_cast %parallel_loop3A_623 : vector<16xf32> to vector<1x16xf32>
        tpu.vector_store %arg9[%parallel_loop3A_624, %parallel_loop3A_625], %parallel_loop3A_628 {strides = array<i32>} : memref<200x128xf32, #tpu.memory_space<vmem>>, vector<1x16xf32>,
        %parallel_loop3A_629 = arith.index_cast %parallel_loop3A_526 : i32 to index
        %parallel_loop3A_630 = arith.constant 96 : index
        %parallel_loop3A_631 = tpu.vector_load %arg7[%parallel_loop3A_629, %parallel_loop3A_630] {strides = array<i32>} : memref<200x128xf32, #tpu.memory_space<vmem>>, vector<1x16xf32>,
        %parallel_loop3A_632 = vector.shape_cast %parallel_loop3A_631 : vector<1x16xf32> to vector<16xf32>
        %parallel_loop3A_633 = arith.index_cast %parallel_loop3A_522 : i32 to index
        %parallel_loop3A_634 = arith.constant 96 : index
        %parallel_loop3A_635 = tpu.vector_load %arg11[%parallel_loop3A_633, %parallel_loop3A_634] {strides = array<i32>} : memref<60x128xf32, #tpu.memory_space<vmem>>, vector<1x16xf32>,
        %parallel_loop3A_636 = vector.shape_cast %parallel_loop3A_635 : vector<1x16xf32> to vector<16xf32>
        %parallel_loop3A_637 = arith.addf %parallel_loop3A_632, %parallel_loop3A_636 : vector<16xf32>
        %parallel_loop3A_638 = arith.constant 0.000000e+00 : f32
        %parallel_loop3A_639 = vector.broadcast %parallel_loop3A_638 : f32 to vector<16xf32>
        %parallel_loop3A_640 = arith.maximumf %parallel_loop3A_637, %parallel_loop3A_639 : vector<16xf32>
        %parallel_loop3A_641 = arith.index_cast %parallel_loop3A_526 : i32 to index
        %parallel_loop3A_642 = arith.constant 96 : index
        %parallel_loop3A_643 = tpu.vector_load %arg9[%parallel_loop3A_641, %parallel_loop3A_642] {strides = array<i32>} : memref<200x128xf32, #tpu.memory_space<vmem>>, vector<1x16xf32>,
        %parallel_loop3A_644 = vector.shape_cast %parallel_loop3A_643 : vector<1x16xf32> to vector<16xf32>
        %parallel_loop3A_645 = vector.shape_cast %parallel_loop3A_640 : vector<16xf32> to vector<1x16xf32>
        tpu.vector_store %arg9[%parallel_loop3A_641, %parallel_loop3A_642], %parallel_loop3A_645 {strides = array<i32>} : memref<200x128xf32, #tpu.memory_space<vmem>>, vector<1x16xf32>,
        %parallel_loop3A_646 = arith.index_cast %parallel_loop3A_526 : i32 to index
        %parallel_loop3A_647 = arith.constant 112 : index
        %parallel_loop3A_648 = tpu.vector_load %arg7[%parallel_loop3A_646, %parallel_loop3A_647] {strides = array<i32>} : memref<200x128xf32, #tpu.memory_space<vmem>>, vector<1x16xf32>,
        %parallel_loop3A_649 = vector.shape_cast %parallel_loop3A_648 : vector<1x16xf32> to vector<16xf32>
        %parallel_loop3A_650 = arith.index_cast %parallel_loop3A_522 : i32 to index
        %parallel_loop3A_651 = arith.constant 112 : index
        %parallel_loop3A_652 = tpu.vector_load %arg11[%parallel_loop3A_650, %parallel_loop3A_651] {strides = array<i32>} : memref<60x128xf32, #tpu.memory_space<vmem>>, vector<1x16xf32>,
        %parallel_loop3A_653 = vector.shape_cast %parallel_loop3A_652 : vector<1x16xf32> to vector<16xf32>
        %parallel_loop3A_654 = arith.addf %parallel_loop3A_649, %parallel_loop3A_653 : vector<16xf32>
        %parallel_loop3A_655 = arith.constant 0.000000e+00 : f32
        %parallel_loop3A_656 = vector.broadcast %parallel_loop3A_655 : f32 to vector<16xf32>
        %parallel_loop3A_657 = arith.maximumf %parallel_loop3A_654, %parallel_loop3A_656 : vector<16xf32>
        %parallel_loop3A_658 = arith.index_cast %parallel_loop3A_526 : i32 to index
        %parallel_loop3A_659 = arith.constant 112 : index
        %parallel_loop3A_660 = tpu.vector_load %arg9[%parallel_loop3A_658, %parallel_loop3A_659] {strides = array<i32>} : memref<200x128xf32, #tpu.memory_space<vmem>>, vector<1x16xf32>,
        %parallel_loop3A_661 = vector.shape_cast %parallel_loop3A_660 : vector<1x16xf32> to vector<16xf32>
        %parallel_loop3A_662 = vector.shape_cast %parallel_loop3A_657 : vector<16xf32> to vector<1x16xf32>
        tpu.vector_store %arg9[%parallel_loop3A_658, %parallel_loop3A_659], %parallel_loop3A_662 {strides = array<i32>} : memref<200x128xf32, #tpu.memory_space<vmem>>, vector<1x16xf32>,
        %parallel_loop3A_663 = vector.extract_strided_slice %parallel_loop3A_94 {offsets = [4], sizes = [1], strides = [1]} : vector<16xi32> to vector<1xi32>
        %parallel_loop3A_664 = vector.extract %parallel_loop3A_663[0] : i32 from vector<1xi32>
        %parallel_loop3A_665 = arith.constant 8 : i32
        %parallel_loop3A_666 = arith.muli %parallel_loop3A_88, %parallel_loop3A_665 : i32
        %parallel_loop3A_667 = arith.constant 4 : i32
        %parallel_loop3A_668 = arith.addi %parallel_loop3A_666, %parallel_loop3A_667 : i32
        %parallel_loop3A_669 = arith.index_cast %parallel_loop3A_668 : i32 to index
        %parallel_loop3A_670 = arith.constant 0 : index
        %parallel_loop3A_671 = tpu.vector_load %arg7[%parallel_loop3A_669, %parallel_loop3A_670] {strides = array<i32>} : memref<200x128xf32, #tpu.memory_space<vmem>>, vector<1x16xf32>,
        %parallel_loop3A_672 = vector.shape_cast %parallel_loop3A_671 : vector<1x16xf32> to vector<16xf32>
        %parallel_loop3A_673 = arith.index_cast %parallel_loop3A_664 : i32 to index
        %parallel_loop3A_674 = arith.constant 0 : index
        %parallel_loop3A_675 = tpu.vector_load %arg11[%parallel_loop3A_673, %parallel_loop3A_674] {strides = array<i32>} : memref<60x128xf32, #tpu.memory_space<vmem>>, vector<1x16xf32>,
        %parallel_loop3A_676 = vector.shape_cast %parallel_loop3A_675 : vector<1x16xf32> to vector<16xf32>
        %parallel_loop3A_677 = arith.addf %parallel_loop3A_672, %parallel_loop3A_676 : vector<16xf32>
        %parallel_loop3A_678 = arith.constant 0.000000e+00 : f32
        %parallel_loop3A_679 = vector.broadcast %parallel_loop3A_678 : f32 to vector<16xf32>
        %parallel_loop3A_680 = arith.maximumf %parallel_loop3A_677, %parallel_loop3A_679 : vector<16xf32>
        %parallel_loop3A_681 = arith.index_cast %parallel_loop3A_668 : i32 to index
        %parallel_loop3A_682 = arith.constant 0 : index
        %parallel_loop3A_683 = tpu.vector_load %arg9[%parallel_loop3A_681, %parallel_loop3A_682] {strides = array<i32>} : memref<200x128xf32, #tpu.memory_space<vmem>>, vector<1x16xf32>,
        %parallel_loop3A_684 = vector.shape_cast %parallel_loop3A_683 : vector<1x16xf32> to vector<16xf32>
        %parallel_loop3A_685 = vector.shape_cast %parallel_loop3A_680 : vector<16xf32> to vector<1x16xf32>
        tpu.vector_store %arg9[%parallel_loop3A_681, %parallel_loop3A_682], %parallel_loop3A_685 {strides = array<i32>} : memref<200x128xf32, #tpu.memory_space<vmem>>, vector<1x16xf32>,
        %parallel_loop3A_686 = arith.index_cast %parallel_loop3A_668 : i32 to index
        %parallel_loop3A_687 = arith.constant 16 : index
        %parallel_loop3A_688 = tpu.vector_load %arg7[%parallel_loop3A_686, %parallel_loop3A_687] {strides = array<i32>} : memref<200x128xf32, #tpu.memory_space<vmem>>, vector<1x16xf32>,
        %parallel_loop3A_689 = vector.shape_cast %parallel_loop3A_688 : vector<1x16xf32> to vector<16xf32>
        %parallel_loop3A_690 = arith.index_cast %parallel_loop3A_664 : i32 to index
        %parallel_loop3A_691 = arith.constant 16 : index
        %parallel_loop3A_692 = tpu.vector_load %arg11[%parallel_loop3A_690, %parallel_loop3A_691] {strides = array<i32>} : memref<60x128xf32, #tpu.memory_space<vmem>>, vector<1x16xf32>,
        %parallel_loop3A_693 = vector.shape_cast %parallel_loop3A_692 : vector<1x16xf32> to vector<16xf32>
        %parallel_loop3A_694 = arith.addf %parallel_loop3A_689, %parallel_loop3A_693 : vector<16xf32>
        %parallel_loop3A_695 = arith.constant 0.000000e+00 : f32
        %parallel_loop3A_696 = vector.broadcast %parallel_loop3A_695 : f32 to vector<16xf32>
        %parallel_loop3A_697 = arith.maximumf %parallel_loop3A_694, %parallel_loop3A_696 : vector<16xf32>
        %parallel_loop3A_698 = arith.index_cast %parallel_loop3A_668 : i32 to index
        %parallel_loop3A_699 = arith.constant 16 : index
        %parallel_loop3A_700 = tpu.vector_load %arg9[%parallel_loop3A_698, %parallel_loop3A_699] {strides = array<i32>} : memref<200x128xf32, #tpu.memory_space<vmem>>, vector<1x16xf32>,
        %parallel_loop3A_701 = vector.shape_cast %parallel_loop3A_700 : vector<1x16xf32> to vector<16xf32>
        %parallel_loop3A_702 = vector.shape_cast %parallel_loop3A_697 : vector<16xf32> to vector<1x16xf32>
        tpu.vector_store %arg9[%parallel_loop3A_698, %parallel_loop3A_699], %parallel_loop3A_702 {strides = array<i32>} : memref<200x128xf32, #tpu.memory_space<vmem>>, vector<1x16xf32>,
        %parallel_loop3A_703 = arith.index_cast %parallel_loop3A_668 : i32 to index
        %parallel_loop3A_704 = arith.constant 32 : index
        %parallel_loop3A_705 = tpu.vector_load %arg7[%parallel_loop3A_703, %parallel_loop3A_704] {strides = array<i32>} : memref<200x128xf32, #tpu.memory_space<vmem>>, vector<1x16xf32>,
        %parallel_loop3A_706 = vector.shape_cast %parallel_loop3A_705 : vector<1x16xf32> to vector<16xf32>
        %parallel_loop3A_707 = arith.index_cast %parallel_loop3A_664 : i32 to index
        %parallel_loop3A_708 = arith.constant 32 : index
        %parallel_loop3A_709 = tpu.vector_load %arg11[%parallel_loop3A_707, %parallel_loop3A_708] {strides = array<i32>} : memref<60x128xf32, #tpu.memory_space<vmem>>, vector<1x16xf32>,
        %parallel_loop3A_710 = vector.shape_cast %parallel_loop3A_709 : vector<1x16xf32> to vector<16xf32>
        %parallel_loop3A_711 = arith.addf %parallel_loop3A_706, %parallel_loop3A_710 : vector<16xf32>
        %parallel_loop3A_712 = arith.constant 0.000000e+00 : f32
        %parallel_loop3A_713 = vector.broadcast %parallel_loop3A_712 : f32 to vector<16xf32>
        %parallel_loop3A_714 = arith.maximumf %parallel_loop3A_711, %parallel_loop3A_713 : vector<16xf32>
        %parallel_loop3A_715 = arith.index_cast %parallel_loop3A_668 : i32 to index
        %parallel_loop3A_716 = arith.constant 32 : index
        %parallel_loop3A_717 = tpu.vector_load %arg9[%parallel_loop3A_715, %parallel_loop3A_716] {strides = array<i32>} : memref<200x128xf32, #tpu.memory_space<vmem>>, vector<1x16xf32>,
        %parallel_loop3A_718 = vector.shape_cast %parallel_loop3A_717 : vector<1x16xf32> to vector<16xf32>
        %parallel_loop3A_719 = vector.shape_cast %parallel_loop3A_714 : vector<16xf32> to vector<1x16xf32>
        tpu.vector_store %arg9[%parallel_loop3A_715, %parallel_loop3A_716], %parallel_loop3A_719 {strides = array<i32>} : memref<200x128xf32, #tpu.memory_space<vmem>>, vector<1x16xf32>,
        %parallel_loop3A_720 = arith.index_cast %parallel_loop3A_668 : i32 to index
        %parallel_loop3A_721 = arith.constant 48 : index
        %parallel_loop3A_722 = tpu.vector_load %arg7[%parallel_loop3A_720, %parallel_loop3A_721] {strides = array<i32>} : memref<200x128xf32, #tpu.memory_space<vmem>>, vector<1x16xf32>,
        %parallel_loop3A_723 = vector.shape_cast %parallel_loop3A_722 : vector<1x16xf32> to vector<16xf32>
        %parallel_loop3A_724 = arith.index_cast %parallel_loop3A_664 : i32 to index
        %parallel_loop3A_725 = arith.constant 48 : index
        %parallel_loop3A_726 = tpu.vector_load %arg11[%parallel_loop3A_724, %parallel_loop3A_725] {strides = array<i32>} : memref<60x128xf32, #tpu.memory_space<vmem>>, vector<1x16xf32>,
        %parallel_loop3A_727 = vector.shape_cast %parallel_loop3A_726 : vector<1x16xf32> to vector<16xf32>
        %parallel_loop3A_728 = arith.addf %parallel_loop3A_723, %parallel_loop3A_727 : vector<16xf32>
        %parallel_loop3A_729 = arith.constant 0.000000e+00 : f32
        %parallel_loop3A_730 = vector.broadcast %parallel_loop3A_729 : f32 to vector<16xf32>
        %parallel_loop3A_731 = arith.maximumf %parallel_loop3A_728, %parallel_loop3A_730 : vector<16xf32>
        %parallel_loop3A_732 = arith.index_cast %parallel_loop3A_668 : i32 to index
        %parallel_loop3A_733 = arith.constant 48 : index
        %parallel_loop3A_734 = tpu.vector_load %arg9[%parallel_loop3A_732, %parallel_loop3A_733] {strides = array<i32>} : memref<200x128xf32, #tpu.memory_space<vmem>>, vector<1x16xf32>,
        %parallel_loop3A_735 = vector.shape_cast %parallel_loop3A_734 : vector<1x16xf32> to vector<16xf32>
        %parallel_loop3A_736 = vector.shape_cast %parallel_loop3A_731 : vector<16xf32> to vector<1x16xf32>
        tpu.vector_store %arg9[%parallel_loop3A_732, %parallel_loop3A_733], %parallel_loop3A_736 {strides = array<i32>} : memref<200x128xf32, #tpu.memory_space<vmem>>, vector<1x16xf32>,
        %parallel_loop3A_737 = arith.index_cast %parallel_loop3A_668 : i32 to index
        %parallel_loop3A_738 = arith.constant 64 : index
        %parallel_loop3A_739 = tpu.vector_load %arg7[%parallel_loop3A_737, %parallel_loop3A_738] {strides = array<i32>} : memref<200x128xf32, #tpu.memory_space<vmem>>, vector<1x16xf32>,
        %parallel_loop3A_740 = vector.shape_cast %parallel_loop3A_739 : vector<1x16xf32> to vector<16xf32>
        %parallel_loop3A_741 = arith.index_cast %parallel_loop3A_664 : i32 to index
        %parallel_loop3A_742 = arith.constant 64 : index
        %parallel_loop3A_743 = tpu.vector_load %arg11[%parallel_loop3A_741, %parallel_loop3A_742] {strides = array<i32>} : memref<60x128xf32, #tpu.memory_space<vmem>>, vector<1x16xf32>,
        %parallel_loop3A_744 = vector.shape_cast %parallel_loop3A_743 : vector<1x16xf32> to vector<16xf32>
        %parallel_loop3A_745 = arith.addf %parallel_loop3A_740, %parallel_loop3A_744 : vector<16xf32>
        %parallel_loop3A_746 = arith.constant 0.000000e+00 : f32
        %parallel_loop3A_747 = vector.broadcast %parallel_loop3A_746 : f32 to vector<16xf32>
        %parallel_loop3A_748 = arith.maximumf %parallel_loop3A_745, %parallel_loop3A_747 : vector<16xf32>
        %parallel_loop3A_749 = arith.index_cast %parallel_loop3A_668 : i32 to index
        %parallel_loop3A_750 = arith.constant 64 : index
        %parallel_loop3A_751 = tpu.vector_load %arg9[%parallel_loop3A_749, %parallel_loop3A_750] {strides = array<i32>} : memref<200x128xf32, #tpu.memory_space<vmem>>, vector<1x16xf32>,
        %parallel_loop3A_752 = vector.shape_cast %parallel_loop3A_751 : vector<1x16xf32> to vector<16xf32>
        %parallel_loop3A_753 = vector.shape_cast %parallel_loop3A_748 : vector<16xf32> to vector<1x16xf32>
        tpu.vector_store %arg9[%parallel_loop3A_749, %parallel_loop3A_750], %parallel_loop3A_753 {strides = array<i32>} : memref<200x128xf32, #tpu.memory_space<vmem>>, vector<1x16xf32>,
        %parallel_loop3A_754 = arith.index_cast %parallel_loop3A_668 : i32 to index
        %parallel_loop3A_755 = arith.constant 80 : index
        %parallel_loop3A_756 = tpu.vector_load %arg7[%parallel_loop3A_754, %parallel_loop3A_755] {strides = array<i32>} : memref<200x128xf32, #tpu.memory_space<vmem>>, vector<1x16xf32>,
        %parallel_loop3A_757 = vector.shape_cast %parallel_loop3A_756 : vector<1x16xf32> to vector<16xf32>
        %parallel_loop3A_758 = arith.index_cast %parallel_loop3A_664 : i32 to index
        %parallel_loop3A_759 = arith.constant 80 : index
        %parallel_loop3A_760 = tpu.vector_load %arg11[%parallel_loop3A_758, %parallel_loop3A_759] {strides = array<i32>} : memref<60x128xf32, #tpu.memory_space<vmem>>, vector<1x16xf32>,
        %parallel_loop3A_761 = vector.shape_cast %parallel_loop3A_760 : vector<1x16xf32> to vector<16xf32>
        %parallel_loop3A_762 = arith.addf %parallel_loop3A_757, %parallel_loop3A_761 : vector<16xf32>
        %parallel_loop3A_763 = arith.constant 0.000000e+00 : f32
        %parallel_loop3A_764 = vector.broadcast %parallel_loop3A_763 : f32 to vector<16xf32>
        %parallel_loop3A_765 = arith.maximumf %parallel_loop3A_762, %parallel_loop3A_764 : vector<16xf32>
        %parallel_loop3A_766 = arith.index_cast %parallel_loop3A_668 : i32 to index
        %parallel_loop3A_767 = arith.constant 80 : index
        %parallel_loop3A_768 = tpu.vector_load %arg9[%parallel_loop3A_766, %parallel_loop3A_767] {strides = array<i32>} : memref<200x128xf32, #tpu.memory_space<vmem>>, vector<1x16xf32>,
        %parallel_loop3A_769 = vector.shape_cast %parallel_loop3A_768 : vector<1x16xf32> to vector<16xf32>
        %parallel_loop3A_770 = vector.shape_cast %parallel_loop3A_765 : vector<16xf32> to vector<1x16xf32>
        tpu.vector_store %arg9[%parallel_loop3A_766, %parallel_loop3A_767], %parallel_loop3A_770 {strides = array<i32>} : memref<200x128xf32, #tpu.memory_space<vmem>>, vector<1x16xf32>,
        %parallel_loop3A_771 = arith.index_cast %parallel_loop3A_668 : i32 to index
        %parallel_loop3A_772 = arith.constant 96 : index
        %parallel_loop3A_773 = tpu.vector_load %arg7[%parallel_loop3A_771, %parallel_loop3A_772] {strides = array<i32>} : memref<200x128xf32, #tpu.memory_space<vmem>>, vector<1x16xf32>,
        %parallel_loop3A_774 = vector.shape_cast %parallel_loop3A_773 : vector<1x16xf32> to vector<16xf32>
        %parallel_loop3A_775 = arith.index_cast %parallel_loop3A_664 : i32 to index
        %parallel_loop3A_776 = arith.constant 96 : index
        %parallel_loop3A_777 = tpu.vector_load %arg11[%parallel_loop3A_775, %parallel_loop3A_776] {strides = array<i32>} : memref<60x128xf32, #tpu.memory_space<vmem>>, vector<1x16xf32>,
        %parallel_loop3A_778 = vector.shape_cast %parallel_loop3A_777 : vector<1x16xf32> to vector<16xf32>
        %parallel_loop3A_779 = arith.addf %parallel_loop3A_774, %parallel_loop3A_778 : vector<16xf32>
        %parallel_loop3A_780 = arith.constant 0.000000e+00 : f32
        %parallel_loop3A_781 = vector.broadcast %parallel_loop3A_780 : f32 to vector<16xf32>
        %parallel_loop3A_782 = arith.maximumf %parallel_loop3A_779, %parallel_loop3A_781 : vector<16xf32>
        %parallel_loop3A_783 = arith.index_cast %parallel_loop3A_668 : i32 to index
        %parallel_loop3A_784 = arith.constant 96 : index
        %parallel_loop3A_785 = tpu.vector_load %arg9[%parallel_loop3A_783, %parallel_loop3A_784] {strides = array<i32>} : memref<200x128xf32, #tpu.memory_space<vmem>>, vector<1x16xf32>,
        %parallel_loop3A_786 = vector.shape_cast %parallel_loop3A_785 : vector<1x16xf32> to vector<16xf32>
        %parallel_loop3A_787 = vector.shape_cast %parallel_loop3A_782 : vector<16xf32> to vector<1x16xf32>
        tpu.vector_store %arg9[%parallel_loop3A_783, %parallel_loop3A_784], %parallel_loop3A_787 {strides = array<i32>} : memref<200x128xf32, #tpu.memory_space<vmem>>, vector<1x16xf32>,
        %parallel_loop3A_788 = arith.index_cast %parallel_loop3A_668 : i32 to index
        %parallel_loop3A_789 = arith.constant 112 : index
        %parallel_loop3A_790 = tpu.vector_load %arg7[%parallel_loop3A_788, %parallel_loop3A_789] {strides = array<i32>} : memref<200x128xf32, #tpu.memory_space<vmem>>, vector<1x16xf32>,
        %parallel_loop3A_791 = vector.shape_cast %parallel_loop3A_790 : vector<1x16xf32> to vector<16xf32>
        %parallel_loop3A_792 = arith.index_cast %parallel_loop3A_664 : i32 to index
        %parallel_loop3A_793 = arith.constant 112 : index
        %parallel_loop3A_794 = tpu.vector_load %arg11[%parallel_loop3A_792, %parallel_loop3A_793] {strides = array<i32>} : memref<60x128xf32, #tpu.memory_space<vmem>>, vector<1x16xf32>,
        %parallel_loop3A_795 = vector.shape_cast %parallel_loop3A_794 : vector<1x16xf32> to vector<16xf32>
        %parallel_loop3A_796 = arith.addf %parallel_loop3A_791, %parallel_loop3A_795 : vector<16xf32>
        %parallel_loop3A_797 = arith.constant 0.000000e+00 : f32
        %parallel_loop3A_798 = vector.broadcast %parallel_loop3A_797 : f32 to vector<16xf32>
        %parallel_loop3A_799 = arith.maximumf %parallel_loop3A_796, %parallel_loop3A_798 : vector<16xf32>
        %parallel_loop3A_800 = arith.index_cast %parallel_loop3A_668 : i32 to index
        %parallel_loop3A_801 = arith.constant 112 : index
        %parallel_loop3A_802 = tpu.vector_load %arg9[%parallel_loop3A_800, %parallel_loop3A_801] {strides = array<i32>} : memref<200x128xf32, #tpu.memory_space<vmem>>, vector<1x16xf32>,
        %parallel_loop3A_803 = vector.shape_cast %parallel_loop3A_802 : vector<1x16xf32> to vector<16xf32>
        %parallel_loop3A_804 = vector.shape_cast %parallel_loop3A_799 : vector<16xf32> to vector<1x16xf32>
        tpu.vector_store %arg9[%parallel_loop3A_800, %parallel_loop3A_801], %parallel_loop3A_804 {strides = array<i32>} : memref<200x128xf32, #tpu.memory_space<vmem>>, vector<1x16xf32>,
        %parallel_loop3A_805 = vector.extract_strided_slice %parallel_loop3A_94 {offsets = [5], sizes = [1], strides = [1]} : vector<16xi32> to vector<1xi32>
        %parallel_loop3A_806 = vector.extract %parallel_loop3A_805[0] : i32 from vector<1xi32>
        %parallel_loop3A_807 = arith.constant 8 : i32
        %parallel_loop3A_808 = arith.muli %parallel_loop3A_88, %parallel_loop3A_807 : i32
        %parallel_loop3A_809 = arith.constant 5 : i32
        %parallel_loop3A_810 = arith.addi %parallel_loop3A_808, %parallel_loop3A_809 : i32
        %parallel_loop3A_811 = arith.index_cast %parallel_loop3A_810 : i32 to index
        %parallel_loop3A_812 = arith.constant 0 : index
        %parallel_loop3A_813 = tpu.vector_load %arg7[%parallel_loop3A_811, %parallel_loop3A_812] {strides = array<i32>} : memref<200x128xf32, #tpu.memory_space<vmem>>, vector<1x16xf32>,
        %parallel_loop3A_814 = vector.shape_cast %parallel_loop3A_813 : vector<1x16xf32> to vector<16xf32>
        %parallel_loop3A_815 = arith.index_cast %parallel_loop3A_806 : i32 to index
        %parallel_loop3A_816 = arith.constant 0 : index
        %parallel_loop3A_817 = tpu.vector_load %arg11[%parallel_loop3A_815, %parallel_loop3A_816] {strides = array<i32>} : memref<60x128xf32, #tpu.memory_space<vmem>>, vector<1x16xf32>,
        %parallel_loop3A_818 = vector.shape_cast %parallel_loop3A_817 : vector<1x16xf32> to vector<16xf32>
        %parallel_loop3A_819 = arith.addf %parallel_loop3A_814, %parallel_loop3A_818 : vector<16xf32>
        %parallel_loop3A_820 = arith.constant 0.000000e+00 : f32
        %parallel_loop3A_821 = vector.broadcast %parallel_loop3A_820 : f32 to vector<16xf32>
        %parallel_loop3A_822 = arith.maximumf %parallel_loop3A_819, %parallel_loop3A_821 : vector<16xf32>
        %parallel_loop3A_823 = arith.index_cast %parallel_loop3A_810 : i32 to index
        %parallel_loop3A_824 = arith.constant 0 : index
        %parallel_loop3A_825 = tpu.vector_load %arg9[%parallel_loop3A_823, %parallel_loop3A_824] {strides = array<i32>} : memref<200x128xf32, #tpu.memory_space<vmem>>, vector<1x16xf32>,
        %parallel_loop3A_826 = vector.shape_cast %parallel_loop3A_825 : vector<1x16xf32> to vector<16xf32>
        %parallel_loop3A_827 = vector.shape_cast %parallel_loop3A_822 : vector<16xf32> to vector<1x16xf32>
        tpu.vector_store %arg9[%parallel_loop3A_823, %parallel_loop3A_824], %parallel_loop3A_827 {strides = array<i32>} : memref<200x128xf32, #tpu.memory_space<vmem>>, vector<1x16xf32>,
        %parallel_loop3A_828 = arith.index_cast %parallel_loop3A_810 : i32 to index
        %parallel_loop3A_829 = arith.constant 16 : index
        %parallel_loop3A_830 = tpu.vector_load %arg7[%parallel_loop3A_828, %parallel_loop3A_829] {strides = array<i32>} : memref<200x128xf32, #tpu.memory_space<vmem>>, vector<1x16xf32>,
        %parallel_loop3A_831 = vector.shape_cast %parallel_loop3A_830 : vector<1x16xf32> to vector<16xf32>
        %parallel_loop3A_832 = arith.index_cast %parallel_loop3A_806 : i32 to index
        %parallel_loop3A_833 = arith.constant 16 : index
        %parallel_loop3A_834 = tpu.vector_load %arg11[%parallel_loop3A_832, %parallel_loop3A_833] {strides = array<i32>} : memref<60x128xf32, #tpu.memory_space<vmem>>, vector<1x16xf32>,
        %parallel_loop3A_835 = vector.shape_cast %parallel_loop3A_834 : vector<1x16xf32> to vector<16xf32>
        %parallel_loop3A_836 = arith.addf %parallel_loop3A_831, %parallel_loop3A_835 : vector<16xf32>
        %parallel_loop3A_837 = arith.constant 0.000000e+00 : f32
        %parallel_loop3A_838 = vector.broadcast %parallel_loop3A_837 : f32 to vector<16xf32>
        %parallel_loop3A_839 = arith.maximumf %parallel_loop3A_836, %parallel_loop3A_838 : vector<16xf32>
        %parallel_loop3A_840 = arith.index_cast %parallel_loop3A_810 : i32 to index
        %parallel_loop3A_841 = arith.constant 16 : index
        %parallel_loop3A_842 = tpu.vector_load %arg9[%parallel_loop3A_840, %parallel_loop3A_841] {strides = array<i32>} : memref<200x128xf32, #tpu.memory_space<vmem>>, vector<1x16xf32>,
        %parallel_loop3A_843 = vector.shape_cast %parallel_loop3A_842 : vector<1x16xf32> to vector<16xf32>
        %parallel_loop3A_844 = vector.shape_cast %parallel_loop3A_839 : vector<16xf32> to vector<1x16xf32>
        tpu.vector_store %arg9[%parallel_loop3A_840, %parallel_loop3A_841], %parallel_loop3A_844 {strides = array<i32>} : memref<200x128xf32, #tpu.memory_space<vmem>>, vector<1x16xf32>,
        %parallel_loop3A_845 = arith.index_cast %parallel_loop3A_810 : i32 to index
        %parallel_loop3A_846 = arith.constant 32 : index
        %parallel_loop3A_847 = tpu.vector_load %arg7[%parallel_loop3A_845, %parallel_loop3A_846] {strides = array<i32>} : memref<200x128xf32, #tpu.memory_space<vmem>>, vector<1x16xf32>,
        %parallel_loop3A_848 = vector.shape_cast %parallel_loop3A_847 : vector<1x16xf32> to vector<16xf32>
        %parallel_loop3A_849 = arith.index_cast %parallel_loop3A_806 : i32 to index
        %parallel_loop3A_850 = arith.constant 32 : index
        %parallel_loop3A_851 = tpu.vector_load %arg11[%parallel_loop3A_849, %parallel_loop3A_850] {strides = array<i32>} : memref<60x128xf32, #tpu.memory_space<vmem>>, vector<1x16xf32>,
        %parallel_loop3A_852 = vector.shape_cast %parallel_loop3A_851 : vector<1x16xf32> to vector<16xf32>
        %parallel_loop3A_853 = arith.addf %parallel_loop3A_848, %parallel_loop3A_852 : vector<16xf32>
        %parallel_loop3A_854 = arith.constant 0.000000e+00 : f32
        %parallel_loop3A_855 = vector.broadcast %parallel_loop3A_854 : f32 to vector<16xf32>
        %parallel_loop3A_856 = arith.maximumf %parallel_loop3A_853, %parallel_loop3A_855 : vector<16xf32>
        %parallel_loop3A_857 = arith.index_cast %parallel_loop3A_810 : i32 to index
        %parallel_loop3A_858 = arith.constant 32 : index
        %parallel_loop3A_859 = tpu.vector_load %arg9[%parallel_loop3A_857, %parallel_loop3A_858] {strides = array<i32>} : memref<200x128xf32, #tpu.memory_space<vmem>>, vector<1x16xf32>,
        %parallel_loop3A_860 = vector.shape_cast %parallel_loop3A_859 : vector<1x16xf32> to vector<16xf32>
        %parallel_loop3A_861 = vector.shape_cast %parallel_loop3A_856 : vector<16xf32> to vector<1x16xf32>
        tpu.vector_store %arg9[%parallel_loop3A_857, %parallel_loop3A_858], %parallel_loop3A_861 {strides = array<i32>} : memref<200x128xf32, #tpu.memory_space<vmem>>, vector<1x16xf32>,
        %parallel_loop3A_862 = arith.index_cast %parallel_loop3A_810 : i32 to index
        %parallel_loop3A_863 = arith.constant 48 : index
        %parallel_loop3A_864 = tpu.vector_load %arg7[%parallel_loop3A_862, %parallel_loop3A_863] {strides = array<i32>} : memref<200x128xf32, #tpu.memory_space<vmem>>, vector<1x16xf32>,
        %parallel_loop3A_865 = vector.shape_cast %parallel_loop3A_864 : vector<1x16xf32> to vector<16xf32>
        %parallel_loop3A_866 = arith.index_cast %parallel_loop3A_806 : i32 to index
        %parallel_loop3A_867 = arith.constant 48 : index
        %parallel_loop3A_868 = tpu.vector_load %arg11[%parallel_loop3A_866, %parallel_loop3A_867] {strides = array<i32>} : memref<60x128xf32, #tpu.memory_space<vmem>>, vector<1x16xf32>,
        %parallel_loop3A_869 = vector.shape_cast %parallel_loop3A_868 : vector<1x16xf32> to vector<16xf32>
        %parallel_loop3A_870 = arith.addf %parallel_loop3A_865, %parallel_loop3A_869 : vector<16xf32>
        %parallel_loop3A_871 = arith.constant 0.000000e+00 : f32
        %parallel_loop3A_872 = vector.broadcast %parallel_loop3A_871 : f32 to vector<16xf32>
        %parallel_loop3A_873 = arith.maximumf %parallel_loop3A_870, %parallel_loop3A_872 : vector<16xf32>
        %parallel_loop3A_874 = arith.index_cast %parallel_loop3A_810 : i32 to index
        %parallel_loop3A_875 = arith.constant 48 : index
        %parallel_loop3A_876 = tpu.vector_load %arg9[%parallel_loop3A_874, %parallel_loop3A_875] {strides = array<i32>} : memref<200x128xf32, #tpu.memory_space<vmem>>, vector<1x16xf32>,
        %parallel_loop3A_877 = vector.shape_cast %parallel_loop3A_876 : vector<1x16xf32> to vector<16xf32>
        %parallel_loop3A_878 = vector.shape_cast %parallel_loop3A_873 : vector<16xf32> to vector<1x16xf32>
        tpu.vector_store %arg9[%parallel_loop3A_874, %parallel_loop3A_875], %parallel_loop3A_878 {strides = array<i32>} : memref<200x128xf32, #tpu.memory_space<vmem>>, vector<1x16xf32>,
        %parallel_loop3A_879 = arith.index_cast %parallel_loop3A_810 : i32 to index
        %parallel_loop3A_880 = arith.constant 64 : index
        %parallel_loop3A_881 = tpu.vector_load %arg7[%parallel_loop3A_879, %parallel_loop3A_880] {strides = array<i32>} : memref<200x128xf32, #tpu.memory_space<vmem>>, vector<1x16xf32>,
        %parallel_loop3A_882 = vector.shape_cast %parallel_loop3A_881 : vector<1x16xf32> to vector<16xf32>
        %parallel_loop3A_883 = arith.index_cast %parallel_loop3A_806 : i32 to index
        %parallel_loop3A_884 = arith.constant 64 : index
        %parallel_loop3A_885 = tpu.vector_load %arg11[%parallel_loop3A_883, %parallel_loop3A_884] {strides = array<i32>} : memref<60x128xf32, #tpu.memory_space<vmem>>, vector<1x16xf32>,
        %parallel_loop3A_886 = vector.shape_cast %parallel_loop3A_885 : vector<1x16xf32> to vector<16xf32>
        %parallel_loop3A_887 = arith.addf %parallel_loop3A_882, %parallel_loop3A_886 : vector<16xf32>
        %parallel_loop3A_888 = arith.constant 0.000000e+00 : f32
        %parallel_loop3A_889 = vector.broadcast %parallel_loop3A_888 : f32 to vector<16xf32>
        %parallel_loop3A_890 = arith.maximumf %parallel_loop3A_887, %parallel_loop3A_889 : vector<16xf32>
        %parallel_loop3A_891 = arith.index_cast %parallel_loop3A_810 : i32 to index
        %parallel_loop3A_892 = arith.constant 64 : index
        %parallel_loop3A_893 = tpu.vector_load %arg9[%parallel_loop3A_891, %parallel_loop3A_892] {strides = array<i32>} : memref<200x128xf32, #tpu.memory_space<vmem>>, vector<1x16xf32>,
        %parallel_loop3A_894 = vector.shape_cast %parallel_loop3A_893 : vector<1x16xf32> to vector<16xf32>
        %parallel_loop3A_895 = vector.shape_cast %parallel_loop3A_890 : vector<16xf32> to vector<1x16xf32>
        tpu.vector_store %arg9[%parallel_loop3A_891, %parallel_loop3A_892], %parallel_loop3A_895 {strides = array<i32>} : memref<200x128xf32, #tpu.memory_space<vmem>>, vector<1x16xf32>,
        %parallel_loop3A_896 = arith.index_cast %parallel_loop3A_810 : i32 to index
        %parallel_loop3A_897 = arith.constant 80 : index
        %parallel_loop3A_898 = tpu.vector_load %arg7[%parallel_loop3A_896, %parallel_loop3A_897] {strides = array<i32>} : memref<200x128xf32, #tpu.memory_space<vmem>>, vector<1x16xf32>,
        %parallel_loop3A_899 = vector.shape_cast %parallel_loop3A_898 : vector<1x16xf32> to vector<16xf32>
        %parallel_loop3A_900 = arith.index_cast %parallel_loop3A_806 : i32 to index
        %parallel_loop3A_901 = arith.constant 80 : index
        %parallel_loop3A_902 = tpu.vector_load %arg11[%parallel_loop3A_900, %parallel_loop3A_901] {strides = array<i32>} : memref<60x128xf32, #tpu.memory_space<vmem>>, vector<1x16xf32>,
        %parallel_loop3A_903 = vector.shape_cast %parallel_loop3A_902 : vector<1x16xf32> to vector<16xf32>
        %parallel_loop3A_904 = arith.addf %parallel_loop3A_899, %parallel_loop3A_903 : vector<16xf32>
        %parallel_loop3A_905 = arith.constant 0.000000e+00 : f32
        %parallel_loop3A_906 = vector.broadcast %parallel_loop3A_905 : f32 to vector<16xf32>
        %parallel_loop3A_907 = arith.maximumf %parallel_loop3A_904, %parallel_loop3A_906 : vector<16xf32>
        %parallel_loop3A_908 = arith.index_cast %parallel_loop3A_810 : i32 to index
        %parallel_loop3A_909 = arith.constant 80 : index
        %parallel_loop3A_910 = tpu.vector_load %arg9[%parallel_loop3A_908, %parallel_loop3A_909] {strides = array<i32>} : memref<200x128xf32, #tpu.memory_space<vmem>>, vector<1x16xf32>,
        %parallel_loop3A_911 = vector.shape_cast %parallel_loop3A_910 : vector<1x16xf32> to vector<16xf32>
        %parallel_loop3A_912 = vector.shape_cast %parallel_loop3A_907 : vector<16xf32> to vector<1x16xf32>
        tpu.vector_store %arg9[%parallel_loop3A_908, %parallel_loop3A_909], %parallel_loop3A_912 {strides = array<i32>} : memref<200x128xf32, #tpu.memory_space<vmem>>, vector<1x16xf32>,
        %parallel_loop3A_913 = arith.index_cast %parallel_loop3A_810 : i32 to index
        %parallel_loop3A_914 = arith.constant 96 : index
        %parallel_loop3A_915 = tpu.vector_load %arg7[%parallel_loop3A_913, %parallel_loop3A_914] {strides = array<i32>} : memref<200x128xf32, #tpu.memory_space<vmem>>, vector<1x16xf32>,
        %parallel_loop3A_916 = vector.shape_cast %parallel_loop3A_915 : vector<1x16xf32> to vector<16xf32>
        %parallel_loop3A_917 = arith.index_cast %parallel_loop3A_806 : i32 to index
        %parallel_loop3A_918 = arith.constant 96 : index
        %parallel_loop3A_919 = tpu.vector_load %arg11[%parallel_loop3A_917, %parallel_loop3A_918] {strides = array<i32>} : memref<60x128xf32, #tpu.memory_space<vmem>>, vector<1x16xf32>,
        %parallel_loop3A_920 = vector.shape_cast %parallel_loop3A_919 : vector<1x16xf32> to vector<16xf32>
        %parallel_loop3A_921 = arith.addf %parallel_loop3A_916, %parallel_loop3A_920 : vector<16xf32>
        %parallel_loop3A_922 = arith.constant 0.000000e+00 : f32
        %parallel_loop3A_923 = vector.broadcast %parallel_loop3A_922 : f32 to vector<16xf32>
        %parallel_loop3A_924 = arith.maximumf %parallel_loop3A_921, %parallel_loop3A_923 : vector<16xf32>
        %parallel_loop3A_925 = arith.index_cast %parallel_loop3A_810 : i32 to index
        %parallel_loop3A_926 = arith.constant 96 : index
        %parallel_loop3A_927 = tpu.vector_load %arg9[%parallel_loop3A_925, %parallel_loop3A_926] {strides = array<i32>} : memref<200x128xf32, #tpu.memory_space<vmem>>, vector<1x16xf32>,
        %parallel_loop3A_928 = vector.shape_cast %parallel_loop3A_927 : vector<1x16xf32> to vector<16xf32>
        %parallel_loop3A_929 = vector.shape_cast %parallel_loop3A_924 : vector<16xf32> to vector<1x16xf32>
        tpu.vector_store %arg9[%parallel_loop3A_925, %parallel_loop3A_926], %parallel_loop3A_929 {strides = array<i32>} : memref<200x128xf32, #tpu.memory_space<vmem>>, vector<1x16xf32>,
        %parallel_loop3A_930 = arith.index_cast %parallel_loop3A_810 : i32 to index
        %parallel_loop3A_931 = arith.constant 112 : index
        %parallel_loop3A_932 = tpu.vector_load %arg7[%parallel_loop3A_930, %parallel_loop3A_931] {strides = array<i32>} : memref<200x128xf32, #tpu.memory_space<vmem>>, vector<1x16xf32>,
        %parallel_loop3A_933 = vector.shape_cast %parallel_loop3A_932 : vector<1x16xf32> to vector<16xf32>
        %parallel_loop3A_934 = arith.index_cast %parallel_loop3A_806 : i32 to index
        %parallel_loop3A_935 = arith.constant 112 : index
        %parallel_loop3A_936 = tpu.vector_load %arg11[%parallel_loop3A_934, %parallel_loop3A_935] {strides = array<i32>} : memref<60x128xf32, #tpu.memory_space<vmem>>, vector<1x16xf32>,
        %parallel_loop3A_937 = vector.shape_cast %parallel_loop3A_936 : vector<1x16xf32> to vector<16xf32>
        %parallel_loop3A_938 = arith.addf %parallel_loop3A_933, %parallel_loop3A_937 : vector<16xf32>
        %parallel_loop3A_939 = arith.constant 0.000000e+00 : f32
        %parallel_loop3A_940 = vector.broadcast %parallel_loop3A_939 : f32 to vector<16xf32>
        %parallel_loop3A_941 = arith.maximumf %parallel_loop3A_938, %parallel_loop3A_940 : vector<16xf32>
        %parallel_loop3A_942 = arith.index_cast %parallel_loop3A_810 : i32 to index
        %parallel_loop3A_943 = arith.constant 112 : index
        %parallel_loop3A_944 = tpu.vector_load %arg9[%parallel_loop3A_942, %parallel_loop3A_943] {strides = array<i32>} : memref<200x128xf32, #tpu.memory_space<vmem>>, vector<1x16xf32>,
        %parallel_loop3A_945 = vector.shape_cast %parallel_loop3A_944 : vector<1x16xf32> to vector<16xf32>
        %parallel_loop3A_946 = vector.shape_cast %parallel_loop3A_941 : vector<16xf32> to vector<1x16xf32>
        tpu.vector_store %arg9[%parallel_loop3A_942, %parallel_loop3A_943], %parallel_loop3A_946 {strides = array<i32>} : memref<200x128xf32, #tpu.memory_space<vmem>>, vector<1x16xf32>,
        %parallel_loop3A_947 = vector.extract_strided_slice %parallel_loop3A_94 {offsets = [6], sizes = [1], strides = [1]} : vector<16xi32> to vector<1xi32>
        %parallel_loop3A_948 = vector.extract %parallel_loop3A_947[0] : i32 from vector<1xi32>
        %parallel_loop3A_949 = arith.constant 8 : i32
        %parallel_loop3A_950 = arith.muli %parallel_loop3A_88, %parallel_loop3A_949 : i32
        %parallel_loop3A_951 = arith.constant 6 : i32
        %parallel_loop3A_952 = arith.addi %parallel_loop3A_950, %parallel_loop3A_951 : i32
        %parallel_loop3A_953 = arith.index_cast %parallel_loop3A_952 : i32 to index
        %parallel_loop3A_954 = arith.constant 0 : index
        %parallel_loop3A_955 = tpu.vector_load %arg7[%parallel_loop3A_953, %parallel_loop3A_954] {strides = array<i32>} : memref<200x128xf32, #tpu.memory_space<vmem>>, vector<1x16xf32>,
        %parallel_loop3A_956 = vector.shape_cast %parallel_loop3A_955 : vector<1x16xf32> to vector<16xf32>
        %parallel_loop3A_957 = arith.index_cast %parallel_loop3A_948 : i32 to index
        %parallel_loop3A_958 = arith.constant 0 : index
        %parallel_loop3A_959 = tpu.vector_load %arg11[%parallel_loop3A_957, %parallel_loop3A_958] {strides = array<i32>} : memref<60x128xf32, #tpu.memory_space<vmem>>, vector<1x16xf32>,
        %parallel_loop3A_960 = vector.shape_cast %parallel_loop3A_959 : vector<1x16xf32> to vector<16xf32>
        %parallel_loop3A_961 = arith.addf %parallel_loop3A_956, %parallel_loop3A_960 : vector<16xf32>
        %parallel_loop3A_962 = arith.constant 0.000000e+00 : f32
        %parallel_loop3A_963 = vector.broadcast %parallel_loop3A_962 : f32 to vector<16xf32>
        %parallel_loop3A_964 = arith.maximumf %parallel_loop3A_961, %parallel_loop3A_963 : vector<16xf32>
        %parallel_loop3A_965 = arith.index_cast %parallel_loop3A_952 : i32 to index
        %parallel_loop3A_966 = arith.constant 0 : index
        %parallel_loop3A_967 = tpu.vector_load %arg9[%parallel_loop3A_965, %parallel_loop3A_966] {strides = array<i32>} : memref<200x128xf32, #tpu.memory_space<vmem>>, vector<1x16xf32>,
        %parallel_loop3A_968 = vector.shape_cast %parallel_loop3A_967 : vector<1x16xf32> to vector<16xf32>
        %parallel_loop3A_969 = vector.shape_cast %parallel_loop3A_964 : vector<16xf32> to vector<1x16xf32>
        tpu.vector_store %arg9[%parallel_loop3A_965, %parallel_loop3A_966], %parallel_loop3A_969 {strides = array<i32>} : memref<200x128xf32, #tpu.memory_space<vmem>>, vector<1x16xf32>,
        %parallel_loop3A_970 = arith.index_cast %parallel_loop3A_952 : i32 to index
        %parallel_loop3A_971 = arith.constant 16 : index
        %parallel_loop3A_972 = tpu.vector_load %arg7[%parallel_loop3A_970, %parallel_loop3A_971] {strides = array<i32>} : memref<200x128xf32, #tpu.memory_space<vmem>>, vector<1x16xf32>,
        %parallel_loop3A_973 = vector.shape_cast %parallel_loop3A_972 : vector<1x16xf32> to vector<16xf32>
        %parallel_loop3A_974 = arith.index_cast %parallel_loop3A_948 : i32 to index
        %parallel_loop3A_975 = arith.constant 16 : index
        %parallel_loop3A_976 = tpu.vector_load %arg11[%parallel_loop3A_974, %parallel_loop3A_975] {strides = array<i32>} : memref<60x128xf32, #tpu.memory_space<vmem>>, vector<1x16xf32>,
        %parallel_loop3A_977 = vector.shape_cast %parallel_loop3A_976 : vector<1x16xf32> to vector<16xf32>
        %parallel_loop3A_978 = arith.addf %parallel_loop3A_973, %parallel_loop3A_977 : vector<16xf32>
        %parallel_loop3A_979 = arith.constant 0.000000e+00 : f32
        %parallel_loop3A_980 = vector.broadcast %parallel_loop3A_979 : f32 to vector<16xf32>
        %parallel_loop3A_981 = arith.maximumf %parallel_loop3A_978, %parallel_loop3A_980 : vector<16xf32>
        %parallel_loop3A_982 = arith.index_cast %parallel_loop3A_952 : i32 to index
        %parallel_loop3A_983 = arith.constant 16 : index
        %parallel_loop3A_984 = tpu.vector_load %arg9[%parallel_loop3A_982, %parallel_loop3A_983] {strides = array<i32>} : memref<200x128xf32, #tpu.memory_space<vmem>>, vector<1x16xf32>,
        %parallel_loop3A_985 = vector.shape_cast %parallel_loop3A_984 : vector<1x16xf32> to vector<16xf32>
        %parallel_loop3A_986 = vector.shape_cast %parallel_loop3A_981 : vector<16xf32> to vector<1x16xf32>
        tpu.vector_store %arg9[%parallel_loop3A_982, %parallel_loop3A_983], %parallel_loop3A_986 {strides = array<i32>} : memref<200x128xf32, #tpu.memory_space<vmem>>, vector<1x16xf32>,
        %parallel_loop3A_987 = arith.index_cast %parallel_loop3A_952 : i32 to index
        %parallel_loop3A_988 = arith.constant 32 : index
        %parallel_loop3A_989 = tpu.vector_load %arg7[%parallel_loop3A_987, %parallel_loop3A_988] {strides = array<i32>} : memref<200x128xf32, #tpu.memory_space<vmem>>, vector<1x16xf32>,
        %parallel_loop3A_990 = vector.shape_cast %parallel_loop3A_989 : vector<1x16xf32> to vector<16xf32>
        %parallel_loop3A_991 = arith.index_cast %parallel_loop3A_948 : i32 to index
        %parallel_loop3A_992 = arith.constant 32 : index
        %parallel_loop3A_993 = tpu.vector_load %arg11[%parallel_loop3A_991, %parallel_loop3A_992] {strides = array<i32>} : memref<60x128xf32, #tpu.memory_space<vmem>>, vector<1x16xf32>,
        %parallel_loop3A_994 = vector.shape_cast %parallel_loop3A_993 : vector<1x16xf32> to vector<16xf32>
        %parallel_loop3A_995 = arith.addf %parallel_loop3A_990, %parallel_loop3A_994 : vector<16xf32>
        %parallel_loop3A_996 = arith.constant 0.000000e+00 : f32
        %parallel_loop3A_997 = vector.broadcast %parallel_loop3A_996 : f32 to vector<16xf32>
        %parallel_loop3A_998 = arith.maximumf %parallel_loop3A_995, %parallel_loop3A_997 : vector<16xf32>
        %parallel_loop3A_999 = arith.index_cast %parallel_loop3A_952 : i32 to index
        %parallel_loop3A_1000 = arith.constant 32 : index
        %parallel_loop3A_1001 = tpu.vector_load %arg9[%parallel_loop3A_999, %parallel_loop3A_1000] {strides = array<i32>} : memref<200x128xf32, #tpu.memory_space<vmem>>, vector<1x16xf32>,
        %parallel_loop3A_1002 = vector.shape_cast %parallel_loop3A_1001 : vector<1x16xf32> to vector<16xf32>
        %parallel_loop3A_1003 = vector.shape_cast %parallel_loop3A_998 : vector<16xf32> to vector<1x16xf32>
        tpu.vector_store %arg9[%parallel_loop3A_999, %parallel_loop3A_1000], %parallel_loop3A_1003 {strides = array<i32>} : memref<200x128xf32, #tpu.memory_space<vmem>>, vector<1x16xf32>,
        %parallel_loop3A_1004 = arith.index_cast %parallel_loop3A_952 : i32 to index
        %parallel_loop3A_1005 = arith.constant 48 : index
        %parallel_loop3A_1006 = tpu.vector_load %arg7[%parallel_loop3A_1004, %parallel_loop3A_1005] {strides = array<i32>} : memref<200x128xf32, #tpu.memory_space<vmem>>, vector<1x16xf32>,
        %parallel_loop3A_1007 = vector.shape_cast %parallel_loop3A_1006 : vector<1x16xf32> to vector<16xf32>
        %parallel_loop3A_1008 = arith.index_cast %parallel_loop3A_948 : i32 to index
        %parallel_loop3A_1009 = arith.constant 48 : index
        %parallel_loop3A_1010 = tpu.vector_load %arg11[%parallel_loop3A_1008, %parallel_loop3A_1009] {strides = array<i32>} : memref<60x128xf32, #tpu.memory_space<vmem>>, vector<1x16xf32>,
        %parallel_loop3A_1011 = vector.shape_cast %parallel_loop3A_1010 : vector<1x16xf32> to vector<16xf32>
        %parallel_loop3A_1012 = arith.addf %parallel_loop3A_1007, %parallel_loop3A_1011 : vector<16xf32>
        %parallel_loop3A_1013 = arith.constant 0.000000e+00 : f32
        %parallel_loop3A_1014 = vector.broadcast %parallel_loop3A_1013 : f32 to vector<16xf32>
        %parallel_loop3A_1015 = arith.maximumf %parallel_loop3A_1012, %parallel_loop3A_1014 : vector<16xf32>
        %parallel_loop3A_1016 = arith.index_cast %parallel_loop3A_952 : i32 to index
        %parallel_loop3A_1017 = arith.constant 48 : index
        %parallel_loop3A_1018 = tpu.vector_load %arg9[%parallel_loop3A_1016, %parallel_loop3A_1017] {strides = array<i32>} : memref<200x128xf32, #tpu.memory_space<vmem>>, vector<1x16xf32>,
        %parallel_loop3A_1019 = vector.shape_cast %parallel_loop3A_1018 : vector<1x16xf32> to vector<16xf32>
        %parallel_loop3A_1020 = vector.shape_cast %parallel_loop3A_1015 : vector<16xf32> to vector<1x16xf32>
        tpu.vector_store %arg9[%parallel_loop3A_1016, %parallel_loop3A_1017], %parallel_loop3A_1020 {strides = array<i32>} : memref<200x128xf32, #tpu.memory_space<vmem>>, vector<1x16xf32>,
        %parallel_loop3A_1021 = arith.index_cast %parallel_loop3A_952 : i32 to index
        %parallel_loop3A_1022 = arith.constant 64 : index
        %parallel_loop3A_1023 = tpu.vector_load %arg7[%parallel_loop3A_1021, %parallel_loop3A_1022] {strides = array<i32>} : memref<200x128xf32, #tpu.memory_space<vmem>>, vector<1x16xf32>,
        %parallel_loop3A_1024 = vector.shape_cast %parallel_loop3A_1023 : vector<1x16xf32> to vector<16xf32>
        %parallel_loop3A_1025 = arith.index_cast %parallel_loop3A_948 : i32 to index
        %parallel_loop3A_1026 = arith.constant 64 : index
        %parallel_loop3A_1027 = tpu.vector_load %arg11[%parallel_loop3A_1025, %parallel_loop3A_1026] {strides = array<i32>} : memref<60x128xf32, #tpu.memory_space<vmem>>, vector<1x16xf32>,
        %parallel_loop3A_1028 = vector.shape_cast %parallel_loop3A_1027 : vector<1x16xf32> to vector<16xf32>
        %parallel_loop3A_1029 = arith.addf %parallel_loop3A_1024, %parallel_loop3A_1028 : vector<16xf32>
        %parallel_loop3A_1030 = arith.constant 0.000000e+00 : f32
        %parallel_loop3A_1031 = vector.broadcast %parallel_loop3A_1030 : f32 to vector<16xf32>
        %parallel_loop3A_1032 = arith.maximumf %parallel_loop3A_1029, %parallel_loop3A_1031 : vector<16xf32>
        %parallel_loop3A_1033 = arith.index_cast %parallel_loop3A_952 : i32 to index
        %parallel_loop3A_1034 = arith.constant 64 : index
        %parallel_loop3A_1035 = tpu.vector_load %arg9[%parallel_loop3A_1033, %parallel_loop3A_1034] {strides = array<i32>} : memref<200x128xf32, #tpu.memory_space<vmem>>, vector<1x16xf32>,
        %parallel_loop3A_1036 = vector.shape_cast %parallel_loop3A_1035 : vector<1x16xf32> to vector<16xf32>
        %parallel_loop3A_1037 = vector.shape_cast %parallel_loop3A_1032 : vector<16xf32> to vector<1x16xf32>
        tpu.vector_store %arg9[%parallel_loop3A_1033, %parallel_loop3A_1034], %parallel_loop3A_1037 {strides = array<i32>} : memref<200x128xf32, #tpu.memory_space<vmem>>, vector<1x16xf32>,
        %parallel_loop3A_1038 = arith.index_cast %parallel_loop3A_952 : i32 to index
        %parallel_loop3A_1039 = arith.constant 80 : index
        %parallel_loop3A_1040 = tpu.vector_load %arg7[%parallel_loop3A_1038, %parallel_loop3A_1039] {strides = array<i32>} : memref<200x128xf32, #tpu.memory_space<vmem>>, vector<1x16xf32>,
        %parallel_loop3A_1041 = vector.shape_cast %parallel_loop3A_1040 : vector<1x16xf32> to vector<16xf32>
        %parallel_loop3A_1042 = arith.index_cast %parallel_loop3A_948 : i32 to index
        %parallel_loop3A_1043 = arith.constant 80 : index
        %parallel_loop3A_1044 = tpu.vector_load %arg11[%parallel_loop3A_1042, %parallel_loop3A_1043] {strides = array<i32>} : memref<60x128xf32, #tpu.memory_space<vmem>>, vector<1x16xf32>,
        %parallel_loop3A_1045 = vector.shape_cast %parallel_loop3A_1044 : vector<1x16xf32> to vector<16xf32>
        %parallel_loop3A_1046 = arith.addf %parallel_loop3A_1041, %parallel_loop3A_1045 : vector<16xf32>
        %parallel_loop3A_1047 = arith.constant 0.000000e+00 : f32
        %parallel_loop3A_1048 = vector.broadcast %parallel_loop3A_1047 : f32 to vector<16xf32>
        %parallel_loop3A_1049 = arith.maximumf %parallel_loop3A_1046, %parallel_loop3A_1048 : vector<16xf32>
        %parallel_loop3A_1050 = arith.index_cast %parallel_loop3A_952 : i32 to index
        %parallel_loop3A_1051 = arith.constant 80 : index
        %parallel_loop3A_1052 = tpu.vector_load %arg9[%parallel_loop3A_1050, %parallel_loop3A_1051] {strides = array<i32>} : memref<200x128xf32, #tpu.memory_space<vmem>>, vector<1x16xf32>,
        %parallel_loop3A_1053 = vector.shape_cast %parallel_loop3A_1052 : vector<1x16xf32> to vector<16xf32>
        %parallel_loop3A_1054 = vector.shape_cast %parallel_loop3A_1049 : vector<16xf32> to vector<1x16xf32>
        tpu.vector_store %arg9[%parallel_loop3A_1050, %parallel_loop3A_1051], %parallel_loop3A_1054 {strides = array<i32>} : memref<200x128xf32, #tpu.memory_space<vmem>>, vector<1x16xf32>,
        %parallel_loop3A_1055 = arith.index_cast %parallel_loop3A_952 : i32 to index
        %parallel_loop3A_1056 = arith.constant 96 : index
        %parallel_loop3A_1057 = tpu.vector_load %arg7[%parallel_loop3A_1055, %parallel_loop3A_1056] {strides = array<i32>} : memref<200x128xf32, #tpu.memory_space<vmem>>, vector<1x16xf32>,
        %parallel_loop3A_1058 = vector.shape_cast %parallel_loop3A_1057 : vector<1x16xf32> to vector<16xf32>
        %parallel_loop3A_1059 = arith.index_cast %parallel_loop3A_948 : i32 to index
        %parallel_loop3A_1060 = arith.constant 96 : index
        %parallel_loop3A_1061 = tpu.vector_load %arg11[%parallel_loop3A_1059, %parallel_loop3A_1060] {strides = array<i32>} : memref<60x128xf32, #tpu.memory_space<vmem>>, vector<1x16xf32>,
        %parallel_loop3A_1062 = vector.shape_cast %parallel_loop3A_1061 : vector<1x16xf32> to vector<16xf32>
        %parallel_loop3A_1063 = arith.addf %parallel_loop3A_1058, %parallel_loop3A_1062 : vector<16xf32>
        %parallel_loop3A_1064 = arith.constant 0.000000e+00 : f32
        %parallel_loop3A_1065 = vector.broadcast %parallel_loop3A_1064 : f32 to vector<16xf32>
        %parallel_loop3A_1066 = arith.maximumf %parallel_loop3A_1063, %parallel_loop3A_1065 : vector<16xf32>
        %parallel_loop3A_1067 = arith.index_cast %parallel_loop3A_952 : i32 to index
        %parallel_loop3A_1068 = arith.constant 96 : index
        %parallel_loop3A_1069 = tpu.vector_load %arg9[%parallel_loop3A_1067, %parallel_loop3A_1068] {strides = array<i32>} : memref<200x128xf32, #tpu.memory_space<vmem>>, vector<1x16xf32>,
        %parallel_loop3A_1070 = vector.shape_cast %parallel_loop3A_1069 : vector<1x16xf32> to vector<16xf32>
        %parallel_loop3A_1071 = vector.shape_cast %parallel_loop3A_1066 : vector<16xf32> to vector<1x16xf32>
        tpu.vector_store %arg9[%parallel_loop3A_1067, %parallel_loop3A_1068], %parallel_loop3A_1071 {strides = array<i32>} : memref<200x128xf32, #tpu.memory_space<vmem>>, vector<1x16xf32>,
        %parallel_loop3A_1072 = arith.index_cast %parallel_loop3A_952 : i32 to index
        %parallel_loop3A_1073 = arith.constant 112 : index
        %parallel_loop3A_1074 = tpu.vector_load %arg7[%parallel_loop3A_1072, %parallel_loop3A_1073] {strides = array<i32>} : memref<200x128xf32, #tpu.memory_space<vmem>>, vector<1x16xf32>,
        %parallel_loop3A_1075 = vector.shape_cast %parallel_loop3A_1074 : vector<1x16xf32> to vector<16xf32>
        %parallel_loop3A_1076 = arith.index_cast %parallel_loop3A_948 : i32 to index
        %parallel_loop3A_1077 = arith.constant 112 : index
        %parallel_loop3A_1078 = tpu.vector_load %arg11[%parallel_loop3A_1076, %parallel_loop3A_1077] {strides = array<i32>} : memref<60x128xf32, #tpu.memory_space<vmem>>, vector<1x16xf32>,
        %parallel_loop3A_1079 = vector.shape_cast %parallel_loop3A_1078 : vector<1x16xf32> to vector<16xf32>
        %parallel_loop3A_1080 = arith.addf %parallel_loop3A_1075, %parallel_loop3A_1079 : vector<16xf32>
        %parallel_loop3A_1081 = arith.constant 0.000000e+00 : f32
        %parallel_loop3A_1082 = vector.broadcast %parallel_loop3A_1081 : f32 to vector<16xf32>
        %parallel_loop3A_1083 = arith.maximumf %parallel_loop3A_1080, %parallel_loop3A_1082 : vector<16xf32>
        %parallel_loop3A_1084 = arith.index_cast %parallel_loop3A_952 : i32 to index
        %parallel_loop3A_1085 = arith.constant 112 : index
        %parallel_loop3A_1086 = tpu.vector_load %arg9[%parallel_loop3A_1084, %parallel_loop3A_1085] {strides = array<i32>} : memref<200x128xf32, #tpu.memory_space<vmem>>, vector<1x16xf32>,
        %parallel_loop3A_1087 = vector.shape_cast %parallel_loop3A_1086 : vector<1x16xf32> to vector<16xf32>
        %parallel_loop3A_1088 = vector.shape_cast %parallel_loop3A_1083 : vector<16xf32> to vector<1x16xf32>
        tpu.vector_store %arg9[%parallel_loop3A_1084, %parallel_loop3A_1085], %parallel_loop3A_1088 {strides = array<i32>} : memref<200x128xf32, #tpu.memory_space<vmem>>, vector<1x16xf32>,
        %parallel_loop3A_1089 = vector.extract_strided_slice %parallel_loop3A_94 {offsets = [7], sizes = [1], strides = [1]} : vector<16xi32> to vector<1xi32>
        %parallel_loop3A_1090 = vector.extract %parallel_loop3A_1089[0] : i32 from vector<1xi32>
        %parallel_loop3A_1091 = arith.constant 8 : i32
        %parallel_loop3A_1092 = arith.muli %parallel_loop3A_88, %parallel_loop3A_1091 : i32
        %parallel_loop3A_1093 = arith.constant 7 : i32
        %parallel_loop3A_1094 = arith.addi %parallel_loop3A_1092, %parallel_loop3A_1093 : i32
        %parallel_loop3A_1095 = arith.index_cast %parallel_loop3A_1094 : i32 to index
        %parallel_loop3A_1096 = arith.constant 0 : index
        %parallel_loop3A_1097 = tpu.vector_load %arg7[%parallel_loop3A_1095, %parallel_loop3A_1096] {strides = array<i32>} : memref<200x128xf32, #tpu.memory_space<vmem>>, vector<1x16xf32>,
        %parallel_loop3A_1098 = vector.shape_cast %parallel_loop3A_1097 : vector<1x16xf32> to vector<16xf32>
        %parallel_loop3A_1099 = arith.index_cast %parallel_loop3A_1090 : i32 to index
        %parallel_loop3A_1100 = arith.constant 0 : index
        %parallel_loop3A_1101 = tpu.vector_load %arg11[%parallel_loop3A_1099, %parallel_loop3A_1100] {strides = array<i32>} : memref<60x128xf32, #tpu.memory_space<vmem>>, vector<1x16xf32>,
        %parallel_loop3A_1102 = vector.shape_cast %parallel_loop3A_1101 : vector<1x16xf32> to vector<16xf32>
        %parallel_loop3A_1103 = arith.addf %parallel_loop3A_1098, %parallel_loop3A_1102 : vector<16xf32>
        %parallel_loop3A_1104 = arith.constant 0.000000e+00 : f32
        %parallel_loop3A_1105 = vector.broadcast %parallel_loop3A_1104 : f32 to vector<16xf32>
        %parallel_loop3A_1106 = arith.maximumf %parallel_loop3A_1103, %parallel_loop3A_1105 : vector<16xf32>
        %parallel_loop3A_1107 = arith.index_cast %parallel_loop3A_1094 : i32 to index
        %parallel_loop3A_1108 = arith.constant 0 : index
        %parallel_loop3A_1109 = tpu.vector_load %arg9[%parallel_loop3A_1107, %parallel_loop3A_1108] {strides = array<i32>} : memref<200x128xf32, #tpu.memory_space<vmem>>, vector<1x16xf32>,
        %parallel_loop3A_1110 = vector.shape_cast %parallel_loop3A_1109 : vector<1x16xf32> to vector<16xf32>
        %parallel_loop3A_1111 = vector.shape_cast %parallel_loop3A_1106 : vector<16xf32> to vector<1x16xf32>
        tpu.vector_store %arg9[%parallel_loop3A_1107, %parallel_loop3A_1108], %parallel_loop3A_1111 {strides = array<i32>} : memref<200x128xf32, #tpu.memory_space<vmem>>, vector<1x16xf32>,
        %parallel_loop3A_1112 = arith.index_cast %parallel_loop3A_1094 : i32 to index
        %parallel_loop3A_1113 = arith.constant 16 : index
        %parallel_loop3A_1114 = tpu.vector_load %arg7[%parallel_loop3A_1112, %parallel_loop3A_1113] {strides = array<i32>} : memref<200x128xf32, #tpu.memory_space<vmem>>, vector<1x16xf32>,
        %parallel_loop3A_1115 = vector.shape_cast %parallel_loop3A_1114 : vector<1x16xf32> to vector<16xf32>
        %parallel_loop3A_1116 = arith.index_cast %parallel_loop3A_1090 : i32 to index
        %parallel_loop3A_1117 = arith.constant 16 : index
        %parallel_loop3A_1118 = tpu.vector_load %arg11[%parallel_loop3A_1116, %parallel_loop3A_1117] {strides = array<i32>} : memref<60x128xf32, #tpu.memory_space<vmem>>, vector<1x16xf32>,
        %parallel_loop3A_1119 = vector.shape_cast %parallel_loop3A_1118 : vector<1x16xf32> to vector<16xf32>
        %parallel_loop3A_1120 = arith.addf %parallel_loop3A_1115, %parallel_loop3A_1119 : vector<16xf32>
        %parallel_loop3A_1121 = arith.constant 0.000000e+00 : f32
        %parallel_loop3A_1122 = vector.broadcast %parallel_loop3A_1121 : f32 to vector<16xf32>
        %parallel_loop3A_1123 = arith.maximumf %parallel_loop3A_1120, %parallel_loop3A_1122 : vector<16xf32>
        %parallel_loop3A_1124 = arith.index_cast %parallel_loop3A_1094 : i32 to index
        %parallel_loop3A_1125 = arith.constant 16 : index
        %parallel_loop3A_1126 = tpu.vector_load %arg9[%parallel_loop3A_1124, %parallel_loop3A_1125] {strides = array<i32>} : memref<200x128xf32, #tpu.memory_space<vmem>>, vector<1x16xf32>,
        %parallel_loop3A_1127 = vector.shape_cast %parallel_loop3A_1126 : vector<1x16xf32> to vector<16xf32>
        %parallel_loop3A_1128 = vector.shape_cast %parallel_loop3A_1123 : vector<16xf32> to vector<1x16xf32>
        tpu.vector_store %arg9[%parallel_loop3A_1124, %parallel_loop3A_1125], %parallel_loop3A_1128 {strides = array<i32>} : memref<200x128xf32, #tpu.memory_space<vmem>>, vector<1x16xf32>,
        %parallel_loop3A_1129 = arith.index_cast %parallel_loop3A_1094 : i32 to index
        %parallel_loop3A_1130 = arith.constant 32 : index
        %parallel_loop3A_1131 = tpu.vector_load %arg7[%parallel_loop3A_1129, %parallel_loop3A_1130] {strides = array<i32>} : memref<200x128xf32, #tpu.memory_space<vmem>>, vector<1x16xf32>,
        %parallel_loop3A_1132 = vector.shape_cast %parallel_loop3A_1131 : vector<1x16xf32> to vector<16xf32>
        %parallel_loop3A_1133 = arith.index_cast %parallel_loop3A_1090 : i32 to index
        %parallel_loop3A_1134 = arith.constant 32 : index
        %parallel_loop3A_1135 = tpu.vector_load %arg11[%parallel_loop3A_1133, %parallel_loop3A_1134] {strides = array<i32>} : memref<60x128xf32, #tpu.memory_space<vmem>>, vector<1x16xf32>,
        %parallel_loop3A_1136 = vector.shape_cast %parallel_loop3A_1135 : vector<1x16xf32> to vector<16xf32>
        %parallel_loop3A_1137 = arith.addf %parallel_loop3A_1132, %parallel_loop3A_1136 : vector<16xf32>
        %parallel_loop3A_1138 = arith.constant 0.000000e+00 : f32
        %parallel_loop3A_1139 = vector.broadcast %parallel_loop3A_1138 : f32 to vector<16xf32>
        %parallel_loop3A_1140 = arith.maximumf %parallel_loop3A_1137, %parallel_loop3A_1139 : vector<16xf32>
        %parallel_loop3A_1141 = arith.index_cast %parallel_loop3A_1094 : i32 to index
        %parallel_loop3A_1142 = arith.constant 32 : index
        %parallel_loop3A_1143 = tpu.vector_load %arg9[%parallel_loop3A_1141, %parallel_loop3A_1142] {strides = array<i32>} : memref<200x128xf32, #tpu.memory_space<vmem>>, vector<1x16xf32>,
        %parallel_loop3A_1144 = vector.shape_cast %parallel_loop3A_1143 : vector<1x16xf32> to vector<16xf32>
        %parallel_loop3A_1145 = vector.shape_cast %parallel_loop3A_1140 : vector<16xf32> to vector<1x16xf32>
        tpu.vector_store %arg9[%parallel_loop3A_1141, %parallel_loop3A_1142], %parallel_loop3A_1145 {strides = array<i32>} : memref<200x128xf32, #tpu.memory_space<vmem>>, vector<1x16xf32>,
        %parallel_loop3A_1146 = arith.index_cast %parallel_loop3A_1094 : i32 to index
        %parallel_loop3A_1147 = arith.constant 48 : index
        %parallel_loop3A_1148 = tpu.vector_load %arg7[%parallel_loop3A_1146, %parallel_loop3A_1147] {strides = array<i32>} : memref<200x128xf32, #tpu.memory_space<vmem>>, vector<1x16xf32>,
        %parallel_loop3A_1149 = vector.shape_cast %parallel_loop3A_1148 : vector<1x16xf32> to vector<16xf32>
        %parallel_loop3A_1150 = arith.index_cast %parallel_loop3A_1090 : i32 to index
        %parallel_loop3A_1151 = arith.constant 48 : index
        %parallel_loop3A_1152 = tpu.vector_load %arg11[%parallel_loop3A_1150, %parallel_loop3A_1151] {strides = array<i32>} : memref<60x128xf32, #tpu.memory_space<vmem>>, vector<1x16xf32>,
        %parallel_loop3A_1153 = vector.shape_cast %parallel_loop3A_1152 : vector<1x16xf32> to vector<16xf32>
        %parallel_loop3A_1154 = arith.addf %parallel_loop3A_1149, %parallel_loop3A_1153 : vector<16xf32>
        %parallel_loop3A_1155 = arith.constant 0.000000e+00 : f32
        %parallel_loop3A_1156 = vector.broadcast %parallel_loop3A_1155 : f32 to vector<16xf32>
        %parallel_loop3A_1157 = arith.maximumf %parallel_loop3A_1154, %parallel_loop3A_1156 : vector<16xf32>
        %parallel_loop3A_1158 = arith.index_cast %parallel_loop3A_1094 : i32 to index
        %parallel_loop3A_1159 = arith.constant 48 : index
        %parallel_loop3A_1160 = tpu.vector_load %arg9[%parallel_loop3A_1158, %parallel_loop3A_1159] {strides = array<i32>} : memref<200x128xf32, #tpu.memory_space<vmem>>, vector<1x16xf32>,
        %parallel_loop3A_1161 = vector.shape_cast %parallel_loop3A_1160 : vector<1x16xf32> to vector<16xf32>
        %parallel_loop3A_1162 = vector.shape_cast %parallel_loop3A_1157 : vector<16xf32> to vector<1x16xf32>
        tpu.vector_store %arg9[%parallel_loop3A_1158, %parallel_loop3A_1159], %parallel_loop3A_1162 {strides = array<i32>} : memref<200x128xf32, #tpu.memory_space<vmem>>, vector<1x16xf32>,
        %parallel_loop3A_1163 = arith.index_cast %parallel_loop3A_1094 : i32 to index
        %parallel_loop3A_1164 = arith.constant 64 : index
        %parallel_loop3A_1165 = tpu.vector_load %arg7[%parallel_loop3A_1163, %parallel_loop3A_1164] {strides = array<i32>} : memref<200x128xf32, #tpu.memory_space<vmem>>, vector<1x16xf32>,
        %parallel_loop3A_1166 = vector.shape_cast %parallel_loop3A_1165 : vector<1x16xf32> to vector<16xf32>
        %parallel_loop3A_1167 = arith.index_cast %parallel_loop3A_1090 : i32 to index
        %parallel_loop3A_1168 = arith.constant 64 : index
        %parallel_loop3A_1169 = tpu.vector_load %arg11[%parallel_loop3A_1167, %parallel_loop3A_1168] {strides = array<i32>} : memref<60x128xf32, #tpu.memory_space<vmem>>, vector<1x16xf32>,
        %parallel_loop3A_1170 = vector.shape_cast %parallel_loop3A_1169 : vector<1x16xf32> to vector<16xf32>
        %parallel_loop3A_1171 = arith.addf %parallel_loop3A_1166, %parallel_loop3A_1170 : vector<16xf32>
        %parallel_loop3A_1172 = arith.constant 0.000000e+00 : f32
        %parallel_loop3A_1173 = vector.broadcast %parallel_loop3A_1172 : f32 to vector<16xf32>
        %parallel_loop3A_1174 = arith.maximumf %parallel_loop3A_1171, %parallel_loop3A_1173 : vector<16xf32>
        %parallel_loop3A_1175 = arith.index_cast %parallel_loop3A_1094 : i32 to index
        %parallel_loop3A_1176 = arith.constant 64 : index
        %parallel_loop3A_1177 = tpu.vector_load %arg9[%parallel_loop3A_1175, %parallel_loop3A_1176] {strides = array<i32>} : memref<200x128xf32, #tpu.memory_space<vmem>>, vector<1x16xf32>,
        %parallel_loop3A_1178 = vector.shape_cast %parallel_loop3A_1177 : vector<1x16xf32> to vector<16xf32>
        %parallel_loop3A_1179 = vector.shape_cast %parallel_loop3A_1174 : vector<16xf32> to vector<1x16xf32>
        tpu.vector_store %arg9[%parallel_loop3A_1175, %parallel_loop3A_1176], %parallel_loop3A_1179 {strides = array<i32>} : memref<200x128xf32, #tpu.memory_space<vmem>>, vector<1x16xf32>,
        %parallel_loop3A_1180 = arith.index_cast %parallel_loop3A_1094 : i32 to index
        %parallel_loop3A_1181 = arith.constant 80 : index
        %parallel_loop3A_1182 = tpu.vector_load %arg7[%parallel_loop3A_1180, %parallel_loop3A_1181] {strides = array<i32>} : memref<200x128xf32, #tpu.memory_space<vmem>>, vector<1x16xf32>,
        %parallel_loop3A_1183 = vector.shape_cast %parallel_loop3A_1182 : vector<1x16xf32> to vector<16xf32>
        %parallel_loop3A_1184 = arith.index_cast %parallel_loop3A_1090 : i32 to index
        %parallel_loop3A_1185 = arith.constant 80 : index
        %parallel_loop3A_1186 = tpu.vector_load %arg11[%parallel_loop3A_1184, %parallel_loop3A_1185] {strides = array<i32>} : memref<60x128xf32, #tpu.memory_space<vmem>>, vector<1x16xf32>,
        %parallel_loop3A_1187 = vector.shape_cast %parallel_loop3A_1186 : vector<1x16xf32> to vector<16xf32>
        %parallel_loop3A_1188 = arith.addf %parallel_loop3A_1183, %parallel_loop3A_1187 : vector<16xf32>
        %parallel_loop3A_1189 = arith.constant 0.000000e+00 : f32
        %parallel_loop3A_1190 = vector.broadcast %parallel_loop3A_1189 : f32 to vector<16xf32>
        %parallel_loop3A_1191 = arith.maximumf %parallel_loop3A_1188, %parallel_loop3A_1190 : vector<16xf32>
        %parallel_loop3A_1192 = arith.index_cast %parallel_loop3A_1094 : i32 to index
        %parallel_loop3A_1193 = arith.constant 80 : index
        %parallel_loop3A_1194 = tpu.vector_load %arg9[%parallel_loop3A_1192, %parallel_loop3A_1193] {strides = array<i32>} : memref<200x128xf32, #tpu.memory_space<vmem>>, vector<1x16xf32>,
        %parallel_loop3A_1195 = vector.shape_cast %parallel_loop3A_1194 : vector<1x16xf32> to vector<16xf32>
        %parallel_loop3A_1196 = vector.shape_cast %parallel_loop3A_1191 : vector<16xf32> to vector<1x16xf32>
        tpu.vector_store %arg9[%parallel_loop3A_1192, %parallel_loop3A_1193], %parallel_loop3A_1196 {strides = array<i32>} : memref<200x128xf32, #tpu.memory_space<vmem>>, vector<1x16xf32>,
        %parallel_loop3A_1197 = arith.index_cast %parallel_loop3A_1094 : i32 to index
        %parallel_loop3A_1198 = arith.constant 96 : index
        %parallel_loop3A_1199 = tpu.vector_load %arg7[%parallel_loop3A_1197, %parallel_loop3A_1198] {strides = array<i32>} : memref<200x128xf32, #tpu.memory_space<vmem>>, vector<1x16xf32>,
        %parallel_loop3A_1200 = vector.shape_cast %parallel_loop3A_1199 : vector<1x16xf32> to vector<16xf32>
        %parallel_loop3A_1201 = arith.index_cast %parallel_loop3A_1090 : i32 to index
        %parallel_loop3A_1202 = arith.constant 96 : index
        %parallel_loop3A_1203 = tpu.vector_load %arg11[%parallel_loop3A_1201, %parallel_loop3A_1202] {strides = array<i32>} : memref<60x128xf32, #tpu.memory_space<vmem>>, vector<1x16xf32>,
        %parallel_loop3A_1204 = vector.shape_cast %parallel_loop3A_1203 : vector<1x16xf32> to vector<16xf32>
        %parallel_loop3A_1205 = arith.addf %parallel_loop3A_1200, %parallel_loop3A_1204 : vector<16xf32>
        %parallel_loop3A_1206 = arith.constant 0.000000e+00 : f32
        %parallel_loop3A_1207 = vector.broadcast %parallel_loop3A_1206 : f32 to vector<16xf32>
        %parallel_loop3A_1208 = arith.maximumf %parallel_loop3A_1205, %parallel_loop3A_1207 : vector<16xf32>
        %parallel_loop3A_1209 = arith.index_cast %parallel_loop3A_1094 : i32 to index
        %parallel_loop3A_1210 = arith.constant 96 : index
        %parallel_loop3A_1211 = tpu.vector_load %arg9[%parallel_loop3A_1209, %parallel_loop3A_1210] {strides = array<i32>} : memref<200x128xf32, #tpu.memory_space<vmem>>, vector<1x16xf32>,
        %parallel_loop3A_1212 = vector.shape_cast %parallel_loop3A_1211 : vector<1x16xf32> to vector<16xf32>
        %parallel_loop3A_1213 = vector.shape_cast %parallel_loop3A_1208 : vector<16xf32> to vector<1x16xf32>
        tpu.vector_store %arg9[%parallel_loop3A_1209, %parallel_loop3A_1210], %parallel_loop3A_1213 {strides = array<i32>} : memref<200x128xf32, #tpu.memory_space<vmem>>, vector<1x16xf32>,
        %parallel_loop3A_1214 = arith.index_cast %parallel_loop3A_1094 : i32 to index
        %parallel_loop3A_1215 = arith.constant 112 : index
        %parallel_loop3A_1216 = tpu.vector_load %arg7[%parallel_loop3A_1214, %parallel_loop3A_1215] {strides = array<i32>} : memref<200x128xf32, #tpu.memory_space<vmem>>, vector<1x16xf32>,
        %parallel_loop3A_1217 = vector.shape_cast %parallel_loop3A_1216 : vector<1x16xf32> to vector<16xf32>
        %parallel_loop3A_1218 = arith.index_cast %parallel_loop3A_1090 : i32 to index
        %parallel_loop3A_1219 = arith.constant 112 : index
        %parallel_loop3A_1220 = tpu.vector_load %arg11[%parallel_loop3A_1218, %parallel_loop3A_1219] {strides = array<i32>} : memref<60x128xf32, #tpu.memory_space<vmem>>, vector<1x16xf32>,
        %parallel_loop3A_1221 = vector.shape_cast %parallel_loop3A_1220 : vector<1x16xf32> to vector<16xf32>
        %parallel_loop3A_1222 = arith.addf %parallel_loop3A_1217, %parallel_loop3A_1221 : vector<16xf32>
        %parallel_loop3A_1223 = arith.constant 0.000000e+00 : f32
        %parallel_loop3A_1224 = vector.broadcast %parallel_loop3A_1223 : f32 to vector<16xf32>
        %parallel_loop3A_1225 = arith.maximumf %parallel_loop3A_1222, %parallel_loop3A_1224 : vector<16xf32>
        %parallel_loop3A_1226 = arith.index_cast %parallel_loop3A_1094 : i32 to index
        %parallel_loop3A_1227 = arith.constant 112 : index
        %parallel_loop3A_1228 = tpu.vector_load %arg9[%parallel_loop3A_1226, %parallel_loop3A_1227] {strides = array<i32>} : memref<200x128xf32, #tpu.memory_space<vmem>>, vector<1x16xf32>,
        %parallel_loop3A_1229 = vector.shape_cast %parallel_loop3A_1228 : vector<1x16xf32> to vector<16xf32>
        %parallel_loop3A_1230 = vector.shape_cast %parallel_loop3A_1225 : vector<16xf32> to vector<1x16xf32>
        tpu.vector_store %arg9[%parallel_loop3A_1226, %parallel_loop3A_1227], %parallel_loop3A_1230 {strides = array<i32>} : memref<200x128xf32, #tpu.memory_space<vmem>>, vector<1x16xf32>,
      } {sc.loop_unroll_factor = 1 : i64, sc.parallel_access}
      %add3A_79 = arith.constant 1 : i32
      %add3A_80 = arith.addi %mul3A_26, %add3A_79 : i32
      %mul3A_81 = arith.constant 200 : i32
      %mul3A_82 = arith.muli %add3A_80, %mul3A_81 : i32
      %add3A_83 = arith.addi %mul3A_2, %mul3A_82 : i32
      %dma_start3A_84 = arith.constant 0 : i32
      %dma_start3A_85 = tpu.memref_slice %arg5[%add3A_83, %dma_start3A_84] : memref<320000x128xf32, #tpu.memory_space<hbm>> -> memref<200x128xf32, #tpu.memory_space<hbm>>
      %dma_start3A_86 = arith.constant 0 : i32
      %dma_start3A_87 = tpu.memref_slice %arg5[%add3A_83, %dma_start3A_86] : memref<320000x128xf32, #tpu.memory_space<hbm>> -> memref<200x128xf32, #tpu.memory_space<hbm>>
      tpu.enqueue_dma source(%arg9 : memref<200x128xf32, #tpu.memory_space<vmem>>) target(%dma_start3A_87 : memref<200x128xf32, #tpu.memory_space<hbm>>) target_semaphore(%arg15 : memref<!tpu.dma_semaphore, #tpu.memory_space<semaphore_mem>>)
    }
    %scan3A_12 = arith.constant 25 : i32
    %dma_wait3A = arith.constant 0 : i32
    %dma_wait3A_13 = arith.constant 0 : i32
    %dma_wait3A_14 = tpu.memref_slice %arg5[%dma_wait3A, %dma_wait3A_13] : memref<320000x128xf32, #tpu.memory_space<hbm>> -> memref<200x128xf32, #tpu.memory_space<hbm>>
    %dma_wait3A_15 = arith.constant 0 : i32
    %dma_wait3A_16 = arith.constant 0 : i32
    %dma_wait3A_17 = tpu.memref_slice %arg5[%dma_wait3A_15, %dma_wait3A_16] : memref<320000x128xf32, #tpu.memory_space<hbm>> -> memref<200x128xf32, #tpu.memory_space<hbm>>
    tpu.wait_dma2 semaphore(%arg14 : memref<!tpu.dma_semaphore, #tpu.memory_space<semaphore_mem>>) src(%arg8 : memref<200x128xf32, #tpu.memory_space<vmem>>) dst(%dma_wait3A_17 : memref<200x128xf32, #tpu.memory_space<hbm>>)
    %dma_wait3A_18 = arith.constant 0 : i32
    %dma_wait3A_19 = arith.constant 0 : i32
    %dma_wait3A_20 = tpu.memref_slice %arg5[%dma_wait3A_18, %dma_wait3A_19] : memref<320000x128xf32, #tpu.memory_space<hbm>> -> memref<200x128xf32, #tpu.memory_space<hbm>>
    %dma_wait3A_21 = arith.constant 0 : i32
    %dma_wait3A_22 = arith.constant 0 : i32
    %dma_wait3A_23 = tpu.memref_slice %arg5[%dma_wait3A_21, %dma_wait3A_22] : memref<320000x128xf32, #tpu.memory_space<hbm>> -> memref<200x128xf32, #tpu.memory_space<hbm>>
    tpu.wait_dma2 semaphore(%arg15 : memref<!tpu.dma_semaphore, #tpu.memory_space<semaphore_mem>>) src(%arg9 : memref<200x128xf32, #tpu.memory_space<vmem>>) dst(%dma_wait3A_23 : memref<200x128xf32, #tpu.memory_space<hbm>>)
    return
  }
}

</mosaic_0001>

<sc_bundles>
// kernel: kernel.3.cloned.1.call-start
scs
__scs_entry_jumppad:
0x0: {  	(pc) =	sbr.rel $0x88, $3  }
0x1: {  	(tag) =	ssettag $0x0;
	lr =	simm.s32 $0x1  }
0x2: {  	[smem:$0x3F9C] =	sst lr;
	_ =	strace $0xD0000000  }
0x3: {  	_ = 	snop  }
0x4: {  	_ = 	snop  }
0x5: {  	_ = 	snop  }
0x6: {  	_ = 	snop  }
0x7: {  	_ = 	snop  }
__scs_overlays_trampoline_lowered:
0x8: {  	[smem:$0x3FAB] =	sst s0  }
0x9: {  	[smem:$0x3FAC] =	sst s1  }
0xa: {  	[smem:$0x3FAD] =	sst s2  }
0xb: {  	[smem:$0x3FAE] =	sst s3  }
0xc: {  	[smem:$0x3FAF] =	sst s4  }
0xd: {  	[smem:$0x3FB0] =	sst s5  }
0xe: {  	[smem:$0x3FB1] =	sst s6  }
0xf: {  	[smem:$0x3FB2] =	sst s7  }
0x10: {  	[smem:$0x3FB3] =	sst s8  }
0x11: {  	[smem:$0x3FB4] =	sst s9;
	s0 =	simm.s32 @!p0 $0x0  }
0x12: {  	s1 =	sld [smem:$0x3F9A];
	s0 =	simm.s32 @p0 $0x1  }
0x13: {  	[smem:$0x3FB5] =	sst s0;
	s0 =	simm.s32 @!p1 $0x0  }
0x14: {  	s2 =	sld [smem:$0x3F99];
	s0 =	simm.s32 @p1 $0x1  }
0x15: {  	[smem:$0x3FB6] =	sst s0;
	s0 =	simm.s32 @!p2 $0x0  }
0x16: {  	s3 =	sld [smem:$0x3FDB];
	s0 =	simm.s32 @p2 $0x1  }
0x17: {  	s4 =	simm.s32 $0x1BF5;
	[smem:$0x3FB8] =	sst s0  }
0x18: {  	s0 =	sld [smem:$0x3F9B];
	_ =	swait.ge [sflag:s4], $0x0  }
0x19: {  	s7 =	sld [smem:$0x3F9C]  }
0x1a: {  	s8 =	sadd.s32 $0xFFFFE003, lr  }
0x1b: {  	s9 =	sadd.s32 $0xFFFFFEF7, lr;
	s5 =	simm.s32 $0xFFFFFFFF;
	p2 =	slt.u32 s8, $0xFFFFF086  }
0x1c: {  	p1 =	slt.u32 s9, $0xF7A;
	s5 =	simm.s32 @!p2 $0x0  }
0x1d: {  	s5 =	simm.s32 @p1 $0x1;
	p0 =	seq.s32 s7, s2  }
0x1e: {  	s7 =	smul.u32 @!p0 $0xF7A, s2;
	p2 =	seq.s32 @!p0 s5, $0x0  }
0x1f: {  	s9 =	smul.u32 $0xF7A, s1;
	s8 =	simm.s32 @!p0 $0x1BF5;
	p2 =	por !p2, p0  }
0x20: {  	[sflag:s8] =	ssyncset.s32 @!p0 $0xFFFFF086;
	s6 =	sadd.s32 @!p0 s3, s7;
	s7 =	simm.s32 @!p0 $0x108  }
0x21: {  	s3 =	sadd.s32 s3, s9;
	s6 =	sadd.s32 @!p0 $0x88, s6;
	s7 =	simm.s32 @p2 $0x1082  }
0x22: {  	[simem:s7], [sflag:s8] =	dma.local @!p0 [hbm:s6], $0xF7A  }
0x23: {  	s9 =	sor.u32 $0xD0000000, s2;
	s6 =	simm.s32 $0x108;
	_ =	swait.ge @!p0 [sflag:s8], $0x0  }
0x24: {  	s3 =	sadd.s32 $0x88, s3;
	s6 =	simm.s32 @!p1 $0x1082;
	[sflag:s4] =	ssyncset.s32 $0xFFFFF086  }
0x25: {  	[simem:s6], [sflag:s4] =	dma.local [hbm:s3], $0xF7A  }
0x26: {  	[smem:$0x3F9C] =	sst s1;
	(tag) =	ssettag s2;
	_ =	strace s9  }
0x27: {  	s1 =	sld [smem:$0x3FAC]  }
0x28: {  	s2 =	sld [smem:$0x3FAD]  }
0x29: {  	s4 =	sld [smem:$0x3FAF]  }
0x2a: {  	p0 =	seq.s32 s5, $0x0;
	s5 =	sld [smem:$0x3FB0]  }
0x2b: {  	s6 =	sld [smem:$0x3FB1]  }
0x2c: {  	s7 =	sld [smem:$0x3FB2]  }
0x2d: {  	s3 =	simm.s32 $0x108;
	s8 =	sld [smem:$0x3FB3]  }
0x2e: {  	s3 =	simm.s32 @!p0 $0x1082;
	s9 =	sld [smem:$0x3FB4]  }
0x2f: {  	lr =	sadd.s32 s0, s3;
	s0 =	sld [smem:$0x3FAB]  }
0x30: {  	s3 =	sld [smem:$0x3FAE]  }
0x31: {  	[smem:$0x3FB7] =	sst s10  }
0x32: {  	s10 =	sld [smem:$0x3FB5];
	_ =	sdelay $0x3  }
0x33: {  	p0 =	seq.s32 s10, $0x1;
	s10 =	sld [smem:$0x3FB7];
	_ =	sdelay $0x3  }
0x34: {  	[smem:$0x3FB7] =	sst s10  }
0x35: {  	s10 =	sld [smem:$0x3FB6];
	_ =	sdelay $0x3  }
0x36: {  	p1 =	seq.s32 s10, $0x1;
	s10 =	sld [smem:$0x3FB7];
	_ =	sdelay $0x3  }
0x37: {  	[smem:$0x3FB7] =	sst s10  }
0x38: {  	s10 =	sld [smem:$0x3FB8]  }
0x39: {  	_ = 	snop;
	(pc) =	sbr.ind lr, $3  }
0x3a: {  	_ = 	snop  }
0x3b: {  	_ = 	snop  }
0x3c: {  	p2 =	seq.s32 s10, $0x1;
	s10 =	sld [smem:$0x3FB7]  }
0x3d: {  	_ =	shalt  }
0x3e: {  	_ =	shalt  }
0x3f: {  	_ =	shalt  }
0x40: {  	_ =	shalt  }
0x41: {  	_ =	shalt  }
0x42: {  	_ =	shalt  }
0x43: {  	_ =	shalt  }
0x44: {  	_ =	shalt  }
0x45: {  	_ =	shalt  }
0x46: {  	_ =	shalt  }
0x47: {  	_ =	shalt  }
0x48: {  	_ =	shalt  }
0x49: {  	_ =	shalt  }
0x4a: {  	_ =	shalt  }
0x4b: {  	_ =	shalt  }
0x4c: {  	_ =	shalt  }
0x4d: {  	_ =	shalt  }
0x4e: {  	_ =	shalt  }
0x4f: {  	_ =	shalt  }
0x50: {  	_ =	shalt  }
0x51: {  	_ =	shalt  }
0x52: {  	_ =	shalt  }
0x53: {  	_ =	shalt  }
0x54: {  	_ =	shalt  }
0x55: {  	_ =	shalt  }
0x56: {  	_ =	shalt  }
0x57: {  	_ =	shalt  }
0x58: {  	_ =	shalt  }
0x59: {  	_ =	shalt  }
0x5a: {  	_ =	shalt  }
0x5b: {  	_ =	shalt  }
0x5c: {  	_ =	shalt  }
0x5d: {  	_ =	shalt  }
0x5e: {  	_ =	shalt  }
0x5f: {  	_ =	shalt  }
0x60: {  	_ =	shalt  }
0x61: {  	_ =	shalt  }
0x62: {  	_ =	shalt  }
0x63: {  	_ =	shalt  }
0x64: {  	_ =	shalt  }
0x65: {  	_ =	shalt  }
0x66: {  	_ =	shalt  }
0x67: {  	_ =	shalt  }
0x68: {  	_ =	shalt  }
0x69: {  	_ =	shalt  }
0x6a: {  	_ =	shalt  }
0x6b: {  	_ =	shalt  }
0x6c: {  	_ =	shalt  }
0x6d: {  	_ =	shalt  }
0x6e: {  	_ =	shalt  }
0x6f: {  	_ =	shalt  }
0x70: {  	_ =	shalt  }
0x71: {  	_ =	shalt  }
0x72: {  	_ =	shalt  }
0x73: {  	_ =	shalt  }
0x74: {  	_ =	shalt  }
0x75: {  	_ =	shalt  }
0x76: {  	_ =	shalt  }
0x77: {  	_ =	shalt  }
0x78: {  	_ =	shalt  }
0x79: {  	_ =	shalt  }
0x7a: {  	_ =	shalt  }
0x7b: {  	_ =	shalt  }
0x7c: {  	_ =	shalt  }
0x7d: {  	_ =	shalt  }
0x7e: {  	_ =	shalt  }
0x7f: {  	_ =	shalt  }
0x80: {  	_ =	shalt  }
0x81: {  	_ =	shalt  }
0x82: {  	_ =	shalt  }
0x83: {  	_ =	shalt  }
0x84: {  	_ =	shalt  }
0x85: {  	_ =	shalt  }
0x86: {  	_ =	shalt  }
0x87: {  	_ =	shalt  }
.Lfunc_end0:
.L_simem_size_0:
called_computation_lowered:
.L_overlay_start_0:
0x88: {  	s2 =	sld [smem:$0x3FD9]  }
0x89: {  	s3 =	sld [smem:$0x3FFE];
	_ =	sdelay $0x1  }
0x8a: {  	s1 =	srdreg.scid  }
0x8b: {  	s0 =	sand.u32 $0x1, s1  }
0x8c: {  	s17 =	sshll.u32 s0, $0xA;
	s2 =	sadd.s32 s3, s2  }
0x8d: {  	s2 =	sadd.s32 s2, s17  }
0x8e: {  	[smem:$0x3FC3] =	sst s2  }
0x8f: {  	_ = 	snop  }
0x90: {  	s2 =	sld [smem:$0x3FC9]  }
0x91: {  	s18 =	sld [smem:$0x3FD0];
	(tm) =	ssettm $0x1  }
0x92: {  	s4 =	sld [smem:$0x3FFB];
	_ =	sdelay $0x3  }
0x93: {  	_ =	strace s4  }
0x94: {  	s4 =	sld [smem:$0x3FFC];
	_ =	sdelay $0x3  }
0x95: {  	_ =	strace s4  }
0x96: {  	s4 =	sld [smem:$0x3FFD];
	_ =	sdelay $0x3  }
0x97: {  	_ =	strace s4  }
0x98: {  	_ =	strace $0x8FFFFFFF  }
0x99: {  	s19 =	sld [smem:$0x3FDB];
	_ =	sdelay $0x1  }
0x9a: {  	s5 =	simm.s32 $_scs_section_size  }
0x9b: {  	s6 =	simm.s32 $_size__tile_overlayer_lowered;
	s7 =	simm.s32 $_tile_overlayer_lowered  }
0x9c: {  	s22 =	simm.s32 $0x1BFF;
	s21 =	sshll.u32 s7, $0x1;
	s4 =	sadd.s32 s5, s19  }
0x9d: {  	s8 =	simm.s32 $0x0;
	s20 =	sshll.u32 s6, $0x1;
	s6 =	sadd.s32 s21, s4  }
0x9e: {  	[timem:s8], [sflag:s22] =	dma.local [hbm:s6], s20  }
0x9f: {  	_ =	swait.ge [sflag:s22], s20  }
0xa0: {  	s5 =	ssub.s32 $0x0, s20;
	[sflag:s22] =	ssyncset.done $0x0  }
0xa1: {  	[sflag:s22] =	ssyncadd.s32 s5;
	_ =	sdelay $0x1  }
0xa2: {  	s23 =	simm.s32 $0x1B8B  }
0xa3: {  	_ =	swait.ge [sflag:s23], $0x1  }
0xa4: {  	[sflag:s23] =	ssyncset.done $0x0  }
0xa5: {  	s25 =	simm.s32 $0x1B8E;
	s24 =	sld [smem:$0x3FFE];
	[sflag:s23] =	ssyncadd.s32 $0xFFFFFFFF  }
0xa6: {  	s26 =	simm.s32 $execute0_lowered;
	[smem:$0x3FD2] =	sst s25  }
0xa7: {  	s6 =	sshll.u32 s26, $0x1;
	_ =	strace $0x80000046;
	[dreg:$0x1] =	wrdreg $0xFFFFFFFF  }
0xa8: {  	s28 =	simm.s32 $_size_execute0_lowered;
	s4 =	sadd.s32 s4, s6;
	[dreg:$0x0] =	wrdreg $0x0  }
0xa9: {  	s6 =	sshll.u32 s28, $0x1;
	[dreg:$0x2] =	wrdreg s4  }
0xaa: {  	[dreg:$0x3] =	wrdreg s6  }
0xab: {  	[dreg:$0x4] =	wrdreg $0xC0  }
0xac: {  	_ =	task [dreg:s8], $0x5FFFF  }
0xad: {  	[dreg:$0x1] =	wrdreg $0xFFFFFFFF  }
0xae: {  	[dreg:$0x0] =	wrdreg $0x60  }
0xaf: {  	[dreg:$0x2] =	wrdreg s2  }
0xb0: {  	[dreg:$0x3] =	wrdreg s24  }
0xb1: {  	[dreg:$0x4] =	wrdreg s18  }
0xb2: {  	[dreg:$0x5] =	wrdreg $0x9  }
0xb3: {  	_ =	task.clear_ibuf [dreg:s8], $0x6FFFF;
	_ =	strace $0x90000046  }
0xb4: {  	s29 =	simm.s32 $0x9;
	_ =	strace $0x80000048  }
0xb5: {  	_ =	swait.ge [sflag:s29], $0x1  }
0xb6: {  	[sflag:s29] =	ssyncadd.s32 $0xFFFFFFFF  }
0xb7: {  	_ =	strace $0x90000048  }
0xb8: {  	_ =	sfence  }
0xb9: {  	s30 =	sld [smem:$0x0];
	_ =	sdelay $0x2  }
0xba: {  	s31 =	sshll.u32 s1, $0xD;
	s1 =	sshrl.u32 s1, $0x2  }
0xbb: {  	s3 =	sand.u32 $0x4000, s31;
	s1 =	sadd.s32 s1, s30  }
0xbc: {  	s0 =	sor.u32 s3, s0;
	s1 =	sshll.u32 s1, $0x11  }
0xbd: {  	s0 =	sor.u32 s1, s0  }
0xbe: {  	s0 =	sadd.s32 $0x8F2B, s0  }
0xbf: {  	[sflag:s0] =	ssyncadd.remote.s32 $0x1  }
0xc0: {  	_ =	sfence.sel $0xFFFF  }
0xc1: {  	[dreg:$0x0] =	wrdreg $0xFFFFFFFF;
	(pc) =	sbr.abs _section_cstart, $3  }
0xc2: {  	[dreg:$0x1] =	wrdreg $0xFFFFFFFF  }
0xc3: {  	_ =	task.clear_ibuf [dreg:s8], $0x2FFFF;
	_ =	strace $0x9FFFFFFF  }
0xc4: {  	(tm) =	ssettm $0x7FFFFFFF  }
0xc5: {  	_ =	shalt  }
tec
execute0_lowered:
.L_overlay_start_1:
0x0: {  	(tag) =	ssettag $0x1  }
0x1: {  	s1 =	rddreg [dreg:$0x0]  }
0x2: {  	s0 =	srdreg.scid;
	s2 =	stileid.u32  }
0x3: {  	s7 =	rddreg [dreg:$0x1];
	s0 =	sand.u32 $0x1, s0;
	s2 =	sshll.u32 s2, $0x1  }
0x4: {  	s4 =	rddreg [dreg:$0x2];
	s2 =	sor.u32 s0, s2  }
0x5: {  	s5 =	simm.s32 $0x0;
	s14 =	simm.s32 $0x1;
	s6 =	smul.u32 $0x2710, s2  }
0x6: {  	s15 =	simm.s32 $0xC800;
	s0 =	ssub.s32 $0x2, s0;
	s2 =	smul.u32 $0x27100, s2  }
0x7: {  	s16 =	simm.s32 $0x2;
	[smem:$0x7FF] =	sst s5;
	s30 =	sshrl.u32 s0, $0x1  }
0x8: {  	_ =	strace $0x80000047;
	s0 =	ssub.s32 s0, s30;
	s2 =	sadd.s32 s1, s2  }
0x9: {  	s3 =	sshrl.u32 s6, $0x3;
	s31 =	sadd.s32 $0x190, s6;
	[dreg:$0x5] =	wrdreg s2  }
0xa: {  	s0 =	smax.u32 s0, $0x1;
	s3 =	sadd.s32 s3, s7;
	[dreg:$0x6] =	wrdreg s31  }
0xb: {  	s17 =	simm.s32 $0x4;
	[dreg:$0x7] =	wrdreg s0;
	s3 =	sadd.s32 $0x400, s3  }
0xc: {  	s18 =	simm.s32 $0x12C00;
	s2 =	simm.s32 $0x0;
	[dreg:$0x4] =	wrdreg s3  }
.LBB2_1:
0xd: {  	[dreg:$0x8] =	wrdreg s2  }
0xe: {  	s21 =	simm.s32 $0x19000;
	s0 =	rddreg [dreg:$0x4];
	s29 =	simm.s32 $0x5  }
0xf: {  	[tilespmem:s21], [sflag:$0x5] =	stream.linear.gather [hbm4b:s0+s5], $0x2710, $0x38;
	[tilespmem:$0x1D780] =	vst v63  }
0x10: {  	_ =	swait.ge [sflag:s29], $0x2710  }
0x11: {  	[sflag:s29] =	ssyncset.done $0x0  }
0x12: {  	[sflag:s29] =	ssyncadd.s32 $0xFFFFD8F0  }
0x13: {  	s3 =	simm.s32 $0x1B780;
	s30 =	rddreg [dreg:$0x1]  }
0x14: {  	[tilespmem:s3], [sflag:$0x5] =	stream.linear.gather [hbm4b:s30+s5], $0x1E00, $0x38;
	[tilespmem:$0x1D780] =	vst v63  }
0x15: {  	_ =	swait.ge [sflag:s29], $0x1E00  }
0x16: {  	s22 =	simm.s32 $0x190C8;
	[sflag:s29] =	ssyncset.done $0x0  }
0x17: {  	s23 =	simm.s32 $0x0;
	s31 =	rddreg [dreg:$0x5];
	[sflag:s29] =	ssyncadd.s32 $0xFFFFE200  }
0x18: {  	[tilespmem:s5], [sflag:$0x1] =	stream.linear.gather [hbm4b:s31+s5], $0x6400, $0x38;
	[tilespmem:$0x1D780] =	vst v63  }
.LBB2_2:
0x19: {  	s25 =	smul.u32 $0x190, s23;
	_ =	sdelay $0x1  }
0x1a: {  	s0 =	sadd.s32 s6, s25  }
0x1b: {  	s26 =	sshll.u32 s0, $0x4  }
0x1c: {  	s24 =	sadd.s32 $0xC80, s26  }
0x1d: {  	s2 =	simm.s32 $0x6400;
	s10 =	sadd.s32 s1, s24  }
0x1e: {  	[tilespmem:s2], [sflag:$0x2] =	stream.linear.gather [hbm4b:s10+s5], $0x6400, $0x38;
	[tilespmem:$0x1D780] =	vst v63  }
0x1f: {  	_ =	swait.ge [sflag:s14], $0x6400  }
0x20: {  	p0 =	seq.s32 s23, $0x0;
	[sflag:s14] =	ssyncset.done $0x0  }
0x21: {  	s0 =	simm.s32 @!p0 $0x3;
	[sflag:s14] =	ssyncadd.s32 $0xFFFF9C00  }
0x22: {  	_ =	swait.ge @!p0 [sflag:s0], $0x6400  }
0x23: {  	[sflag:s0] =	ssyncset.done @!p0 $0x0  }
0x24: {  	[sflag:s0] =	ssyncadd.s32 @!p0 $0xFFFF9C00  }
0x25: {  	v0 =	vld [tilespmem:s21+$0x0];
	_ =	sdelay $0x4  }
0x26: {  	v0 =	vshll.u32 v0, $0x9  }
0x27: {  	v6 =	vshra.s32 v0, $0x2  }
0x28: {  	(v2sf) =	vpush v6, $0x0;
	_ =	sdelay $0xd  }
0x29: {  	s28 =	simm.s32 $0x3F0  }
0x2a: {  	v0 =	vld [tilespmem:s28+$0xFFFFFC10];
	s11 =	spop (v2sf)  }
0x2b: {  	v1 =	vld [tilespmem:s11+$0x1B780];
	_ =	sdelay $0x4  }
0x2c: {  	v0 =	vadd.f32 v1, v0;
	_ =	sdelay $0x1  }
0x2d: {  	v0 =	vmax.f32 v0, $0.0e+00  }
0x2e: {  	[tilespmem:s28+$0xC410] =	vst v0;
	v0 =	vld [tilespmem:s28+$0xFFFFFC20]  }
0x2f: {  	v1 =	vld [tilespmem:s11+$0x1B790];
	_ =	sdelay $0x4  }
0x30: {  	v0 =	vadd.f32 v1, v0;
	_ =	sdelay $0x1  }
0x31: {  	v0 =	vmax.f32 v0, $0.0e+00  }
0x32: {  	[tilespmem:s28+$0xC420] =	vst v0;
	v0 =	vld [tilespmem:s28+$0xFFFFFC30]  }
0x33: {  	v1 =	vld [tilespmem:s11+$0x1B7A0];
	_ =	sdelay $0x4  }
0x34: {  	v0 =	vadd.f32 v1, v0;
	_ =	sdelay $0x1  }
0x35: {  	v0 =	vmax.f32 v0, $0.0e+00  }
0x36: {  	[tilespmem:s28+$0xC430] =	vst v0;
	v0 =	vld [tilespmem:s28+$0xFFFFFC40]  }
0x37: {  	v1 =	vld [tilespmem:s11+$0x1B7B0];
	_ =	sdelay $0x4  }
0x38: {  	v0 =	vadd.f32 v1, v0;
	_ =	sdelay $0x1  }
0x39: {  	v0 =	vmax.f32 v0, $0.0e+00  }
0x3a: {  	[tilespmem:s28+$0xC440] =	vst v0;
	v0 =	vld [tilespmem:s28+$0xFFFFFC50]  }
0x3b: {  	v1 =	vld [tilespmem:s11+$0x1B7C0];
	_ =	sdelay $0x4  }
0x3c: {  	v0 =	vadd.f32 v1, v0;
	_ =	sdelay $0x1  }
0x3d: {  	v0 =	vmax.f32 v0, $0.0e+00  }
0x3e: {  	[tilespmem:s28+$0xC450] =	vst v0;
	v0 =	vld [tilespmem:s28+$0xFFFFFC60]  }
0x3f: {  	v1 =	vld [tilespmem:s11+$0x1B7D0];
	_ =	sdelay $0x4  }
0x40: {  	v0 =	vadd.f32 v1, v0;
	_ =	sdelay $0x1  }
0x41: {  	v0 =	vmax.f32 v0, $0.0e+00  }
0x42: {  	[tilespmem:s28+$0xC460] =	vst v0;
	v0 =	vld [tilespmem:s28+$0xFFFFFC70]  }
0x43: {  	v1 =	vld [tilespmem:s11+$0x1B7E0];
	_ =	sdelay $0x1  }
0x44: {  	(v2sf) =	vpush v6, $0x1;
	_ =	sdelay $0x2  }
0x45: {  	v0 =	vadd.f32 v1, v0;
	_ =	sdelay $0x1  }
0x46: {  	v0 =	vmax.f32 v0, $0.0e+00  }
0x47: {  	[tilespmem:s28+$0xC470] =	vst v0;
	v0 =	vld [tilespmem:s28+$0xFFFFFC80]  }
0x48: {  	v1 =	vld [tilespmem:s11+$0x1B7F0];
	_ =	sdelay $0x4  }
0x49: {  	v0 =	vadd.f32 v1, v0;
	_ =	sdelay $0x1  }
0x4a: {  	v0 =	vmax.f32 v0, $0.0e+00  }
0x4b: {  	s12 =	spop (v2sf);
	[tilespmem:s28+$0xC480] =	vst v0;
	v0 =	vld [tilespmem:s28+$0xFFFFFC90]  }
0x4c: {  	v1 =	vld [tilespmem:s12+$0x1B780];
	_ =	sdelay $0x4  }
0x4d: {  	v0 =	vadd.f32 v1, v0;
	_ =	sdelay $0x1  }
0x4e: {  	v0 =	vmax.f32 v0, $0.0e+00  }
0x4f: {  	[tilespmem:s28+$0xC490] =	vst v0;
	v0 =	vld [tilespmem:s28+$0xFFFFFCA0]  }
0x50: {  	v1 =	vld [tilespmem:s12+$0x1B790];
	_ =	sdelay $0x4  }
0x51: {  	v0 =	vadd.f32 v1, v0;
	_ =	sdelay $0x1  }
0x52: {  	v0 =	vmax.f32 v0, $0.0e+00  }
0x53: {  	[tilespmem:s28+$0xC4A0] =	vst v0;
	v0 =	vld [tilespmem:s28+$0xFFFFFCB0]  }
0x54: {  	v1 =	vld [tilespmem:s12+$0x1B7A0];
	_ =	sdelay $0x4  }
0x55: {  	v0 =	vadd.f32 v1, v0;
	_ =	sdelay $0x1  }
0x56: {  	v0 =	vmax.f32 v0, $0.0e+00  }
0x57: {  	[tilespmem:s28+$0xC4B0] =	vst v0;
	v0 =	vld [tilespmem:s28+$0xFFFFFCC0]  }
0x58: {  	v1 =	vld [tilespmem:s12+$0x1B7B0];
	_ =	sdelay $0x4  }
0x59: {  	v0 =	vadd.f32 v1, v0  }
0x5a: {  	s13 =	sadd.s32 $0x8, s21  }
0x5b: {  	v1 =	vld [tilespmem:s13+$0x0];
	v0 =	vmax.f32 v0, $0.0e+00  }
0x5c: {  	[tilespmem:s28+$0xC4C0] =	vst v0;
	v0 =	vld [tilespmem:s28+$0xFFFFFCD0]  }
0x5d: {  	v2 =	vld [tilespmem:s12+$0x1B7C0];
	_ =	sdelay $0x2  }
0x5e: {  	v1 =	vshll.u32 v1, $0x9  }
0x5f: {  	v4 =	vshra.s32 v1, $0x2  }
0x60: {  	(v2sf) =	vpush v4, $0x0;
	v0 =	vadd.f32 v2, v0;
	_ =	sdelay $0x1  }
0x61: {  	v0 =	vmax.f32 v0, $0.0e+00  }
0x62: {  	[tilespmem:s28+$0xC4D0] =	vst v0;
	v0 =	vld [tilespmem:s28+$0xFFFFFCE0]  }
0x63: {  	v1 =	vld [tilespmem:s12+$0x1B7D0];
	_ =	sdelay $0x4  }
0x64: {  	v0 =	vadd.f32 v1, v0;
	_ =	sdelay $0x1  }
0x65: {  	v0 =	vmax.f32 v0, $0.0e+00  }
0x66: {  	[tilespmem:s28+$0xC4E0] =	vst v0;
	v0 =	vld [tilespmem:s28+$0xFFFFFCF0]  }
0x67: {  	v1 =	vld [tilespmem:s12+$0x1B7E0]  }
0x68: {  	s29 =	simm.s32 $0x7F0  }
0x69: {  	v2 =	vld [tilespmem:s29+$0xFFFFFC10];
	s3 =	spop (v2sf);
	(v2sf) =	vpush v6, $0x2  }
0x6a: {  	v3 =	vld [tilespmem:s3+$0x1B780];
	_ =	sdelay $0x1  }
0x6b: {  	v0 =	vadd.f32 v1, v0;
	_ =	sdelay $0x1  }
0x6c: {  	v0 =	vmax.f32 v0, $0.0e+00  }
0x6d: {  	v1 =	vadd.f32 v3, v2;
	[tilespmem:s28+$0xC4F0] =	vst v0;
	v0 =	vld [tilespmem:s28+$0xFFFFFD00]  }
0x6e: {  	v2 =	vld [tilespmem:s12+$0x1B7F0]  }
0x6f: {  	v1 =	vmax.f32 v1, $0.0e+00  }
0x70: {  	[tilespmem:s29+$0xC410] =	vst v1;
	v1 =	vld [tilespmem:s29+$0xFFFFFC20]  }
0x71: {  	v3 =	vld [tilespmem:s3+$0x1B790];
	_ =	sdelay $0x1  }
0x72: {  	v0 =	vadd.f32 v2, v0;
	_ =	sdelay $0x1  }
0x73: {  	v0 =	vmax.f32 v0, $0.0e+00  }
0x74: {  	v1 =	vadd.f32 v3, v1;
	s19 =	spop (v2sf);
	[tilespmem:s28+$0xC500] =	vst v0;
	v0 =	vld [tilespmem:s28+$0xFFFFFD10]  }
0x75: {  	v2 =	vld [tilespmem:s19+$0x1B780]  }
0x76: {  	v1 =	vmax.f32 v1, $0.0e+00  }
0x77: {  	[tilespmem:s29+$0xC420] =	vst v1;
	v1 =	vld [tilespmem:s29+$0xFFFFFC30]  }
0x78: {  	v3 =	vld [tilespmem:s3+$0x1B7A0];
	_ =	sdelay $0x1  }
0x79: {  	v0 =	vadd.f32 v2, v0;
	_ =	sdelay $0x1  }
0x7a: {  	v0 =	vmax.f32 v0, $0.0e+00  }
0x7b: {  	v1 =	vadd.f32 v3, v1;
	[tilespmem:s28+$0xC510] =	vst v0;
	v0 =	vld [tilespmem:s28+$0xFFFFFD20]  }
0x7c: {  	v2 =	vld [tilespmem:s19+$0x1B790]  }
0x7d: {  	v1 =	vmax.f32 v1, $0.0e+00  }
0x7e: {  	[tilespmem:s29+$0xC430] =	vst v1;
	v1 =	vld [tilespmem:s29+$0xFFFFFC40]  }
0x7f: {  	v3 =	vld [tilespmem:s3+$0x1B7B0];
	_ =	sdelay $0x1  }
0x80: {  	v0 =	vadd.f32 v2, v0;
	_ =	sdelay $0x1  }
0x81: {  	v0 =	vmax.f32 v0, $0.0e+00  }
0x82: {  	v1 =	vadd.f32 v3, v1;
	[tilespmem:s28+$0xC520] =	vst v0;
	v0 =	vld [tilespmem:s28+$0xFFFFFD30]  }
0x83: {  	v2 =	vld [tilespmem:s19+$0x1B7A0]  }
0x84: {  	v1 =	vmax.f32 v1, $0.0e+00  }
0x85: {  	[tilespmem:s29+$0xC440] =	vst v1;
	v1 =	vld [tilespmem:s29+$0xFFFFFC50]  }
0x86: {  	v3 =	vld [tilespmem:s3+$0x1B7C0];
	_ =	sdelay $0x1  }
0x87: {  	v0 =	vadd.f32 v2, v0;
	_ =	sdelay $0x1  }
0x88: {  	v0 =	vmax.f32 v0, $0.0e+00  }
0x89: {  	v1 =	vadd.f32 v3, v1;
	[tilespmem:s28+$0xC530] =	vst v0;
	v0 =	vld [tilespmem:s28+$0xFFFFFD40]  }
0x8a: {  	v2 =	vld [tilespmem:s19+$0x1B7B0]  }
0x8b: {  	v1 =	vmax.f32 v1, $0.0e+00  }
0x8c: {  	[tilespmem:s29+$0xC450] =	vst v1;
	v1 =	vld [tilespmem:s29+$0xFFFFFC60]  }
0x8d: {  	v3 =	vld [tilespmem:s3+$0x1B7D0];
	_ =	sdelay $0x1  }
0x8e: {  	v0 =	vadd.f32 v2, v0;
	_ =	sdelay $0x1  }
0x8f: {  	v0 =	vmax.f32 v0, $0.0e+00  }
0x90: {  	v1 =	vadd.f32 v3, v1;
	[tilespmem:s28+$0xC540] =	vst v0;
	v0 =	vld [tilespmem:s28+$0xFFFFFD50]  }
0x91: {  	v2 =	vld [tilespmem:s19+$0x1B7C0]  }
0x92: {  	v1 =	vmax.f32 v1, $0.0e+00  }
0x93: {  	[tilespmem:s29+$0xC460] =	vst v1;
	v1 =	vld [tilespmem:s29+$0xFFFFFC70]  }
0x94: {  	v3 =	vld [tilespmem:s3+$0x1B7E0];
	_ =	sdelay $0x1  }
0x95: {  	(v2sf) =	vpush v4, $0x1;
	v0 =	vadd.f32 v2, v0;
	_ =	sdelay $0x1  }
0x96: {  	v0 =	vmax.f32 v0, $0.0e+00  }
0x97: {  	v1 =	vadd.f32 v3, v1;
	[tilespmem:s28+$0xC550] =	vst v0;
	v0 =	vld [tilespmem:s28+$0xFFFFFD60]  }
0x98: {  	v2 =	vld [tilespmem:s19+$0x1B7D0]  }
0x99: {  	v1 =	vmax.f32 v1, $0.0e+00  }
0x9a: {  	[tilespmem:s29+$0xC470] =	vst v1;
	v1 =	vld [tilespmem:s29+$0xFFFFFC80]  }
0x9b: {  	v3 =	vld [tilespmem:s3+$0x1B7F0];
	_ =	sdelay $0x1  }
0x9c: {  	v0 =	vadd.f32 v2, v0;
	_ =	sdelay $0x1  }
0x9d: {  	v0 =	vmax.f32 v0, $0.0e+00  }
0x9e: {  	v1 =	vadd.f32 v3, v1;
	[tilespmem:s28+$0xC560] =	vst v0;
	v0 =	vld [tilespmem:s28+$0xFFFFFD70]  }
0x9f: {  	v2 =	vld [tilespmem:s19+$0x1B7E0]  }
0xa0: {  	v1 =	vmax.f32 v1, $0.0e+00  }
0xa1: {  	s20 =	spop (v2sf);
	(v2sf) =	vpush v6, $0x3;
	[tilespmem:s29+$0xC480] =	vst v1;
	v1 =	vld [tilespmem:s29+$0xFFFFFC90]  }
0xa2: {  	v3 =	vld [tilespmem:s20+$0x1B780];
	_ =	sdelay $0x1  }
0xa3: {  	v0 =	vadd.f32 v2, v0;
	_ =	sdelay $0x1  }
0xa4: {  	v0 =	vmax.f32 v0, $0.0e+00  }
0xa5: {  	v1 =	vadd.f32 v3, v1;
	[tilespmem:s28+$0xC570] =	vst v0;
	v0 =	vld [tilespmem:s28+$0xFFFFFD80]  }
0xa6: {  	v2 =	vld [tilespmem:s19+$0x1B7F0]  }
0xa7: {  	v1 =	vmax.f32 v1, $0.0e+00  }
0xa8: {  	[tilespmem:s29+$0xC490] =	vst v1;
	v1 =	vld [tilespmem:s29+$0xFFFFFCA0]  }
0xa9: {  	v3 =	vld [tilespmem:s20+$0x1B790];
	_ =	sdelay $0x1  }
0xaa: {  	v0 =	vadd.f32 v2, v0;
	_ =	sdelay $0x1  }
0xab: {  	v0 =	vmax.f32 v0, $0.0e+00  }
0xac: {  	s7 =	spop (v2sf);
	v1 =	vadd.f32 v3, v1;
	[tilespmem:s28+$0xC580] =	vst v0;
	v0 =	vld [tilespmem:s28+$0xFFFFFD90]  }
0xad: {  	v2 =	vld [tilespmem:s7+$0x1B780]  }
0xae: {  	v1 =	vmax.f32 v1, $0.0e+00  }
0xaf: {  	[tilespmem:s29+$0xC4A0] =	vst v1;
	v1 =	vld [tilespmem:s29+$0xFFFFFCB0]  }
0xb0: {  	v3 =	vld [tilespmem:s20+$0x1B7A0];
	_ =	sdelay $0x1  }
0xb1: {  	v0 =	vadd.f32 v2, v0;
	_ =	sdelay $0x1  }
0xb2: {  	v0 =	vmax.f32 v0, $0.0e+00  }
0xb3: {  	v1 =	vadd.f32 v3, v1;
	[tilespmem:s28+$0xC590] =	vst v0;
	v0 =	vld [tilespmem:s28+$0xFFFFFDA0]  }
0xb4: {  	v2 =	vld [tilespmem:s7+$0x1B790]  }
0xb5: {  	v1 =	vmax.f32 v1, $0.0e+00  }
0xb6: {  	[tilespmem:s29+$0xC4B0] =	vst v1;
	v1 =	vld [tilespmem:s29+$0xFFFFFCC0]  }
0xb7: {  	v3 =	vld [tilespmem:s20+$0x1B7B0];
	_ =	sdelay $0x1  }
0xb8: {  	v0 =	vadd.f32 v2, v0;
	_ =	sdelay $0x1  }
0xb9: {  	s0 =	sadd.s32 $0x8, s13;
	v2 =	vld [tilespmem:s28+$0xFFFFFDB0];
	v0 =	vmax.f32 v0, $0.0e+00  }
0xba: {  	v1 =	vadd.f32 v3, v1;
	v3 =	vld [tilespmem:s0+$0x0];
	[tilespmem:s28+$0xC5A0] =	vst v0  }
0xbb: {  	v0 =	vld [tilespmem:s7+$0x1B7A0]  }
0xbc: {  	v1 =	vmax.f32 v1, $0.0e+00  }
0xbd: {  	[tilespmem:s29+$0xC4C0] =	vst v1;
	v1 =	vld [tilespmem:s29+$0xFFFFFCD0]  }
0xbe: {  	v5 =	vld [tilespmem:s20+$0x1B7C0];
	_ =	sdelay $0x1  }
0xbf: {  	v0 =	vadd.f32 v0, v2;
	v2 =	vshll.u32 v3, $0x9  }
0xc0: {  	v3 =	vshra.s32 v2, $0x2  }
0xc1: {  	v0 =	vmax.f32 v0, $0.0e+00;
	(v2sf) =	vpush v3, $0x0  }
0xc2: {  	[tilespmem:s28+$0xC5B0] =	vst v0;
	v0 =	vadd.f32 v5, v1;
	v1 =	vld [tilespmem:s28+$0xFFFFFDC0]  }
0xc3: {  	v2 =	vld [tilespmem:s7+$0x1B7B0]  }
0xc4: {  	v0 =	vmax.f32 v0, $0.0e+00  }
0xc5: {  	[tilespmem:s29+$0xC4D0] =	vst v0;
	v0 =	vld [tilespmem:s29+$0xFFFFFCE0]  }
0xc6: {  	v5 =	vld [tilespmem:s20+$0x1B7D0];
	_ =	sdelay $0x1  }
0xc7: {  	v1 =	vadd.f32 v2, v1;
	_ =	sdelay $0x1  }
0xc8: {  	v1 =	vmax.f32 v1, $0.0e+00  }
0xc9: {  	[tilespmem:s28+$0xC5C0] =	vst v1;
	v0 =	vadd.f32 v5, v0;
	v1 =	vld [tilespmem:s28+$0xFFFFFDD0]  }
0xca: {  	v2 =	vld [tilespmem:s7+$0x1B7C0]  }
0xcb: {  	v0 =	vmax.f32 v0, $0.0e+00  }
0xcc: {  	[tilespmem:s29+$0xC4E0] =	vst v0;
	v0 =	vld [tilespmem:s29+$0xFFFFFCF0]  }
0xcd: {  	s30 =	simm.s32 $0xBF0;
	v5 =	vld [tilespmem:s20+$0x1B7E0]  }
0xce: {  	v7 =	vld [tilespmem:s30+$0xFFFFFC10];
	s8 =	spop (v2sf)  }
0xcf: {  	(v2sf) =	vpush v4, $0x2;
	v1 =	vadd.f32 v2, v1;
	v2 =	vld [tilespmem:s8+$0x1B780];
	_ =	sdelay $0x1  }
0xd0: {  	v1 =	vmax.f32 v1, $0.0e+00  }
0xd1: {  	[tilespmem:s28+$0xC5D0] =	vst v1;
	v0 =	vadd.f32 v5, v0;
	v1 =	vld [tilespmem:s28+$0xFFFFFDE0]  }
0xd2: {  	v5 =	vld [tilespmem:s7+$0x1B7D0]  }
0xd3: {  	v0 =	vmax.f32 v0, $0.0e+00;
	v2 =	vadd.f32 v2, v7  }
0xd4: {  	[tilespmem:s29+$0xC4F0] =	vst v0;
	v0 =	vld [tilespmem:s29+$0xFFFFFD00]  }
0xd5: {  	v2 =	vmax.f32 v2, $0.0e+00;
	v7 =	vld [tilespmem:s20+$0x1B7F0]  }
0xd6: {  	[tilespmem:s30+$0xC410] =	vst v2;
	v2 =	vld [tilespmem:s30+$0xFFFFFC20]  }
0xd7: {  	v1 =	vadd.f32 v5, v1;
	v5 =	vld [tilespmem:s8+$0x1B790];
	_ =	sdelay $0x1  }
0xd8: {  	v1 =	vmax.f32 v1, $0.0e+00  }
0xd9: {  	[tilespmem:s28+$0xC5E0] =	vst v1;
	v0 =	vadd.f32 v7, v0;
	v1 =	vld [tilespmem:s28+$0xFFFFFDF0]  }
0xda: {  	v7 =	vld [tilespmem:s7+$0x1B7E0]  }
0xdb: {  	v0 =	vmax.f32 v0, $0.0e+00;
	v2 =	vadd.f32 v5, v2  }
0xdc: {  	s9 =	spop (v2sf);
	(v2sf) =	vpush v6, $0x4;
	[tilespmem:s29+$0xC500] =	vst v0;
	v0 =	vld [tilespmem:s29+$0xFFFFFD10]  }
0xdd: {  	v2 =	vmax.f32 v2, $0.0e+00;
	v5 =	vld [tilespmem:s9+$0x1B780]  }
0xde: {  	[tilespmem:s30+$0xC420] =	vst v2;
	v2 =	vld [tilespmem:s30+$0xFFFFFC30]  }
0xdf: {  	v1 =	vadd.f32 v7, v1;
	v7 =	vld [tilespmem:s8+$0x1B7A0];
	_ =	sdelay $0x1  }
0xe0: {  	v1 =	vmax.f32 v1, $0.0e+00  }
0xe1: {  	[tilespmem:s28+$0xC5F0] =	vst v1;
	v0 =	vadd.f32 v5, v0;
	v1 =	vld [tilespmem:s28+$0xFFFFFE00]  }
0xe2: {  	v5 =	vld [tilespmem:s7+$0x1B7F0]  }
0xe3: {  	v0 =	vmax.f32 v0, $0.0e+00;
	v2 =	vadd.f32 v7, v2  }
0xe4: {  	[tilespmem:s29+$0xC510] =	vst v0;
	v0 =	vld [tilespmem:s29+$0xFFFFFD20]  }
0xe5: {  	v2 =	vmax.f32 v2, $0.0e+00;
	v7 =	vld [tilespmem:s9+$0x1B790]  }
0xe6: {  	[tilespmem:s30+$0xC430] =	vst v2;
	v2 =	vld [tilespmem:s30+$0xFFFFFC40]  }
0xe7: {  	v1 =	vadd.f32 v5, v1;
	v5 =	vld [tilespmem:s8+$0x1B7B0];
	_ =	sdelay $0x1  }
0xe8: {  	v1 =	vmax.f32 v1, $0.0e+00  }
0xe9: {  	s10 =	spop (v2sf);
	[tilespmem:s28+$0xC600] =	vst v1;
	v0 =	vadd.f32 v7, v0;
	v1 =	vld [tilespmem:s28+$0xFFFFFE10]  }
0xea: {  	v7 =	vld [tilespmem:s10+$0x1B780]  }
0xeb: {  	v0 =	vmax.f32 v0, $0.0e+00;
	v2 =	vadd.f32 v5, v2  }
0xec: {  	[tilespmem:s29+$0xC520] =	vst v0;
	v0 =	vld [tilespmem:s29+$0xFFFFFD30]  }
0xed: {  	v2 =	vmax.f32 v2, $0.0e+00;
	v5 =	vld [tilespmem:s9+$0x1B7A0]  }
0xee: {  	[tilespmem:s30+$0xC440] =	vst v2;
	v2 =	vld [tilespmem:s30+$0xFFFFFC50]  }
0xef: {  	v1 =	vadd.f32 v7, v1;
	v7 =	vld [tilespmem:s8+$0x1B7C0];
	_ =	sdelay $0x1  }
0xf0: {  	v1 =	vmax.f32 v1, $0.0e+00  }
0xf1: {  	[tilespmem:s28+$0xC610] =	vst v1;
	v0 =	vadd.f32 v5, v0;
	v1 =	vld [tilespmem:s28+$0xFFFFFE20]  }
0xf2: {  	v5 =	vld [tilespmem:s10+$0x1B790]  }
0xf3: {  	v0 =	vmax.f32 v0, $0.0e+00;
	v2 =	vadd.f32 v7, v2  }
0xf4: {  	[tilespmem:s29+$0xC530] =	vst v0;
	v0 =	vld [tilespmem:s29+$0xFFFFFD40]  }
0xf5: {  	v2 =	vmax.f32 v2, $0.0e+00;
	v7 =	vld [tilespmem:s9+$0x1B7B0]  }
0xf6: {  	[tilespmem:s30+$0xC450] =	vst v2;
	v2 =	vld [tilespmem:s30+$0xFFFFFC60]  }
0xf7: {  	v1 =	vadd.f32 v5, v1;
	v5 =	vld [tilespmem:s8+$0x1B7D0];
	_ =	sdelay $0x1  }
0xf8: {  	v1 =	vmax.f32 v1, $0.0e+00  }
0xf9: {  	[tilespmem:s28+$0xC620] =	vst v1;
	v0 =	vadd.f32 v7, v0;
	v1 =	vld [tilespmem:s28+$0xFFFFFE30]  }
0xfa: {  	v7 =	vld [tilespmem:s10+$0x1B7A0]  }
0xfb: {  	v0 =	vmax.f32 v0, $0.0e+00;
	v2 =	vadd.f32 v5, v2  }
0xfc: {  	[tilespmem:s29+$0xC540] =	vst v0;
	v0 =	vld [tilespmem:s29+$0xFFFFFD50]  }
0xfd: {  	v2 =	vmax.f32 v2, $0.0e+00;
	v5 =	vld [tilespmem:s9+$0x1B7C0]  }
0xfe: {  	[tilespmem:s30+$0xC460] =	vst v2;
	v2 =	vld [tilespmem:s30+$0xFFFFFC70]  }
0xff: {  	v1 =	vadd.f32 v7, v1;
	v7 =	vld [tilespmem:s8+$0x1B7E0];
	_ =	sdelay $0x1  }
0x100: {  	(v2sf) =	vpush v3, $0x1;
	v1 =	vmax.f32 v1, $0.0e+00  }
0x101: {  	[tilespmem:s28+$0xC630] =	vst v1;
	v0 =	vadd.f32 v5, v0;
	v1 =	vld [tilespmem:s28+$0xFFFFFE40]  }
0x102: {  	v5 =	vld [tilespmem:s10+$0x1B7B0]  }
0x103: {  	v0 =	vmax.f32 v0, $0.0e+00;
	v2 =	vadd.f32 v7, v2  }
0x104: {  	[tilespmem:s29+$0xC550] =	vst v0;
	v0 =	vld [tilespmem:s29+$0xFFFFFD60]  }
0x105: {  	v2 =	vmax.f32 v2, $0.0e+00;
	v7 =	vld [tilespmem:s9+$0x1B7D0]  }
0x106: {  	[tilespmem:s30+$0xC470] =	vst v2;
	v2 =	vld [tilespmem:s30+$0xFFFFFC80]  }
0x107: {  	v1 =	vadd.f32 v5, v1;
	v5 =	vld [tilespmem:s8+$0x1B7F0];
	_ =	sdelay $0x1  }
0x108: {  	v1 =	vmax.f32 v1, $0.0e+00  }
0x109: {  	[tilespmem:s28+$0xC640] =	vst v1;
	v0 =	vadd.f32 v7, v0;
	v1 =	vld [tilespmem:s28+$0xFFFFFE50]  }
0x10a: {  	v7 =	vld [tilespmem:s10+$0x1B7C0]  }
0x10b: {  	v2 =	vadd.f32 v5, v2;
	v0 =	vmax.f32 v0, $0.0e+00  }
0x10c: {  	[tilespmem:s29+$0xC560] =	vst v0;
	v0 =	vld [tilespmem:s29+$0xFFFFFD70]  }
0x10d: {  	v2 =	vmax.f32 v2, $0.0e+00;
	v5 =	vld [tilespmem:s9+$0x1B7E0]  }
0x10e: {  	s11 =	spop (v2sf);
	[tilespmem:s30+$0xC480] =	vst v2;
	v2 =	vld [tilespmem:s30+$0xFFFFFC90]  }
0x10f: {  	(v2sf) =	vpush v4, $0x3;
	v1 =	vadd.f32 v7, v1;
	v7 =	vld [tilespmem:s11+$0x1B780];
	_ =	sdelay $0x1  }
0x110: {  	v1 =	vmax.f32 v1, $0.0e+00  }
0x111: {  	[tilespmem:s28+$0xC650] =	vst v1;
	v0 =	vadd.f32 v5, v0;
	v1 =	vld [tilespmem:s28+$0xFFFFFE60]  }
0x112: {  	v5 =	vld [tilespmem:s10+$0x1B7D0]  }
0x113: {  	v2 =	vadd.f32 v7, v2;
	v0 =	vmax.f32 v0, $0.0e+00  }
0x114: {  	[tilespmem:s29+$0xC570] =	vst v0;
	v0 =	vld [tilespmem:s29+$0xFFFFFD80]  }
0x115: {  	v2 =	vmax.f32 v2, $0.0e+00;
	v7 =	vld [tilespmem:s9+$0x1B7F0]  }
0x116: {  	[tilespmem:s30+$0xC490] =	vst v2;
	v2 =	vld [tilespmem:s30+$0xFFFFFCA0]  }
0x117: {  	v1 =	vadd.f32 v5, v1;
	v5 =	vld [tilespmem:s11+$0x1B790];
	_ =	sdelay $0x1  }
0x118: {  	v1 =	vmax.f32 v1, $0.0e+00  }
0x119: {  	[tilespmem:s28+$0xC660] =	vst v1;
	v0 =	vadd.f32 v7, v0;
	v1 =	vld [tilespmem:s28+$0xFFFFFE70]  }
0x11a: {  	v7 =	vld [tilespmem:s10+$0x1B7E0]  }
0x11b: {  	v2 =	vadd.f32 v5, v2;
	v0 =	vmax.f32 v0, $0.0e+00  }
0x11c: {  	s12 =	spop (v2sf);
	[tilespmem:s29+$0xC580] =	vst v0;
	v0 =	vld [tilespmem:s29+$0xFFFFFD90]  }
0x11d: {  	(v2sf) =	vpush v6, $0x5;
	v2 =	vmax.f32 v2, $0.0e+00;
	v5 =	vld [tilespmem:s12+$0x1B780]  }
0x11e: {  	[tilespmem:s30+$0xC4A0] =	vst v2;
	v2 =	vld [tilespmem:s30+$0xFFFFFCB0]  }
0x11f: {  	v1 =	vadd.f32 v7, v1;
	v7 =	vld [tilespmem:s11+$0x1B7A0];
	_ =	sdelay $0x1  }
0x120: {  	v1 =	vmax.f32 v1, $0.0e+00  }
0x121: {  	[tilespmem:s28+$0xC670] =	vst v1;
	v0 =	vadd.f32 v5, v0;
	v1 =	vld [tilespmem:s28+$0xFFFFFE80]  }
0x122: {  	v5 =	vld [tilespmem:s10+$0x1B7F0]  }
0x123: {  	v2 =	vadd.f32 v7, v2;
	v0 =	vmax.f32 v0, $0.0e+00  }
0x124: {  	[tilespmem:s29+$0xC590] =	vst v0;
	v0 =	vld [tilespmem:s29+$0xFFFFFDA0]  }
0x125: {  	v2 =	vmax.f32 v2, $0.0e+00;
	v7 =	vld [tilespmem:s12+$0x1B790]  }
0x126: {  	[tilespmem:s30+$0xC4B0] =	vst v2;
	v2 =	vld [tilespmem:s30+$0xFFFFFCC0]  }
0x127: {  	v1 =	vadd.f32 v5, v1;
	v5 =	vld [tilespmem:s11+$0x1B7B0];
	_ =	sdelay $0x2  }
0x128: {  	v1 =	vmax.f32 v1, $0.0e+00;
	v0 =	vadd.f32 v7, v0  }
0x129: {  	s8 =	spop (v2sf);
	[tilespmem:s28+$0xC680] =	vst v1;
	v1 =	vld [tilespmem:s28+$0xFFFFFE90]  }
0x12a: {  	v7 =	vld [tilespmem:s8+$0x1B780];
	v2 =	vadd.f32 v5, v2;
	v0 =	vmax.f32 v0, $0.0e+00  }
0x12b: {  	v5 =	vld [tilespmem:s29+$0xFFFFFDB0];
	[tilespmem:s29+$0xC5A0] =	vst v0  }
0x12c: {  	s0 =	sadd.s32 $0x8, s0;
	v0 =	vmax.f32 v2, $0.0e+00;
	v2 =	vld [tilespmem:s12+$0x1B7A0]  }
0x12d: {  	v8 =	vld [tilespmem:s0+$0x0];
	_ =	sdelay $0x1  }
0x12e: {  	[tilespmem:s30+$0xC4C0] =	vst v0;
	v0 =	vld [tilespmem:s30+$0xFFFFFCD0];
	v1 =	vadd.f32 v7, v1  }
0x12f: {  	v9 =	vld [tilespmem:s11+$0x1B7C0]  }
0x130: {  	v1 =	vmax.f32 v1, $0.0e+00;
	v2 =	vadd.f32 v2, v5  }
0x131: {  	[tilespmem:s28+$0xC690] =	vst v1;
	v1 =	vshll.u32 v8, $0x9  }
0x132: {  	v5 =	vld [tilespmem:s28+$0xFFFFFEA0];
	v7 =	vmax.f32 v2, $0.0e+00;
	v2 =	vshra.s32 v1, $0x2  }
0x133: {  	v1 =	vld [tilespmem:s8+$0x1B790];
	(v2sf) =	vpush v2, $0x0  }
0x134: {  	v0 =	vadd.f32 v9, v0;
	[tilespmem:s29+$0xC5B0] =	vst v7;
	v7 =	vld [tilespmem:s29+$0xFFFFFDC0]  }
0x135: {  	v8 =	vld [tilespmem:s12+$0x1B7B0]  }
0x136: {  	v0 =	vmax.f32 v0, $0.0e+00  }
0x137: {  	[tilespmem:s30+$0xC4D0] =	vst v0;
	v0 =	vld [tilespmem:s30+$0xFFFFFCE0]  }
0x138: {  	v9 =	vld [tilespmem:s11+$0x1B7D0];
	v1 =	vadd.f32 v1, v5;
	_ =	sdelay $0x1  }
0x139: {  	v1 =	vmax.f32 v1, $0.0e+00;
	v5 =	vadd.f32 v8, v7  }
0x13a: {  	[tilespmem:s28+$0xC6A0] =	vst v1;
	v1 =	vld [tilespmem:s28+$0xFFFFFEB0]  }
0x13b: {  	v5 =	vmax.f32 v5, $0.0e+00;
	v7 =	vld [tilespmem:s8+$0x1B7A0]  }
0x13c: {  	v0 =	vadd.f32 v9, v0;
	[tilespmem:s29+$0xC5C0] =	vst v5;
	v5 =	vld [tilespmem:s29+$0xFFFFFDD0]  }
0x13d: {  	v8 =	vld [tilespmem:s12+$0x1B7C0]  }
0x13e: {  	v0 =	vmax.f32 v0, $0.0e+00  }
0x13f: {  	[tilespmem:s30+$0xC4E0] =	vst v0;
	v0 =	vld [tilespmem:s30+$0xFFFFFCF0]  }
0x140: {  	s31 =	simm.s32 $0xFF0;
	v9 =	vld [tilespmem:s11+$0x1B7E0];
	v1 =	vadd.f32 v7, v1  }
0x141: {  	v7 =	vld [tilespmem:s31+$0xFFFFFC10];
	s13 =	spop (v2sf)  }
0x142: {  	v5 =	vadd.f32 v8, v5;
	v1 =	vmax.f32 v1, $0.0e+00;
	(v2sf) =	vpush v3, $0x2;
	v10 =	vld [tilespmem:s13+$0x1B780]  }
0x143: {  	v8 =	vld [tilespmem:s28+$0xFFFFFEC0];
	[tilespmem:s28+$0xC6B0] =	vst v1  }
0x144: {  	v1 =	vmax.f32 v5, $0.0e+00;
	v5 =	vld [tilespmem:s8+$0x1B7B0]  }
0x145: {  	v0 =	vadd.f32 v9, v0;
	[tilespmem:s29+$0xC5D0] =	vst v1;
	v1 =	vld [tilespmem:s29+$0xFFFFFDE0]  }
0x146: {  	v9 =	vld [tilespmem:s12+$0x1B7D0]  }
0x147: {  	v0 =	vmax.f32 v0, $0.0e+00;
	v7 =	vadd.f32 v10, v7  }
0x148: {  	[tilespmem:s30+$0xC4F0] =	vst v0;
	v0 =	vld [tilespmem:s30+$0xFFFFFD00]  }
0x149: {  	v10 =	vld [tilespmem:s11+$0x1B7F0];
	v5 =	vadd.f32 v5, v8;
	v7 =	vmax.f32 v7, $0.0e+00  }
0x14a: {  	[tilespmem:s31+$0xC410] =	vst v7;
	v7 =	vld [tilespmem:s31+$0xFFFFFC20]  }
0x14b: {  	v1 =	vadd.f32 v9, v1;
	v5 =	vmax.f32 v5, $0.0e+00;
	v8 =	vld [tilespmem:s13+$0x1B790]  }
0x14c: {  	v9 =	vld [tilespmem:s28+$0xFFFFFED0];
	[tilespmem:s28+$0xC6C0] =	vst v5  }
0x14d: {  	v1 =	vmax.f32 v1, $0.0e+00;
	v5 =	vld [tilespmem:s8+$0x1B7C0]  }
0x14e: {  	v0 =	vadd.f32 v10, v0;
	[tilespmem:s29+$0xC5E0] =	vst v1;
	v1 =	vld [tilespmem:s29+$0xFFFFFDF0]  }
0x14f: {  	v10 =	vld [tilespmem:s12+$0x1B7E0]  }
0x150: {  	v0 =	vmax.f32 v0, $0.0e+00;
	v7 =	vadd.f32 v8, v7  }
0x151: {  	[tilespmem:s30+$0xC500] =	vst v0;
	v0 =	vld [tilespmem:s30+$0xFFFFFD10];
	s19 =	spop (v2sf);
	(v2sf) =	vpush v4, $0x4  }
0x152: {  	v8 =	vld [tilespmem:s19+$0x1B780];
	v5 =	vadd.f32 v5, v9;
	v7 =	vmax.f32 v7, $0.0e+00  }
0x153: {  	[tilespmem:s31+$0xC420] =	vst v7;
	v7 =	vld [tilespmem:s31+$0xFFFFFC30]  }
0x154: {  	v1 =	vadd.f32 v10, v1;
	v5 =	vmax.f32 v5, $0.0e+00;
	v9 =	vld [tilespmem:s13+$0x1B7A0]  }
0x155: {  	v10 =	vld [tilespmem:s28+$0xFFFFFEE0];
	[tilespmem:s28+$0xC6D0] =	vst v5  }
0x156: {  	v1 =	vmax.f32 v1, $0.0e+00;
	v5 =	vld [tilespmem:s8+$0x1B7D0]  }
0x157: {  	v0 =	vadd.f32 v8, v0;
	[tilespmem:s29+$0xC5F0] =	vst v1;
	v1 =	vld [tilespmem:s29+$0xFFFFFE00]  }
0x158: {  	v8 =	vld [tilespmem:s12+$0x1B7F0]  }
0x159: {  	v0 =	vmax.f32 v0, $0.0e+00;
	v7 =	vadd.f32 v9, v7  }
0x15a: {  	[tilespmem:s30+$0xC510] =	vst v0;
	v0 =	vld [tilespmem:s30+$0xFFFFFD20]  }
0x15b: {  	v9 =	vld [tilespmem:s19+$0x1B790];
	v5 =	vadd.f32 v5, v10;
	v7 =	vmax.f32 v7, $0.0e+00  }
0x15c: {  	[tilespmem:s31+$0xC430] =	vst v7;
	v7 =	vld [tilespmem:s31+$0xFFFFFC40]  }
0x15d: {  	v1 =	vadd.f32 v8, v1;
	v5 =	vmax.f32 v5, $0.0e+00;
	v10 =	vld [tilespmem:s13+$0x1B7B0]  }
0x15e: {  	v8 =	vld [tilespmem:s28+$0xFFFFFEF0];
	[tilespmem:s28+$0xC6E0] =	vst v5  }
0x15f: {  	v1 =	vmax.f32 v1, $0.0e+00;
	v5 =	vld [tilespmem:s8+$0x1B7E0]  }
0x160: {  	v0 =	vadd.f32 v9, v0;
	[tilespmem:s29+$0xC600] =	vst v1;
	v1 =	vld [tilespmem:s29+$0xFFFFFE10];
	s20 =	spop (v2sf)  }
0x161: {  	(v2sf) =	vpush v6, $0x6;
	v9 =	vld [tilespmem:s20+$0x1B780]  }
0x162: {  	v0 =	vmax.f32 v0, $0.0e+00;
	v7 =	vadd.f32 v10, v7  }
0x163: {  	[tilespmem:s30+$0xC520] =	vst v0;
	v0 =	vld [tilespmem:s30+$0xFFFFFD30]  }
0x164: {  	v10 =	vld [tilespmem:s19+$0x1B7A0];
	v5 =	vadd.f32 v5, v8;
	v7 =	vmax.f32 v7, $0.0e+00  }
0x165: {  	[tilespmem:s31+$0xC440] =	vst v7;
	v7 =	vld [tilespmem:s31+$0xFFFFFC50]  }
0x166: {  	v1 =	vadd.f32 v9, v1;
	v5 =	vmax.f32 v5, $0.0e+00;
	v8 =	vld [tilespmem:s13+$0x1B7C0]  }
0x167: {  	v9 =	vld [tilespmem:s28+$0xFFFFFF00];
	[tilespmem:s28+$0xC6F0] =	vst v5  }
0x168: {  	v1 =	vmax.f32 v1, $0.0e+00;
	v5 =	vld [tilespmem:s8+$0x1B7F0]  }
0x169: {  	v0 =	vadd.f32 v10, v0;
	[tilespmem:s29+$0xC610] =	vst v1;
	v1 =	vld [tilespmem:s29+$0xFFFFFE20]  }
0x16a: {  	v10 =	vld [tilespmem:s20+$0x1B790]  }
0x16b: {  	v0 =	vmax.f32 v0, $0.0e+00;
	v7 =	vadd.f32 v8, v7  }
0x16c: {  	[tilespmem:s30+$0xC530] =	vst v0;
	v0 =	vld [tilespmem:s30+$0xFFFFFD40]  }
0x16d: {  	v8 =	vld [tilespmem:s19+$0x1B7B0];
	v5 =	vadd.f32 v5, v9;
	v7 =	vmax.f32 v7, $0.0e+00  }
0x16e: {  	[tilespmem:s31+$0xC450] =	vst v7;
	v7 =	vld [tilespmem:s31+$0xFFFFFC60]  }
0x16f: {  	v1 =	vadd.f32 v10, v1;
	v10 =	vld [tilespmem:s28+$0xFFFFFF10];
	v5 =	vmax.f32 v5, $0.0e+00  }
0x170: {  	s10 =	spop (v2sf);
	v9 =	vld [tilespmem:s13+$0x1B7D0];
	[tilespmem:s28+$0xC700] =	vst v5  }
0x171: {  	v5 =	vld [tilespmem:s10+$0x1B780]  }
0x172: {  	v1 =	vmax.f32 v1, $0.0e+00;
	v0 =	vadd.f32 v8, v0  }
0x173: {  	[tilespmem:s29+$0xC620] =	vst v1;
	v1 =	vld [tilespmem:s29+$0xFFFFFE30]  }
0x174: {  	v8 =	vld [tilespmem:s20+$0x1B7A0];
	v0 =	vmax.f32 v0, $0.0e+00  }
0x175: {  	v7 =	vadd.f32 v9, v7;
	[tilespmem:s30+$0xC540] =	vst v0;
	v0 =	vld [tilespmem:s30+$0xFFFFFD50]  }
0x176: {  	v11 =	vld [tilespmem:s19+$0x1B7C0];
	v5 =	vadd.f32 v5, v10  }
0x177: {  	v9 =	vld [tilespmem:s28+$0xFFFFFF20];
	v7 =	vmax.f32 v7, $0.0e+00  }
0x178: {  	[tilespmem:s31+$0xC460] =	vst v7;
	v7 =	vld [tilespmem:s31+$0xFFFFFC70];
	v5 =	vmax.f32 v5, $0.0e+00  }
0x179: {  	v1 =	vadd.f32 v8, v1;
	v10 =	vld [tilespmem:s13+$0x1B7E0];
	[tilespmem:s28+$0xC710] =	vst v5  }
0x17a: {  	v5 =	vld [tilespmem:s10+$0x1B790]  }
0x17b: {  	v14 =	vld [tilespmem:s31+$0xFFFFFCA0];
	(v2sf) =	vpush v2, $0x1;
	v1 =	vmax.f32 v1, $0.0e+00;
	v8 =	vadd.f32 v11, v0  }
0x17c: {  	[tilespmem:s29+$0xC630] =	vst v1;
	v1 =	vld [tilespmem:s29+$0xFFFFFE40]  }
0x17d: {  	v11 =	vld [tilespmem:s20+$0x1B7B0];
	v8 =	vmax.f32 v8, $0.0e+00  }
0x17e: {  	v7 =	vadd.f32 v10, v7;
	[tilespmem:s30+$0xC550] =	vst v8;
	v8 =	vld [tilespmem:s28+$0xFFFFFF30]  }
0x17f: {  	v10 =	vld [tilespmem:s30+$0xFFFFFD60];
	v5 =	vadd.f32 v5, v9  }
0x180: {  	v9 =	vld [tilespmem:s19+$0x1B7D0];
	v7 =	vmax.f32 v7, $0.0e+00  }
0x181: {  	[tilespmem:s31+$0xC470] =	vst v7;
	v7 =	vld [tilespmem:s31+$0xFFFFFC80];
	v5 =	vmax.f32 v5, $0.0e+00  }
0x182: {  	v1 =	vadd.f32 v11, v1;
	v12 =	vld [tilespmem:s13+$0x1B7F0];
	[tilespmem:s28+$0xC720] =	vst v5  }
0x183: {  	v5 =	vld [tilespmem:s10+$0x1B7A0]  }
0x184: {  	v16 =	vld [tilespmem:s30+$0xFFFFFDA0];
	v11 =	vmax.f32 v1, $0.0e+00  }
0x185: {  	v9 =	vadd.f32 v9, v10;
	[tilespmem:s29+$0xC640] =	vst v11;
	v10 =	vld [tilespmem:s29+$0xFFFFFE50]  }
0x186: {  	v11 =	vld [tilespmem:s20+$0x1B7C0]  }
0x187: {  	v9 =	vmax.f32 v9, $0.0e+00;
	v7 =	vadd.f32 v12, v7;
	v12 =	vld [tilespmem:s28+$0xFFFFFF40]  }
0x188: {  	[tilespmem:s30+$0xC560] =	vst v9;
	v9 =	vld [tilespmem:s30+$0xFFFFFD70];
	v5 =	vadd.f32 v5, v8  }
0x189: {  	v8 =	vld [tilespmem:s19+$0x1B7E0];
	v7 =	vmax.f32 v7, $0.0e+00  }
0x18a: {  	s8 =	spop (v2sf);
	[tilespmem:s31+$0xC480] =	vst v7;
	v7 =	vld [tilespmem:s31+$0xFFFFFC90];
	v5 =	vmax.f32 v5, $0.0e+00  }
0x18b: {  	(v2sf) =	vpush v3, $0x3;
	v10 =	vadd.f32 v11, v10;
	v13 =	vld [tilespmem:s8+$0x1B780];
	[tilespmem:s28+$0xC730] =	vst v5  }
0x18c: {  	v11 =	vld [tilespmem:s10+$0x1B7B0]  }
0x18d: {  	v0 =	vld [tilespmem:s28+$0x0];
	v10 =	vmax.f32 v10, $0.0e+00  }
0x18e: {  	v8 =	vadd.f32 v8, v9;
	[tilespmem:s29+$0xC650] =	vst v10;
	v9 =	vld [tilespmem:s29+$0xFFFFFE60]  }
0x18f: {  	v10 =	vld [tilespmem:s20+$0x1B7D0]  }
0x190: {  	v1 =	vld [tilespmem:s28+$0xFFFFFFF0];
	v8 =	vmax.f32 v8, $0.0e+00;
	v7 =	vadd.f32 v13, v7  }
0x191: {  	[tilespmem:s30+$0xC570] =	vst v8;
	v8 =	vld [tilespmem:s30+$0xFFFFFD80];
	v11 =	vadd.f32 v11, v12  }
0x192: {  	v12 =	vld [tilespmem:s19+$0x1B7F0];
	v7 =	vmax.f32 v7, $0.0e+00  }
0x193: {  	v13 =	vld [tilespmem:s28+$0xFFFFFF50];
	[tilespmem:s31+$0xC490] =	vst v7;
	v7 =	vmax.f32 v11, $0.0e+00  }
0x194: {  	v9 =	vadd.f32 v10, v9;
	v11 =	vld [tilespmem:s8+$0x1B790];
	[tilespmem:s28+$0xC740] =	vst v7  }
0x195: {  	v10 =	vld [tilespmem:s10+$0x1B7C0]  }
0x196: {  	v5 =	vld [tilespmem:s28+$0xFFFFFFE0];
	v9 =	vmax.f32 v9, $0.0e+00  }
0x197: {  	v8 =	vadd.f32 v12, v8;
	[tilespmem:s29+$0xC660] =	vst v9;
	v9 =	vld [tilespmem:s29+$0xFFFFFE70]  }
0x198: {  	v12 =	vld [tilespmem:s20+$0x1B7E0]  }
0x199: {  	v8 =	vmax.f32 v8, $0.0e+00;
	v11 =	vadd.f32 v11, v14;
	v14 =	vld [tilespmem:s28+$0xFFFFFF60]  }
0x19a: {  	s7 =	spop (v2sf);
	(v2sf) =	vpush v4, $0x5;
	[tilespmem:s30+$0xC580] =	vst v8;
	v8 =	vld [tilespmem:s30+$0xFFFFFD90];
	v10 =	vadd.f32 v10, v13  }
0x19b: {  	v13 =	vld [tilespmem:s7+$0x1B780];
	v11 =	vmax.f32 v11, $0.0e+00  }
0x19c: {  	[tilespmem:s31+$0xC4A0] =	vst v11;
	v11 =	vld [tilespmem:s31+$0xFFFFFCB0];
	v10 =	vmax.f32 v10, $0.0e+00  }
0x19d: {  	v9 =	vadd.f32 v12, v9;
	v15 =	vld [tilespmem:s8+$0x1B7A0];
	[tilespmem:s28+$0xC750] =	vst v10  }
0x19e: {  	v10 =	vld [tilespmem:s10+$0x1B7D0]  }
0x19f: {  	v7 =	vld [tilespmem:s28+$0xFFFFFFD0];
	v12 =	vmax.f32 v9, $0.0e+00  }
0x1a0: {  	v8 =	vadd.f32 v13, v8;
	[tilespmem:s29+$0xC670] =	vst v12;
	v12 =	vld [tilespmem:s29+$0xFFFFFE80]  }
0x1a1: {  	v13 =	vld [tilespmem:s20+$0x1B7F0]  }
0x1a2: {  	v9 =	vld [tilespmem:s28+$0xFFFFFFC0];
	v8 =	vmax.f32 v8, $0.0e+00;
	v11 =	vadd.f32 v15, v11  }
0x1a3: {  	v15 =	vld [tilespmem:s28+$0xFFFFFF70];
	[tilespmem:s30+$0xC590] =	vst v8;
	v10 =	vadd.f32 v10, v14  }
0x1a4: {  	v8 =	vmax.f32 v11, $0.0e+00;
	v11 =	vld [tilespmem:s7+$0x1B790]  }
0x1a5: {  	v14 =	vld [tilespmem:s31+$0xFFFFFCC0];
	[tilespmem:s31+$0xC4B0] =	vst v8;
	v8 =	vmax.f32 v10, $0.0e+00  }
0x1a6: {  	v10 =	vadd.f32 v13, v12;
	v17 =	vld [tilespmem:s8+$0x1B7B0];
	[tilespmem:s28+$0xC760] =	vst v8  }
0x1a7: {  	v18 =	vld [tilespmem:s10+$0x1B7E0]  }
0x1a8: {  	v12 =	vld [tilespmem:s30+$0xFFFFFDB0];
	v10 =	vmax.f32 v10, $0.0e+00  }
0x1a9: {  	s12 =	spop (v2sf);
	(v2sf) =	vpush v6, $0x7;
	[tilespmem:s29+$0xC680] =	vst v10;
	v10 =	vld [tilespmem:s29+$0xFFFFFE90];
	v11 =	vadd.f32 v11, v16  }
0x1aa: {  	v13 =	vld [tilespmem:s12+$0x1B780]  }
0x1ab: {  	s0 =	sadd.s32 $0x8, s0;
	v8 =	vld [tilespmem:s28+$0xFFFFFF80];
	v14 =	vadd.f32 v17, v14;
	v11 =	vmax.f32 v11, $0.0e+00  }
0x1ac: {  	[tilespmem:s30+$0xC5A0] =	vst v11;
	v11 =	vld [tilespmem:s0+$0x0];
	v16 =	vadd.f32 v18, v15  }
0x1ad: {  	v14 =	vmax.f32 v14, $0.0e+00;
	v15 =	vld [tilespmem:s7+$0x1B7A0]  }
0x1ae: {  	s2 =	simm.s32 $0x4FC0;
	s3 =	simm.s32 $0x5FC0;
	[tilespmem:s31+$0xC4C0] =	vst v14;
	v14 =	vld [tilespmem:s31+$0xFFFFFCD0];
	v6 =	vmax.f32 v16, $0.0e+00  }
.LBB2_3:
0x1af: {  	p1 =	sne.s32 s3, $0x18FC0;
	v16 =	vld [tilespmem:s8+$0x1B7C0];
	v10 =	vadd.f32 v13, v10;
	[tilespmem:s28+$0xC770] =	vst v6  }
0x1b0: {  	v13 =	vld [tilespmem:s10+$0x1B7F0]  }
0x1b1: {  	v6 =	vmax.f32 v10, $0.0e+00;
	v10 =	vld [tilespmem:s28+$0xFFFFFFB0]  }
0x1b2: {  	v11 =	vshll.u32 v11, $0x9;
	v12 =	vadd.f32 v15, v12;
	[tilespmem:s29+$0xC690] =	vst v6;
	v15 =	vld [tilespmem:s29+$0xFFFFFEA0]  }
0x1b3: {  	v6 =	vshra.s32 v11, $0x2;
	v11 =	vld [tilespmem:s12+$0x1B790]  }
0x1b4: {  	(v2sf) =	vpush v6, $0x0;
	v14 =	vadd.f32 v16, v14;
	v12 =	vmax.f32 v12, $0.0e+00;
	v16 =	vld [tilespmem:s28+$0xFFFFFF90]  }
0x1b5: {  	[tilespmem:s30+$0xC5B0] =	vst v12;
	v12 =	vld [tilespmem:s30+$0xFFFFFDC0];
	v8 =	vadd.f32 v13, v8  }
0x1b6: {  	v13 =	vmax.f32 v14, $0.0e+00;
	v14 =	vld [tilespmem:s7+$0x1B7B0]  }
0x1b7: {  	[tilespmem:s31+$0xC4D0] =	vst v13;
	v13 =	vld [tilespmem:s31+$0xFFFFFCE0];
	v8 =	vmax.f32 v8, $0.0e+00  }
0x1b8: {  	v17 =	vld [tilespmem:s8+$0x1B7D0];
	v11 =	vadd.f32 v11, v15;
	[tilespmem:s28+$0xC780] =	vst v8;
	s13 =	spop (v2sf)  }
0x1b9: {  	v8 =	vld [tilespmem:s13+$0x1B780]  }
0x1ba: {  	v11 =	vmax.f32 v11, $0.0e+00;
	v15 =	vld [tilespmem:s28+$0xFFFFFFA0]  }
0x1bb: {  	v12 =	vadd.f32 v14, v12;
	[tilespmem:s29+$0xC6A0] =	vst v11;
	v11 =	vld [tilespmem:s29+$0xFFFFFEB0]  }
0x1bc: {  	v14 =	vld [tilespmem:s12+$0x1B7A0]  }
0x1bd: {  	v13 =	vadd.f32 v17, v13;
	v12 =	vmax.f32 v12, $0.0e+00;
	v17 =	vld [tilespmem:s29+$0xFFFFFEC0]  }
0x1be: {  	[tilespmem:s30+$0xC5C0] =	vst v12;
	v12 =	vld [tilespmem:s30+$0xFFFFFDD0];
	v8 =	vadd.f32 v8, v16  }
0x1bf: {  	v13 =	vmax.f32 v13, $0.0e+00;
	v16 =	vld [tilespmem:s7+$0x1B7C0]  }
0x1c0: {  	[tilespmem:s31+$0xC4E0] =	vst v13;
	v13 =	vld [tilespmem:s31+$0xFFFFFCF0];
	v8 =	vmax.f32 v8, $0.0e+00  }
0x1c1: {  	v18 =	vld [tilespmem:s8+$0x1B7E0];
	v11 =	vadd.f32 v14, v11;
	[tilespmem:s28+$0xC790] =	vst v8  }
0x1c2: {  	s19 =	sshra.s32 s2, $0x2;
	s2 =	smov.u32 s3;
	v8 =	vld [tilespmem:s13+$0x1B790]  }
0x1c3: {  	v14 =	vld [tilespmem:s19+$0xFFFFFC10];
	s11 =	spop (v2sf);
	(v2sf) =	vpush v2, $0x2;
	v11 =	vmax.f32 v11, $0.0e+00  }
0x1c4: {  	v19 =	vld [tilespmem:s11+$0x1B780];
	v12 =	vadd.f32 v16, v12;
	[tilespmem:s29+$0xC6B0] =	vst v11  }
0x1c5: {  	v11 =	vld [tilespmem:s12+$0x1B7B0]  }
0x1c6: {  	v13 =	vadd.f32 v18, v13;
	v12 =	vmax.f32 v12, $0.0e+00;
	v16 =	vld [tilespmem:s29+$0xFFFFFED0]  }
0x1c7: {  	[tilespmem:s30+$0xC5D0] =	vst v12;
	v12 =	vld [tilespmem:s30+$0xFFFFFDE0];
	v8 =	vadd.f32 v8, v15  }
0x1c8: {  	v13 =	vmax.f32 v13, $0.0e+00;
	v15 =	vld [tilespmem:s7+$0x1B7D0]  }
0x1c9: {  	v14 =	vadd.f32 v19, v14;
	[tilespmem:s31+$0xC4F0] =	vst v13;
	v13 =	vld [tilespmem:s31+$0xFFFFFD00];
	v8 =	vmax.f32 v8, $0.0e+00  }
0x1ca: {  	v18 =	vld [tilespmem:s8+$0x1B7F0];
	v11 =	vadd.f32 v11, v17;
	[tilespmem:s28+$0xC7A0] =	vst v8  }
0x1cb: {  	v8 =	vmax.f32 v14, $0.0e+00;
	v14 =	vld [tilespmem:s13+$0x1B7A0]  }
0x1cc: {  	[tilespmem:s19+$0xC410] =	vst v8;
	v8 =	vld [tilespmem:s19+$0xFFFFFC20];
	v11 =	vmax.f32 v11, $0.0e+00  }
0x1cd: {  	v17 =	vld [tilespmem:s11+$0x1B790];
	v12 =	vadd.f32 v15, v12;
	[tilespmem:s29+$0xC6C0] =	vst v11  }
0x1ce: {  	v11 =	vld [tilespmem:s12+$0x1B7C0]  }
0x1cf: {  	v13 =	vadd.f32 v18, v13;
	v12 =	vmax.f32 v12, $0.0e+00;
	v15 =	vld [tilespmem:s29+$0xFFFFFEE0]  }
0x1d0: {  	[tilespmem:s30+$0xC5E0] =	vst v12;
	v12 =	vld [tilespmem:s30+$0xFFFFFDF0];
	v10 =	vadd.f32 v14, v10  }
0x1d1: {  	v13 =	vmax.f32 v13, $0.0e+00;
	v14 =	vld [tilespmem:s7+$0x1B7E0]  }
0x1d2: {  	v8 =	vadd.f32 v17, v8;
	[tilespmem:s31+$0xC500] =	vst v13;
	v13 =	vld [tilespmem:s31+$0xFFFFFD10];
	s20 =	spop (v2sf);
	v10 =	vmax.f32 v10, $0.0e+00  }
0x1d3: {  	v17 =	vld [tilespmem:s20+$0x1B780];
	(v2sf) =	vpush v3, $0x4;
	v11 =	vadd.f32 v11, v16;
	[tilespmem:s28+$0xC7B0] =	vst v10  }
0x1d4: {  	v8 =	vmax.f32 v8, $0.0e+00;
	v10 =	vld [tilespmem:s13+$0x1B7B0]  }
0x1d5: {  	[tilespmem:s19+$0xC420] =	vst v8;
	v8 =	vld [tilespmem:s19+$0xFFFFFC30];
	v11 =	vmax.f32 v11, $0.0e+00  }
0x1d6: {  	v16 =	vld [tilespmem:s11+$0x1B7A0];
	v12 =	vadd.f32 v14, v12;
	[tilespmem:s29+$0xC6D0] =	vst v11  }
0x1d7: {  	v11 =	vld [tilespmem:s12+$0x1B7D0]  }
0x1d8: {  	v13 =	vadd.f32 v17, v13;
	v12 =	vmax.f32 v12, $0.0e+00;
	v14 =	vld [tilespmem:s29+$0xFFFFFEF0]  }
0x1d9: {  	[tilespmem:s30+$0xC5F0] =	vst v12;
	v12 =	vld [tilespmem:s30+$0xFFFFFE00];
	v9 =	vadd.f32 v10, v9  }
0x1da: {  	v10 =	vmax.f32 v13, $0.0e+00;
	v13 =	vld [tilespmem:s7+$0x1B7F0]  }
0x1db: {  	v8 =	vadd.f32 v16, v8;
	[tilespmem:s31+$0xC510] =	vst v10;
	v10 =	vld [tilespmem:s31+$0xFFFFFD20];
	v9 =	vmax.f32 v9, $0.0e+00  }
0x1dc: {  	v16 =	vld [tilespmem:s20+$0x1B790];
	v11 =	vadd.f32 v11, v15;
	[tilespmem:s28+$0xC7C0] =	vst v9  }
0x1dd: {  	v8 =	vmax.f32 v8, $0.0e+00;
	v9 =	vld [tilespmem:s13+$0x1B7C0]  }
0x1de: {  	[tilespmem:s19+$0xC430] =	vst v8;
	v8 =	vld [tilespmem:s19+$0xFFFFFC40];
	v11 =	vmax.f32 v11, $0.0e+00  }
0x1df: {  	v15 =	vld [tilespmem:s11+$0x1B7B0];
	v12 =	vadd.f32 v13, v12;
	[tilespmem:s29+$0xC6E0] =	vst v11  }
0x1e0: {  	v11 =	vld [tilespmem:s12+$0x1B7E0]  }
0x1e1: {  	v10 =	vadd.f32 v16, v10;
	v12 =	vmax.f32 v12, $0.0e+00;
	v13 =	vld [tilespmem:s29+$0xFFFFFF00]  }
0x1e2: {  	[tilespmem:s30+$0xC600] =	vst v12;
	v12 =	vld [tilespmem:s30+$0xFFFFFE10];
	s9 =	spop (v2sf);
	(v2sf) =	vpush v4, $0x6;
	v7 =	vadd.f32 v9, v7  }
0x1e3: {  	v9 =	vmax.f32 v10, $0.0e+00;
	v10 =	vld [tilespmem:s9+$0x1B780]  }
0x1e4: {  	v8 =	vadd.f32 v15, v8;
	[tilespmem:s31+$0xC520] =	vst v9;
	v9 =	vld [tilespmem:s31+$0xFFFFFD30];
	v7 =	vmax.f32 v7, $0.0e+00  }
0x1e5: {  	v15 =	vld [tilespmem:s20+$0x1B7A0];
	v11 =	vadd.f32 v11, v14;
	[tilespmem:s28+$0xC7D0] =	vst v7  }
0x1e6: {  	v7 =	vmax.f32 v8, $0.0e+00;
	v8 =	vld [tilespmem:s13+$0x1B7D0]  }
0x1e7: {  	[tilespmem:s19+$0xC440] =	vst v7;
	v7 =	vld [tilespmem:s19+$0xFFFFFC50];
	v11 =	vmax.f32 v11, $0.0e+00  }
0x1e8: {  	v14 =	vld [tilespmem:s11+$0x1B7C0];
	v10 =	vadd.f32 v10, v12;
	[tilespmem:s29+$0xC6F0] =	vst v11  }
0x1e9: {  	v11 =	vld [tilespmem:s12+$0x1B7F0]  }
0x1ea: {  	v9 =	vadd.f32 v15, v9;
	v10 =	vmax.f32 v10, $0.0e+00;
	v12 =	vld [tilespmem:s29+$0xFFFFFF10]  }
0x1eb: {  	[tilespmem:s30+$0xC610] =	vst v10;
	v10 =	vld [tilespmem:s30+$0xFFFFFE20];
	v5 =	vadd.f32 v8, v5  }
0x1ec: {  	v8 =	vmax.f32 v9, $0.0e+00;
	v9 =	vld [tilespmem:s9+$0x1B790]  }
0x1ed: {  	v7 =	vadd.f32 v14, v7;
	[tilespmem:s31+$0xC530] =	vst v8;
	v8 =	vld [tilespmem:s31+$0xFFFFFD40];
	v5 =	vmax.f32 v5, $0.0e+00  }
0x1ee: {  	v14 =	vld [tilespmem:s20+$0x1B7B0];
	v11 =	vadd.f32 v11, v13;
	[tilespmem:s28+$0xC7E0] =	vst v5  }
0x1ef: {  	v5 =	vmax.f32 v7, $0.0e+00;
	v7 =	vld [tilespmem:s13+$0x1B7E0]  }
0x1f0: {  	[tilespmem:s19+$0xC450] =	vst v5;
	v5 =	vld [tilespmem:s19+$0xFFFFFC60];
	v11 =	vmax.f32 v11, $0.0e+00  }
0x1f1: {  	v13 =	vld [tilespmem:s11+$0x1B7D0];
	v9 =	vadd.f32 v9, v10;
	[tilespmem:s29+$0xC700] =	vst v11;
	s10 =	spop (v2sf)  }
0x1f2: {  	v10 =	vld [tilespmem:s10+$0x1B780]  }
0x1f3: {  	v8 =	vadd.f32 v14, v8;
	v9 =	vmax.f32 v9, $0.0e+00;
	v11 =	vld [tilespmem:s29+$0xFFFFFF20]  }
0x1f4: {  	[tilespmem:s30+$0xC620] =	vst v9;
	v9 =	vld [tilespmem:s30+$0xFFFFFE30];
	v1 =	vadd.f32 v7, v1  }
0x1f5: {  	v7 =	vmax.f32 v8, $0.0e+00;
	v8 =	vld [tilespmem:s9+$0x1B7A0]  }
0x1f6: {  	v5 =	vadd.f32 v13, v5;
	[tilespmem:s31+$0xC540] =	vst v7;
	v7 =	vld [tilespmem:s31+$0xFFFFFD50];
	v1 =	vmax.f32 v1, $0.0e+00  }
0x1f7: {  	v13 =	vld [tilespmem:s20+$0x1B7C0];
	v10 =	vadd.f32 v10, v12;
	[tilespmem:s28+$0xC7F0] =	vst v1  }
0x1f8: {  	v1 =	vmax.f32 v5, $0.0e+00;
	v5 =	vld [tilespmem:s13+$0x1B7F0]  }
0x1f9: {  	[tilespmem:s19+$0xC460] =	vst v1;
	v1 =	vld [tilespmem:s19+$0xFFFFFC70];
	v10 =	vmax.f32 v10, $0.0e+00  }
0x1fa: {  	v12 =	vld [tilespmem:s11+$0x1B7E0];
	v8 =	vadd.f32 v8, v9;
	[tilespmem:s29+$0xC710] =	vst v10  }
0x1fb: {  	v9 =	vld [tilespmem:s10+$0x1B790]  }
0x1fc: {  	(v2sf) =	vpush v6, $0x1;
	v7 =	vadd.f32 v13, v7;
	v8 =	vmax.f32 v8, $0.0e+00;
	v10 =	vld [tilespmem:s29+$0x0]  }
0x1fd: {  	[tilespmem:s30+$0xC630] =	vst v8;
	v8 =	vld [tilespmem:s30+$0xFFFFFE40];
	v0 =	vadd.f32 v5, v0  }
0x1fe: {  	v5 =	vmax.f32 v7, $0.0e+00;
	v7 =	vld [tilespmem:s9+$0x1B7B0]  }
0x1ff: {  	v1 =	vadd.f32 v12, v1;
	[tilespmem:s31+$0xC550] =	vst v5;
	v5 =	vld [tilespmem:s29+$0xFFFFFF30];
	v13 =	vmax.f32 v0, $0.0e+00  }
0x200: {  	v12 =	vld [tilespmem:s31+$0xFFFFFD60];
	v9 =	vadd.f32 v9, v11;
	[tilespmem:s28+$0xC800] =	vst v13;
	s28 =	smov.u32 s29;
	s29 =	smov.u32 s30;
	s30 =	smov.u32 s31  }
0x201: {  	s31 =	smov.u32 s19;
	v1 =	vmax.f32 v1, $0.0e+00;
	v11 =	vld [tilespmem:s20+$0x1B7D0];
	v0 =	vmov v10  }
0x202: {  	[tilespmem:s31+$0xC470] =	vst v1;
	v10 =	vld [tilespmem:s31+$0xFFFFFC80];
	v1 =	vmax.f32 v9, $0.0e+00  }
0x203: {  	v9 =	vld [tilespmem:s11+$0x1B7F0];
	v7 =	vadd.f32 v7, v8;
	[tilespmem:s28+$0xC720] =	vst v1  }
0x204: {  	v8 =	vld [tilespmem:s10+$0x1B7A0]  }
0x205: {  	v7 =	vmax.f32 v7, $0.0e+00;
	v1 =	vld [tilespmem:s28+$0xFFFFFFF0]  }
0x206: {  	v11 =	vadd.f32 v11, v12;
	[tilespmem:s29+$0xC640] =	vst v7;
	v7 =	vld [tilespmem:s29+$0xFFFFFE50]  }
0x207: {  	v12 =	vld [tilespmem:s9+$0x1B7C0]  }
0x208: {  	v9 =	vadd.f32 v9, v10;
	v10 =	vmax.f32 v11, $0.0e+00;
	v11 =	vld [tilespmem:s28+$0xFFFFFF40]  }
0x209: {  	[tilespmem:s30+$0xC560] =	vst v10;
	v10 =	vld [tilespmem:s30+$0xFFFFFD70];
	v5 =	vadd.f32 v8, v5  }
0x20a: {  	v8 =	vmax.f32 v9, $0.0e+00;
	v9 =	vld [tilespmem:s20+$0x1B7E0]  }
0x20b: {  	[tilespmem:s31+$0xC480] =	vst v8;
	v8 =	vld [tilespmem:s31+$0xFFFFFC90];
	s8 =	spop (v2sf);
	v5 =	vmax.f32 v5, $0.0e+00  }
0x20c: {  	v13 =	vld [tilespmem:s8+$0x1B780];
	(v2sf) =	vpush v2, $0x3;
	v7 =	vadd.f32 v12, v7;
	[tilespmem:s28+$0xC730] =	vst v5  }
0x20d: {  	v12 =	vld [tilespmem:s10+$0x1B7B0]  }
0x20e: {  	v7 =	vmax.f32 v7, $0.0e+00;
	v5 =	vld [tilespmem:s28+$0xFFFFFFE0]  }
0x20f: {  	v9 =	vadd.f32 v9, v10;
	[tilespmem:s29+$0xC650] =	vst v7;
	v7 =	vld [tilespmem:s29+$0xFFFFFE60]  }
0x210: {  	v10 =	vld [tilespmem:s9+$0x1B7D0]  }
0x211: {  	v8 =	vadd.f32 v13, v8;
	v9 =	vmax.f32 v9, $0.0e+00;
	v13 =	vld [tilespmem:s28+$0xFFFFFF50]  }
0x212: {  	[tilespmem:s30+$0xC570] =	vst v9;
	v9 =	vld [tilespmem:s30+$0xFFFFFD80];
	v11 =	vadd.f32 v12, v11  }
0x213: {  	v8 =	vmax.f32 v8, $0.0e+00;
	v12 =	vld [tilespmem:s20+$0x1B7F0]  }
0x214: {  	[tilespmem:s31+$0xC490] =	vst v8;
	v8 =	vld [tilespmem:s31+$0xFFFFFCA0];
	v11 =	vmax.f32 v11, $0.0e+00  }
0x215: {  	v14 =	vld [tilespmem:s8+$0x1B790];
	v7 =	vadd.f32 v10, v7;
	[tilespmem:s28+$0xC740] =	vst v11  }
0x216: {  	v10 =	vld [tilespmem:s10+$0x1B7C0]  }
0x217: {  	v11 =	vmax.f32 v7, $0.0e+00;
	v7 =	vld [tilespmem:s28+$0xFFFFFFD0]  }
0x218: {  	v9 =	vadd.f32 v12, v9;
	[tilespmem:s29+$0xC660] =	vst v11;
	v11 =	vld [tilespmem:s29+$0xFFFFFE70]  }
0x219: {  	v12 =	vld [tilespmem:s9+$0x1B7E0]  }
0x21a: {  	v8 =	vadd.f32 v14, v8;
	v9 =	vmax.f32 v9, $0.0e+00;
	v14 =	vld [tilespmem:s28+$0xFFFFFF60]  }
0x21b: {  	[tilespmem:s30+$0xC580] =	vst v9;
	v15 =	vld [tilespmem:s30+$0xFFFFFD90];
	s7 =	spop (v2sf);
	(v2sf) =	vpush v3, $0x5;
	v9 =	vadd.f32 v10, v13  }
0x21c: {  	v8 =	vmax.f32 v8, $0.0e+00;
	v10 =	vld [tilespmem:s7+$0x1B780]  }
0x21d: {  	[tilespmem:s31+$0xC4A0] =	vst v8;
	v8 =	vld [tilespmem:s31+$0xFFFFFCB0];
	v9 =	vmax.f32 v9, $0.0e+00  }
0x21e: {  	v13 =	vld [tilespmem:s8+$0x1B7A0];
	v11 =	vadd.f32 v12, v11;
	[tilespmem:s28+$0xC750] =	vst v9  }
0x21f: {  	v12 =	vld [tilespmem:s10+$0x1B7D0]  }
0x220: {  	v11 =	vmax.f32 v11, $0.0e+00;
	v9 =	vld [tilespmem:s28+$0xFFFFFFC0]  }
0x221: {  	v10 =	vadd.f32 v10, v15;
	[tilespmem:s29+$0xC670] =	vst v11;
	v11 =	vld [tilespmem:s29+$0xFFFFFE80]  }
0x222: {  	v15 =	vld [tilespmem:s9+$0x1B7F0]  }
0x223: {  	v8 =	vadd.f32 v13, v8;
	v10 =	vmax.f32 v10, $0.0e+00;
	v16 =	vld [tilespmem:s28+$0xFFFFFF70]  }
0x224: {  	[tilespmem:s30+$0xC590] =	vst v10;
	v10 =	vld [tilespmem:s30+$0xFFFFFDA0];
	v12 =	vadd.f32 v12, v14  }
0x225: {  	v8 =	vmax.f32 v8, $0.0e+00;
	v13 =	vld [tilespmem:s7+$0x1B790]  }
0x226: {  	[tilespmem:s31+$0xC4B0] =	vst v8;
	v14 =	vld [tilespmem:s31+$0xFFFFFCC0];
	v8 =	vmax.f32 v12, $0.0e+00  }
0x227: {  	v12 =	vld [tilespmem:s8+$0x1B7B0];
	v11 =	vadd.f32 v15, v11;
	[tilespmem:s28+$0xC760] =	vst v8  }
0x228: {  	v15 =	vld [tilespmem:s10+$0x1B7E0]  }
0x229: {  	v11 =	vmax.f32 v11, $0.0e+00;
	v8 =	vld [tilespmem:s28+$0xFFFFFF80]  }
0x22a: {  	v17 =	vadd.f32 v13, v10;
	[tilespmem:s29+$0xC680] =	vst v11;
	v10 =	vld [tilespmem:s29+$0xFFFFFE90];
	s12 =	spop (v2sf);
	(v2sf) =	vpush v4, $0x7;
	v4 =	vmovc v3;
	v3 =	vmovc v2;
	v2 =	vmov v6  }
.Ltmp0:
0x22b: {  	v13 =	vld [tilespmem:s12+$0x1B780];
	(pc) =	sbr.rel @p1 .LBB2_3-.Ltmp0, $4  }
0x22c: {  	s0 =	sadd.s32 $0x8, s0;
	v6 =	vadd.f32 v12, v14;
	v14 =	vmax.f32 v17, $0.0e+00;
	v12 =	vld [tilespmem:s30+$0xFFFFFDB0]  }
0x22d: {  	v11 =	vld [tilespmem:s0+$0x0];
	[tilespmem:s30+$0xC5A0] =	vst v14;
	v16 =	vadd.f32 v15, v16  }
0x22e: {  	v6 =	vmax.f32 v6, $0.0e+00;
	v15 =	vld [tilespmem:s7+$0x1B7A0]  }
0x22f: {  	s3 =	sadd.s32 $0x1000, s3;
	[tilespmem:s31+$0xC4C0] =	vst v6;
	v14 =	vld [tilespmem:s31+$0xFFFFFCD0];
	v6 =	vmax.f32 v16, $0.0e+00  }
0x230: {  	v16 =	vld [tilespmem:s8+$0x1B7C0];
	[tilespmem:s28+$0xC770] =	vst v6  }
0x231: {  	v27 =	vld [tilespmem:s10+$0x1B7F0]  }
0x232: {  	v10 =	vadd.f32 v13, v10;
	v28 =	vld [tilespmem:s29+$0xFFFFFEA0];
	v31 =	vshll.u32 v11, $0x9  }
0x233: {  	v32 =	vld [tilespmem:s30+$0xFFFFFDC0];
	v6 =	vshra.s32 v31, $0x2  }
0x234: {  	v35 =	vld [tilespmem:s31+$0xFFFFFCE0];
	v25 =	vmax.f32 v10, $0.0e+00;
	v26 =	vadd.f32 v15, v12;
	(v2sf) =	vpush v6, $0x0  }
0x235: {  	v37 =	vld [tilespmem:s28+$0xFFFFFFB0];
	[tilespmem:s29+$0xC690] =	vst v25;
	v29 =	vadd.f32 v16, v14  }
0x236: {  	v30 =	vld [tilespmem:s12+$0x1B790];
	v10 =	vmax.f32 v26, $0.0e+00;
	v8 =	vadd.f32 v27, v8  }
0x237: {  	v38 =	vld [tilespmem:s28+$0xFFFFFF90];
	[tilespmem:s30+$0xC5B0] =	vst v10;
	v33 =	vmax.f32 v29, $0.0e+00  }
0x238: {  	v34 =	vld [tilespmem:s7+$0x1B7B0];
	[tilespmem:s31+$0xC4D0] =	vst v33;
	v8 =	vmax.f32 v8, $0.0e+00  }
0x239: {  	v36 =	vld [tilespmem:s8+$0x1B7D0];
	[tilespmem:s28+$0xC780] =	vst v8;
	s0 =	spop (v2sf)  }
0x23a: {  	v40 =	vld [tilespmem:s0+$0x1B780]  }
0x23b: {  	v41 =	vld [tilespmem:s29+$0xFFFFFEB0];
	v13 =	vadd.f32 v30, v28  }
0x23c: {  	v43 =	vld [tilespmem:s30+$0xFFFFFDD0]  }
0x23d: {  	v45 =	vld [tilespmem:s31+$0xFFFFFCF0];
	v39 =	vmax.f32 v13, $0.0e+00;
	v10 =	vadd.f32 v34, v32  }
0x23e: {  	v17 =	vld [tilespmem:s28+$0xFFFFFFA0];
	[tilespmem:s29+$0xC6A0] =	vst v39;
	v12 =	vadd.f32 v36, v35  }
0x23f: {  	s2 =	sshra.s32 s2, $0x2;
	v42 =	vld [tilespmem:s12+$0x1B7A0];
	v10 =	vmax.f32 v10, $0.0e+00;
	v11 =	vadd.f32 v40, v38  }
0x240: {  	v47 =	vld [tilespmem:s2+$0xFFFFFC10];
	[tilespmem:s30+$0xC5C0] =	vst v10;
	v12 =	vmax.f32 v12, $0.0e+00  }
0x241: {  	v44 =	vld [tilespmem:s7+$0x1B7C0];
	[tilespmem:s31+$0xC4E0] =	vst v12;
	v11 =	vmax.f32 v11, $0.0e+00  }
0x242: {  	v46 =	vld [tilespmem:s8+$0x1B7E0];
	[tilespmem:s28+$0xC790] =	vst v11  }
0x243: {  	v11 =	vld [tilespmem:s0+$0x1B790];
	s3 =	spop (v2sf)  }
0x244: {  	(v2sf) =	vpush v2, $0x2;
	v8 =	vadd.f32 v42, v41;
	v48 =	vld [tilespmem:s3+$0x1B780]  }
0x245: {  	v18 =	vld [tilespmem:s29+$0xFFFFFEC0]  }
0x246: {  	v51 =	vld [tilespmem:s30+$0xFFFFFDE0];
	v8 =	vmax.f32 v8, $0.0e+00;
	v10 =	vadd.f32 v44, v43  }
0x247: {  	v54 =	vld [tilespmem:s31+$0xFFFFFD00];
	[tilespmem:s29+$0xC6B0] =	vst v8;
	v49 =	vadd.f32 v46, v45  }
0x248: {  	v50 =	vld [tilespmem:s12+$0x1B7B0];
	v10 =	vmax.f32 v10, $0.0e+00;
	v53 =	vadd.f32 v11, v17  }
0x249: {  	v59 =	vld [tilespmem:s2+$0xFFFFFC20];
	[tilespmem:s30+$0xC5D0] =	vst v10;
	v8 =	vmax.f32 v49, $0.0e+00;
	v13 =	vadd.f32 v48, v47  }
0x24a: {  	v52 =	vld [tilespmem:s7+$0x1B7D0];
	[tilespmem:s31+$0xC4F0] =	vst v8;
	v8 =	vmax.f32 v53, $0.0e+00  }
0x24b: {  	v55 =	vld [tilespmem:s8+$0x1B7F0];
	[tilespmem:s28+$0xC7A0] =	vst v8;
	v57 =	vmax.f32 v13, $0.0e+00  }
0x24c: {  	v58 =	vld [tilespmem:s0+$0x1B7A0];
	[tilespmem:s2+$0xC410] =	vst v57  }
0x24d: {  	v12 =	vadd.f32 v50, v18;
	v60 =	vld [tilespmem:s3+$0x1B790]  }
0x24e: {  	v56 =	vld [tilespmem:s29+$0xFFFFFED0]  }
0x24f: {  	v61 =	vld [tilespmem:s30+$0xFFFFFDF0];
	v12 =	vmax.f32 v12, $0.0e+00;
	v10 =	vadd.f32 v52, v51  }
0x250: {  	v63 =	vld [tilespmem:s31+$0xFFFFFD10];
	[tilespmem:s29+$0xC6C0] =	vst v12;
	v11 =	vadd.f32 v55, v54  }
0x251: {  	v12 =	vld [tilespmem:s12+$0x1B7C0];
	v10 =	vmax.f32 v10, $0.0e+00;
	v13 =	vadd.f32 v58, v37  }
0x252: {  	v22 =	vld [tilespmem:s2+$0xFFFFFC30];
	[tilespmem:s30+$0xC5E0] =	vst v10;
	v11 =	vmax.f32 v11, $0.0e+00;
	v8 =	vadd.f32 v60, v59  }
0x253: {  	s10 =	spop (v2sf);
	v62 =	vld [tilespmem:s7+$0x1B7E0];
	[tilespmem:s31+$0xC500] =	vst v11;
	v13 =	vmax.f32 v13, $0.0e+00  }
0x254: {  	v20 =	vld [tilespmem:s10+$0x1B780];
	[tilespmem:s28+$0xC7B0] =	vst v13;
	v8 =	vmax.f32 v8, $0.0e+00  }
0x255: {  	(v2sf) =	vpush v3, $0x4;
	v13 =	vld [tilespmem:s0+$0x1B7B0];
	[tilespmem:s2+$0xC420] =	vst v8  }
0x256: {  	v12 =	vadd.f32 v12, v56;
	v24 =	vld [tilespmem:s3+$0x1B7A0]  }
0x257: {  	v21 =	vld [tilespmem:s29+$0xFFFFFEE0]  }
0x258: {  	v26 =	vld [tilespmem:s30+$0xFFFFFE00];
	v23 =	vmax.f32 v12, $0.0e+00;
	v10 =	vadd.f32 v62, v61  }
0x259: {  	v29 =	vld [tilespmem:s31+$0xFFFFFD20];
	[tilespmem:s29+$0xC6D0] =	vst v23;
	v11 =	vadd.f32 v20, v63  }
0x25a: {  	v25 =	vld [tilespmem:s12+$0x1B7D0];
	v10 =	vmax.f32 v10, $0.0e+00;
	v9 =	vadd.f32 v13, v9  }
0x25b: {  	v33 =	vld [tilespmem:s2+$0xFFFFFC40];
	[tilespmem:s30+$0xC5F0] =	vst v10;
	v11 =	vmax.f32 v11, $0.0e+00;
	v28 =	vadd.f32 v24, v22  }
0x25c: {  	v27 =	vld [tilespmem:s7+$0x1B7F0];
	[tilespmem:s31+$0xC510] =	vst v11;
	v9 =	vmax.f32 v9, $0.0e+00  }
0x25d: {  	v30 =	vld [tilespmem:s10+$0x1B790];
	[tilespmem:s28+$0xC7C0] =	vst v9;
	v11 =	vmax.f32 v28, $0.0e+00  }
0x25e: {  	v32 =	vld [tilespmem:s0+$0x1B7C0];
	[tilespmem:s2+$0xC430] =	vst v11  }
0x25f: {  	v31 =	vadd.f32 v25, v21;
	v34 =	vld [tilespmem:s3+$0x1B7B0]  }
0x260: {  	v38 =	vld [tilespmem:s31+$0xFFFFFD30]  }
0x261: {  	v8 =	vld [tilespmem:s29+$0xFFFFFEF0];
	v9 =	vmax.f32 v31, $0.0e+00;
	v35 =	vadd.f32 v27, v26  }
0x262: {  	[tilespmem:s29+$0xC6E0] =	vst v9;
	v9 =	vld [tilespmem:s29+$0xFFFFFF00];
	v12 =	vadd.f32 v30, v29  }
0x263: {  	v10 =	vld [tilespmem:s12+$0x1B7E0];
	v11 =	vmax.f32 v35, $0.0e+00;
	v7 =	vadd.f32 v32, v7  }
0x264: {  	s11 =	spop (v2sf);
	[tilespmem:s30+$0xC600] =	vst v11;
	v11 =	vld [tilespmem:s30+$0xFFFFFE10];
	v36 =	vmax.f32 v12, $0.0e+00;
	v37 =	vadd.f32 v34, v33  }
0x265: {  	v12 =	vld [tilespmem:s11+$0x1B780];
	[tilespmem:s31+$0xC520] =	vst v36;
	v7 =	vmax.f32 v7, $0.0e+00  }
0x266: {  	v39 =	vld [tilespmem:s10+$0x1B7A0];
	[tilespmem:s28+$0xC7D0] =	vst v7;
	v14 =	vmax.f32 v37, $0.0e+00  }
0x267: {  	(v2sf) =	vpush v4, $0x6;
	v7 =	vld [tilespmem:s0+$0x1B7D0];
	[tilespmem:s2+$0xC440] =	vst v14  }
0x268: {  	v14 =	vld [tilespmem:s2+$0xFFFFFC50]  }
0x269: {  	v40 =	vld [tilespmem:s3+$0x1B7C0];
	_ =	sdelay $0x4  }
0x26a: {  	v14 =	vadd.f32 v40, v14;
	_ =	sdelay $0x1  }
0x26b: {  	v14 =	vmax.f32 v14, $0.0e+00  }
0x26c: {  	v41 =	vld [tilespmem:s2+$0xFFFFFC60];
	[tilespmem:s2+$0xC450] =	vst v14  }
0x26d: {  	v42 =	vld [tilespmem:s3+$0x1B7D0];
	_ =	sdelay $0x4  }
0x26e: {  	v14 =	vadd.f32 v42, v41;
	_ =	sdelay $0x1  }
0x26f: {  	v14 =	vmax.f32 v14, $0.0e+00  }
0x270: {  	v43 =	vld [tilespmem:s2+$0xFFFFFC70];
	[tilespmem:s2+$0xC460] =	vst v14  }
0x271: {  	v44 =	vld [tilespmem:s3+$0x1B7E0];
	_ =	sdelay $0x1  }
0x272: {  	(v2sf) =	vpush v6, $0x1;
	_ =	sdelay $0x2  }
0x273: {  	v14 =	vadd.f32 v44, v43;
	_ =	sdelay $0x1  }
0x274: {  	v14 =	vmax.f32 v14, $0.0e+00  }
0x275: {  	v45 =	vld [tilespmem:s2+$0xFFFFFC80];
	[tilespmem:s2+$0xC470] =	vst v14  }
0x276: {  	v46 =	vld [tilespmem:s3+$0x1B7F0];
	_ =	sdelay $0x4  }
0x277: {  	v14 =	vadd.f32 v46, v45;
	_ =	sdelay $0x1  }
0x278: {  	s7 =	spop (v2sf);
	v14 =	vmax.f32 v14, $0.0e+00  }
0x279: {  	v47 =	vld [tilespmem:s2+$0xFFFFFC90];
	s19 =	spop (v2sf);
	[tilespmem:s2+$0xC480] =	vst v14  }
0x27a: {  	v48 =	vld [tilespmem:s19+$0x1B780];
	_ =	sdelay $0x4  }
0x27b: {  	v14 =	vadd.f32 v48, v47;
	_ =	sdelay $0x1  }
0x27c: {  	v14 =	vmax.f32 v14, $0.0e+00  }
0x27d: {  	v49 =	vld [tilespmem:s2+$0xFFFFFCA0];
	[tilespmem:s2+$0xC490] =	vst v14  }
0x27e: {  	v50 =	vld [tilespmem:s19+$0x1B790];
	_ =	sdelay $0x4  }
0x27f: {  	v14 =	vadd.f32 v50, v49;
	_ =	sdelay $0x1  }
0x280: {  	v14 =	vmax.f32 v14, $0.0e+00  }
0x281: {  	v51 =	vld [tilespmem:s2+$0xFFFFFCB0];
	[tilespmem:s2+$0xC4A0] =	vst v14  }
0x282: {  	v52 =	vld [tilespmem:s19+$0x1B7A0];
	_ =	sdelay $0x4  }
0x283: {  	v14 =	vadd.f32 v52, v51;
	_ =	sdelay $0x1  }
0x284: {  	v14 =	vmax.f32 v14, $0.0e+00  }
0x285: {  	v53 =	vld [tilespmem:s2+$0xFFFFFCC0];
	[tilespmem:s2+$0xC4B0] =	vst v14  }
0x286: {  	v54 =	vld [tilespmem:s19+$0x1B7B0];
	_ =	sdelay $0x4  }
0x287: {  	v14 =	vadd.f32 v54, v53;
	_ =	sdelay $0x1  }
0x288: {  	v14 =	vmax.f32 v14, $0.0e+00  }
0x289: {  	v55 =	vld [tilespmem:s2+$0xFFFFFCD0];
	[tilespmem:s2+$0xC4C0] =	vst v14  }
0x28a: {  	v56 =	vld [tilespmem:s19+$0x1B7C0];
	_ =	sdelay $0x4  }
0x28b: {  	v14 =	vadd.f32 v56, v55;
	_ =	sdelay $0x1  }
0x28c: {  	v14 =	vmax.f32 v14, $0.0e+00  }
0x28d: {  	v57 =	vld [tilespmem:s2+$0xFFFFFCE0];
	[tilespmem:s2+$0xC4D0] =	vst v14  }
0x28e: {  	v58 =	vld [tilespmem:s19+$0x1B7D0];
	_ =	sdelay $0x4  }
0x28f: {  	v14 =	vadd.f32 v58, v57;
	_ =	sdelay $0x1  }
0x290: {  	v14 =	vmax.f32 v14, $0.0e+00  }
0x291: {  	v59 =	vld [tilespmem:s2+$0xFFFFFCF0];
	(v2sf) =	vpush v2, $0x3;
	[tilespmem:s2+$0xC4E0] =	vst v14  }
0x292: {  	(v2sf) =	vpush v3, $0x5;
	v60 =	vld [tilespmem:s19+$0x1B7E0]  }
0x293: {  	(v2sf) =	vpush v4, $0x7  }
0x294: {  	(v2sf) =	vpush v6, $0x2;
	_ =	sdelay $0x2  }
0x295: {  	v61 =	vadd.f32 v60, v59;
	_ =	sdelay $0x1  }
0x296: {  	v4 =	vmax.f32 v61, $0.0e+00  }
0x297: {  	v62 =	vld [tilespmem:s2+$0xFFFFFD00];
	[tilespmem:s2+$0xC4F0] =	vst v4  }
0x298: {  	v63 =	vld [tilespmem:s19+$0x1B7F0];
	_ =	sdelay $0x4  }
0x299: {  	s13 =	spop (v2sf);
	v4 =	vadd.f32 v63, v62  }
0x29a: {  	s19 =	spop (v2sf)  }
0x29b: {  	s3 =	spop (v2sf);
	v4 =	vmax.f32 v4, $0.0e+00  }
0x29c: {  	v20 =	vld [tilespmem:s2+$0xFFFFFD10];
	s9 =	spop (v2sf);
	[tilespmem:s2+$0xC500] =	vst v4  }
0x29d: {  	v21 =	vld [tilespmem:s9+$0x1B780];
	_ =	sdelay $0x4  }
0x29e: {  	v4 =	vadd.f32 v21, v20;
	_ =	sdelay $0x1  }
0x29f: {  	v4 =	vmax.f32 v4, $0.0e+00  }
0x2a0: {  	v24 =	vld [tilespmem:s2+$0xFFFFFD20];
	[tilespmem:s2+$0xC510] =	vst v4  }
0x2a1: {  	v25 =	vld [tilespmem:s9+$0x1B790];
	_ =	sdelay $0x2  }
0x2a2: {  	v13 =	vadd.f32 v39, v38;
	_ =	sdelay $0x1  }
0x2a3: {  	v13 =	vmax.f32 v13, $0.0e+00;
	v4 =	vadd.f32 v25, v24  }
0x2a4: {  	v18 =	vld [tilespmem:s31+$0xFFFFFD40];
	[tilespmem:s31+$0xC530] =	vst v13  }
0x2a5: {  	v19 =	vld [tilespmem:s10+$0x1B7B0];
	v4 =	vmax.f32 v4, $0.0e+00  }
0x2a6: {  	v28 =	vld [tilespmem:s2+$0xFFFFFD30];
	[tilespmem:s2+$0xC520] =	vst v4  }
0x2a7: {  	v29 =	vld [tilespmem:s9+$0x1B7A0];
	_ =	sdelay $0x2  }
0x2a8: {  	v13 =	vadd.f32 v19, v18;
	_ =	sdelay $0x1  }
0x2a9: {  	v13 =	vmax.f32 v13, $0.0e+00;
	v4 =	vadd.f32 v29, v28  }
0x2aa: {  	v22 =	vld [tilespmem:s31+$0xFFFFFD50];
	[tilespmem:s31+$0xC540] =	vst v13  }
0x2ab: {  	v23 =	vld [tilespmem:s10+$0x1B7C0];
	v4 =	vmax.f32 v4, $0.0e+00  }
0x2ac: {  	v32 =	vld [tilespmem:s2+$0xFFFFFD40];
	[tilespmem:s2+$0xC530] =	vst v4  }
0x2ad: {  	v33 =	vld [tilespmem:s9+$0x1B7B0];
	_ =	sdelay $0x2  }
0x2ae: {  	v13 =	vadd.f32 v23, v22;
	_ =	sdelay $0x1  }
0x2af: {  	v13 =	vmax.f32 v13, $0.0e+00;
	v4 =	vadd.f32 v33, v32  }
0x2b0: {  	v26 =	vld [tilespmem:s31+$0xFFFFFD60];
	[tilespmem:s31+$0xC550] =	vst v13  }
0x2b1: {  	v27 =	vld [tilespmem:s10+$0x1B7D0];
	v4 =	vmax.f32 v4, $0.0e+00  }
0x2b2: {  	v35 =	vld [tilespmem:s2+$0xFFFFFD50];
	[tilespmem:s2+$0xC540] =	vst v4  }
0x2b3: {  	v36 =	vld [tilespmem:s9+$0x1B7C0];
	_ =	sdelay $0x2  }
0x2b4: {  	v13 =	vadd.f32 v27, v26;
	_ =	sdelay $0x1  }
0x2b5: {  	v13 =	vmax.f32 v13, $0.0e+00;
	v4 =	vadd.f32 v36, v35  }
0x2b6: {  	v30 =	vld [tilespmem:s31+$0xFFFFFD70];
	[tilespmem:s31+$0xC560] =	vst v13  }
0x2b7: {  	v31 =	vld [tilespmem:s10+$0x1B7E0];
	v4 =	vmax.f32 v4, $0.0e+00  }
0x2b8: {  	v38 =	vld [tilespmem:s2+$0xFFFFFD60];
	[tilespmem:s2+$0xC550] =	vst v4  }
0x2b9: {  	v39 =	vld [tilespmem:s9+$0x1B7D0];
	_ =	sdelay $0x2  }
0x2ba: {  	v13 =	vadd.f32 v31, v30;
	_ =	sdelay $0x1  }
0x2bb: {  	v13 =	vmax.f32 v13, $0.0e+00;
	v4 =	vadd.f32 v39, v38  }
0x2bc: {  	v34 =	vld [tilespmem:s31+$0xFFFFFD80];
	[tilespmem:s31+$0xC570] =	vst v13  }
0x2bd: {  	v37 =	vld [tilespmem:s10+$0x1B7F0];
	v4 =	vmax.f32 v4, $0.0e+00  }
0x2be: {  	v43 =	vld [tilespmem:s2+$0xFFFFFD70];
	[tilespmem:s2+$0xC560] =	vst v4  }
0x2bf: {  	(v2sf) =	vpush v2, $0x4;
	v44 =	vld [tilespmem:s9+$0x1B7E0]  }
0x2c0: {  	(v2sf) =	vpush v3, $0x6  }
0x2c1: {  	(v2sf) =	vpush v6, $0x3  }
0x2c2: {  	v13 =	vadd.f32 v37, v34;
	_ =	sdelay $0x1  }
0x2c3: {  	v13 =	vmax.f32 v13, $0.0e+00;
	v4 =	vadd.f32 v44, v43  }
0x2c4: {  	v40 =	vld [tilespmem:s31+$0xFFFFFD90];
	[tilespmem:s31+$0xC580] =	vst v13  }
0x2c5: {  	v41 =	vld [tilespmem:s13+$0x1B780];
	v4 =	vmax.f32 v4, $0.0e+00  }
0x2c6: {  	v47 =	vld [tilespmem:s2+$0xFFFFFD80];
	[tilespmem:s2+$0xC570] =	vst v4  }
0x2c7: {  	v48 =	vld [tilespmem:s9+$0x1B7F0];
	_ =	sdelay $0x2  }
0x2c8: {  	v42 =	vadd.f32 v41, v40;
	_ =	sdelay $0x1  }
0x2c9: {  	v13 =	vmax.f32 v42, $0.0e+00;
	v4 =	vadd.f32 v48, v47  }
0x2ca: {  	v45 =	vld [tilespmem:s31+$0xFFFFFDA0];
	[tilespmem:s31+$0xC590] =	vst v13;
	s9 =	spop (v2sf)  }
0x2cb: {  	v46 =	vld [tilespmem:s13+$0x1B790];
	s10 =	spop (v2sf);
	v4 =	vmax.f32 v4, $0.0e+00  }
0x2cc: {  	v50 =	vld [tilespmem:s2+$0xFFFFFD90];
	s20 =	spop (v2sf);
	[tilespmem:s2+$0xC580] =	vst v4  }
0x2cd: {  	v51 =	vld [tilespmem:s20+$0x1B780];
	_ =	sdelay $0x2  }
0x2ce: {  	v13 =	vadd.f32 v46, v45;
	_ =	sdelay $0x1  }
0x2cf: {  	v13 =	vmax.f32 v13, $0.0e+00;
	v4 =	vadd.f32 v51, v50  }
0x2d0: {  	v49 =	vld [tilespmem:s31+$0xFFFFFDB0];
	[tilespmem:s31+$0xC5A0] =	vst v13  }
0x2d1: {  	v13 =	vld [tilespmem:s13+$0x1B7A0];
	v4 =	vmax.f32 v4, $0.0e+00  }
0x2d2: {  	v54 =	vld [tilespmem:s2+$0xFFFFFDA0];
	[tilespmem:s2+$0xC590] =	vst v4  }
0x2d3: {  	v55 =	vld [tilespmem:s20+$0x1B790];
	_ =	sdelay $0x2  }
0x2d4: {  	v13 =	vadd.f32 v13, v49;
	_ =	sdelay $0x1  }
0x2d5: {  	v13 =	vmax.f32 v13, $0.0e+00;
	v4 =	vadd.f32 v55, v54  }
0x2d6: {  	v52 =	vld [tilespmem:s31+$0xFFFFFDC0];
	[tilespmem:s31+$0xC5B0] =	vst v13  }
0x2d7: {  	v53 =	vld [tilespmem:s13+$0x1B7B0];
	v4 =	vmax.f32 v4, $0.0e+00  }
0x2d8: {  	v58 =	vld [tilespmem:s2+$0xFFFFFDB0];
	[tilespmem:s2+$0xC5A0] =	vst v4  }
0x2d9: {  	v4 =	vld [tilespmem:s20+$0x1B7A0];
	_ =	sdelay $0x2  }
0x2da: {  	v13 =	vadd.f32 v53, v52;
	_ =	sdelay $0x1  }
0x2db: {  	v13 =	vmax.f32 v13, $0.0e+00;
	v4 =	vadd.f32 v4, v58  }
0x2dc: {  	v56 =	vld [tilespmem:s31+$0xFFFFFDD0];
	[tilespmem:s31+$0xC5C0] =	vst v13  }
0x2dd: {  	v57 =	vld [tilespmem:s13+$0x1B7C0];
	v4 =	vmax.f32 v4, $0.0e+00  }
0x2de: {  	v61 =	vld [tilespmem:s2+$0xFFFFFDC0];
	[tilespmem:s2+$0xC5B0] =	vst v4  }
0x2df: {  	v62 =	vld [tilespmem:s20+$0x1B7B0];
	_ =	sdelay $0x2  }
0x2e0: {  	v13 =	vadd.f32 v57, v56;
	_ =	sdelay $0x1  }
0x2e1: {  	v13 =	vmax.f32 v13, $0.0e+00;
	v4 =	vadd.f32 v62, v61  }
0x2e2: {  	v59 =	vld [tilespmem:s31+$0xFFFFFDE0];
	[tilespmem:s31+$0xC5D0] =	vst v13  }
0x2e3: {  	v60 =	vld [tilespmem:s13+$0x1B7D0];
	v4 =	vmax.f32 v4, $0.0e+00  }
0x2e4: {  	v19 =	vld [tilespmem:s2+$0xFFFFFDD0];
	[tilespmem:s2+$0xC5C0] =	vst v4  }
0x2e5: {  	v20 =	vld [tilespmem:s20+$0x1B7C0];
	_ =	sdelay $0x2  }
0x2e6: {  	v13 =	vadd.f32 v60, v59;
	_ =	sdelay $0x1  }
0x2e7: {  	v13 =	vmax.f32 v13, $0.0e+00;
	v4 =	vadd.f32 v20, v19  }
0x2e8: {  	v63 =	vld [tilespmem:s31+$0xFFFFFDF0];
	[tilespmem:s31+$0xC5E0] =	vst v13  }
0x2e9: {  	v18 =	vld [tilespmem:s13+$0x1B7E0];
	v4 =	vmax.f32 v4, $0.0e+00  }
0x2ea: {  	v22 =	vld [tilespmem:s2+$0xFFFFFDE0];
	[tilespmem:s2+$0xC5D0] =	vst v4  }
0x2eb: {  	v23 =	vld [tilespmem:s20+$0x1B7D0];
	_ =	sdelay $0x2  }
0x2ec: {  	v13 =	vadd.f32 v18, v63;
	_ =	sdelay $0x1  }
0x2ed: {  	v13 =	vmax.f32 v13, $0.0e+00;
	v4 =	vadd.f32 v23, v22  }
0x2ee: {  	v21 =	vld [tilespmem:s31+$0xFFFFFE00];
	[tilespmem:s31+$0xC5F0] =	vst v13  }
0x2ef: {  	v24 =	vld [tilespmem:s13+$0x1B7F0];
	v4 =	vmax.f32 v4, $0.0e+00  }
0x2f0: {  	v25 =	vld [tilespmem:s2+$0xFFFFFDF0];
	[tilespmem:s2+$0xC5E0] =	vst v4  }
0x2f1: {  	(v2sf) =	vpush v2, $0x5;
	v26 =	vld [tilespmem:s20+$0x1B7E0]  }
0x2f2: {  	v11 =	vadd.f32 v12, v11;
	(v2sf) =	vpush v3, $0x7  }
0x2f3: {  	(v2sf) =	vpush v6, $0x4  }
0x2f4: {  	v11 =	vmax.f32 v11, $0.0e+00;
	v13 =	vadd.f32 v24, v21  }
0x2f5: {  	[tilespmem:s30+$0xC610] =	vst v11;
	v27 =	vld [tilespmem:s31+$0xFFFFFE10]  }
0x2f6: {  	v30 =	vld [tilespmem:s11+$0x1B790];
	v13 =	vmax.f32 v13, $0.0e+00;
	v4 =	vadd.f32 v26, v25  }
0x2f7: {  	v31 =	vld [tilespmem:s2+$0xFFFFFE00];
	[tilespmem:s31+$0xC600] =	vst v13  }
0x2f8: {  	v28 =	vld [tilespmem:s9+$0x1B780];
	v4 =	vmax.f32 v4, $0.0e+00  }
0x2f9: {  	v29 =	vld [tilespmem:s30+$0xFFFFFE20];
	[tilespmem:s2+$0xC5F0] =	vst v4  }
0x2fa: {  	v32 =	vld [tilespmem:s20+$0x1B7F0];
	_ =	sdelay $0x2  }
0x2fb: {  	v3 =	vadd.f32 v28, v27  }
0x2fc: {  	v33 =	vadd.f32 v30, v29  }
0x2fd: {  	v3 =	vmax.f32 v3, $0.0e+00;
	v36 =	vadd.f32 v32, v31  }
0x2fe: {  	[tilespmem:s31+$0xC610] =	vst v3;
	v3 =	vmax.f32 v33, $0.0e+00;
	s13 =	spop (v2sf)  }
0x2ff: {  	[tilespmem:s30+$0xC620] =	vst v3;
	s8 =	spop (v2sf);
	v3 =	vmax.f32 v36, $0.0e+00  }
0x300: {  	v39 =	vld [tilespmem:s2+$0xFFFFFE10];
	s20 =	spop (v2sf);
	[tilespmem:s2+$0xC600] =	vst v3  }
0x301: {  	v40 =	vld [tilespmem:s20+$0x1B780];
	_ =	sdelay $0x4  }
0x302: {  	v34 =	vld [tilespmem:s31+$0xFFFFFE20];
	v3 =	vadd.f32 v40, v39  }
0x303: {  	v35 =	vld [tilespmem:s9+$0x1B790]  }
0x304: {  	v3 =	vmax.f32 v3, $0.0e+00  }
0x305: {  	v44 =	vld [tilespmem:s2+$0xFFFFFE20];
	[tilespmem:s2+$0xC610] =	vst v3  }
0x306: {  	v45 =	vld [tilespmem:s20+$0x1B790];
	_ =	sdelay $0x1  }
0x307: {  	v11 =	vadd.f32 v35, v34;
	_ =	sdelay $0x1  }
0x308: {  	v37 =	vld [tilespmem:s30+$0xFFFFFE30];
	v11 =	vmax.f32 v11, $0.0e+00  }
0x309: {  	v41 =	vld [tilespmem:s31+$0xFFFFFE30];
	[tilespmem:s31+$0xC620] =	vst v11;
	v3 =	vadd.f32 v45, v44  }
0x30a: {  	v42 =	vld [tilespmem:s9+$0x1B7A0]  }
0x30b: {  	v49 =	vld [tilespmem:s2+$0xFFFFFE30];
	v3 =	vmax.f32 v3, $0.0e+00  }
0x30c: {  	v38 =	vld [tilespmem:s11+$0x1B7A0];
	[tilespmem:s2+$0xC620] =	vst v3  }
0x30d: {  	v50 =	vld [tilespmem:s20+$0x1B7A0];
	_ =	sdelay $0x1  }
0x30e: {  	v11 =	vadd.f32 v42, v41;
	_ =	sdelay $0x1  }
0x30f: {  	v43 =	vld [tilespmem:s30+$0xFFFFFE40];
	v11 =	vmax.f32 v11, $0.0e+00;
	v4 =	vadd.f32 v38, v37  }
0x310: {  	v47 =	vld [tilespmem:s31+$0xFFFFFE40];
	[tilespmem:s31+$0xC630] =	vst v11;
	v3 =	vadd.f32 v50, v49  }
0x311: {  	v48 =	vld [tilespmem:s9+$0x1B7B0];
	v4 =	vmax.f32 v4, $0.0e+00  }
0x312: {  	v55 =	vld [tilespmem:s2+$0xFFFFFE40];
	[tilespmem:s30+$0xC630] =	vst v4;
	v3 =	vmax.f32 v3, $0.0e+00  }
0x313: {  	v46 =	vld [tilespmem:s11+$0x1B7B0];
	[tilespmem:s2+$0xC630] =	vst v3  }
0x314: {  	v56 =	vld [tilespmem:s20+$0x1B7B0];
	_ =	sdelay $0x1  }
0x315: {  	v11 =	vadd.f32 v48, v47;
	_ =	sdelay $0x1  }
0x316: {  	v53 =	vld [tilespmem:s31+$0xFFFFFE50];
	v11 =	vmax.f32 v11, $0.0e+00;
	v4 =	vadd.f32 v46, v43  }
0x317: {  	v51 =	vld [tilespmem:s30+$0xFFFFFE50];
	[tilespmem:s31+$0xC640] =	vst v11;
	v3 =	vadd.f32 v56, v55  }
0x318: {  	v54 =	vld [tilespmem:s9+$0x1B7C0];
	v4 =	vmax.f32 v4, $0.0e+00  }
0x319: {  	v61 =	vld [tilespmem:s2+$0xFFFFFE50];
	[tilespmem:s30+$0xC640] =	vst v4;
	v3 =	vmax.f32 v3, $0.0e+00  }
0x31a: {  	v52 =	vld [tilespmem:s11+$0x1B7C0];
	[tilespmem:s2+$0xC640] =	vst v3  }
0x31b: {  	v62 =	vld [tilespmem:s20+$0x1B7C0];
	_ =	sdelay $0x1  }
0x31c: {  	v4 =	vadd.f32 v54, v53;
	_ =	sdelay $0x1  }
0x31d: {  	v57 =	vld [tilespmem:s30+$0xFFFFFE60];
	v4 =	vmax.f32 v4, $0.0e+00;
	v12 =	vadd.f32 v52, v51  }
0x31e: {  	v59 =	vld [tilespmem:s31+$0xFFFFFE60];
	[tilespmem:s31+$0xC650] =	vst v4;
	v3 =	vadd.f32 v62, v61  }
0x31f: {  	v60 =	vld [tilespmem:s9+$0x1B7D0];
	v12 =	vmax.f32 v12, $0.0e+00  }
0x320: {  	v18 =	vld [tilespmem:s2+$0xFFFFFE60];
	[tilespmem:s30+$0xC650] =	vst v12;
	v3 =	vmax.f32 v3, $0.0e+00  }
0x321: {  	v58 =	vld [tilespmem:s11+$0x1B7D0];
	[tilespmem:s2+$0xC650] =	vst v3  }
0x322: {  	v19 =	vld [tilespmem:s20+$0x1B7D0];
	_ =	sdelay $0x1  }
0x323: {  	v4 =	vadd.f32 v60, v59;
	_ =	sdelay $0x1  }
0x324: {  	v17 =	vld [tilespmem:s31+$0xFFFFFE70];
	v4 =	vmax.f32 v4, $0.0e+00;
	v11 =	vadd.f32 v58, v57  }
0x325: {  	v63 =	vld [tilespmem:s30+$0xFFFFFE70];
	[tilespmem:s31+$0xC660] =	vst v4;
	v3 =	vadd.f32 v19, v18  }
0x326: {  	v20 =	vld [tilespmem:s9+$0x1B7E0];
	v11 =	vmax.f32 v11, $0.0e+00  }
0x327: {  	v22 =	vld [tilespmem:s2+$0xFFFFFE70];
	[tilespmem:s30+$0xC660] =	vst v11;
	v3 =	vmax.f32 v3, $0.0e+00  }
0x328: {  	v16 =	vld [tilespmem:s11+$0x1B7E0];
	[tilespmem:s2+$0xC660] =	vst v3  }
0x329: {  	v23 =	vld [tilespmem:s20+$0x1B7E0]  }
0x32a: {  	(v2sf) =	vpush v2, $0x6  }
0x32b: {  	(v2sf) =	vpush v6, $0x5;
	v4 =	vadd.f32 v20, v17;
	_ =	sdelay $0x1  }
0x32c: {  	v21 =	vld [tilespmem:s30+$0xFFFFFE80];
	v4 =	vmax.f32 v4, $0.0e+00;
	v11 =	vadd.f32 v16, v63  }
0x32d: {  	v24 =	vld [tilespmem:s31+$0xFFFFFE80];
	[tilespmem:s31+$0xC670] =	vst v4;
	v3 =	vadd.f32 v23, v22  }
0x32e: {  	v25 =	vld [tilespmem:s9+$0x1B7F0];
	v11 =	vmax.f32 v11, $0.0e+00  }
0x32f: {  	v28 =	vld [tilespmem:s2+$0xFFFFFE80];
	[tilespmem:s30+$0xC670] =	vst v11;
	v3 =	vmax.f32 v3, $0.0e+00  }
0x330: {  	v11 =	vld [tilespmem:s11+$0x1B7F0];
	[tilespmem:s2+$0xC670] =	vst v3  }
0x331: {  	v29 =	vld [tilespmem:s20+$0x1B7F0];
	_ =	sdelay $0x1  }
0x332: {  	v12 =	vadd.f32 v25, v24;
	_ =	sdelay $0x1  }
0x333: {  	v30 =	vld [tilespmem:s31+$0xFFFFFE90];
	v12 =	vmax.f32 v12, $0.0e+00;
	v11 =	vadd.f32 v11, v21  }
0x334: {  	v33 =	vld [tilespmem:s2+$0xFFFFFE90];
	[tilespmem:s31+$0xC680] =	vst v12;
	v3 =	vadd.f32 v29, v28  }
0x335: {  	v12 =	vld [tilespmem:s13+$0x1B780];
	v11 =	vmax.f32 v11, $0.0e+00  }
0x336: {  	v26 =	vld [tilespmem:s30+$0xFFFFFE90];
	[tilespmem:s30+$0xC680] =	vst v11;
	s20 =	spop (v2sf);
	v3 =	vmax.f32 v3, $0.0e+00  }
0x337: {  	v27 =	vld [tilespmem:s19+$0x1B780];
	s11 =	spop (v2sf);
	[tilespmem:s2+$0xC680] =	vst v3  }
0x338: {  	v34 =	vld [tilespmem:s11+$0x1B780];
	_ =	sdelay $0x1  }
0x339: {  	v11 =	vadd.f32 v12, v30;
	_ =	sdelay $0x1  }
0x33a: {  	v35 =	vld [tilespmem:s31+$0xFFFFFEA0];
	v11 =	vmax.f32 v11, $0.0e+00;
	v4 =	vadd.f32 v27, v26  }
0x33b: {  	v38 =	vld [tilespmem:s2+$0xFFFFFEA0];
	[tilespmem:s31+$0xC690] =	vst v11;
	v3 =	vadd.f32 v34, v33  }
0x33c: {  	v36 =	vld [tilespmem:s13+$0x1B790];
	v4 =	vmax.f32 v4, $0.0e+00  }
0x33d: {  	v31 =	vld [tilespmem:s30+$0xFFFFFEA0];
	[tilespmem:s30+$0xC690] =	vst v4;
	v3 =	vmax.f32 v3, $0.0e+00  }
0x33e: {  	v32 =	vld [tilespmem:s19+$0x1B790];
	[tilespmem:s2+$0xC690] =	vst v3  }
0x33f: {  	v39 =	vld [tilespmem:s11+$0x1B790];
	_ =	sdelay $0x1  }
0x340: {  	v11 =	vadd.f32 v36, v35;
	_ =	sdelay $0x1  }
0x341: {  	v41 =	vld [tilespmem:s31+$0xFFFFFEB0];
	v11 =	vmax.f32 v11, $0.0e+00;
	v4 =	vadd.f32 v32, v31  }
0x342: {  	v37 =	vld [tilespmem:s30+$0xFFFFFEB0];
	[tilespmem:s31+$0xC6A0] =	vst v11;
	v3 =	vadd.f32 v39, v38  }
0x343: {  	v42 =	vld [tilespmem:s13+$0x1B7A0];
	v4 =	vmax.f32 v4, $0.0e+00  }
0x344: {  	v44 =	vld [tilespmem:s2+$0xFFFFFEB0];
	[tilespmem:s30+$0xC6A0] =	vst v4;
	v3 =	vmax.f32 v3, $0.0e+00  }
0x345: {  	v40 =	vld [tilespmem:s19+$0x1B7A0];
	[tilespmem:s2+$0xC6A0] =	vst v3  }
0x346: {  	v45 =	vld [tilespmem:s11+$0x1B7A0];
	_ =	sdelay $0x1  }
0x347: {  	v11 =	vadd.f32 v42, v41  }
0x348: {  	v8 =	vadd.f32 v10, v8;
	v47 =	vld [tilespmem:s31+$0xFFFFFEC0]  }
0x349: {  	v43 =	vld [tilespmem:s30+$0xFFFFFEC0];
	v11 =	vmax.f32 v11, $0.0e+00;
	v4 =	vadd.f32 v40, v37  }
0x34a: {  	v8 =	vmax.f32 v8, $0.0e+00;
	v52 =	vld [tilespmem:s2+$0xFFFFFEC0];
	[tilespmem:s31+$0xC6B0] =	vst v11;
	v3 =	vadd.f32 v45, v44  }
0x34b: {  	[tilespmem:s29+$0xC6F0] =	vst v8;
	v48 =	vld [tilespmem:s13+$0x1B7B0];
	v4 =	vmax.f32 v4, $0.0e+00  }
0x34c: {  	v49 =	vld [tilespmem:s12+$0x1B7F0];
	[tilespmem:s30+$0xC6B0] =	vst v4;
	v3 =	vmax.f32 v3, $0.0e+00  }
0x34d: {  	v46 =	vld [tilespmem:s19+$0x1B7B0];
	[tilespmem:s2+$0xC6B0] =	vst v3  }
0x34e: {  	v3 =	vld [tilespmem:s11+$0x1B7B0];
	_ =	sdelay $0x1  }
0x34f: {  	v53 =	vld [tilespmem:s31+$0xFFFFFED0];
	v8 =	vadd.f32 v48, v47  }
0x350: {  	v54 =	vld [tilespmem:s29+$0xFFFFFF10];
	v4 =	vadd.f32 v49, v9  }
0x351: {  	v51 =	vld [tilespmem:s30+$0xFFFFFED0];
	v8 =	vmax.f32 v8, $0.0e+00;
	v50 =	vadd.f32 v46, v43  }
0x352: {  	v58 =	vld [tilespmem:s2+$0xFFFFFED0];
	v4 =	vmax.f32 v4, $0.0e+00;
	[tilespmem:s31+$0xC6C0] =	vst v8;
	v3 =	vadd.f32 v3, v52  }
0x353: {  	[tilespmem:s29+$0xC700] =	vst v4;
	v55 =	vld [tilespmem:s13+$0x1B7C0];
	v11 =	vmax.f32 v50, $0.0e+00  }
0x354: {  	v56 =	vld [tilespmem:s7+$0x1B780];
	[tilespmem:s30+$0xC6C0] =	vst v11;
	v3 =	vmax.f32 v3, $0.0e+00  }
0x355: {  	v11 =	vld [tilespmem:s19+$0x1B7C0];
	[tilespmem:s2+$0xC6C0] =	vst v3  }
0x356: {  	v3 =	vld [tilespmem:s11+$0x1B7C0];
	_ =	sdelay $0x1  }
0x357: {  	v59 =	vld [tilespmem:s31+$0xFFFFFEE0];
	v4 =	vadd.f32 v55, v53  }
0x358: {  	v60 =	vld [tilespmem:s29+$0xFFFFFF20];
	v8 =	vadd.f32 v56, v54  }
0x359: {  	v57 =	vld [tilespmem:s30+$0xFFFFFEE0];
	v4 =	vmax.f32 v4, $0.0e+00;
	v11 =	vadd.f32 v11, v51  }
0x35a: {  	v62 =	vld [tilespmem:s2+$0xFFFFFEE0];
	v8 =	vmax.f32 v8, $0.0e+00;
	[tilespmem:s31+$0xC6D0] =	vst v4;
	v3 =	vadd.f32 v3, v58  }
0x35b: {  	[tilespmem:s29+$0xC710] =	vst v8;
	v4 =	vld [tilespmem:s13+$0x1B7D0];
	v11 =	vmax.f32 v11, $0.0e+00  }
0x35c: {  	v8 =	vld [tilespmem:s7+$0x1B790];
	[tilespmem:s30+$0xC6D0] =	vst v11;
	v3 =	vmax.f32 v3, $0.0e+00  }
0x35d: {  	v11 =	vld [tilespmem:s19+$0x1B7D0];
	[tilespmem:s2+$0xC6D0] =	vst v3  }
0x35e: {  	v63 =	vld [tilespmem:s11+$0x1B7D0];
	_ =	sdelay $0x1  }
0x35f: {  	v17 =	vld [tilespmem:s31+$0xFFFFFEF0];
	v4 =	vadd.f32 v4, v59  }
0x360: {  	v61 =	vld [tilespmem:s30+$0xFFFFFEF0];
	v8 =	vadd.f32 v8, v60  }
0x361: {  	v18 =	vld [tilespmem:s29+$0xFFFFFF30];
	v4 =	vmax.f32 v4, $0.0e+00;
	v11 =	vadd.f32 v11, v57  }
0x362: {  	v22 =	vld [tilespmem:s2+$0xFFFFFEF0];
	v8 =	vmax.f32 v8, $0.0e+00;
	[tilespmem:s31+$0xC6E0] =	vst v4;
	v19 =	vadd.f32 v63, v62  }
0x363: {  	[tilespmem:s29+$0xC720] =	vst v8;
	v4 =	vld [tilespmem:s13+$0x1B7E0];
	v11 =	vmax.f32 v11, $0.0e+00  }
0x364: {  	v20 =	vld [tilespmem:s7+$0x1B7A0];
	[tilespmem:s30+$0xC6E0] =	vst v11;
	v8 =	vmax.f32 v19, $0.0e+00  }
0x365: {  	v16 =	vld [tilespmem:s19+$0x1B7E0];
	[tilespmem:s2+$0xC6E0] =	vst v8  }
0x366: {  	v8 =	vld [tilespmem:s11+$0x1B7E0]  }
0x367: {  	(v2sf) =	vpush v2, $0x7  }
0x368: {  	(v2sf) =	vpush v6, $0x6;
	v4 =	vadd.f32 v4, v17  }
0x369: {  	v23 =	vadd.f32 v20, v18  }
0x36a: {  	v24 =	vld [tilespmem:s31+$0xFFFFFF00];
	v4 =	vmax.f32 v4, $0.0e+00;
	v12 =	vadd.f32 v16, v61  }
0x36b: {  	v21 =	vld [tilespmem:s30+$0xFFFFFF00];
	v9 =	vmax.f32 v23, $0.0e+00;
	[tilespmem:s31+$0xC6F0] =	vst v4;
	v26 =	vadd.f32 v8, v22  }
0x36c: {  	[tilespmem:s29+$0xC730] =	vst v9;
	v4 =	vld [tilespmem:s13+$0x1B7F0];
	v12 =	vmax.f32 v12, $0.0e+00  }
0x36d: {  	v28 =	vld [tilespmem:s2+$0xFFFFFF00];
	[tilespmem:s30+$0xC6F0] =	vst v12;
	v9 =	vmax.f32 v26, $0.0e+00  }
0x36e: {  	v12 =	vld [tilespmem:s19+$0x1B7F0];
	[tilespmem:s2+$0xC6F0] =	vst v9  }
0x36f: {  	v30 =	vld [tilespmem:s11+$0x1B7F0];
	_ =	sdelay $0x1  }
0x370: {  	v4 =	vadd.f32 v4, v24;
	_ =	sdelay $0x1  }
0x371: {  	v32 =	vld [tilespmem:s30+$0xFFFFFF10];
	v4 =	vmax.f32 v4, $0.0e+00;
	v29 =	vadd.f32 v12, v21  }
0x372: {  	v33 =	vld [tilespmem:s31+$0xFFFFFF10];
	[tilespmem:s31+$0xC700] =	vst v4;
	v12 =	vadd.f32 v30, v28  }
0x373: {  	v36 =	vld [tilespmem:s20+$0x1B780];
	v9 =	vmax.f32 v29, $0.0e+00  }
0x374: {  	v39 =	vld [tilespmem:s2+$0xFFFFFF10];
	s13 =	spop (v2sf);
	[tilespmem:s30+$0xC700] =	vst v9;
	v38 =	vmax.f32 v12, $0.0e+00  }
0x375: {  	s19 =	spop (v2sf);
	v34 =	vld [tilespmem:s10+$0x1B780];
	[tilespmem:s2+$0xC700] =	vst v38  }
0x376: {  	v41 =	vld [tilespmem:s19+$0x1B780];
	_ =	sdelay $0x1  }
0x377: {  	v25 =	vld [tilespmem:s29+$0xFFFFFF40];
	v9 =	vadd.f32 v36, v33  }
0x378: {  	v27 =	vld [tilespmem:s7+$0x1B7B0]  }
0x379: {  	v42 =	vld [tilespmem:s30+$0xFFFFFF20];
	v44 =	vmax.f32 v9, $0.0e+00;
	v40 =	vadd.f32 v34, v32  }
0x37a: {  	v43 =	vld [tilespmem:s31+$0xFFFFFF20];
	[tilespmem:s31+$0xC710] =	vst v44;
	v10 =	vadd.f32 v41, v39  }
0x37b: {  	v46 =	vld [tilespmem:s20+$0x1B790];
	v4 =	vmax.f32 v40, $0.0e+00  }
0x37c: {  	v48 =	vld [tilespmem:s2+$0xFFFFFF20];
	[tilespmem:s30+$0xC710] =	vst v4;
	v10 =	vmax.f32 v10, $0.0e+00  }
0x37d: {  	v11 =	vadd.f32 v27, v25;
	v45 =	vld [tilespmem:s10+$0x1B790];
	[tilespmem:s2+$0xC710] =	vst v10  }
0x37e: {  	v10 =	vld [tilespmem:s19+$0x1B790]  }
0x37f: {  	v35 =	vmax.f32 v11, $0.0e+00  }
0x380: {  	v31 =	vld [tilespmem:s29+$0xFFFFFF50];
	[tilespmem:s29+$0xC740] =	vst v35;
	v14 =	vadd.f32 v46, v43  }
0x381: {  	v37 =	vld [tilespmem:s7+$0x1B7C0]  }
0x382: {  	v49 =	vld [tilespmem:s30+$0xFFFFFF30];
	v14 =	vmax.f32 v14, $0.0e+00;
	v9 =	vadd.f32 v45, v42  }
0x383: {  	v51 =	vld [tilespmem:s31+$0xFFFFFF30];
	[tilespmem:s31+$0xC720] =	vst v14;
	v54 =	vadd.f32 v10, v48  }
0x384: {  	v53 =	vld [tilespmem:s20+$0x1B7A0];
	v50 =	vmax.f32 v9, $0.0e+00  }
0x385: {  	v55 =	vld [tilespmem:s2+$0xFFFFFF30];
	[tilespmem:s30+$0xC720] =	vst v50;
	v14 =	vmax.f32 v54, $0.0e+00  }
0x386: {  	v13 =	vadd.f32 v37, v31;
	v52 =	vld [tilespmem:s10+$0x1B7A0];
	[tilespmem:s2+$0xC720] =	vst v14  }
0x387: {  	v14 =	vld [tilespmem:s19+$0x1B7A0]  }
0x388: {  	v13 =	vmax.f32 v13, $0.0e+00  }
0x389: {  	[tilespmem:s29+$0xC750] =	vst v13;
	v13 =	vadd.f32 v53, v51;
	_ =	sdelay $0x1  }
0x38a: {  	v56 =	vld [tilespmem:s30+$0xFFFFFF40];
	v13 =	vmax.f32 v13, $0.0e+00;
	v11 =	vadd.f32 v52, v49  }
0x38b: {  	v20 =	vld [tilespmem:s31+$0xFFFFFF40];
	[tilespmem:s31+$0xC730] =	vst v13;
	v14 =	vadd.f32 v14, v55  }
0x38c: {  	v22 =	vld [tilespmem:s20+$0x1B7B0];
	v57 =	vmax.f32 v11, $0.0e+00  }
0x38d: {  	v58 =	vld [tilespmem:s2+$0xFFFFFF40];
	[tilespmem:s30+$0xC730] =	vst v57;
	v14 =	vmax.f32 v14, $0.0e+00  }
0x38e: {  	v21 =	vld [tilespmem:s10+$0x1B7B0];
	[tilespmem:s2+$0xC730] =	vst v14  }
0x38f: {  	v60 =	vld [tilespmem:s19+$0x1B7B0];
	_ =	sdelay $0x1  }
0x390: {  	v20 =	vadd.f32 v22, v20;
	_ =	sdelay $0x1  }
0x391: {  	v61 =	vld [tilespmem:s30+$0xFFFFFF50];
	v20 =	vmax.f32 v20, $0.0e+00;
	v59 =	vadd.f32 v21, v56  }
0x392: {  	v63 =	vld [tilespmem:s31+$0xFFFFFF50];
	[tilespmem:s31+$0xC740] =	vst v20;
	v17 =	vadd.f32 v60, v58  }
0x393: {  	v20 =	vld [tilespmem:s20+$0x1B7C0];
	v62 =	vmax.f32 v59, $0.0e+00  }
0x394: {  	v25 =	vld [tilespmem:s2+$0xFFFFFF50];
	[tilespmem:s30+$0xC740] =	vst v62;
	v17 =	vmax.f32 v17, $0.0e+00  }
0x395: {  	v23 =	vld [tilespmem:s10+$0x1B7C0];
	[tilespmem:s2+$0xC740] =	vst v17  }
0x396: {  	v27 =	vld [tilespmem:s19+$0x1B7C0];
	_ =	sdelay $0x1  }
0x397: {  	v47 =	vld [tilespmem:s29+$0xFFFFFF60];
	v20 =	vadd.f32 v20, v63  }
0x398: {  	v19 =	vld [tilespmem:s7+$0x1B7D0]  }
0x399: {  	v28 =	vld [tilespmem:s30+$0xFFFFFF60];
	v20 =	vmax.f32 v20, $0.0e+00;
	v26 =	vadd.f32 v23, v61  }
0x39a: {  	v30 =	vld [tilespmem:s31+$0xFFFFFF60];
	[tilespmem:s31+$0xC750] =	vst v20;
	v33 =	vadd.f32 v27, v25  }
0x39b: {  	v32 =	vld [tilespmem:s20+$0x1B7D0];
	v29 =	vmax.f32 v26, $0.0e+00  }
0x39c: {  	v26 =	vld [tilespmem:s2+$0xFFFFFF60];
	[tilespmem:s30+$0xC750] =	vst v29;
	v20 =	vmax.f32 v33, $0.0e+00  }
0x39d: {  	v18 =	vadd.f32 v19, v47;
	v31 =	vld [tilespmem:s10+$0x1B7D0];
	[tilespmem:s2+$0xC750] =	vst v20  }
0x39e: {  	v37 =	vld [tilespmem:s19+$0x1B7D0]  }
0x39f: {  	v18 =	vmax.f32 v18, $0.0e+00  }
0x3a0: {  	v24 =	vld [tilespmem:s29+$0xFFFFFF70];
	[tilespmem:s29+$0xC760] =	vst v18;
	v18 =	vadd.f32 v32, v30  }
0x3a1: {  	v34 =	vld [tilespmem:s7+$0x1B7E0]  }
0x3a2: {  	v38 =	vld [tilespmem:s30+$0xFFFFFF70];
	v18 =	vmax.f32 v18, $0.0e+00;
	v36 =	vadd.f32 v31, v28  }
0x3a3: {  	v41 =	vld [tilespmem:s31+$0xFFFFFF70];
	[tilespmem:s31+$0xC760] =	vst v18;
	v22 =	vadd.f32 v37, v26  }
0x3a4: {  	v18 =	vld [tilespmem:s20+$0x1B7E0];
	v39 =	vmax.f32 v36, $0.0e+00  }
0x3a5: {  	v43 =	vld [tilespmem:s2+$0xFFFFFF70];
	[tilespmem:s30+$0xC760] =	vst v39;
	v22 =	vmax.f32 v22, $0.0e+00  }
0x3a6: {  	v27 =	vld [tilespmem:s10+$0x1B7E0];
	[tilespmem:s2+$0xC760] =	vst v22  }
0x3a7: {  	v22 =	vld [tilespmem:s19+$0x1B7E0]  }
0x3a8: {  	v21 =	vadd.f32 v34, v24  }
0x3a9: {  	(v2sf) =	vpush v6, $0x7;
	v47 =	vld [tilespmem:s31+$0xFFFFFF80];
	v18 =	vadd.f32 v18, v41  }
0x3aa: {  	v46 =	vld [tilespmem:s30+$0xFFFFFF80];
	v21 =	vmax.f32 v21, $0.0e+00  }
0x3ab: {  	v42 =	vld [tilespmem:s29+$0xFFFFFF80];
	[tilespmem:s29+$0xC770] =	vst v21;
	v18 =	vmax.f32 v18, $0.0e+00;
	v44 =	vadd.f32 v27, v38  }
0x3ac: {  	v45 =	vld [tilespmem:s7+$0x1B7F0];
	[tilespmem:s31+$0xC770] =	vst v18;
	v22 =	vadd.f32 v22, v43  }
0x3ad: {  	v18 =	vld [tilespmem:s20+$0x1B7F0];
	v21 =	vmax.f32 v44, $0.0e+00  }
0x3ae: {  	v50 =	vld [tilespmem:s2+$0xFFFFFF80];
	[tilespmem:s30+$0xC770] =	vst v21;
	v22 =	vmax.f32 v22, $0.0e+00  }
0x3af: {  	v21 =	vld [tilespmem:s10+$0x1B7F0];
	[tilespmem:s2+$0xC770] =	vst v22  }
0x3b0: {  	v22 =	vld [tilespmem:s19+$0x1B7F0]  }
0x3b1: {  	v23 =	vadd.f32 v45, v42  }
0x3b2: {  	v51 =	vld [tilespmem:s30+$0xFFFFFF90];
	v6 =	vadd.f32 v18, v47  }
0x3b3: {  	v49 =	vld [tilespmem:s29+$0xFFFFFF90];
	v23 =	vmax.f32 v23, $0.0e+00  }
0x3b4: {  	v54 =	vld [tilespmem:s31+$0xFFFFFF90];
	[tilespmem:s29+$0xC780] =	vst v23;
	v6 =	vmax.f32 v6, $0.0e+00;
	v19 =	vadd.f32 v21, v46  }
0x3b5: {  	v23 =	vld [tilespmem:s3+$0x1B780];
	[tilespmem:s31+$0xC780] =	vst v6;
	v22 =	vadd.f32 v22, v50  }
0x3b6: {  	v6 =	vld [tilespmem:s13+$0x1B780];
	v52 =	vmax.f32 v19, $0.0e+00  }
0x3b7: {  	v56 =	vld [tilespmem:s2+$0xFFFFFF90];
	[tilespmem:s30+$0xC780] =	vst v52;
	v22 =	vmax.f32 v22, $0.0e+00  }
0x3b8: {  	s20 =	spop (v2sf);
	v55 =	vld [tilespmem:s8+$0x1B780];
	[tilespmem:s2+$0xC780] =	vst v22  }
0x3b9: {  	v22 =	vld [tilespmem:s20+$0x1B780]  }
0x3ba: {  	v23 =	vadd.f32 v23, v49  }
0x3bb: {  	v57 =	vld [tilespmem:s30+$0xFFFFFFA0];
	v6 =	vadd.f32 v6, v54  }
0x3bc: {  	v58 =	vld [tilespmem:s31+$0xFFFFFFA0];
	v23 =	vmax.f32 v23, $0.0e+00  }
0x3bd: {  	v29 =	vld [tilespmem:s29+$0xFFFFFFA0];
	[tilespmem:s29+$0xC790] =	vst v23;
	v6 =	vmax.f32 v6, $0.0e+00;
	v21 =	vadd.f32 v55, v51  }
0x3be: {  	v23 =	vld [tilespmem:s3+$0x1B790];
	[tilespmem:s31+$0xC790] =	vst v6;
	v22 =	vadd.f32 v22, v56  }
0x3bf: {  	v6 =	vld [tilespmem:s13+$0x1B790];
	v21 =	vmax.f32 v21, $0.0e+00  }
0x3c0: {  	v60 =	vld [tilespmem:s2+$0xFFFFFFA0];
	[tilespmem:s30+$0xC790] =	vst v21;
	v22 =	vmax.f32 v22, $0.0e+00  }
0x3c1: {  	v59 =	vld [tilespmem:s8+$0x1B790];
	[tilespmem:s2+$0xC790] =	vst v22  }
0x3c2: {  	v22 =	vld [tilespmem:s20+$0x1B790]  }
0x3c3: {  	v23 =	vadd.f32 v23, v29  }
0x3c4: {  	v53 =	vld [tilespmem:s31+$0xFFFFFFB0];
	v6 =	vadd.f32 v6, v58  }
0x3c5: {  	v48 =	vld [tilespmem:s29+$0xFFFFFFB0];
	v61 =	vmax.f32 v23, $0.0e+00  }
0x3c6: {  	v24 =	vld [tilespmem:s2+$0xFFFFFFB0];
	[tilespmem:s29+$0xC7A0] =	vst v61;
	v6 =	vmax.f32 v6, $0.0e+00;
	v18 =	vadd.f32 v59, v57  }
0x3c7: {  	v21 =	vld [tilespmem:s3+$0x1B7A0];
	[tilespmem:s31+$0xC7A0] =	vst v6;
	v62 =	vadd.f32 v22, v60  }
0x3c8: {  	v6 =	vld [tilespmem:s13+$0x1B7A0];
	v18 =	vmax.f32 v18, $0.0e+00  }
0x3c9: {  	v28 =	vld [tilespmem:s30+$0xFFFFFFB0];
	[tilespmem:s30+$0xC7A0] =	vst v18;
	v18 =	vmax.f32 v62, $0.0e+00  }
0x3ca: {  	v63 =	vld [tilespmem:s8+$0x1B7A0];
	[tilespmem:s2+$0xC7A0] =	vst v18  }
0x3cb: {  	v18 =	vld [tilespmem:s20+$0x1B7A0]  }
0x3cc: {  	v15 =	vld [tilespmem:s29+$0xFFFFFFC0];
	v21 =	vadd.f32 v21, v48  }
0x3cd: {  	v35 =	vld [tilespmem:s30+$0xFFFFFFC0];
	v6 =	vadd.f32 v6, v53  }
0x3ce: {  	v3 =	vld [tilespmem:s29+$0x0];
	v27 =	vmax.f32 v21, $0.0e+00  }
0x3cf: {  	v40 =	vld [tilespmem:s31+$0xFFFFFFC0];
	[tilespmem:s29+$0xC7B0] =	vst v27;
	v6 =	vmax.f32 v6, $0.0e+00;
	v22 =	vadd.f32 v63, v28  }
0x3d0: {  	v29 =	vld [tilespmem:s3+$0x1B7B0];
	[tilespmem:s31+$0xC7B0] =	vst v6;
	v18 =	vadd.f32 v18, v24  }
0x3d1: {  	v6 =	vld [tilespmem:s13+$0x1B7B0];
	v28 =	vmax.f32 v22, $0.0e+00  }
0x3d2: {  	v30 =	vld [tilespmem:s2+$0xFFFFFFC0];
	[tilespmem:s30+$0xC7B0] =	vst v28;
	v18 =	vmax.f32 v18, $0.0e+00  }
0x3d3: {  	v19 =	vld [tilespmem:s8+$0x1B7B0];
	[tilespmem:s2+$0xC7B0] =	vst v18  }
0x3d4: {  	v18 =	vld [tilespmem:s20+$0x1B7B0]  }
0x3d5: {  	v15 =	vadd.f32 v29, v15  }
0x3d6: {  	v16 =	vld [tilespmem:s30+$0xFFFFFFD0];
	v6 =	vadd.f32 v6, v40  }
0x3d7: {  	v12 =	vld [tilespmem:s29+$0xFFFFFFD0];
	v15 =	vmax.f32 v15, $0.0e+00  }
0x3d8: {  	v17 =	vld [tilespmem:s31+$0xFFFFFFD0];
	[tilespmem:s29+$0xC7C0] =	vst v15;
	v6 =	vmax.f32 v6, $0.0e+00;
	v19 =	vadd.f32 v19, v35  }
0x3d9: {  	v32 =	vld [tilespmem:s3+$0x1B7C0];
	[tilespmem:s31+$0xC7C0] =	vst v6;
	v33 =	vadd.f32 v18, v30  }
0x3da: {  	v6 =	vld [tilespmem:s13+$0x1B7C0];
	v31 =	vmax.f32 v19, $0.0e+00  }
0x3db: {  	v35 =	vld [tilespmem:s2+$0xFFFFFFD0];
	[tilespmem:s30+$0xC7C0] =	vst v31;
	v15 =	vmax.f32 v33, $0.0e+00  }
0x3dc: {  	v34 =	vld [tilespmem:s8+$0x1B7C0];
	[tilespmem:s2+$0xC7C0] =	vst v15  }
0x3dd: {  	v15 =	vld [tilespmem:s20+$0x1B7C0]  }
0x3de: {  	v2 =	vld [tilespmem:s29+$0xFFFFFFF0]  }
0x3df: {  	v8 =	vld [tilespmem:s29+$0xFFFFFFE0];
	v12 =	vadd.f32 v32, v12  }
0x3e0: {  	v13 =	vld [tilespmem:s30+$0xFFFFFFE0];
	v6 =	vadd.f32 v6, v17  }
0x3e1: {  	v14 =	vld [tilespmem:s31+$0xFFFFFFE0];
	v12 =	vmax.f32 v12, $0.0e+00;
	v16 =	vadd.f32 v34, v16  }
0x3e2: {  	v40 =	vld [tilespmem:s2+$0xFFFFFFE0];
	[tilespmem:s29+$0xC7D0] =	vst v12;
	v6 =	vmax.f32 v6, $0.0e+00;
	v38 =	vadd.f32 v15, v35  }
0x3e3: {  	v37 =	vld [tilespmem:s3+$0x1B7D0];
	[tilespmem:s31+$0xC7D0] =	vst v6;
	v36 =	vmax.f32 v16, $0.0e+00  }
0x3e4: {  	v6 =	vld [tilespmem:s13+$0x1B7D0];
	[tilespmem:s30+$0xC7D0] =	vst v36;
	v12 =	vmax.f32 v38, $0.0e+00  }
0x3e5: {  	v39 =	vld [tilespmem:s8+$0x1B7D0];
	[tilespmem:s2+$0xC7D0] =	vst v12  }
0x3e6: {  	v5 =	vadd.f32 v7, v5;
	v41 =	vld [tilespmem:s20+$0x1B7D0];
	_ =	sdelay $0x1  }
0x3e7: {  	v5 =	vmax.f32 v5, $0.0e+00;
	v10 =	vld [tilespmem:s30+$0xFFFFFFF0];
	v8 =	vadd.f32 v37, v8  }
0x3e8: {  	[tilespmem:s28+$0xC7E0] =	vst v5;
	v11 =	vld [tilespmem:s31+$0xFFFFFFF0];
	v6 =	vadd.f32 v6, v14  }
0x3e9: {  	v44 =	vld [tilespmem:s0+$0x1B7E0];
	v43 =	vmax.f32 v8, $0.0e+00;
	v42 =	vadd.f32 v39, v13  }
0x3ea: {  	v50 =	vld [tilespmem:s2+$0xFFFFFFF0];
	[tilespmem:s29+$0xC7E0] =	vst v43;
	v47 =	vmax.f32 v6, $0.0e+00;
	v48 =	vadd.f32 v41, v40  }
0x3eb: {  	v46 =	vld [tilespmem:s3+$0x1B7E0];
	[tilespmem:s31+$0xC7E0] =	vst v47;
	v45 =	vmax.f32 v42, $0.0e+00  }
0x3ec: {  	v5 =	vld [tilespmem:s13+$0x1B7E0];
	[tilespmem:s30+$0xC7E0] =	vst v45;
	v6 =	vmax.f32 v48, $0.0e+00  }
0x3ed: {  	v49 =	vld [tilespmem:s8+$0x1B7E0];
	[tilespmem:s2+$0xC7E0] =	vst v6  }
0x3ee: {  	v6 =	vld [tilespmem:s20+$0x1B7E0]  }
0x3ef: {  	v1 =	vadd.f32 v44, v1  }
0x3f0: {  	v4 =	vld [tilespmem:s30+$0x0];
	v2 =	vadd.f32 v46, v2  }
0x3f1: {  	v9 =	vld [tilespmem:s31+$0x0];
	v1 =	vmax.f32 v1, $0.0e+00;
	v52 =	vadd.f32 v5, v11  }
0x3f2: {  	[tilespmem:s28+$0xC7F0] =	vst v1;
	v59 =	vld [tilespmem:s2+$0x0];
	v51 =	vmax.f32 v2, $0.0e+00;
	v7 =	vadd.f32 v49, v10  }
0x3f3: {  	v53 =	vld [tilespmem:s0+$0x1B7F0];
	[tilespmem:s29+$0xC7F0] =	vst v51;
	v56 =	vmax.f32 v52, $0.0e+00;
	v57 =	vadd.f32 v6, v50  }
0x3f4: {  	v55 =	vld [tilespmem:s3+$0x1B7F0];
	[tilespmem:s31+$0xC7F0] =	vst v56;
	v54 =	vmax.f32 v7, $0.0e+00  }
0x3f5: {  	v1 =	vld [tilespmem:s13+$0x1B7F0];
	[tilespmem:s30+$0xC7F0] =	vst v54;
	v2 =	vmax.f32 v57, $0.0e+00  }
0x3f6: {  	v58 =	vld [tilespmem:s8+$0x1B7F0];
	[tilespmem:s2+$0xC7F0] =	vst v2  }
0x3f7: {  	v2 =	vld [tilespmem:s20+$0x1B7F0]  }
0x3f8: {  	v0 =	vadd.f32 v53, v0  }
0x3f9: {  	v3 =	vadd.f32 v55, v3  }
0x3fa: {  	v0 =	vmax.f32 v0, $0.0e+00;
	v1 =	vadd.f32 v1, v9  }
0x3fb: {  	p1 =	sne.s32 s23, $0x18;
	[tilespmem:s28+$0xC800] =	vst v0;
	v60 =	vmax.f32 v3, $0.0e+00;
	v4 =	vadd.f32 v58, v4  }
.Ltmp1:
0x3fc: {  	[tilespmem:s29+$0xC800] =	vst v60;
	v62 =	vmax.f32 v1, $0.0e+00;
	v2 =	vadd.f32 v2, v59;
	(pc) =	sbr.rel @p1 .LBB2_6-.Ltmp1, $4  }
0x3fd: {  	[tilespmem:s31+$0xC800] =	vst v62;
	v61 =	vmax.f32 v4, $0.0e+00  }
0x3fe: {  	[tilespmem:s30+$0xC800] =	vst v61;
	v63 =	vmax.f32 v2, $0.0e+00  }
0x3ff: {  	s31 =	sadd.s32 s4, s26;
	[tilespmem:s2+$0xC800] =	vst v63  }
0x400: {  	[hbm4b:s31+s5] =	stream.linear.scatter [tilespmem:s15], [sflag:$0x3], $0x6400, $0x38;
	[tilespmem:$0x1D780] =	vst v63  }
.Ltmp2:
0x401: {  	(pc) =	sbr.rel .LBB2_7-.Ltmp2, $4  }
0x402: {  	_ = 	snop  }
0x403: {  	_ =	swait.ge [sflag:s16], $0x6400  }
0x404: {  	[sflag:s16] =	ssyncset.done $0x0  }
0x405: {  	[sflag:s16] =	ssyncadd.s32 $0xFFFF9C00  }
.LBB2_6:
0x406: {  	s0 =	rddreg [dreg:$0x6]  }
0x407: {  	s0 =	sadd.s32 s25, s0  }
0x408: {  	s0 =	sshll.u32 s0, $0x4  }
.Ltmp3:
0x409: {  	s0 =	sadd.s32 s1, s0;
	(pc) =	sbr.rel @p0 .LBB2_8-.Ltmp3, $4  }
0x40a: {  	[tilespmem:s5], [sflag:$0x1] =	stream.linear.gather [hbm4b:s0+s5], $0x6400, $0x38;
	[tilespmem:$0x1D780] =	vst v63  }
0x40b: {  	_ =	swait.ge [sflag:s16], $0x6400  }
0x40c: {  	[sflag:s16] =	ssyncset.done $0x0  }
0x40d: {  	[sflag:s16] =	ssyncadd.s32 $0xFFFF9C00  }
.LBB2_7:
0x40e: {  	_ =	swait.ge [sflag:s17], $0x6400  }
0x40f: {  	[sflag:s17] =	ssyncset.done $0x0  }
0x410: {  	[sflag:s17] =	ssyncadd.s32 $0xFFFF9C00  }
.LBB2_8:
0x411: {  	v0 =	vld [tilespmem:s22+$0x0];
	_ =	sdelay $0x4  }
0x412: {  	v0 =	vshll.u32 v0, $0x9  }
0x413: {  	v6 =	vshra.s32 v0, $0x2  }
0x414: {  	(v2sf) =	vpush v6, $0x0;
	_ =	sdelay $0xd  }
0x415: {  	s25 =	simm.s32 $0x3F0  }
0x416: {  	v0 =	vld [tilespmem:s25+$0x6010];
	s0 =	spop (v2sf)  }
0x417: {  	v1 =	vld [tilespmem:s0+$0x1B780];
	_ =	sdelay $0x4  }
0x418: {  	v0 =	vadd.f32 v1, v0;
	_ =	sdelay $0x1  }
0x419: {  	v0 =	vmax.f32 v0, $0.0e+00  }
0x41a: {  	[tilespmem:s25+$0x12810] =	vst v0;
	v0 =	vld [tilespmem:s25+$0x6020]  }
0x41b: {  	v1 =	vld [tilespmem:s0+$0x1B790];
	_ =	sdelay $0x4  }
0x41c: {  	v0 =	vadd.f32 v1, v0;
	_ =	sdelay $0x1  }
0x41d: {  	v0 =	vmax.f32 v0, $0.0e+00  }
0x41e: {  	[tilespmem:s25+$0x12820] =	vst v0;
	v0 =	vld [tilespmem:s25+$0x6030]  }
0x41f: {  	v1 =	vld [tilespmem:s0+$0x1B7A0];
	_ =	sdelay $0x4  }
0x420: {  	v0 =	vadd.f32 v1, v0;
	_ =	sdelay $0x1  }
0x421: {  	v0 =	vmax.f32 v0, $0.0e+00  }
0x422: {  	[tilespmem:s25+$0x12830] =	vst v0;
	v0 =	vld [tilespmem:s25+$0x6040]  }
0x423: {  	v1 =	vld [tilespmem:s0+$0x1B7B0];
	_ =	sdelay $0x4  }
0x424: {  	v0 =	vadd.f32 v1, v0;
	_ =	sdelay $0x1  }
0x425: {  	v0 =	vmax.f32 v0, $0.0e+00  }
0x426: {  	[tilespmem:s25+$0x12840] =	vst v0;
	v0 =	vld [tilespmem:s25+$0x6050]  }
0x427: {  	v1 =	vld [tilespmem:s0+$0x1B7C0];
	_ =	sdelay $0x4  }
0x428: {  	v0 =	vadd.f32 v1, v0;
	_ =	sdelay $0x1  }
0x429: {  	v0 =	vmax.f32 v0, $0.0e+00  }
0x42a: {  	[tilespmem:s25+$0x12850] =	vst v0;
	v0 =	vld [tilespmem:s25+$0x6060]  }
0x42b: {  	v1 =	vld [tilespmem:s0+$0x1B7D0];
	_ =	sdelay $0x4  }
0x42c: {  	v0 =	vadd.f32 v1, v0;
	_ =	sdelay $0x1  }
0x42d: {  	v0 =	vmax.f32 v0, $0.0e+00  }
0x42e: {  	[tilespmem:s25+$0x12860] =	vst v0;
	v0 =	vld [tilespmem:s25+$0x6070]  }
0x42f: {  	v1 =	vld [tilespmem:s0+$0x1B7E0];
	_ =	sdelay $0x1  }
0x430: {  	(v2sf) =	vpush v6, $0x1;
	_ =	sdelay $0x2  }
0x431: {  	v0 =	vadd.f32 v1, v0;
	_ =	sdelay $0x1  }
0x432: {  	v0 =	vmax.f32 v0, $0.0e+00  }
0x433: {  	[tilespmem:s25+$0x12870] =	vst v0;
	v0 =	vld [tilespmem:s25+$0x6080]  }
0x434: {  	v1 =	vld [tilespmem:s0+$0x1B7F0];
	_ =	sdelay $0x4  }
0x435: {  	v0 =	vadd.f32 v1, v0;
	_ =	sdelay $0x1  }
0x436: {  	v0 =	vmax.f32 v0, $0.0e+00  }
0x437: {  	s2 =	spop (v2sf);
	[tilespmem:s25+$0x12880] =	vst v0;
	v0 =	vld [tilespmem:s25+$0x6090]  }
0x438: {  	v1 =	vld [tilespmem:s2+$0x1B780];
	_ =	sdelay $0x4  }
0x439: {  	v0 =	vadd.f32 v1, v0;
	_ =	sdelay $0x1  }
0x43a: {  	v0 =	vmax.f32 v0, $0.0e+00  }
0x43b: {  	[tilespmem:s25+$0x12890] =	vst v0;
	v0 =	vld [tilespmem:s25+$0x60A0]  }
0x43c: {  	v1 =	vld [tilespmem:s2+$0x1B790];
	_ =	sdelay $0x4  }
0x43d: {  	v0 =	vadd.f32 v1, v0;
	_ =	sdelay $0x1  }
0x43e: {  	v0 =	vmax.f32 v0, $0.0e+00  }
0x43f: {  	[tilespmem:s25+$0x128A0] =	vst v0;
	v0 =	vld [tilespmem:s25+$0x60B0]  }
0x440: {  	v1 =	vld [tilespmem:s2+$0x1B7A0];
	_ =	sdelay $0x4  }
0x441: {  	v0 =	vadd.f32 v1, v0;
	_ =	sdelay $0x1  }
0x442: {  	v0 =	vmax.f32 v0, $0.0e+00  }
0x443: {  	[tilespmem:s25+$0x128B0] =	vst v0;
	v0 =	vld [tilespmem:s25+$0x60C0]  }
0x444: {  	v1 =	vld [tilespmem:s2+$0x1B7B0];
	_ =	sdelay $0x4  }
0x445: {  	v0 =	vadd.f32 v1, v0  }
0x446: {  	s31 =	sadd.s32 $0x8, s22  }
0x447: {  	v1 =	vld [tilespmem:s31+$0x0];
	v0 =	vmax.f32 v0, $0.0e+00  }
0x448: {  	[tilespmem:s25+$0x128C0] =	vst v0;
	v0 =	vld [tilespmem:s25+$0x60D0]  }
0x449: {  	v2 =	vld [tilespmem:s2+$0x1B7C0];
	_ =	sdelay $0x2  }
0x44a: {  	v1 =	vshll.u32 v1, $0x9  }
0x44b: {  	v4 =	vshra.s32 v1, $0x2  }
0x44c: {  	(v2sf) =	vpush v4, $0x0;
	v0 =	vadd.f32 v2, v0;
	_ =	sdelay $0x1  }
0x44d: {  	v0 =	vmax.f32 v0, $0.0e+00  }
0x44e: {  	[tilespmem:s25+$0x128D0] =	vst v0;
	v0 =	vld [tilespmem:s25+$0x60E0]  }
0x44f: {  	v1 =	vld [tilespmem:s2+$0x1B7D0];
	_ =	sdelay $0x4  }
0x450: {  	v0 =	vadd.f32 v1, v0;
	_ =	sdelay $0x1  }
0x451: {  	v0 =	vmax.f32 v0, $0.0e+00  }
0x452: {  	[tilespmem:s25+$0x128E0] =	vst v0;
	v0 =	vld [tilespmem:s25+$0x60F0]  }
0x453: {  	v1 =	vld [tilespmem:s2+$0x1B7E0]  }
0x454: {  	s26 =	simm.s32 $0x7F0  }
0x455: {  	v2 =	vld [tilespmem:s26+$0x6010];
	s3 =	spop (v2sf);
	(v2sf) =	vpush v6, $0x2  }
0x456: {  	v3 =	vld [tilespmem:s3+$0x1B780];
	_ =	sdelay $0x1  }
0x457: {  	v0 =	vadd.f32 v1, v0;
	_ =	sdelay $0x1  }
0x458: {  	v0 =	vmax.f32 v0, $0.0e+00  }
0x459: {  	v1 =	vadd.f32 v3, v2;
	[tilespmem:s25+$0x128F0] =	vst v0;
	v0 =	vld [tilespmem:s25+$0x6100]  }
0x45a: {  	v2 =	vld [tilespmem:s2+$0x1B7F0]  }
0x45b: {  	v1 =	vmax.f32 v1, $0.0e+00  }
0x45c: {  	[tilespmem:s26+$0x12810] =	vst v1;
	v1 =	vld [tilespmem:s26+$0x6020]  }
0x45d: {  	v3 =	vld [tilespmem:s3+$0x1B790];
	_ =	sdelay $0x1  }
0x45e: {  	v0 =	vadd.f32 v2, v0;
	_ =	sdelay $0x1  }
0x45f: {  	v0 =	vmax.f32 v0, $0.0e+00  }
0x460: {  	v1 =	vadd.f32 v3, v1;
	s7 =	spop (v2sf);
	[tilespmem:s25+$0x12900] =	vst v0;
	v0 =	vld [tilespmem:s25+$0x6110]  }
0x461: {  	v2 =	vld [tilespmem:s7+$0x1B780]  }
0x462: {  	v1 =	vmax.f32 v1, $0.0e+00  }
0x463: {  	[tilespmem:s26+$0x12820] =	vst v1;
	v1 =	vld [tilespmem:s26+$0x6030]  }
0x464: {  	v3 =	vld [tilespmem:s3+$0x1B7A0];
	_ =	sdelay $0x1  }
0x465: {  	v0 =	vadd.f32 v2, v0;
	_ =	sdelay $0x1  }
0x466: {  	v0 =	vmax.f32 v0, $0.0e+00  }
0x467: {  	v1 =	vadd.f32 v3, v1;
	[tilespmem:s25+$0x12910] =	vst v0;
	v0 =	vld [tilespmem:s25+$0x6120]  }
0x468: {  	v2 =	vld [tilespmem:s7+$0x1B790]  }
0x469: {  	v1 =	vmax.f32 v1, $0.0e+00  }
0x46a: {  	[tilespmem:s26+$0x12830] =	vst v1;
	v1 =	vld [tilespmem:s26+$0x6040]  }
0x46b: {  	v3 =	vld [tilespmem:s3+$0x1B7B0];
	_ =	sdelay $0x1  }
0x46c: {  	v0 =	vadd.f32 v2, v0;
	_ =	sdelay $0x1  }
0x46d: {  	v0 =	vmax.f32 v0, $0.0e+00  }
0x46e: {  	v1 =	vadd.f32 v3, v1;
	[tilespmem:s25+$0x12920] =	vst v0;
	v0 =	vld [tilespmem:s25+$0x6130]  }
0x46f: {  	v2 =	vld [tilespmem:s7+$0x1B7A0]  }
0x470: {  	v1 =	vmax.f32 v1, $0.0e+00  }
0x471: {  	[tilespmem:s26+$0x12840] =	vst v1;
	v1 =	vld [tilespmem:s26+$0x6050]  }
0x472: {  	v3 =	vld [tilespmem:s3+$0x1B7C0];
	_ =	sdelay $0x1  }
0x473: {  	v0 =	vadd.f32 v2, v0;
	_ =	sdelay $0x1  }
0x474: {  	v0 =	vmax.f32 v0, $0.0e+00  }
0x475: {  	v1 =	vadd.f32 v3, v1;
	[tilespmem:s25+$0x12930] =	vst v0;
	v0 =	vld [tilespmem:s25+$0x6140]  }
0x476: {  	v2 =	vld [tilespmem:s7+$0x1B7B0]  }
0x477: {  	v1 =	vmax.f32 v1, $0.0e+00  }
0x478: {  	[tilespmem:s26+$0x12850] =	vst v1;
	v1 =	vld [tilespmem:s26+$0x6060]  }
0x479: {  	v3 =	vld [tilespmem:s3+$0x1B7D0];
	_ =	sdelay $0x1  }
0x47a: {  	v0 =	vadd.f32 v2, v0;
	_ =	sdelay $0x1  }
0x47b: {  	v0 =	vmax.f32 v0, $0.0e+00  }
0x47c: {  	v1 =	vadd.f32 v3, v1;
	[tilespmem:s25+$0x12940] =	vst v0;
	v0 =	vld [tilespmem:s25+$0x6150]  }
0x47d: {  	v2 =	vld [tilespmem:s7+$0x1B7C0]  }
0x47e: {  	v1 =	vmax.f32 v1, $0.0e+00  }
0x47f: {  	[tilespmem:s26+$0x12860] =	vst v1;
	v1 =	vld [tilespmem:s26+$0x6070]  }
0x480: {  	v3 =	vld [tilespmem:s3+$0x1B7E0];
	_ =	sdelay $0x1  }
0x481: {  	(v2sf) =	vpush v4, $0x1;
	v0 =	vadd.f32 v2, v0;
	_ =	sdelay $0x1  }
0x482: {  	v0 =	vmax.f32 v0, $0.0e+00  }
0x483: {  	v1 =	vadd.f32 v3, v1;
	[tilespmem:s25+$0x12950] =	vst v0;
	v0 =	vld [tilespmem:s25+$0x6160]  }
0x484: {  	v2 =	vld [tilespmem:s7+$0x1B7D0]  }
0x485: {  	v1 =	vmax.f32 v1, $0.0e+00  }
0x486: {  	[tilespmem:s26+$0x12870] =	vst v1;
	v1 =	vld [tilespmem:s26+$0x6080]  }
0x487: {  	v3 =	vld [tilespmem:s3+$0x1B7F0];
	_ =	sdelay $0x1  }
0x488: {  	v0 =	vadd.f32 v2, v0;
	_ =	sdelay $0x1  }
0x489: {  	v0 =	vmax.f32 v0, $0.0e+00  }
0x48a: {  	v1 =	vadd.f32 v3, v1;
	[tilespmem:s25+$0x12960] =	vst v0;
	v0 =	vld [tilespmem:s25+$0x6170]  }
0x48b: {  	v2 =	vld [tilespmem:s7+$0x1B7E0]  }
0x48c: {  	v1 =	vmax.f32 v1, $0.0e+00  }
0x48d: {  	s8 =	spop (v2sf);
	(v2sf) =	vpush v6, $0x3;
	[tilespmem:s26+$0x12880] =	vst v1;
	v1 =	vld [tilespmem:s26+$0x6090]  }
0x48e: {  	v3 =	vld [tilespmem:s8+$0x1B780];
	_ =	sdelay $0x1  }
0x48f: {  	v0 =	vadd.f32 v2, v0;
	_ =	sdelay $0x1  }
0x490: {  	v0 =	vmax.f32 v0, $0.0e+00  }
0x491: {  	v1 =	vadd.f32 v3, v1;
	[tilespmem:s25+$0x12970] =	vst v0;
	v0 =	vld [tilespmem:s25+$0x6180]  }
0x492: {  	v2 =	vld [tilespmem:s7+$0x1B7F0]  }
0x493: {  	v1 =	vmax.f32 v1, $0.0e+00  }
0x494: {  	[tilespmem:s26+$0x12890] =	vst v1;
	v1 =	vld [tilespmem:s26+$0x60A0]  }
0x495: {  	v3 =	vld [tilespmem:s8+$0x1B790];
	_ =	sdelay $0x1  }
0x496: {  	v0 =	vadd.f32 v2, v0;
	_ =	sdelay $0x1  }
0x497: {  	v0 =	vmax.f32 v0, $0.0e+00  }
0x498: {  	s7 =	spop (v2sf);
	v1 =	vadd.f32 v3, v1;
	[tilespmem:s25+$0x12980] =	vst v0;
	v0 =	vld [tilespmem:s25+$0x6190]  }
0x499: {  	v2 =	vld [tilespmem:s7+$0x1B780]  }
0x49a: {  	v1 =	vmax.f32 v1, $0.0e+00  }
0x49b: {  	[tilespmem:s26+$0x128A0] =	vst v1;
	v1 =	vld [tilespmem:s26+$0x60B0]  }
0x49c: {  	v3 =	vld [tilespmem:s8+$0x1B7A0];
	_ =	sdelay $0x1  }
0x49d: {  	v0 =	vadd.f32 v2, v0;
	_ =	sdelay $0x1  }
0x49e: {  	v0 =	vmax.f32 v0, $0.0e+00  }
0x49f: {  	v1 =	vadd.f32 v3, v1;
	[tilespmem:s25+$0x12990] =	vst v0;
	v0 =	vld [tilespmem:s25+$0x61A0]  }
0x4a0: {  	v2 =	vld [tilespmem:s7+$0x1B790]  }
0x4a1: {  	v1 =	vmax.f32 v1, $0.0e+00  }
0x4a2: {  	[tilespmem:s26+$0x128B0] =	vst v1;
	v1 =	vld [tilespmem:s26+$0x60C0]  }
0x4a3: {  	v3 =	vld [tilespmem:s8+$0x1B7B0];
	_ =	sdelay $0x1  }
0x4a4: {  	v0 =	vadd.f32 v2, v0;
	_ =	sdelay $0x1  }
0x4a5: {  	s0 =	sadd.s32 $0x8, s31;
	v2 =	vld [tilespmem:s25+$0x61B0];
	v0 =	vmax.f32 v0, $0.0e+00  }
0x4a6: {  	v1 =	vadd.f32 v3, v1;
	v3 =	vld [tilespmem:s0+$0x0];
	[tilespmem:s25+$0x129A0] =	vst v0  }
0x4a7: {  	v0 =	vld [tilespmem:s7+$0x1B7A0]  }
0x4a8: {  	v1 =	vmax.f32 v1, $0.0e+00  }
0x4a9: {  	[tilespmem:s26+$0x128C0] =	vst v1;
	v1 =	vld [tilespmem:s26+$0x60D0]  }
0x4aa: {  	v5 =	vld [tilespmem:s8+$0x1B7C0];
	_ =	sdelay $0x1  }
0x4ab: {  	v0 =	vadd.f32 v0, v2;
	v2 =	vshll.u32 v3, $0x9  }
0x4ac: {  	v3 =	vshra.s32 v2, $0x2  }
0x4ad: {  	v0 =	vmax.f32 v0, $0.0e+00;
	(v2sf) =	vpush v3, $0x0  }
0x4ae: {  	[tilespmem:s25+$0x129B0] =	vst v0;
	v0 =	vadd.f32 v5, v1;
	v1 =	vld [tilespmem:s25+$0x61C0]  }
0x4af: {  	v2 =	vld [tilespmem:s7+$0x1B7B0]  }
0x4b0: {  	v0 =	vmax.f32 v0, $0.0e+00  }
0x4b1: {  	[tilespmem:s26+$0x128D0] =	vst v0;
	v0 =	vld [tilespmem:s26+$0x60E0]  }
0x4b2: {  	v5 =	vld [tilespmem:s8+$0x1B7D0];
	_ =	sdelay $0x1  }
0x4b3: {  	v1 =	vadd.f32 v2, v1;
	_ =	sdelay $0x1  }
0x4b4: {  	v1 =	vmax.f32 v1, $0.0e+00  }
0x4b5: {  	[tilespmem:s25+$0x129C0] =	vst v1;
	v0 =	vadd.f32 v5, v0;
	v1 =	vld [tilespmem:s25+$0x61D0]  }
0x4b6: {  	v2 =	vld [tilespmem:s7+$0x1B7C0]  }
0x4b7: {  	v0 =	vmax.f32 v0, $0.0e+00  }
0x4b8: {  	[tilespmem:s26+$0x128E0] =	vst v0;
	v0 =	vld [tilespmem:s26+$0x60F0]  }
0x4b9: {  	s28 =	simm.s32 $0xBF0;
	v5 =	vld [tilespmem:s8+$0x1B7E0]  }
0x4ba: {  	v7 =	vld [tilespmem:s28+$0x6010];
	s9 =	spop (v2sf)  }
0x4bb: {  	(v2sf) =	vpush v4, $0x2;
	v1 =	vadd.f32 v2, v1;
	v2 =	vld [tilespmem:s9+$0x1B780];
	_ =	sdelay $0x1  }
0x4bc: {  	v1 =	vmax.f32 v1, $0.0e+00  }
0x4bd: {  	[tilespmem:s25+$0x129D0] =	vst v1;
	v0 =	vadd.f32 v5, v0;
	v1 =	vld [tilespmem:s25+$0x61E0]  }
0x4be: {  	v5 =	vld [tilespmem:s7+$0x1B7D0]  }
0x4bf: {  	v0 =	vmax.f32 v0, $0.0e+00;
	v2 =	vadd.f32 v2, v7  }
0x4c0: {  	[tilespmem:s26+$0x128F0] =	vst v0;
	v0 =	vld [tilespmem:s26+$0x6100]  }
0x4c1: {  	v2 =	vmax.f32 v2, $0.0e+00;
	v7 =	vld [tilespmem:s8+$0x1B7F0]  }
0x4c2: {  	[tilespmem:s28+$0x12810] =	vst v2;
	v2 =	vld [tilespmem:s28+$0x6020]  }
0x4c3: {  	v1 =	vadd.f32 v5, v1;
	v5 =	vld [tilespmem:s9+$0x1B790];
	_ =	sdelay $0x1  }
0x4c4: {  	v1 =	vmax.f32 v1, $0.0e+00  }
0x4c5: {  	[tilespmem:s25+$0x129E0] =	vst v1;
	v0 =	vadd.f32 v7, v0;
	v1 =	vld [tilespmem:s25+$0x61F0]  }
0x4c6: {  	v7 =	vld [tilespmem:s7+$0x1B7E0]  }
0x4c7: {  	v0 =	vmax.f32 v0, $0.0e+00;
	v2 =	vadd.f32 v5, v2  }
0x4c8: {  	s10 =	spop (v2sf);
	(v2sf) =	vpush v6, $0x4;
	[tilespmem:s26+$0x12900] =	vst v0;
	v0 =	vld [tilespmem:s26+$0x6110]  }
0x4c9: {  	v2 =	vmax.f32 v2, $0.0e+00;
	v5 =	vld [tilespmem:s10+$0x1B780]  }
0x4ca: {  	[tilespmem:s28+$0x12820] =	vst v2;
	v2 =	vld [tilespmem:s28+$0x6030]  }
0x4cb: {  	v1 =	vadd.f32 v7, v1;
	v7 =	vld [tilespmem:s9+$0x1B7A0];
	_ =	sdelay $0x1  }
0x4cc: {  	v1 =	vmax.f32 v1, $0.0e+00  }
0x4cd: {  	[tilespmem:s25+$0x129F0] =	vst v1;
	v0 =	vadd.f32 v5, v0;
	v1 =	vld [tilespmem:s25+$0x6200]  }
0x4ce: {  	v5 =	vld [tilespmem:s7+$0x1B7F0]  }
0x4cf: {  	v0 =	vmax.f32 v0, $0.0e+00;
	v2 =	vadd.f32 v7, v2  }
0x4d0: {  	[tilespmem:s26+$0x12910] =	vst v0;
	v0 =	vld [tilespmem:s26+$0x6120]  }
0x4d1: {  	v2 =	vmax.f32 v2, $0.0e+00;
	v7 =	vld [tilespmem:s10+$0x1B790]  }
0x4d2: {  	[tilespmem:s28+$0x12830] =	vst v2;
	v2 =	vld [tilespmem:s28+$0x6040]  }
0x4d3: {  	v1 =	vadd.f32 v5, v1;
	v5 =	vld [tilespmem:s9+$0x1B7B0];
	_ =	sdelay $0x1  }
0x4d4: {  	v1 =	vmax.f32 v1, $0.0e+00  }
0x4d5: {  	s11 =	spop (v2sf);
	[tilespmem:s25+$0x12A00] =	vst v1;
	v0 =	vadd.f32 v7, v0;
	v1 =	vld [tilespmem:s25+$0x6210]  }
0x4d6: {  	v7 =	vld [tilespmem:s11+$0x1B780]  }
0x4d7: {  	v0 =	vmax.f32 v0, $0.0e+00;
	v2 =	vadd.f32 v5, v2  }
0x4d8: {  	[tilespmem:s26+$0x12920] =	vst v0;
	v0 =	vld [tilespmem:s26+$0x6130]  }
0x4d9: {  	v2 =	vmax.f32 v2, $0.0e+00;
	v5 =	vld [tilespmem:s10+$0x1B7A0]  }
0x4da: {  	[tilespmem:s28+$0x12840] =	vst v2;
	v2 =	vld [tilespmem:s28+$0x6050]  }
0x4db: {  	v1 =	vadd.f32 v7, v1;
	v7 =	vld [tilespmem:s9+$0x1B7C0];
	_ =	sdelay $0x1  }
0x4dc: {  	v1 =	vmax.f32 v1, $0.0e+00  }
0x4dd: {  	[tilespmem:s25+$0x12A10] =	vst v1;
	v0 =	vadd.f32 v5, v0;
	v1 =	vld [tilespmem:s25+$0x6220]  }
0x4de: {  	v5 =	vld [tilespmem:s11+$0x1B790]  }
0x4df: {  	v0 =	vmax.f32 v0, $0.0e+00;
	v2 =	vadd.f32 v7, v2  }
0x4e0: {  	[tilespmem:s26+$0x12930] =	vst v0;
	v0 =	vld [tilespmem:s26+$0x6140]  }
0x4e1: {  	v2 =	vmax.f32 v2, $0.0e+00;
	v7 =	vld [tilespmem:s10+$0x1B7B0]  }
0x4e2: {  	[tilespmem:s28+$0x12850] =	vst v2;
	v2 =	vld [tilespmem:s28+$0x6060]  }
0x4e3: {  	v1 =	vadd.f32 v5, v1;
	v5 =	vld [tilespmem:s9+$0x1B7D0];
	_ =	sdelay $0x1  }
0x4e4: {  	v1 =	vmax.f32 v1, $0.0e+00  }
0x4e5: {  	[tilespmem:s25+$0x12A20] =	vst v1;
	v0 =	vadd.f32 v7, v0;
	v1 =	vld [tilespmem:s25+$0x6230]  }
0x4e6: {  	v7 =	vld [tilespmem:s11+$0x1B7A0]  }
0x4e7: {  	v0 =	vmax.f32 v0, $0.0e+00;
	v2 =	vadd.f32 v5, v2  }
0x4e8: {  	[tilespmem:s26+$0x12940] =	vst v0;
	v0 =	vld [tilespmem:s26+$0x6150]  }
0x4e9: {  	v2 =	vmax.f32 v2, $0.0e+00;
	v5 =	vld [tilespmem:s10+$0x1B7C0]  }
0x4ea: {  	[tilespmem:s28+$0x12860] =	vst v2;
	v2 =	vld [tilespmem:s28+$0x6070]  }
0x4eb: {  	v1 =	vadd.f32 v7, v1;
	v7 =	vld [tilespmem:s9+$0x1B7E0];
	_ =	sdelay $0x1  }
0x4ec: {  	(v2sf) =	vpush v3, $0x1;
	v1 =	vmax.f32 v1, $0.0e+00  }
0x4ed: {  	[tilespmem:s25+$0x12A30] =	vst v1;
	v0 =	vadd.f32 v5, v0;
	v1 =	vld [tilespmem:s25+$0x6240]  }
0x4ee: {  	v5 =	vld [tilespmem:s11+$0x1B7B0]  }
0x4ef: {  	v0 =	vmax.f32 v0, $0.0e+00;
	v2 =	vadd.f32 v7, v2  }
0x4f0: {  	[tilespmem:s26+$0x12950] =	vst v0;
	v0 =	vld [tilespmem:s26+$0x6160]  }
0x4f1: {  	v2 =	vmax.f32 v2, $0.0e+00;
	v7 =	vld [tilespmem:s10+$0x1B7D0]  }
0x4f2: {  	[tilespmem:s28+$0x12870] =	vst v2;
	v2 =	vld [tilespmem:s28+$0x6080]  }
0x4f3: {  	v1 =	vadd.f32 v5, v1;
	v5 =	vld [tilespmem:s9+$0x1B7F0];
	_ =	sdelay $0x1  }
0x4f4: {  	v1 =	vmax.f32 v1, $0.0e+00  }
0x4f5: {  	[tilespmem:s25+$0x12A40] =	vst v1;
	v0 =	vadd.f32 v7, v0;
	v1 =	vld [tilespmem:s25+$0x6250]  }
0x4f6: {  	v7 =	vld [tilespmem:s11+$0x1B7C0]  }
0x4f7: {  	v2 =	vadd.f32 v5, v2;
	v0 =	vmax.f32 v0, $0.0e+00  }
0x4f8: {  	[tilespmem:s26+$0x12960] =	vst v0;
	v0 =	vld [tilespmem:s26+$0x6170]  }
0x4f9: {  	v2 =	vmax.f32 v2, $0.0e+00;
	v5 =	vld [tilespmem:s10+$0x1B7E0]  }
0x4fa: {  	s12 =	spop (v2sf);
	[tilespmem:s28+$0x12880] =	vst v2;
	v2 =	vld [tilespmem:s28+$0x6090]  }
0x4fb: {  	(v2sf) =	vpush v4, $0x3;
	v1 =	vadd.f32 v7, v1;
	v7 =	vld [tilespmem:s12+$0x1B780];
	_ =	sdelay $0x1  }
0x4fc: {  	v1 =	vmax.f32 v1, $0.0e+00  }
0x4fd: {  	[tilespmem:s25+$0x12A50] =	vst v1;
	v0 =	vadd.f32 v5, v0;
	v1 =	vld [tilespmem:s25+$0x6260]  }
0x4fe: {  	v5 =	vld [tilespmem:s11+$0x1B7D0]  }
0x4ff: {  	v2 =	vadd.f32 v7, v2;
	v0 =	vmax.f32 v0, $0.0e+00  }
0x500: {  	[tilespmem:s26+$0x12970] =	vst v0;
	v0 =	vld [tilespmem:s26+$0x6180]  }
0x501: {  	v2 =	vmax.f32 v2, $0.0e+00;
	v7 =	vld [tilespmem:s10+$0x1B7F0]  }
0x502: {  	[tilespmem:s28+$0x12890] =	vst v2;
	v2 =	vld [tilespmem:s28+$0x60A0]  }
0x503: {  	v1 =	vadd.f32 v5, v1;
	v5 =	vld [tilespmem:s12+$0x1B790];
	_ =	sdelay $0x1  }
0x504: {  	v1 =	vmax.f32 v1, $0.0e+00  }
0x505: {  	[tilespmem:s25+$0x12A60] =	vst v1;
	v0 =	vadd.f32 v7, v0;
	v1 =	vld [tilespmem:s25+$0x6270]  }
0x506: {  	v7 =	vld [tilespmem:s11+$0x1B7E0]  }
0x507: {  	v2 =	vadd.f32 v5, v2;
	v0 =	vmax.f32 v0, $0.0e+00  }
0x508: {  	s13 =	spop (v2sf);
	[tilespmem:s26+$0x12980] =	vst v0;
	v0 =	vld [tilespmem:s26+$0x6190]  }
0x509: {  	(v2sf) =	vpush v6, $0x5;
	v2 =	vmax.f32 v2, $0.0e+00;
	v5 =	vld [tilespmem:s13+$0x1B780]  }
0x50a: {  	[tilespmem:s28+$0x128A0] =	vst v2;
	v2 =	vld [tilespmem:s28+$0x60B0]  }
0x50b: {  	v1 =	vadd.f32 v7, v1;
	v7 =	vld [tilespmem:s12+$0x1B7A0];
	_ =	sdelay $0x1  }
0x50c: {  	v1 =	vmax.f32 v1, $0.0e+00  }
0x50d: {  	[tilespmem:s25+$0x12A70] =	vst v1;
	v0 =	vadd.f32 v5, v0;
	v1 =	vld [tilespmem:s25+$0x6280]  }
0x50e: {  	v5 =	vld [tilespmem:s11+$0x1B7F0]  }
0x50f: {  	v2 =	vadd.f32 v7, v2;
	v0 =	vmax.f32 v0, $0.0e+00  }
0x510: {  	[tilespmem:s26+$0x12990] =	vst v0;
	v0 =	vld [tilespmem:s26+$0x61A0]  }
0x511: {  	v2 =	vmax.f32 v2, $0.0e+00;
	v7 =	vld [tilespmem:s13+$0x1B790]  }
0x512: {  	[tilespmem:s28+$0x128B0] =	vst v2;
	v2 =	vld [tilespmem:s28+$0x60C0]  }
0x513: {  	v1 =	vadd.f32 v5, v1;
	v5 =	vld [tilespmem:s12+$0x1B7B0];
	_ =	sdelay $0x2  }
0x514: {  	v1 =	vmax.f32 v1, $0.0e+00;
	v0 =	vadd.f32 v7, v0  }
0x515: {  	s8 =	spop (v2sf);
	[tilespmem:s25+$0x12A80] =	vst v1;
	v1 =	vld [tilespmem:s25+$0x6290]  }
0x516: {  	v7 =	vld [tilespmem:s8+$0x1B780];
	v2 =	vadd.f32 v5, v2;
	v0 =	vmax.f32 v0, $0.0e+00  }
0x517: {  	v5 =	vld [tilespmem:s26+$0x61B0];
	[tilespmem:s26+$0x129A0] =	vst v0  }
0x518: {  	s0 =	sadd.s32 $0x8, s0;
	v0 =	vmax.f32 v2, $0.0e+00;
	v2 =	vld [tilespmem:s13+$0x1B7A0]  }
0x519: {  	v8 =	vld [tilespmem:s0+$0x0];
	_ =	sdelay $0x1  }
0x51a: {  	[tilespmem:s28+$0x128C0] =	vst v0;
	v0 =	vld [tilespmem:s28+$0x60D0];
	v1 =	vadd.f32 v7, v1  }
0x51b: {  	v9 =	vld [tilespmem:s12+$0x1B7C0]  }
0x51c: {  	v1 =	vmax.f32 v1, $0.0e+00;
	v2 =	vadd.f32 v2, v5  }
0x51d: {  	[tilespmem:s25+$0x12A90] =	vst v1;
	v1 =	vshll.u32 v8, $0x9  }
0x51e: {  	v5 =	vld [tilespmem:s25+$0x62A0];
	v7 =	vmax.f32 v2, $0.0e+00;
	v2 =	vshra.s32 v1, $0x2  }
0x51f: {  	v1 =	vld [tilespmem:s8+$0x1B790];
	(v2sf) =	vpush v2, $0x0  }
0x520: {  	v0 =	vadd.f32 v9, v0;
	[tilespmem:s26+$0x129B0] =	vst v7;
	v7 =	vld [tilespmem:s26+$0x61C0]  }
0x521: {  	v8 =	vld [tilespmem:s13+$0x1B7B0]  }
0x522: {  	v0 =	vmax.f32 v0, $0.0e+00  }
0x523: {  	[tilespmem:s28+$0x128D0] =	vst v0;
	v0 =	vld [tilespmem:s28+$0x60E0]  }
0x524: {  	v9 =	vld [tilespmem:s12+$0x1B7D0];
	v1 =	vadd.f32 v1, v5;
	_ =	sdelay $0x1  }
0x525: {  	v1 =	vmax.f32 v1, $0.0e+00;
	v5 =	vadd.f32 v8, v7  }
0x526: {  	[tilespmem:s25+$0x12AA0] =	vst v1;
	v1 =	vld [tilespmem:s25+$0x62B0]  }
0x527: {  	v5 =	vmax.f32 v5, $0.0e+00;
	v7 =	vld [tilespmem:s8+$0x1B7A0]  }
0x528: {  	v0 =	vadd.f32 v9, v0;
	[tilespmem:s26+$0x129C0] =	vst v5;
	v5 =	vld [tilespmem:s26+$0x61D0]  }
0x529: {  	v8 =	vld [tilespmem:s13+$0x1B7C0]  }
0x52a: {  	v0 =	vmax.f32 v0, $0.0e+00  }
0x52b: {  	[tilespmem:s28+$0x128E0] =	vst v0;
	v0 =	vld [tilespmem:s28+$0x60F0]  }
0x52c: {  	s29 =	simm.s32 $0xFF0;
	v9 =	vld [tilespmem:s12+$0x1B7E0];
	v1 =	vadd.f32 v7, v1  }
0x52d: {  	v7 =	vld [tilespmem:s29+$0x6010];
	s19 =	spop (v2sf)  }
0x52e: {  	v5 =	vadd.f32 v8, v5;
	v1 =	vmax.f32 v1, $0.0e+00;
	(v2sf) =	vpush v3, $0x2;
	v10 =	vld [tilespmem:s19+$0x1B780]  }
0x52f: {  	v8 =	vld [tilespmem:s25+$0x62C0];
	[tilespmem:s25+$0x12AB0] =	vst v1  }
0x530: {  	v1 =	vmax.f32 v5, $0.0e+00;
	v5 =	vld [tilespmem:s8+$0x1B7B0]  }
0x531: {  	v0 =	vadd.f32 v9, v0;
	[tilespmem:s26+$0x129D0] =	vst v1;
	v1 =	vld [tilespmem:s26+$0x61E0]  }
0x532: {  	v9 =	vld [tilespmem:s13+$0x1B7D0]  }
0x533: {  	v0 =	vmax.f32 v0, $0.0e+00;
	v7 =	vadd.f32 v10, v7  }
0x534: {  	[tilespmem:s28+$0x128F0] =	vst v0;
	v0 =	vld [tilespmem:s28+$0x6100]  }
0x535: {  	v10 =	vld [tilespmem:s12+$0x1B7F0];
	v5 =	vadd.f32 v5, v8;
	v7 =	vmax.f32 v7, $0.0e+00  }
0x536: {  	[tilespmem:s29+$0x12810] =	vst v7;
	v7 =	vld [tilespmem:s29+$0x6020]  }
0x537: {  	v1 =	vadd.f32 v9, v1;
	v5 =	vmax.f32 v5, $0.0e+00;
	v8 =	vld [tilespmem:s19+$0x1B790]  }
0x538: {  	v9 =	vld [tilespmem:s25+$0x62D0];
	[tilespmem:s25+$0x12AC0] =	vst v5  }
0x539: {  	v1 =	vmax.f32 v1, $0.0e+00;
	v5 =	vld [tilespmem:s8+$0x1B7C0]  }
0x53a: {  	v0 =	vadd.f32 v10, v0;
	[tilespmem:s26+$0x129E0] =	vst v1;
	v1 =	vld [tilespmem:s26+$0x61F0]  }
0x53b: {  	v10 =	vld [tilespmem:s13+$0x1B7E0]  }
0x53c: {  	v0 =	vmax.f32 v0, $0.0e+00;
	v7 =	vadd.f32 v8, v7  }
0x53d: {  	[tilespmem:s28+$0x12900] =	vst v0;
	v0 =	vld [tilespmem:s28+$0x6110];
	s20 =	spop (v2sf);
	(v2sf) =	vpush v4, $0x4  }
0x53e: {  	v8 =	vld [tilespmem:s20+$0x1B780];
	v5 =	vadd.f32 v5, v9;
	v7 =	vmax.f32 v7, $0.0e+00  }
0x53f: {  	[tilespmem:s29+$0x12820] =	vst v7;
	v7 =	vld [tilespmem:s29+$0x6030]  }
0x540: {  	v1 =	vadd.f32 v10, v1;
	v5 =	vmax.f32 v5, $0.0e+00;
	v9 =	vld [tilespmem:s19+$0x1B7A0]  }
0x541: {  	v10 =	vld [tilespmem:s25+$0x62E0];
	[tilespmem:s25+$0x12AD0] =	vst v5  }
0x542: {  	v1 =	vmax.f32 v1, $0.0e+00;
	v5 =	vld [tilespmem:s8+$0x1B7D0]  }
0x543: {  	v0 =	vadd.f32 v8, v0;
	[tilespmem:s26+$0x129F0] =	vst v1;
	v1 =	vld [tilespmem:s26+$0x6200]  }
0x544: {  	v8 =	vld [tilespmem:s13+$0x1B7F0]  }
0x545: {  	v0 =	vmax.f32 v0, $0.0e+00;
	v7 =	vadd.f32 v9, v7  }
0x546: {  	[tilespmem:s28+$0x12910] =	vst v0;
	v0 =	vld [tilespmem:s28+$0x6120]  }
0x547: {  	v9 =	vld [tilespmem:s20+$0x1B790];
	v5 =	vadd.f32 v5, v10;
	v7 =	vmax.f32 v7, $0.0e+00  }
0x548: {  	[tilespmem:s29+$0x12830] =	vst v7;
	v7 =	vld [tilespmem:s29+$0x6040]  }
0x549: {  	v1 =	vadd.f32 v8, v1;
	v5 =	vmax.f32 v5, $0.0e+00;
	v10 =	vld [tilespmem:s19+$0x1B7B0]  }
0x54a: {  	v8 =	vld [tilespmem:s25+$0x62F0];
	[tilespmem:s25+$0x12AE0] =	vst v5  }
0x54b: {  	v1 =	vmax.f32 v1, $0.0e+00;
	v5 =	vld [tilespmem:s8+$0x1B7E0]  }
0x54c: {  	v0 =	vadd.f32 v9, v0;
	[tilespmem:s26+$0x12A00] =	vst v1;
	v1 =	vld [tilespmem:s26+$0x6210];
	s31 =	spop (v2sf)  }
0x54d: {  	(v2sf) =	vpush v6, $0x6;
	v9 =	vld [tilespmem:s31+$0x1B780]  }
0x54e: {  	v0 =	vmax.f32 v0, $0.0e+00;
	v7 =	vadd.f32 v10, v7  }
0x54f: {  	[tilespmem:s28+$0x12920] =	vst v0;
	v0 =	vld [tilespmem:s28+$0x6130]  }
0x550: {  	v10 =	vld [tilespmem:s20+$0x1B7A0];
	v5 =	vadd.f32 v5, v8;
	v7 =	vmax.f32 v7, $0.0e+00  }
0x551: {  	[tilespmem:s29+$0x12840] =	vst v7;
	v7 =	vld [tilespmem:s29+$0x6050]  }
0x552: {  	v1 =	vadd.f32 v9, v1;
	v5 =	vmax.f32 v5, $0.0e+00;
	v8 =	vld [tilespmem:s19+$0x1B7C0]  }
0x553: {  	v9 =	vld [tilespmem:s25+$0x6300];
	[tilespmem:s25+$0x12AF0] =	vst v5  }
0x554: {  	v1 =	vmax.f32 v1, $0.0e+00;
	v5 =	vld [tilespmem:s8+$0x1B7F0]  }
0x555: {  	v0 =	vadd.f32 v10, v0;
	[tilespmem:s26+$0x12A10] =	vst v1;
	v1 =	vld [tilespmem:s26+$0x6220]  }
0x556: {  	v10 =	vld [tilespmem:s31+$0x1B790]  }
0x557: {  	v0 =	vmax.f32 v0, $0.0e+00;
	v7 =	vadd.f32 v8, v7  }
0x558: {  	[tilespmem:s28+$0x12930] =	vst v0;
	v0 =	vld [tilespmem:s28+$0x6140]  }
0x559: {  	v8 =	vld [tilespmem:s20+$0x1B7B0];
	v5 =	vadd.f32 v5, v9;
	v7 =	vmax.f32 v7, $0.0e+00  }
0x55a: {  	[tilespmem:s29+$0x12850] =	vst v7;
	v7 =	vld [tilespmem:s29+$0x6060]  }
0x55b: {  	v1 =	vadd.f32 v10, v1;
	v10 =	vld [tilespmem:s25+$0x6310];
	v5 =	vmax.f32 v5, $0.0e+00  }
0x55c: {  	s10 =	spop (v2sf);
	v9 =	vld [tilespmem:s19+$0x1B7D0];
	[tilespmem:s25+$0x12B00] =	vst v5  }
0x55d: {  	v5 =	vld [tilespmem:s10+$0x1B780]  }
0x55e: {  	v1 =	vmax.f32 v1, $0.0e+00;
	v0 =	vadd.f32 v8, v0  }
0x55f: {  	[tilespmem:s26+$0x12A20] =	vst v1;
	v1 =	vld [tilespmem:s26+$0x6230]  }
0x560: {  	v8 =	vld [tilespmem:s31+$0x1B7A0];
	v0 =	vmax.f32 v0, $0.0e+00  }
0x561: {  	v7 =	vadd.f32 v9, v7;
	[tilespmem:s28+$0x12940] =	vst v0;
	v0 =	vld [tilespmem:s28+$0x6150]  }
0x562: {  	v11 =	vld [tilespmem:s20+$0x1B7C0];
	v5 =	vadd.f32 v5, v10  }
0x563: {  	v9 =	vld [tilespmem:s25+$0x6320];
	v7 =	vmax.f32 v7, $0.0e+00  }
0x564: {  	[tilespmem:s29+$0x12860] =	vst v7;
	v7 =	vld [tilespmem:s29+$0x6070];
	v5 =	vmax.f32 v5, $0.0e+00  }
0x565: {  	v1 =	vadd.f32 v8, v1;
	v10 =	vld [tilespmem:s19+$0x1B7E0];
	[tilespmem:s25+$0x12B10] =	vst v5  }
0x566: {  	v5 =	vld [tilespmem:s10+$0x1B790]  }
0x567: {  	v14 =	vld [tilespmem:s29+$0x60A0];
	(v2sf) =	vpush v2, $0x1;
	v1 =	vmax.f32 v1, $0.0e+00;
	v8 =	vadd.f32 v11, v0  }
0x568: {  	[tilespmem:s26+$0x12A30] =	vst v1;
	v1 =	vld [tilespmem:s26+$0x6240]  }
0x569: {  	v11 =	vld [tilespmem:s31+$0x1B7B0];
	v8 =	vmax.f32 v8, $0.0e+00  }
0x56a: {  	v7 =	vadd.f32 v10, v7;
	[tilespmem:s28+$0x12950] =	vst v8;
	v8 =	vld [tilespmem:s25+$0x6330]  }
0x56b: {  	v10 =	vld [tilespmem:s28+$0x6160];
	v5 =	vadd.f32 v5, v9  }
0x56c: {  	v9 =	vld [tilespmem:s20+$0x1B7D0];
	v7 =	vmax.f32 v7, $0.0e+00  }
0x56d: {  	[tilespmem:s29+$0x12870] =	vst v7;
	v7 =	vld [tilespmem:s29+$0x6080];
	v5 =	vmax.f32 v5, $0.0e+00  }
0x56e: {  	v1 =	vadd.f32 v11, v1;
	v12 =	vld [tilespmem:s19+$0x1B7F0];
	[tilespmem:s25+$0x12B20] =	vst v5  }
0x56f: {  	v5 =	vld [tilespmem:s10+$0x1B7A0]  }
0x570: {  	v16 =	vld [tilespmem:s28+$0x61A0];
	v11 =	vmax.f32 v1, $0.0e+00  }
0x571: {  	v9 =	vadd.f32 v9, v10;
	[tilespmem:s26+$0x12A40] =	vst v11;
	v10 =	vld [tilespmem:s26+$0x6250]  }
0x572: {  	v11 =	vld [tilespmem:s31+$0x1B7C0]  }
0x573: {  	v9 =	vmax.f32 v9, $0.0e+00;
	v7 =	vadd.f32 v12, v7;
	v12 =	vld [tilespmem:s25+$0x6340]  }
0x574: {  	[tilespmem:s28+$0x12960] =	vst v9;
	v9 =	vld [tilespmem:s28+$0x6170];
	v5 =	vadd.f32 v5, v8  }
0x575: {  	v8 =	vld [tilespmem:s20+$0x1B7E0];
	v7 =	vmax.f32 v7, $0.0e+00  }
0x576: {  	s8 =	spop (v2sf);
	[tilespmem:s29+$0x12880] =	vst v7;
	v7 =	vld [tilespmem:s29+$0x6090];
	v5 =	vmax.f32 v5, $0.0e+00  }
0x577: {  	(v2sf) =	vpush v3, $0x3;
	v10 =	vadd.f32 v11, v10;
	v13 =	vld [tilespmem:s8+$0x1B780];
	[tilespmem:s25+$0x12B30] =	vst v5  }
0x578: {  	v11 =	vld [tilespmem:s10+$0x1B7B0]  }
0x579: {  	v0 =	vld [tilespmem:s25+$0x6400];
	v10 =	vmax.f32 v10, $0.0e+00  }
0x57a: {  	v8 =	vadd.f32 v8, v9;
	[tilespmem:s26+$0x12A50] =	vst v10;
	v9 =	vld [tilespmem:s26+$0x6260]  }
0x57b: {  	v10 =	vld [tilespmem:s31+$0x1B7D0]  }
0x57c: {  	v1 =	vld [tilespmem:s25+$0x63F0];
	v8 =	vmax.f32 v8, $0.0e+00;
	v7 =	vadd.f32 v13, v7  }
0x57d: {  	[tilespmem:s28+$0x12970] =	vst v8;
	v8 =	vld [tilespmem:s28+$0x6180];
	v11 =	vadd.f32 v11, v12  }
0x57e: {  	v12 =	vld [tilespmem:s20+$0x1B7F0];
	v7 =	vmax.f32 v7, $0.0e+00  }
0x57f: {  	v13 =	vld [tilespmem:s25+$0x6350];
	[tilespmem:s29+$0x12890] =	vst v7;
	v7 =	vmax.f32 v11, $0.0e+00  }
0x580: {  	v9 =	vadd.f32 v10, v9;
	v11 =	vld [tilespmem:s8+$0x1B790];
	[tilespmem:s25+$0x12B40] =	vst v7  }
0x581: {  	v10 =	vld [tilespmem:s10+$0x1B7C0]  }
0x582: {  	v5 =	vld [tilespmem:s25+$0x63E0];
	v9 =	vmax.f32 v9, $0.0e+00  }
0x583: {  	v8 =	vadd.f32 v12, v8;
	[tilespmem:s26+$0x12A60] =	vst v9;
	v9 =	vld [tilespmem:s26+$0x6270]  }
0x584: {  	v12 =	vld [tilespmem:s31+$0x1B7E0]  }
0x585: {  	v8 =	vmax.f32 v8, $0.0e+00;
	v11 =	vadd.f32 v11, v14;
	v14 =	vld [tilespmem:s25+$0x6360]  }
0x586: {  	s7 =	spop (v2sf);
	(v2sf) =	vpush v4, $0x5;
	[tilespmem:s28+$0x12980] =	vst v8;
	v8 =	vld [tilespmem:s28+$0x6190];
	v10 =	vadd.f32 v10, v13  }
0x587: {  	v13 =	vld [tilespmem:s7+$0x1B780];
	v11 =	vmax.f32 v11, $0.0e+00  }
0x588: {  	[tilespmem:s29+$0x128A0] =	vst v11;
	v11 =	vld [tilespmem:s29+$0x60B0];
	v10 =	vmax.f32 v10, $0.0e+00  }
0x589: {  	v9 =	vadd.f32 v12, v9;
	v15 =	vld [tilespmem:s8+$0x1B7A0];
	[tilespmem:s25+$0x12B50] =	vst v10  }
0x58a: {  	v10 =	vld [tilespmem:s10+$0x1B7D0]  }
0x58b: {  	v7 =	vld [tilespmem:s25+$0x63D0];
	v12 =	vmax.f32 v9, $0.0e+00  }
0x58c: {  	v8 =	vadd.f32 v13, v8;
	[tilespmem:s26+$0x12A70] =	vst v12;
	v12 =	vld [tilespmem:s26+$0x6280]  }
0x58d: {  	v13 =	vld [tilespmem:s31+$0x1B7F0]  }
0x58e: {  	v9 =	vld [tilespmem:s25+$0x63C0];
	v8 =	vmax.f32 v8, $0.0e+00;
	v11 =	vadd.f32 v15, v11  }
0x58f: {  	v15 =	vld [tilespmem:s25+$0x6370];
	[tilespmem:s28+$0x12990] =	vst v8;
	v10 =	vadd.f32 v10, v14  }
0x590: {  	v8 =	vmax.f32 v11, $0.0e+00;
	v11 =	vld [tilespmem:s7+$0x1B790]  }
0x591: {  	v14 =	vld [tilespmem:s29+$0x60C0];
	[tilespmem:s29+$0x128B0] =	vst v8;
	v8 =	vmax.f32 v10, $0.0e+00  }
0x592: {  	v10 =	vadd.f32 v13, v12;
	v17 =	vld [tilespmem:s8+$0x1B7B0];
	[tilespmem:s25+$0x12B60] =	vst v8  }
0x593: {  	v18 =	vld [tilespmem:s10+$0x1B7E0]  }
0x594: {  	v12 =	vld [tilespmem:s28+$0x61B0];
	v10 =	vmax.f32 v10, $0.0e+00  }
0x595: {  	s30 =	spop (v2sf);
	(v2sf) =	vpush v6, $0x7;
	[tilespmem:s26+$0x12A80] =	vst v10;
	v10 =	vld [tilespmem:s26+$0x6290];
	v11 =	vadd.f32 v11, v16  }
0x596: {  	v13 =	vld [tilespmem:s30+$0x1B780]  }
0x597: {  	s0 =	sadd.s32 $0x8, s0;
	v8 =	vld [tilespmem:s25+$0x6380];
	v14 =	vadd.f32 v17, v14;
	v11 =	vmax.f32 v11, $0.0e+00  }
0x598: {  	[tilespmem:s28+$0x129A0] =	vst v11;
	v11 =	vld [tilespmem:s0+$0x0];
	v16 =	vadd.f32 v18, v15  }
0x599: {  	v14 =	vmax.f32 v14, $0.0e+00;
	v15 =	vld [tilespmem:s7+$0x1B7A0]  }
0x59a: {  	s23 =	sadd.s32 $0x1, s23;
	s2 =	simm.s32 $0x4FC0;
	s3 =	simm.s32 $0x5FC0;
	[tilespmem:s29+$0x128C0] =	vst v14;
	v14 =	vld [tilespmem:s29+$0x60D0];
	v6 =	vmax.f32 v16, $0.0e+00  }
.LBB2_9:
0x59b: {  	p0 =	sne.s32 s3, $0x18FC0;
	v16 =	vld [tilespmem:s8+$0x1B7C0];
	v10 =	vadd.f32 v13, v10;
	[tilespmem:s25+$0x12B70] =	vst v6  }
0x59c: {  	v13 =	vld [tilespmem:s10+$0x1B7F0]  }
0x59d: {  	v6 =	vmax.f32 v10, $0.0e+00;
	v10 =	vld [tilespmem:s25+$0x63B0]  }
0x59e: {  	v11 =	vshll.u32 v11, $0x9;
	v12 =	vadd.f32 v15, v12;
	[tilespmem:s26+$0x12A90] =	vst v6;
	v15 =	vld [tilespmem:s26+$0x62A0]  }
0x59f: {  	v6 =	vshra.s32 v11, $0x2;
	v11 =	vld [tilespmem:s30+$0x1B790]  }
0x5a0: {  	(v2sf) =	vpush v6, $0x0;
	v14 =	vadd.f32 v16, v14;
	v12 =	vmax.f32 v12, $0.0e+00;
	v16 =	vld [tilespmem:s25+$0x6390]  }
0x5a1: {  	[tilespmem:s28+$0x129B0] =	vst v12;
	v12 =	vld [tilespmem:s28+$0x61C0];
	v8 =	vadd.f32 v13, v8  }
0x5a2: {  	v13 =	vmax.f32 v14, $0.0e+00;
	v14 =	vld [tilespmem:s7+$0x1B7B0]  }
0x5a3: {  	[tilespmem:s29+$0x128D0] =	vst v13;
	v13 =	vld [tilespmem:s29+$0x60E0];
	v8 =	vmax.f32 v8, $0.0e+00  }
0x5a4: {  	v17 =	vld [tilespmem:s8+$0x1B7D0];
	v11 =	vadd.f32 v11, v15;
	[tilespmem:s25+$0x12B80] =	vst v8;
	s13 =	spop (v2sf)  }
0x5a5: {  	v8 =	vld [tilespmem:s13+$0x1B780]  }
0x5a6: {  	v11 =	vmax.f32 v11, $0.0e+00;
	v15 =	vld [tilespmem:s25+$0x63A0]  }
0x5a7: {  	v12 =	vadd.f32 v14, v12;
	[tilespmem:s26+$0x12AA0] =	vst v11;
	v11 =	vld [tilespmem:s26+$0x62B0]  }
0x5a8: {  	v14 =	vld [tilespmem:s30+$0x1B7A0]  }
0x5a9: {  	v13 =	vadd.f32 v17, v13;
	v12 =	vmax.f32 v12, $0.0e+00;
	v17 =	vld [tilespmem:s26+$0x62C0]  }
0x5aa: {  	[tilespmem:s28+$0x129C0] =	vst v12;
	v12 =	vld [tilespmem:s28+$0x61D0];
	v8 =	vadd.f32 v8, v16  }
0x5ab: {  	v13 =	vmax.f32 v13, $0.0e+00;
	v16 =	vld [tilespmem:s7+$0x1B7C0]  }
0x5ac: {  	[tilespmem:s29+$0x128E0] =	vst v13;
	v13 =	vld [tilespmem:s29+$0x60F0];
	v8 =	vmax.f32 v8, $0.0e+00  }
0x5ad: {  	v18 =	vld [tilespmem:s8+$0x1B7E0];
	v11 =	vadd.f32 v14, v11;
	[tilespmem:s25+$0x12B90] =	vst v8  }
0x5ae: {  	s12 =	sshra.s32 s2, $0x2;
	s2 =	smov.u32 s3;
	v8 =	vld [tilespmem:s13+$0x1B790]  }
0x5af: {  	v14 =	vld [tilespmem:s12+$0x6010];
	s11 =	spop (v2sf);
	(v2sf) =	vpush v2, $0x2;
	v11 =	vmax.f32 v11, $0.0e+00  }
0x5b0: {  	v19 =	vld [tilespmem:s11+$0x1B780];
	v12 =	vadd.f32 v16, v12;
	[tilespmem:s26+$0x12AB0] =	vst v11  }
0x5b1: {  	v11 =	vld [tilespmem:s30+$0x1B7B0]  }
0x5b2: {  	v13 =	vadd.f32 v18, v13;
	v12 =	vmax.f32 v12, $0.0e+00;
	v16 =	vld [tilespmem:s26+$0x62D0]  }
0x5b3: {  	[tilespmem:s28+$0x129D0] =	vst v12;
	v12 =	vld [tilespmem:s28+$0x61E0];
	v8 =	vadd.f32 v8, v15  }
0x5b4: {  	v13 =	vmax.f32 v13, $0.0e+00;
	v15 =	vld [tilespmem:s7+$0x1B7D0]  }
0x5b5: {  	v14 =	vadd.f32 v19, v14;
	[tilespmem:s29+$0x128F0] =	vst v13;
	v13 =	vld [tilespmem:s29+$0x6100];
	v8 =	vmax.f32 v8, $0.0e+00  }
0x5b6: {  	v18 =	vld [tilespmem:s8+$0x1B7F0];
	v11 =	vadd.f32 v11, v17;
	[tilespmem:s25+$0x12BA0] =	vst v8  }
0x5b7: {  	v8 =	vmax.f32 v14, $0.0e+00;
	v14 =	vld [tilespmem:s13+$0x1B7A0]  }
0x5b8: {  	[tilespmem:s12+$0x12810] =	vst v8;
	v8 =	vld [tilespmem:s12+$0x6020];
	v11 =	vmax.f32 v11, $0.0e+00  }
0x5b9: {  	v17 =	vld [tilespmem:s11+$0x1B790];
	v12 =	vadd.f32 v15, v12;
	[tilespmem:s26+$0x12AC0] =	vst v11  }
0x5ba: {  	v11 =	vld [tilespmem:s30+$0x1B7C0]  }
0x5bb: {  	v13 =	vadd.f32 v18, v13;
	v12 =	vmax.f32 v12, $0.0e+00;
	v15 =	vld [tilespmem:s26+$0x62E0]  }
0x5bc: {  	[tilespmem:s28+$0x129E0] =	vst v12;
	v12 =	vld [tilespmem:s28+$0x61F0];
	v10 =	vadd.f32 v14, v10  }
0x5bd: {  	v13 =	vmax.f32 v13, $0.0e+00;
	v14 =	vld [tilespmem:s7+$0x1B7E0]  }
0x5be: {  	v8 =	vadd.f32 v17, v8;
	[tilespmem:s29+$0x12900] =	vst v13;
	v13 =	vld [tilespmem:s29+$0x6110];
	s19 =	spop (v2sf);
	v10 =	vmax.f32 v10, $0.0e+00  }
0x5bf: {  	v17 =	vld [tilespmem:s19+$0x1B780];
	(v2sf) =	vpush v3, $0x4;
	v11 =	vadd.f32 v11, v16;
	[tilespmem:s25+$0x12BB0] =	vst v10  }
0x5c0: {  	v8 =	vmax.f32 v8, $0.0e+00;
	v10 =	vld [tilespmem:s13+$0x1B7B0]  }
0x5c1: {  	[tilespmem:s12+$0x12820] =	vst v8;
	v8 =	vld [tilespmem:s12+$0x6030];
	v11 =	vmax.f32 v11, $0.0e+00  }
0x5c2: {  	v16 =	vld [tilespmem:s11+$0x1B7A0];
	v12 =	vadd.f32 v14, v12;
	[tilespmem:s26+$0x12AD0] =	vst v11  }
0x5c3: {  	v11 =	vld [tilespmem:s30+$0x1B7D0]  }
0x5c4: {  	v13 =	vadd.f32 v17, v13;
	v12 =	vmax.f32 v12, $0.0e+00;
	v14 =	vld [tilespmem:s26+$0x62F0]  }
0x5c5: {  	[tilespmem:s28+$0x129F0] =	vst v12;
	v12 =	vld [tilespmem:s28+$0x6200];
	v9 =	vadd.f32 v10, v9  }
0x5c6: {  	v10 =	vmax.f32 v13, $0.0e+00;
	v13 =	vld [tilespmem:s7+$0x1B7F0]  }
0x5c7: {  	v8 =	vadd.f32 v16, v8;
	[tilespmem:s29+$0x12910] =	vst v10;
	v10 =	vld [tilespmem:s29+$0x6120];
	v9 =	vmax.f32 v9, $0.0e+00  }
0x5c8: {  	v16 =	vld [tilespmem:s19+$0x1B790];
	v11 =	vadd.f32 v11, v15;
	[tilespmem:s25+$0x12BC0] =	vst v9  }
0x5c9: {  	v8 =	vmax.f32 v8, $0.0e+00;
	v9 =	vld [tilespmem:s13+$0x1B7C0]  }
0x5ca: {  	[tilespmem:s12+$0x12830] =	vst v8;
	v8 =	vld [tilespmem:s12+$0x6040];
	v11 =	vmax.f32 v11, $0.0e+00  }
0x5cb: {  	v15 =	vld [tilespmem:s11+$0x1B7B0];
	v12 =	vadd.f32 v13, v12;
	[tilespmem:s26+$0x12AE0] =	vst v11  }
0x5cc: {  	v11 =	vld [tilespmem:s30+$0x1B7E0]  }
0x5cd: {  	v10 =	vadd.f32 v16, v10;
	v12 =	vmax.f32 v12, $0.0e+00;
	v13 =	vld [tilespmem:s26+$0x6300]  }
0x5ce: {  	[tilespmem:s28+$0x12A00] =	vst v12;
	v12 =	vld [tilespmem:s28+$0x6210];
	s9 =	spop (v2sf);
	(v2sf) =	vpush v4, $0x6;
	v7 =	vadd.f32 v9, v7  }
0x5cf: {  	v9 =	vmax.f32 v10, $0.0e+00;
	v10 =	vld [tilespmem:s9+$0x1B780]  }
0x5d0: {  	v8 =	vadd.f32 v15, v8;
	[tilespmem:s29+$0x12920] =	vst v9;
	v9 =	vld [tilespmem:s29+$0x6130];
	v7 =	vmax.f32 v7, $0.0e+00  }
0x5d1: {  	v15 =	vld [tilespmem:s19+$0x1B7A0];
	v11 =	vadd.f32 v11, v14;
	[tilespmem:s25+$0x12BD0] =	vst v7  }
0x5d2: {  	v7 =	vmax.f32 v8, $0.0e+00;
	v8 =	vld [tilespmem:s13+$0x1B7D0]  }
0x5d3: {  	[tilespmem:s12+$0x12840] =	vst v7;
	v7 =	vld [tilespmem:s12+$0x6050];
	v11 =	vmax.f32 v11, $0.0e+00  }
0x5d4: {  	v14 =	vld [tilespmem:s11+$0x1B7C0];
	v10 =	vadd.f32 v10, v12;
	[tilespmem:s26+$0x12AF0] =	vst v11  }
0x5d5: {  	v11 =	vld [tilespmem:s30+$0x1B7F0]  }
0x5d6: {  	v9 =	vadd.f32 v15, v9;
	v10 =	vmax.f32 v10, $0.0e+00;
	v12 =	vld [tilespmem:s26+$0x6310]  }
0x5d7: {  	[tilespmem:s28+$0x12A10] =	vst v10;
	v10 =	vld [tilespmem:s28+$0x6220];
	v5 =	vadd.f32 v8, v5  }
0x5d8: {  	v8 =	vmax.f32 v9, $0.0e+00;
	v9 =	vld [tilespmem:s9+$0x1B790]  }
0x5d9: {  	v7 =	vadd.f32 v14, v7;
	[tilespmem:s29+$0x12930] =	vst v8;
	v8 =	vld [tilespmem:s29+$0x6140];
	v5 =	vmax.f32 v5, $0.0e+00  }
0x5da: {  	v14 =	vld [tilespmem:s19+$0x1B7B0];
	v11 =	vadd.f32 v11, v13;
	[tilespmem:s25+$0x12BE0] =	vst v5  }
0x5db: {  	v5 =	vmax.f32 v7, $0.0e+00;
	v7 =	vld [tilespmem:s13+$0x1B7E0]  }
0x5dc: {  	[tilespmem:s12+$0x12850] =	vst v5;
	v5 =	vld [tilespmem:s12+$0x6060];
	v11 =	vmax.f32 v11, $0.0e+00  }
0x5dd: {  	v13 =	vld [tilespmem:s11+$0x1B7D0];
	v9 =	vadd.f32 v9, v10;
	[tilespmem:s26+$0x12B00] =	vst v11;
	s10 =	spop (v2sf)  }
0x5de: {  	v10 =	vld [tilespmem:s10+$0x1B780]  }
0x5df: {  	v8 =	vadd.f32 v14, v8;
	v9 =	vmax.f32 v9, $0.0e+00;
	v11 =	vld [tilespmem:s26+$0x6320]  }
0x5e0: {  	[tilespmem:s28+$0x12A20] =	vst v9;
	v9 =	vld [tilespmem:s28+$0x6230];
	v1 =	vadd.f32 v7, v1  }
0x5e1: {  	v7 =	vmax.f32 v8, $0.0e+00;
	v8 =	vld [tilespmem:s9+$0x1B7A0]  }
0x5e2: {  	v5 =	vadd.f32 v13, v5;
	[tilespmem:s29+$0x12940] =	vst v7;
	v7 =	vld [tilespmem:s29+$0x6150];
	v1 =	vmax.f32 v1, $0.0e+00  }
0x5e3: {  	v13 =	vld [tilespmem:s19+$0x1B7C0];
	v10 =	vadd.f32 v10, v12;
	[tilespmem:s25+$0x12BF0] =	vst v1  }
0x5e4: {  	v1 =	vmax.f32 v5, $0.0e+00;
	v5 =	vld [tilespmem:s13+$0x1B7F0]  }
0x5e5: {  	[tilespmem:s12+$0x12860] =	vst v1;
	v1 =	vld [tilespmem:s12+$0x6070];
	v10 =	vmax.f32 v10, $0.0e+00  }
0x5e6: {  	v12 =	vld [tilespmem:s11+$0x1B7E0];
	v8 =	vadd.f32 v8, v9;
	[tilespmem:s26+$0x12B10] =	vst v10  }
0x5e7: {  	v9 =	vld [tilespmem:s10+$0x1B790]  }
0x5e8: {  	(v2sf) =	vpush v6, $0x1;
	v7 =	vadd.f32 v13, v7;
	v8 =	vmax.f32 v8, $0.0e+00;
	v10 =	vld [tilespmem:s26+$0x6400]  }
0x5e9: {  	[tilespmem:s28+$0x12A30] =	vst v8;
	v8 =	vld [tilespmem:s28+$0x6240];
	v0 =	vadd.f32 v5, v0  }
0x5ea: {  	v5 =	vmax.f32 v7, $0.0e+00;
	v7 =	vld [tilespmem:s9+$0x1B7B0]  }
0x5eb: {  	v1 =	vadd.f32 v12, v1;
	[tilespmem:s29+$0x12950] =	vst v5;
	v5 =	vld [tilespmem:s26+$0x6330];
	v13 =	vmax.f32 v0, $0.0e+00  }
0x5ec: {  	v12 =	vld [tilespmem:s29+$0x6160];
	v9 =	vadd.f32 v9, v11;
	[tilespmem:s25+$0x12C00] =	vst v13;
	s25 =	smov.u32 s26;
	s26 =	smov.u32 s28;
	s28 =	smov.u32 s29  }
0x5ed: {  	s29 =	smov.u32 s12;
	v1 =	vmax.f32 v1, $0.0e+00;
	v11 =	vld [tilespmem:s19+$0x1B7D0];
	v0 =	vmov v10  }
0x5ee: {  	[tilespmem:s29+$0x12870] =	vst v1;
	v10 =	vld [tilespmem:s29+$0x6080];
	v1 =	vmax.f32 v9, $0.0e+00  }
0x5ef: {  	v9 =	vld [tilespmem:s11+$0x1B7F0];
	v7 =	vadd.f32 v7, v8;
	[tilespmem:s25+$0x12B20] =	vst v1  }
0x5f0: {  	v8 =	vld [tilespmem:s10+$0x1B7A0]  }
0x5f1: {  	v7 =	vmax.f32 v7, $0.0e+00;
	v1 =	vld [tilespmem:s25+$0x63F0]  }
0x5f2: {  	v11 =	vadd.f32 v11, v12;
	[tilespmem:s26+$0x12A40] =	vst v7;
	v7 =	vld [tilespmem:s26+$0x6250]  }
0x5f3: {  	v12 =	vld [tilespmem:s9+$0x1B7C0]  }
0x5f4: {  	v9 =	vadd.f32 v9, v10;
	v10 =	vmax.f32 v11, $0.0e+00;
	v11 =	vld [tilespmem:s25+$0x6340]  }
0x5f5: {  	[tilespmem:s28+$0x12960] =	vst v10;
	v10 =	vld [tilespmem:s28+$0x6170];
	v5 =	vadd.f32 v8, v5  }
0x5f6: {  	v8 =	vmax.f32 v9, $0.0e+00;
	v9 =	vld [tilespmem:s19+$0x1B7E0]  }
0x5f7: {  	[tilespmem:s29+$0x12880] =	vst v8;
	v8 =	vld [tilespmem:s29+$0x6090];
	s8 =	spop (v2sf);
	v5 =	vmax.f32 v5, $0.0e+00  }
0x5f8: {  	v13 =	vld [tilespmem:s8+$0x1B780];
	(v2sf) =	vpush v2, $0x3;
	v7 =	vadd.f32 v12, v7;
	[tilespmem:s25+$0x12B30] =	vst v5  }
0x5f9: {  	v12 =	vld [tilespmem:s10+$0x1B7B0]  }
0x5fa: {  	v7 =	vmax.f32 v7, $0.0e+00;
	v5 =	vld [tilespmem:s25+$0x63E0]  }
0x5fb: {  	v9 =	vadd.f32 v9, v10;
	[tilespmem:s26+$0x12A50] =	vst v7;
	v7 =	vld [tilespmem:s26+$0x6260]  }
0x5fc: {  	v10 =	vld [tilespmem:s9+$0x1B7D0]  }
0x5fd: {  	v8 =	vadd.f32 v13, v8;
	v9 =	vmax.f32 v9, $0.0e+00;
	v13 =	vld [tilespmem:s25+$0x6350]  }
0x5fe: {  	[tilespmem:s28+$0x12970] =	vst v9;
	v9 =	vld [tilespmem:s28+$0x6180];
	v11 =	vadd.f32 v12, v11  }
0x5ff: {  	v8 =	vmax.f32 v8, $0.0e+00;
	v12 =	vld [tilespmem:s19+$0x1B7F0]  }
0x600: {  	[tilespmem:s29+$0x12890] =	vst v8;
	v8 =	vld [tilespmem:s29+$0x60A0];
	v11 =	vmax.f32 v11, $0.0e+00  }
0x601: {  	v14 =	vld [tilespmem:s8+$0x1B790];
	v7 =	vadd.f32 v10, v7;
	[tilespmem:s25+$0x12B40] =	vst v11  }
0x602: {  	v10 =	vld [tilespmem:s10+$0x1B7C0]  }
0x603: {  	v11 =	vmax.f32 v7, $0.0e+00;
	v7 =	vld [tilespmem:s25+$0x63D0]  }
0x604: {  	v9 =	vadd.f32 v12, v9;
	[tilespmem:s26+$0x12A60] =	vst v11;
	v11 =	vld [tilespmem:s26+$0x6270]  }
0x605: {  	v12 =	vld [tilespmem:s9+$0x1B7E0]  }
0x606: {  	v8 =	vadd.f32 v14, v8;
	v9 =	vmax.f32 v9, $0.0e+00;
	v14 =	vld [tilespmem:s25+$0x6360]  }
0x607: {  	[tilespmem:s28+$0x12980] =	vst v9;
	v15 =	vld [tilespmem:s28+$0x6190];
	s7 =	spop (v2sf);
	(v2sf) =	vpush v3, $0x5;
	v9 =	vadd.f32 v10, v13  }
0x608: {  	v8 =	vmax.f32 v8, $0.0e+00;
	v10 =	vld [tilespmem:s7+$0x1B780]  }
0x609: {  	[tilespmem:s29+$0x128A0] =	vst v8;
	v8 =	vld [tilespmem:s29+$0x60B0];
	v9 =	vmax.f32 v9, $0.0e+00  }
0x60a: {  	v13 =	vld [tilespmem:s8+$0x1B7A0];
	v11 =	vadd.f32 v12, v11;
	[tilespmem:s25+$0x12B50] =	vst v9  }
0x60b: {  	v12 =	vld [tilespmem:s10+$0x1B7D0]  }
0x60c: {  	v11 =	vmax.f32 v11, $0.0e+00;
	v9 =	vld [tilespmem:s25+$0x63C0]  }
0x60d: {  	v10 =	vadd.f32 v10, v15;
	[tilespmem:s26+$0x12A70] =	vst v11;
	v11 =	vld [tilespmem:s26+$0x6280]  }
0x60e: {  	v15 =	vld [tilespmem:s9+$0x1B7F0]  }
0x60f: {  	v8 =	vadd.f32 v13, v8;
	v10 =	vmax.f32 v10, $0.0e+00;
	v16 =	vld [tilespmem:s25+$0x6370]  }
0x610: {  	[tilespmem:s28+$0x12990] =	vst v10;
	v10 =	vld [tilespmem:s28+$0x61A0];
	v12 =	vadd.f32 v12, v14  }
0x611: {  	v8 =	vmax.f32 v8, $0.0e+00;
	v13 =	vld [tilespmem:s7+$0x1B790]  }
0x612: {  	[tilespmem:s29+$0x128B0] =	vst v8;
	v14 =	vld [tilespmem:s29+$0x60C0];
	v8 =	vmax.f32 v12, $0.0e+00  }
0x613: {  	v12 =	vld [tilespmem:s8+$0x1B7B0];
	v11 =	vadd.f32 v15, v11;
	[tilespmem:s25+$0x12B60] =	vst v8  }
0x614: {  	v15 =	vld [tilespmem:s10+$0x1B7E0]  }
0x615: {  	v11 =	vmax.f32 v11, $0.0e+00;
	v8 =	vld [tilespmem:s25+$0x6380]  }
0x616: {  	v17 =	vadd.f32 v13, v10;
	[tilespmem:s26+$0x12A80] =	vst v11;
	v10 =	vld [tilespmem:s26+$0x6290];
	s30 =	spop (v2sf);
	(v2sf) =	vpush v4, $0x7;
	v4 =	vmovc v3;
	v3 =	vmovc v2;
	v2 =	vmov v6  }
.Ltmp4:
0x617: {  	v13 =	vld [tilespmem:s30+$0x1B780];
	(pc) =	sbr.rel @p0 .LBB2_9-.Ltmp4, $4  }
0x618: {  	s0 =	sadd.s32 $0x8, s0;
	v6 =	vadd.f32 v12, v14;
	v14 =	vmax.f32 v17, $0.0e+00;
	v12 =	vld [tilespmem:s28+$0x61B0]  }
0x619: {  	v11 =	vld [tilespmem:s0+$0x0];
	[tilespmem:s28+$0x129A0] =	vst v14;
	v16 =	vadd.f32 v15, v16  }
0x61a: {  	v6 =	vmax.f32 v6, $0.0e+00;
	v15 =	vld [tilespmem:s7+$0x1B7A0]  }
0x61b: {  	s3 =	sadd.s32 $0x1000, s3;
	[tilespmem:s29+$0x128C0] =	vst v6;
	v14 =	vld [tilespmem:s29+$0x60D0];
	v6 =	vmax.f32 v16, $0.0e+00  }
0x61c: {  	v16 =	vld [tilespmem:s8+$0x1B7C0];
	[tilespmem:s25+$0x12B70] =	vst v6  }
0x61d: {  	v27 =	vld [tilespmem:s10+$0x1B7F0]  }
0x61e: {  	v10 =	vadd.f32 v13, v10;
	v28 =	vld [tilespmem:s26+$0x62A0];
	v31 =	vshll.u32 v11, $0x9  }
0x61f: {  	v32 =	vld [tilespmem:s28+$0x61C0];
	v6 =	vshra.s32 v31, $0x2  }
0x620: {  	v35 =	vld [tilespmem:s29+$0x60E0];
	v25 =	vmax.f32 v10, $0.0e+00;
	v26 =	vadd.f32 v15, v12;
	(v2sf) =	vpush v6, $0x0  }
0x621: {  	v37 =	vld [tilespmem:s25+$0x63B0];
	[tilespmem:s26+$0x12A90] =	vst v25;
	v29 =	vadd.f32 v16, v14  }
0x622: {  	v30 =	vld [tilespmem:s30+$0x1B790];
	v10 =	vmax.f32 v26, $0.0e+00;
	v8 =	vadd.f32 v27, v8  }
0x623: {  	v38 =	vld [tilespmem:s25+$0x6390];
	[tilespmem:s28+$0x129B0] =	vst v10;
	v33 =	vmax.f32 v29, $0.0e+00  }
0x624: {  	v34 =	vld [tilespmem:s7+$0x1B7B0];
	[tilespmem:s29+$0x128D0] =	vst v33;
	v8 =	vmax.f32 v8, $0.0e+00  }
0x625: {  	v36 =	vld [tilespmem:s8+$0x1B7D0];
	[tilespmem:s25+$0x12B80] =	vst v8;
	s0 =	spop (v2sf)  }
0x626: {  	v40 =	vld [tilespmem:s0+$0x1B780]  }
0x627: {  	v41 =	vld [tilespmem:s26+$0x62B0];
	v13 =	vadd.f32 v30, v28  }
0x628: {  	v43 =	vld [tilespmem:s28+$0x61D0]  }
0x629: {  	v45 =	vld [tilespmem:s29+$0x60F0];
	v39 =	vmax.f32 v13, $0.0e+00;
	v10 =	vadd.f32 v34, v32  }
0x62a: {  	v17 =	vld [tilespmem:s25+$0x63A0];
	[tilespmem:s26+$0x12AA0] =	vst v39;
	v12 =	vadd.f32 v36, v35  }
0x62b: {  	s2 =	sshra.s32 s2, $0x2;
	v42 =	vld [tilespmem:s30+$0x1B7A0];
	v10 =	vmax.f32 v10, $0.0e+00;
	v11 =	vadd.f32 v40, v38  }
0x62c: {  	v47 =	vld [tilespmem:s2+$0x6010];
	[tilespmem:s28+$0x129C0] =	vst v10;
	v12 =	vmax.f32 v12, $0.0e+00  }
0x62d: {  	v44 =	vld [tilespmem:s7+$0x1B7C0];
	[tilespmem:s29+$0x128E0] =	vst v12;
	v11 =	vmax.f32 v11, $0.0e+00  }
0x62e: {  	v46 =	vld [tilespmem:s8+$0x1B7E0];
	[tilespmem:s25+$0x12B90] =	vst v11  }
0x62f: {  	v11 =	vld [tilespmem:s0+$0x1B790];
	s3 =	spop (v2sf)  }
0x630: {  	(v2sf) =	vpush v2, $0x2;
	v8 =	vadd.f32 v42, v41;
	v48 =	vld [tilespmem:s3+$0x1B780]  }
0x631: {  	v18 =	vld [tilespmem:s26+$0x62C0]  }
0x632: {  	v51 =	vld [tilespmem:s28+$0x61E0];
	v8 =	vmax.f32 v8, $0.0e+00;
	v10 =	vadd.f32 v44, v43  }
0x633: {  	v54 =	vld [tilespmem:s29+$0x6100];
	[tilespmem:s26+$0x12AB0] =	vst v8;
	v49 =	vadd.f32 v46, v45  }
0x634: {  	v50 =	vld [tilespmem:s30+$0x1B7B0];
	v10 =	vmax.f32 v10, $0.0e+00;
	v53 =	vadd.f32 v11, v17  }
0x635: {  	v59 =	vld [tilespmem:s2+$0x6020];
	[tilespmem:s28+$0x129D0] =	vst v10;
	v8 =	vmax.f32 v49, $0.0e+00;
	v13 =	vadd.f32 v48, v47  }
0x636: {  	v52 =	vld [tilespmem:s7+$0x1B7D0];
	[tilespmem:s29+$0x128F0] =	vst v8;
	v8 =	vmax.f32 v53, $0.0e+00  }
0x637: {  	v55 =	vld [tilespmem:s8+$0x1B7F0];
	[tilespmem:s25+$0x12BA0] =	vst v8;
	v57 =	vmax.f32 v13, $0.0e+00  }
0x638: {  	v58 =	vld [tilespmem:s0+$0x1B7A0];
	[tilespmem:s2+$0x12810] =	vst v57  }
0x639: {  	v12 =	vadd.f32 v50, v18;
	v60 =	vld [tilespmem:s3+$0x1B790]  }
0x63a: {  	v56 =	vld [tilespmem:s26+$0x62D0]  }
0x63b: {  	v61 =	vld [tilespmem:s28+$0x61F0];
	v12 =	vmax.f32 v12, $0.0e+00;
	v10 =	vadd.f32 v52, v51  }
0x63c: {  	v63 =	vld [tilespmem:s29+$0x6110];
	[tilespmem:s26+$0x12AC0] =	vst v12;
	v11 =	vadd.f32 v55, v54  }
0x63d: {  	v12 =	vld [tilespmem:s30+$0x1B7C0];
	v10 =	vmax.f32 v10, $0.0e+00;
	v13 =	vadd.f32 v58, v37  }
0x63e: {  	v22 =	vld [tilespmem:s2+$0x6030];
	[tilespmem:s28+$0x129E0] =	vst v10;
	v11 =	vmax.f32 v11, $0.0e+00;
	v8 =	vadd.f32 v60, v59  }
0x63f: {  	s19 =	spop (v2sf);
	v62 =	vld [tilespmem:s7+$0x1B7E0];
	[tilespmem:s29+$0x12900] =	vst v11;
	v13 =	vmax.f32 v13, $0.0e+00  }
0x640: {  	v20 =	vld [tilespmem:s19+$0x1B780];
	[tilespmem:s25+$0x12BB0] =	vst v13;
	v8 =	vmax.f32 v8, $0.0e+00  }
0x641: {  	(v2sf) =	vpush v3, $0x4;
	v13 =	vld [tilespmem:s0+$0x1B7B0];
	[tilespmem:s2+$0x12820] =	vst v8  }
0x642: {  	v12 =	vadd.f32 v12, v56;
	v24 =	vld [tilespmem:s3+$0x1B7A0]  }
0x643: {  	v21 =	vld [tilespmem:s26+$0x62E0]  }
0x644: {  	v26 =	vld [tilespmem:s28+$0x6200];
	v23 =	vmax.f32 v12, $0.0e+00;
	v10 =	vadd.f32 v62, v61  }
0x645: {  	v29 =	vld [tilespmem:s29+$0x6120];
	[tilespmem:s26+$0x12AD0] =	vst v23;
	v11 =	vadd.f32 v20, v63  }
0x646: {  	v25 =	vld [tilespmem:s30+$0x1B7D0];
	v10 =	vmax.f32 v10, $0.0e+00;
	v9 =	vadd.f32 v13, v9  }
0x647: {  	v33 =	vld [tilespmem:s2+$0x6040];
	[tilespmem:s28+$0x129F0] =	vst v10;
	v11 =	vmax.f32 v11, $0.0e+00;
	v28 =	vadd.f32 v24, v22  }
0x648: {  	v27 =	vld [tilespmem:s7+$0x1B7F0];
	[tilespmem:s29+$0x12910] =	vst v11;
	v9 =	vmax.f32 v9, $0.0e+00  }
0x649: {  	v30 =	vld [tilespmem:s19+$0x1B790];
	[tilespmem:s25+$0x12BC0] =	vst v9;
	v11 =	vmax.f32 v28, $0.0e+00  }
0x64a: {  	v32 =	vld [tilespmem:s0+$0x1B7C0];
	[tilespmem:s2+$0x12830] =	vst v11  }
0x64b: {  	v31 =	vadd.f32 v25, v21;
	v34 =	vld [tilespmem:s3+$0x1B7B0]  }
0x64c: {  	v38 =	vld [tilespmem:s29+$0x6130]  }
0x64d: {  	v8 =	vld [tilespmem:s26+$0x62F0];
	v9 =	vmax.f32 v31, $0.0e+00;
	v35 =	vadd.f32 v27, v26  }
0x64e: {  	[tilespmem:s26+$0x12AE0] =	vst v9;
	v9 =	vld [tilespmem:s26+$0x6300];
	v12 =	vadd.f32 v30, v29  }
0x64f: {  	v10 =	vld [tilespmem:s30+$0x1B7E0];
	v11 =	vmax.f32 v35, $0.0e+00;
	v7 =	vadd.f32 v32, v7  }
0x650: {  	s11 =	spop (v2sf);
	[tilespmem:s28+$0x12A00] =	vst v11;
	v11 =	vld [tilespmem:s28+$0x6210];
	v36 =	vmax.f32 v12, $0.0e+00;
	v37 =	vadd.f32 v34, v33  }
0x651: {  	v12 =	vld [tilespmem:s11+$0x1B780];
	[tilespmem:s29+$0x12920] =	vst v36;
	v7 =	vmax.f32 v7, $0.0e+00  }
0x652: {  	v39 =	vld [tilespmem:s19+$0x1B7A0];
	[tilespmem:s25+$0x12BD0] =	vst v7;
	v14 =	vmax.f32 v37, $0.0e+00  }
0x653: {  	(v2sf) =	vpush v4, $0x6;
	v7 =	vld [tilespmem:s0+$0x1B7D0];
	[tilespmem:s2+$0x12840] =	vst v14  }
0x654: {  	v14 =	vld [tilespmem:s2+$0x6050]  }
0x655: {  	v40 =	vld [tilespmem:s3+$0x1B7C0];
	_ =	sdelay $0x4  }
0x656: {  	v14 =	vadd.f32 v40, v14;
	_ =	sdelay $0x1  }
0x657: {  	v14 =	vmax.f32 v14, $0.0e+00  }
0x658: {  	v41 =	vld [tilespmem:s2+$0x6060];
	[tilespmem:s2+$0x12850] =	vst v14  }
0x659: {  	v42 =	vld [tilespmem:s3+$0x1B7D0];
	_ =	sdelay $0x4  }
0x65a: {  	v14 =	vadd.f32 v42, v41;
	_ =	sdelay $0x1  }
0x65b: {  	v14 =	vmax.f32 v14, $0.0e+00  }
0x65c: {  	v43 =	vld [tilespmem:s2+$0x6070];
	[tilespmem:s2+$0x12860] =	vst v14  }
0x65d: {  	v44 =	vld [tilespmem:s3+$0x1B7E0];
	_ =	sdelay $0x1  }
0x65e: {  	(v2sf) =	vpush v6, $0x1;
	_ =	sdelay $0x2  }
0x65f: {  	v14 =	vadd.f32 v44, v43;
	_ =	sdelay $0x1  }
0x660: {  	v14 =	vmax.f32 v14, $0.0e+00  }
0x661: {  	v45 =	vld [tilespmem:s2+$0x6080];
	[tilespmem:s2+$0x12870] =	vst v14  }
0x662: {  	v46 =	vld [tilespmem:s3+$0x1B7F0];
	_ =	sdelay $0x4  }
0x663: {  	v14 =	vadd.f32 v46, v45;
	_ =	sdelay $0x1  }
0x664: {  	s7 =	spop (v2sf);
	v14 =	vmax.f32 v14, $0.0e+00  }
0x665: {  	v47 =	vld [tilespmem:s2+$0x6090];
	s20 =	spop (v2sf);
	[tilespmem:s2+$0x12880] =	vst v14  }
0x666: {  	v48 =	vld [tilespmem:s20+$0x1B780];
	_ =	sdelay $0x4  }
0x667: {  	v14 =	vadd.f32 v48, v47;
	_ =	sdelay $0x1  }
0x668: {  	v14 =	vmax.f32 v14, $0.0e+00  }
0x669: {  	v49 =	vld [tilespmem:s2+$0x60A0];
	[tilespmem:s2+$0x12890] =	vst v14  }
0x66a: {  	v50 =	vld [tilespmem:s20+$0x1B790];
	_ =	sdelay $0x4  }
0x66b: {  	v14 =	vadd.f32 v50, v49;
	_ =	sdelay $0x1  }
0x66c: {  	v14 =	vmax.f32 v14, $0.0e+00  }
0x66d: {  	v51 =	vld [tilespmem:s2+$0x60B0];
	[tilespmem:s2+$0x128A0] =	vst v14  }
0x66e: {  	v52 =	vld [tilespmem:s20+$0x1B7A0];
	_ =	sdelay $0x4  }
0x66f: {  	v14 =	vadd.f32 v52, v51;
	_ =	sdelay $0x1  }
0x670: {  	v14 =	vmax.f32 v14, $0.0e+00  }
0x671: {  	v53 =	vld [tilespmem:s2+$0x60C0];
	[tilespmem:s2+$0x128B0] =	vst v14  }
0x672: {  	v54 =	vld [tilespmem:s20+$0x1B7B0];
	_ =	sdelay $0x4  }
0x673: {  	v14 =	vadd.f32 v54, v53;
	_ =	sdelay $0x1  }
0x674: {  	v14 =	vmax.f32 v14, $0.0e+00  }
0x675: {  	v55 =	vld [tilespmem:s2+$0x60D0];
	[tilespmem:s2+$0x128C0] =	vst v14  }
0x676: {  	v56 =	vld [tilespmem:s20+$0x1B7C0];
	_ =	sdelay $0x4  }
0x677: {  	v14 =	vadd.f32 v56, v55;
	_ =	sdelay $0x1  }
0x678: {  	v14 =	vmax.f32 v14, $0.0e+00  }
0x679: {  	v57 =	vld [tilespmem:s2+$0x60E0];
	[tilespmem:s2+$0x128D0] =	vst v14  }
0x67a: {  	v58 =	vld [tilespmem:s20+$0x1B7D0];
	_ =	sdelay $0x4  }
0x67b: {  	v14 =	vadd.f32 v58, v57;
	_ =	sdelay $0x1  }
0x67c: {  	v14 =	vmax.f32 v14, $0.0e+00  }
0x67d: {  	v59 =	vld [tilespmem:s2+$0x60F0];
	(v2sf) =	vpush v2, $0x3;
	[tilespmem:s2+$0x128E0] =	vst v14  }
0x67e: {  	(v2sf) =	vpush v3, $0x5;
	v60 =	vld [tilespmem:s20+$0x1B7E0]  }
0x67f: {  	(v2sf) =	vpush v4, $0x7  }
0x680: {  	(v2sf) =	vpush v6, $0x2;
	_ =	sdelay $0x2  }
0x681: {  	v61 =	vadd.f32 v60, v59;
	_ =	sdelay $0x1  }
0x682: {  	v4 =	vmax.f32 v61, $0.0e+00  }
0x683: {  	v62 =	vld [tilespmem:s2+$0x6100];
	[tilespmem:s2+$0x128F0] =	vst v4  }
0x684: {  	v63 =	vld [tilespmem:s20+$0x1B7F0];
	_ =	sdelay $0x4  }
0x685: {  	s13 =	spop (v2sf);
	v4 =	vadd.f32 v63, v62  }
0x686: {  	s12 =	spop (v2sf)  }
0x687: {  	s3 =	spop (v2sf);
	v4 =	vmax.f32 v4, $0.0e+00  }
0x688: {  	v20 =	vld [tilespmem:s2+$0x6110];
	s9 =	spop (v2sf);
	[tilespmem:s2+$0x12900] =	vst v4  }
0x689: {  	v21 =	vld [tilespmem:s9+$0x1B780];
	_ =	sdelay $0x4  }
0x68a: {  	v4 =	vadd.f32 v21, v20;
	_ =	sdelay $0x1  }
0x68b: {  	v4 =	vmax.f32 v4, $0.0e+00  }
0x68c: {  	v24 =	vld [tilespmem:s2+$0x6120];
	[tilespmem:s2+$0x12910] =	vst v4  }
0x68d: {  	v25 =	vld [tilespmem:s9+$0x1B790];
	_ =	sdelay $0x2  }
0x68e: {  	v13 =	vadd.f32 v39, v38;
	_ =	sdelay $0x1  }
0x68f: {  	v13 =	vmax.f32 v13, $0.0e+00;
	v4 =	vadd.f32 v25, v24  }
0x690: {  	v18 =	vld [tilespmem:s29+$0x6140];
	[tilespmem:s29+$0x12930] =	vst v13  }
0x691: {  	v19 =	vld [tilespmem:s19+$0x1B7B0];
	v4 =	vmax.f32 v4, $0.0e+00  }
0x692: {  	v28 =	vld [tilespmem:s2+$0x6130];
	[tilespmem:s2+$0x12920] =	vst v4  }
0x693: {  	v29 =	vld [tilespmem:s9+$0x1B7A0];
	_ =	sdelay $0x2  }
0x694: {  	v13 =	vadd.f32 v19, v18;
	_ =	sdelay $0x1  }
0x695: {  	v13 =	vmax.f32 v13, $0.0e+00;
	v4 =	vadd.f32 v29, v28  }
0x696: {  	v22 =	vld [tilespmem:s29+$0x6150];
	[tilespmem:s29+$0x12940] =	vst v13  }
0x697: {  	v23 =	vld [tilespmem:s19+$0x1B7C0];
	v4 =	vmax.f32 v4, $0.0e+00  }
0x698: {  	v32 =	vld [tilespmem:s2+$0x6140];
	[tilespmem:s2+$0x12930] =	vst v4  }
0x699: {  	v33 =	vld [tilespmem:s9+$0x1B7B0];
	_ =	sdelay $0x2  }
0x69a: {  	v13 =	vadd.f32 v23, v22;
	_ =	sdelay $0x1  }
0x69b: {  	v13 =	vmax.f32 v13, $0.0e+00;
	v4 =	vadd.f32 v33, v32  }
0x69c: {  	v26 =	vld [tilespmem:s29+$0x6160];
	[tilespmem:s29+$0x12950] =	vst v13  }
0x69d: {  	v27 =	vld [tilespmem:s19+$0x1B7D0];
	v4 =	vmax.f32 v4, $0.0e+00  }
0x69e: {  	v35 =	vld [tilespmem:s2+$0x6150];
	[tilespmem:s2+$0x12940] =	vst v4  }
0x69f: {  	v36 =	vld [tilespmem:s9+$0x1B7C0];
	_ =	sdelay $0x2  }
0x6a0: {  	v13 =	vadd.f32 v27, v26;
	_ =	sdelay $0x1  }
0x6a1: {  	v13 =	vmax.f32 v13, $0.0e+00;
	v4 =	vadd.f32 v36, v35  }
0x6a2: {  	v30 =	vld [tilespmem:s29+$0x6170];
	[tilespmem:s29+$0x12960] =	vst v13  }
0x6a3: {  	v31 =	vld [tilespmem:s19+$0x1B7E0];
	v4 =	vmax.f32 v4, $0.0e+00  }
0x6a4: {  	v38 =	vld [tilespmem:s2+$0x6160];
	[tilespmem:s2+$0x12950] =	vst v4  }
0x6a5: {  	v39 =	vld [tilespmem:s9+$0x1B7D0];
	_ =	sdelay $0x2  }
0x6a6: {  	v13 =	vadd.f32 v31, v30;
	_ =	sdelay $0x1  }
0x6a7: {  	v13 =	vmax.f32 v13, $0.0e+00;
	v4 =	vadd.f32 v39, v38  }
0x6a8: {  	v34 =	vld [tilespmem:s29+$0x6180];
	[tilespmem:s29+$0x12970] =	vst v13  }
0x6a9: {  	v37 =	vld [tilespmem:s19+$0x1B7F0];
	v4 =	vmax.f32 v4, $0.0e+00  }
0x6aa: {  	v43 =	vld [tilespmem:s2+$0x6170];
	[tilespmem:s2+$0x12960] =	vst v4  }
0x6ab: {  	(v2sf) =	vpush v2, $0x4;
	v44 =	vld [tilespmem:s9+$0x1B7E0]  }
0x6ac: {  	(v2sf) =	vpush v3, $0x6  }
0x6ad: {  	(v2sf) =	vpush v6, $0x3  }
0x6ae: {  	v13 =	vadd.f32 v37, v34;
	_ =	sdelay $0x1  }
0x6af: {  	v13 =	vmax.f32 v13, $0.0e+00;
	v4 =	vadd.f32 v44, v43  }
0x6b0: {  	v40 =	vld [tilespmem:s29+$0x6190];
	[tilespmem:s29+$0x12980] =	vst v13  }
0x6b1: {  	v41 =	vld [tilespmem:s13+$0x1B780];
	v4 =	vmax.f32 v4, $0.0e+00  }
0x6b2: {  	v47 =	vld [tilespmem:s2+$0x6180];
	[tilespmem:s2+$0x12970] =	vst v4  }
0x6b3: {  	v48 =	vld [tilespmem:s9+$0x1B7F0];
	_ =	sdelay $0x2  }
0x6b4: {  	v42 =	vadd.f32 v41, v40;
	_ =	sdelay $0x1  }
0x6b5: {  	v13 =	vmax.f32 v42, $0.0e+00;
	v4 =	vadd.f32 v48, v47  }
0x6b6: {  	s31 =	spop (v2sf);
	v45 =	vld [tilespmem:s29+$0x61A0];
	[tilespmem:s29+$0x12990] =	vst v13  }
0x6b7: {  	s10 =	spop (v2sf);
	v46 =	vld [tilespmem:s13+$0x1B790];
	v4 =	vmax.f32 v4, $0.0e+00  }
0x6b8: {  	s19 =	spop (v2sf);
	v50 =	vld [tilespmem:s2+$0x6190];
	[tilespmem:s2+$0x12980] =	vst v4  }
0x6b9: {  	v51 =	vld [tilespmem:s19+$0x1B780];
	_ =	sdelay $0x2  }
0x6ba: {  	v13 =	vadd.f32 v46, v45;
	_ =	sdelay $0x1  }
0x6bb: {  	v13 =	vmax.f32 v13, $0.0e+00;
	v4 =	vadd.f32 v51, v50  }
0x6bc: {  	v49 =	vld [tilespmem:s29+$0x61B0];
	[tilespmem:s29+$0x129A0] =	vst v13  }
0x6bd: {  	v13 =	vld [tilespmem:s13+$0x1B7A0];
	v4 =	vmax.f32 v4, $0.0e+00  }
0x6be: {  	v54 =	vld [tilespmem:s2+$0x61A0];
	[tilespmem:s2+$0x12990] =	vst v4  }
0x6bf: {  	v55 =	vld [tilespmem:s19+$0x1B790];
	_ =	sdelay $0x2  }
0x6c0: {  	v13 =	vadd.f32 v13, v49;
	_ =	sdelay $0x1  }
0x6c1: {  	v13 =	vmax.f32 v13, $0.0e+00;
	v4 =	vadd.f32 v55, v54  }
0x6c2: {  	v52 =	vld [tilespmem:s29+$0x61C0];
	[tilespmem:s29+$0x129B0] =	vst v13  }
0x6c3: {  	v53 =	vld [tilespmem:s13+$0x1B7B0];
	v4 =	vmax.f32 v4, $0.0e+00  }
0x6c4: {  	v58 =	vld [tilespmem:s2+$0x61B0];
	[tilespmem:s2+$0x129A0] =	vst v4  }
0x6c5: {  	v4 =	vld [tilespmem:s19+$0x1B7A0];
	_ =	sdelay $0x2  }
0x6c6: {  	v13 =	vadd.f32 v53, v52;
	_ =	sdelay $0x1  }
0x6c7: {  	v13 =	vmax.f32 v13, $0.0e+00;
	v4 =	vadd.f32 v4, v58  }
0x6c8: {  	v56 =	vld [tilespmem:s29+$0x61D0];
	[tilespmem:s29+$0x129C0] =	vst v13  }
0x6c9: {  	v57 =	vld [tilespmem:s13+$0x1B7C0];
	v4 =	vmax.f32 v4, $0.0e+00  }
0x6ca: {  	v61 =	vld [tilespmem:s2+$0x61C0];
	[tilespmem:s2+$0x129B0] =	vst v4  }
0x6cb: {  	v62 =	vld [tilespmem:s19+$0x1B7B0];
	_ =	sdelay $0x2  }
0x6cc: {  	v13 =	vadd.f32 v57, v56;
	_ =	sdelay $0x1  }
0x6cd: {  	v13 =	vmax.f32 v13, $0.0e+00;
	v4 =	vadd.f32 v62, v61  }
0x6ce: {  	v59 =	vld [tilespmem:s29+$0x61E0];
	[tilespmem:s29+$0x129D0] =	vst v13  }
0x6cf: {  	v60 =	vld [tilespmem:s13+$0x1B7D0];
	v4 =	vmax.f32 v4, $0.0e+00  }
0x6d0: {  	v19 =	vld [tilespmem:s2+$0x61D0];
	[tilespmem:s2+$0x129C0] =	vst v4  }
0x6d1: {  	v20 =	vld [tilespmem:s19+$0x1B7C0];
	_ =	sdelay $0x2  }
0x6d2: {  	v13 =	vadd.f32 v60, v59;
	_ =	sdelay $0x1  }
0x6d3: {  	v13 =	vmax.f32 v13, $0.0e+00;
	v4 =	vadd.f32 v20, v19  }
0x6d4: {  	v63 =	vld [tilespmem:s29+$0x61F0];
	[tilespmem:s29+$0x129E0] =	vst v13  }
0x6d5: {  	v18 =	vld [tilespmem:s13+$0x1B7E0];
	v4 =	vmax.f32 v4, $0.0e+00  }
0x6d6: {  	v22 =	vld [tilespmem:s2+$0x61E0];
	[tilespmem:s2+$0x129D0] =	vst v4  }
0x6d7: {  	v23 =	vld [tilespmem:s19+$0x1B7D0];
	_ =	sdelay $0x2  }
0x6d8: {  	v13 =	vadd.f32 v18, v63;
	_ =	sdelay $0x1  }
0x6d9: {  	v13 =	vmax.f32 v13, $0.0e+00;
	v4 =	vadd.f32 v23, v22  }
0x6da: {  	v21 =	vld [tilespmem:s29+$0x6200];
	[tilespmem:s29+$0x129F0] =	vst v13  }
0x6db: {  	v24 =	vld [tilespmem:s13+$0x1B7F0];
	v4 =	vmax.f32 v4, $0.0e+00  }
0x6dc: {  	v25 =	vld [tilespmem:s2+$0x61F0];
	[tilespmem:s2+$0x129E0] =	vst v4  }
0x6dd: {  	(v2sf) =	vpush v2, $0x5;
	v26 =	vld [tilespmem:s19+$0x1B7E0]  }
0x6de: {  	v11 =	vadd.f32 v12, v11;
	(v2sf) =	vpush v3, $0x7  }
0x6df: {  	(v2sf) =	vpush v6, $0x4  }
0x6e0: {  	v11 =	vmax.f32 v11, $0.0e+00;
	v13 =	vadd.f32 v24, v21  }
0x6e1: {  	[tilespmem:s28+$0x12A10] =	vst v11;
	v27 =	vld [tilespmem:s29+$0x6210]  }
0x6e2: {  	v30 =	vld [tilespmem:s11+$0x1B790];
	v13 =	vmax.f32 v13, $0.0e+00;
	v4 =	vadd.f32 v26, v25  }
0x6e3: {  	v31 =	vld [tilespmem:s2+$0x6200];
	[tilespmem:s29+$0x12A00] =	vst v13  }
0x6e4: {  	v28 =	vld [tilespmem:s31+$0x1B780];
	v4 =	vmax.f32 v4, $0.0e+00  }
0x6e5: {  	v29 =	vld [tilespmem:s28+$0x6220];
	[tilespmem:s2+$0x129F0] =	vst v4  }
0x6e6: {  	v32 =	vld [tilespmem:s19+$0x1B7F0];
	_ =	sdelay $0x2  }
0x6e7: {  	v3 =	vadd.f32 v28, v27  }
0x6e8: {  	v33 =	vadd.f32 v30, v29  }
0x6e9: {  	v3 =	vmax.f32 v3, $0.0e+00;
	v36 =	vadd.f32 v32, v31  }
0x6ea: {  	s20 =	spop (v2sf);
	[tilespmem:s29+$0x12A10] =	vst v3;
	v3 =	vmax.f32 v33, $0.0e+00  }
0x6eb: {  	s8 =	spop (v2sf);
	[tilespmem:s28+$0x12A20] =	vst v3;
	v3 =	vmax.f32 v36, $0.0e+00  }
0x6ec: {  	v39 =	vld [tilespmem:s2+$0x6210];
	s19 =	spop (v2sf);
	[tilespmem:s2+$0x12A00] =	vst v3  }
0x6ed: {  	v40 =	vld [tilespmem:s19+$0x1B780];
	_ =	sdelay $0x4  }
0x6ee: {  	v34 =	vld [tilespmem:s29+$0x6220];
	v3 =	vadd.f32 v40, v39  }
0x6ef: {  	v35 =	vld [tilespmem:s31+$0x1B790]  }
0x6f0: {  	v3 =	vmax.f32 v3, $0.0e+00  }
0x6f1: {  	v44 =	vld [tilespmem:s2+$0x6220];
	[tilespmem:s2+$0x12A10] =	vst v3  }
0x6f2: {  	v45 =	vld [tilespmem:s19+$0x1B790];
	_ =	sdelay $0x1  }
0x6f3: {  	v11 =	vadd.f32 v35, v34;
	_ =	sdelay $0x1  }
0x6f4: {  	v37 =	vld [tilespmem:s28+$0x6230];
	v11 =	vmax.f32 v11, $0.0e+00  }
0x6f5: {  	v41 =	vld [tilespmem:s29+$0x6230];
	[tilespmem:s29+$0x12A20] =	vst v11;
	v3 =	vadd.f32 v45, v44  }
0x6f6: {  	v42 =	vld [tilespmem:s31+$0x1B7A0]  }
0x6f7: {  	v49 =	vld [tilespmem:s2+$0x6230];
	v3 =	vmax.f32 v3, $0.0e+00  }
0x6f8: {  	v38 =	vld [tilespmem:s11+$0x1B7A0];
	[tilespmem:s2+$0x12A20] =	vst v3  }
0x6f9: {  	v50 =	vld [tilespmem:s19+$0x1B7A0];
	_ =	sdelay $0x1  }
0x6fa: {  	v11 =	vadd.f32 v42, v41;
	_ =	sdelay $0x1  }
0x6fb: {  	v11 =	vmax.f32 v11, $0.0e+00;
	v43 =	vld [tilespmem:s28+$0x6240];
	v4 =	vadd.f32 v38, v37  }
0x6fc: {  	[tilespmem:s29+$0x12A30] =	vst v11;
	v47 =	vld [tilespmem:s29+$0x6240];
	v3 =	vadd.f32 v50, v49  }
0x6fd: {  	v48 =	vld [tilespmem:s31+$0x1B7B0];
	v4 =	vmax.f32 v4, $0.0e+00  }
0x6fe: {  	v55 =	vld [tilespmem:s2+$0x6240];
	[tilespmem:s28+$0x12A30] =	vst v4;
	v3 =	vmax.f32 v3, $0.0e+00  }
0x6ff: {  	v46 =	vld [tilespmem:s11+$0x1B7B0];
	[tilespmem:s2+$0x12A30] =	vst v3  }
0x700: {  	v56 =	vld [tilespmem:s19+$0x1B7B0];
	_ =	sdelay $0x1  }
0x701: {  	v11 =	vadd.f32 v48, v47;
	_ =	sdelay $0x1  }
0x702: {  	v53 =	vld [tilespmem:s29+$0x6250];
	v11 =	vmax.f32 v11, $0.0e+00;
	v4 =	vadd.f32 v46, v43  }
0x703: {  	[tilespmem:s29+$0x12A40] =	vst v11;
	v51 =	vld [tilespmem:s28+$0x6250];
	v3 =	vadd.f32 v56, v55  }
0x704: {  	v54 =	vld [tilespmem:s31+$0x1B7C0];
	v4 =	vmax.f32 v4, $0.0e+00  }
0x705: {  	v61 =	vld [tilespmem:s2+$0x6250];
	[tilespmem:s28+$0x12A40] =	vst v4;
	v3 =	vmax.f32 v3, $0.0e+00  }
0x706: {  	v52 =	vld [tilespmem:s11+$0x1B7C0];
	[tilespmem:s2+$0x12A40] =	vst v3  }
0x707: {  	v62 =	vld [tilespmem:s19+$0x1B7C0];
	_ =	sdelay $0x1  }
0x708: {  	v4 =	vadd.f32 v54, v53;
	_ =	sdelay $0x1  }
0x709: {  	v57 =	vld [tilespmem:s28+$0x6260];
	v4 =	vmax.f32 v4, $0.0e+00;
	v12 =	vadd.f32 v52, v51  }
0x70a: {  	v59 =	vld [tilespmem:s29+$0x6260];
	[tilespmem:s29+$0x12A50] =	vst v4;
	v3 =	vadd.f32 v62, v61  }
0x70b: {  	v60 =	vld [tilespmem:s31+$0x1B7D0];
	v12 =	vmax.f32 v12, $0.0e+00  }
0x70c: {  	v18 =	vld [tilespmem:s2+$0x6260];
	[tilespmem:s28+$0x12A50] =	vst v12;
	v3 =	vmax.f32 v3, $0.0e+00  }
0x70d: {  	v58 =	vld [tilespmem:s11+$0x1B7D0];
	[tilespmem:s2+$0x12A50] =	vst v3  }
0x70e: {  	v19 =	vld [tilespmem:s19+$0x1B7D0];
	_ =	sdelay $0x1  }
0x70f: {  	v4 =	vadd.f32 v60, v59;
	_ =	sdelay $0x1  }
0x710: {  	v17 =	vld [tilespmem:s29+$0x6270];
	v4 =	vmax.f32 v4, $0.0e+00;
	v11 =	vadd.f32 v58, v57  }
0x711: {  	v63 =	vld [tilespmem:s28+$0x6270];
	[tilespmem:s29+$0x12A60] =	vst v4;
	v3 =	vadd.f32 v19, v18  }
0x712: {  	v20 =	vld [tilespmem:s31+$0x1B7E0];
	v11 =	vmax.f32 v11, $0.0e+00  }
0x713: {  	v22 =	vld [tilespmem:s2+$0x6270];
	[tilespmem:s28+$0x12A60] =	vst v11;
	v3 =	vmax.f32 v3, $0.0e+00  }
0x714: {  	v16 =	vld [tilespmem:s11+$0x1B7E0];
	[tilespmem:s2+$0x12A60] =	vst v3  }
0x715: {  	v23 =	vld [tilespmem:s19+$0x1B7E0]  }
0x716: {  	(v2sf) =	vpush v2, $0x6  }
0x717: {  	(v2sf) =	vpush v6, $0x5;
	v4 =	vadd.f32 v20, v17;
	_ =	sdelay $0x1  }
0x718: {  	v21 =	vld [tilespmem:s28+$0x6280];
	v4 =	vmax.f32 v4, $0.0e+00;
	v11 =	vadd.f32 v16, v63  }
0x719: {  	v24 =	vld [tilespmem:s29+$0x6280];
	[tilespmem:s29+$0x12A70] =	vst v4;
	v3 =	vadd.f32 v23, v22  }
0x71a: {  	v25 =	vld [tilespmem:s31+$0x1B7F0];
	v11 =	vmax.f32 v11, $0.0e+00  }
0x71b: {  	v28 =	vld [tilespmem:s2+$0x6280];
	[tilespmem:s28+$0x12A70] =	vst v11;
	v3 =	vmax.f32 v3, $0.0e+00  }
0x71c: {  	v11 =	vld [tilespmem:s11+$0x1B7F0];
	[tilespmem:s2+$0x12A70] =	vst v3  }
0x71d: {  	v29 =	vld [tilespmem:s19+$0x1B7F0];
	_ =	sdelay $0x1  }
0x71e: {  	v12 =	vadd.f32 v25, v24;
	_ =	sdelay $0x1  }
0x71f: {  	v30 =	vld [tilespmem:s29+$0x6290];
	v12 =	vmax.f32 v12, $0.0e+00;
	v11 =	vadd.f32 v11, v21  }
0x720: {  	v33 =	vld [tilespmem:s2+$0x6290];
	[tilespmem:s29+$0x12A80] =	vst v12;
	v3 =	vadd.f32 v29, v28  }
0x721: {  	v12 =	vld [tilespmem:s20+$0x1B780];
	v11 =	vmax.f32 v11, $0.0e+00  }
0x722: {  	v26 =	vld [tilespmem:s28+$0x6290];
	s31 =	spop (v2sf);
	[tilespmem:s28+$0x12A80] =	vst v11;
	v3 =	vmax.f32 v3, $0.0e+00  }
0x723: {  	s11 =	spop (v2sf);
	v27 =	vld [tilespmem:s12+$0x1B780];
	[tilespmem:s2+$0x12A80] =	vst v3  }
0x724: {  	v34 =	vld [tilespmem:s11+$0x1B780];
	_ =	sdelay $0x1  }
0x725: {  	v11 =	vadd.f32 v12, v30;
	_ =	sdelay $0x1  }
0x726: {  	v35 =	vld [tilespmem:s29+$0x62A0];
	v11 =	vmax.f32 v11, $0.0e+00;
	v4 =	vadd.f32 v27, v26  }
0x727: {  	v38 =	vld [tilespmem:s2+$0x62A0];
	[tilespmem:s29+$0x12A90] =	vst v11;
	v3 =	vadd.f32 v34, v33  }
0x728: {  	v36 =	vld [tilespmem:s20+$0x1B790];
	v4 =	vmax.f32 v4, $0.0e+00  }
0x729: {  	v31 =	vld [tilespmem:s28+$0x62A0];
	[tilespmem:s28+$0x12A90] =	vst v4;
	v3 =	vmax.f32 v3, $0.0e+00  }
0x72a: {  	v32 =	vld [tilespmem:s12+$0x1B790];
	[tilespmem:s2+$0x12A90] =	vst v3  }
0x72b: {  	v39 =	vld [tilespmem:s11+$0x1B790];
	_ =	sdelay $0x1  }
0x72c: {  	v11 =	vadd.f32 v36, v35;
	_ =	sdelay $0x1  }
0x72d: {  	v41 =	vld [tilespmem:s29+$0x62B0];
	v11 =	vmax.f32 v11, $0.0e+00;
	v4 =	vadd.f32 v32, v31  }
0x72e: {  	v37 =	vld [tilespmem:s28+$0x62B0];
	[tilespmem:s29+$0x12AA0] =	vst v11;
	v3 =	vadd.f32 v39, v38  }
0x72f: {  	v42 =	vld [tilespmem:s20+$0x1B7A0];
	v4 =	vmax.f32 v4, $0.0e+00  }
0x730: {  	v44 =	vld [tilespmem:s2+$0x62B0];
	[tilespmem:s28+$0x12AA0] =	vst v4;
	v3 =	vmax.f32 v3, $0.0e+00  }
0x731: {  	v40 =	vld [tilespmem:s12+$0x1B7A0];
	[tilespmem:s2+$0x12AA0] =	vst v3  }
0x732: {  	v45 =	vld [tilespmem:s11+$0x1B7A0];
	_ =	sdelay $0x1  }
0x733: {  	v11 =	vadd.f32 v42, v41  }
0x734: {  	v8 =	vadd.f32 v10, v8;
	v47 =	vld [tilespmem:s29+$0x62C0]  }
0x735: {  	v43 =	vld [tilespmem:s28+$0x62C0];
	v11 =	vmax.f32 v11, $0.0e+00;
	v4 =	vadd.f32 v40, v37  }
0x736: {  	v8 =	vmax.f32 v8, $0.0e+00;
	v52 =	vld [tilespmem:s2+$0x62C0];
	[tilespmem:s29+$0x12AB0] =	vst v11;
	v3 =	vadd.f32 v45, v44  }
0x737: {  	[tilespmem:s26+$0x12AF0] =	vst v8;
	v48 =	vld [tilespmem:s20+$0x1B7B0];
	v4 =	vmax.f32 v4, $0.0e+00  }
0x738: {  	v49 =	vld [tilespmem:s30+$0x1B7F0];
	[tilespmem:s28+$0x12AB0] =	vst v4;
	v3 =	vmax.f32 v3, $0.0e+00  }
0x739: {  	v46 =	vld [tilespmem:s12+$0x1B7B0];
	[tilespmem:s2+$0x12AB0] =	vst v3  }
0x73a: {  	v3 =	vld [tilespmem:s11+$0x1B7B0];
	_ =	sdelay $0x1  }
0x73b: {  	v53 =	vld [tilespmem:s29+$0x62D0];
	v8 =	vadd.f32 v48, v47  }
0x73c: {  	v54 =	vld [tilespmem:s26+$0x6310];
	v4 =	vadd.f32 v49, v9  }
0x73d: {  	v51 =	vld [tilespmem:s28+$0x62D0];
	v8 =	vmax.f32 v8, $0.0e+00;
	v50 =	vadd.f32 v46, v43  }
0x73e: {  	v58 =	vld [tilespmem:s2+$0x62D0];
	v4 =	vmax.f32 v4, $0.0e+00;
	[tilespmem:s29+$0x12AC0] =	vst v8;
	v3 =	vadd.f32 v3, v52  }
0x73f: {  	[tilespmem:s26+$0x12B00] =	vst v4;
	v55 =	vld [tilespmem:s20+$0x1B7C0];
	v11 =	vmax.f32 v50, $0.0e+00  }
0x740: {  	v56 =	vld [tilespmem:s7+$0x1B780];
	[tilespmem:s28+$0x12AC0] =	vst v11;
	v3 =	vmax.f32 v3, $0.0e+00  }
0x741: {  	v11 =	vld [tilespmem:s12+$0x1B7C0];
	[tilespmem:s2+$0x12AC0] =	vst v3  }
0x742: {  	v3 =	vld [tilespmem:s11+$0x1B7C0];
	_ =	sdelay $0x1  }
0x743: {  	v59 =	vld [tilespmem:s29+$0x62E0];
	v4 =	vadd.f32 v55, v53  }
0x744: {  	v60 =	vld [tilespmem:s26+$0x6320];
	v8 =	vadd.f32 v56, v54  }
0x745: {  	v57 =	vld [tilespmem:s28+$0x62E0];
	v4 =	vmax.f32 v4, $0.0e+00;
	v11 =	vadd.f32 v11, v51  }
0x746: {  	v62 =	vld [tilespmem:s2+$0x62E0];
	v8 =	vmax.f32 v8, $0.0e+00;
	[tilespmem:s29+$0x12AD0] =	vst v4;
	v3 =	vadd.f32 v3, v58  }
0x747: {  	[tilespmem:s26+$0x12B10] =	vst v8;
	v4 =	vld [tilespmem:s20+$0x1B7D0];
	v11 =	vmax.f32 v11, $0.0e+00  }
0x748: {  	v8 =	vld [tilespmem:s7+$0x1B790];
	[tilespmem:s28+$0x12AD0] =	vst v11;
	v3 =	vmax.f32 v3, $0.0e+00  }
0x749: {  	v11 =	vld [tilespmem:s12+$0x1B7D0];
	[tilespmem:s2+$0x12AD0] =	vst v3  }
0x74a: {  	v63 =	vld [tilespmem:s11+$0x1B7D0];
	_ =	sdelay $0x1  }
0x74b: {  	v17 =	vld [tilespmem:s29+$0x62F0];
	v4 =	vadd.f32 v4, v59  }
0x74c: {  	v61 =	vld [tilespmem:s28+$0x62F0];
	v8 =	vadd.f32 v8, v60  }
0x74d: {  	v18 =	vld [tilespmem:s26+$0x6330];
	v4 =	vmax.f32 v4, $0.0e+00;
	v11 =	vadd.f32 v11, v57  }
0x74e: {  	v22 =	vld [tilespmem:s2+$0x62F0];
	v8 =	vmax.f32 v8, $0.0e+00;
	[tilespmem:s29+$0x12AE0] =	vst v4;
	v19 =	vadd.f32 v63, v62  }
0x74f: {  	[tilespmem:s26+$0x12B20] =	vst v8;
	v4 =	vld [tilespmem:s20+$0x1B7E0];
	v11 =	vmax.f32 v11, $0.0e+00  }
0x750: {  	v20 =	vld [tilespmem:s7+$0x1B7A0];
	[tilespmem:s28+$0x12AE0] =	vst v11;
	v8 =	vmax.f32 v19, $0.0e+00  }
0x751: {  	v16 =	vld [tilespmem:s12+$0x1B7E0];
	[tilespmem:s2+$0x12AE0] =	vst v8  }
0x752: {  	v8 =	vld [tilespmem:s11+$0x1B7E0]  }
0x753: {  	(v2sf) =	vpush v2, $0x7  }
0x754: {  	(v2sf) =	vpush v6, $0x6;
	v4 =	vadd.f32 v4, v17  }
0x755: {  	v23 =	vadd.f32 v20, v18  }
0x756: {  	v24 =	vld [tilespmem:s29+$0x6300];
	v4 =	vmax.f32 v4, $0.0e+00;
	v12 =	vadd.f32 v16, v61  }
0x757: {  	v21 =	vld [tilespmem:s28+$0x6300];
	v9 =	vmax.f32 v23, $0.0e+00;
	[tilespmem:s29+$0x12AF0] =	vst v4;
	v26 =	vadd.f32 v8, v22  }
0x758: {  	[tilespmem:s26+$0x12B30] =	vst v9;
	v4 =	vld [tilespmem:s20+$0x1B7F0];
	v12 =	vmax.f32 v12, $0.0e+00  }
0x759: {  	v28 =	vld [tilespmem:s2+$0x6300];
	[tilespmem:s28+$0x12AF0] =	vst v12;
	v9 =	vmax.f32 v26, $0.0e+00  }
0x75a: {  	v12 =	vld [tilespmem:s12+$0x1B7F0];
	[tilespmem:s2+$0x12AF0] =	vst v9  }
0x75b: {  	v30 =	vld [tilespmem:s11+$0x1B7F0];
	_ =	sdelay $0x1  }
0x75c: {  	v4 =	vadd.f32 v4, v24;
	_ =	sdelay $0x1  }
0x75d: {  	v32 =	vld [tilespmem:s28+$0x6310];
	v4 =	vmax.f32 v4, $0.0e+00;
	v29 =	vadd.f32 v12, v21  }
0x75e: {  	v33 =	vld [tilespmem:s29+$0x6310];
	[tilespmem:s29+$0x12B00] =	vst v4;
	v12 =	vadd.f32 v30, v28  }
0x75f: {  	v36 =	vld [tilespmem:s31+$0x1B780];
	v9 =	vmax.f32 v29, $0.0e+00  }
0x760: {  	s13 =	spop (v2sf);
	v39 =	vld [tilespmem:s2+$0x6310];
	[tilespmem:s28+$0x12B00] =	vst v9;
	v38 =	vmax.f32 v12, $0.0e+00  }
0x761: {  	s20 =	spop (v2sf);
	v34 =	vld [tilespmem:s10+$0x1B780];
	[tilespmem:s2+$0x12B00] =	vst v38  }
0x762: {  	v41 =	vld [tilespmem:s20+$0x1B780];
	_ =	sdelay $0x1  }
0x763: {  	v25 =	vld [tilespmem:s26+$0x6340];
	v9 =	vadd.f32 v36, v33  }
0x764: {  	v27 =	vld [tilespmem:s7+$0x1B7B0]  }
0x765: {  	v42 =	vld [tilespmem:s28+$0x6320];
	v44 =	vmax.f32 v9, $0.0e+00;
	v40 =	vadd.f32 v34, v32  }
0x766: {  	v43 =	vld [tilespmem:s29+$0x6320];
	[tilespmem:s29+$0x12B10] =	vst v44;
	v10 =	vadd.f32 v41, v39  }
0x767: {  	v46 =	vld [tilespmem:s31+$0x1B790];
	v4 =	vmax.f32 v40, $0.0e+00  }
0x768: {  	v48 =	vld [tilespmem:s2+$0x6320];
	[tilespmem:s28+$0x12B10] =	vst v4;
	v10 =	vmax.f32 v10, $0.0e+00  }
0x769: {  	v11 =	vadd.f32 v27, v25;
	v45 =	vld [tilespmem:s10+$0x1B790];
	[tilespmem:s2+$0x12B10] =	vst v10  }
0x76a: {  	v10 =	vld [tilespmem:s20+$0x1B790]  }
0x76b: {  	v35 =	vmax.f32 v11, $0.0e+00  }
0x76c: {  	v31 =	vld [tilespmem:s26+$0x6350];
	[tilespmem:s26+$0x12B40] =	vst v35;
	v14 =	vadd.f32 v46, v43  }
0x76d: {  	v37 =	vld [tilespmem:s7+$0x1B7C0]  }
0x76e: {  	v49 =	vld [tilespmem:s28+$0x6330];
	v14 =	vmax.f32 v14, $0.0e+00;
	v9 =	vadd.f32 v45, v42  }
0x76f: {  	v51 =	vld [tilespmem:s29+$0x6330];
	[tilespmem:s29+$0x12B20] =	vst v14;
	v54 =	vadd.f32 v10, v48  }
0x770: {  	v53 =	vld [tilespmem:s31+$0x1B7A0];
	v50 =	vmax.f32 v9, $0.0e+00  }
0x771: {  	v55 =	vld [tilespmem:s2+$0x6330];
	[tilespmem:s28+$0x12B20] =	vst v50;
	v14 =	vmax.f32 v54, $0.0e+00  }
0x772: {  	v13 =	vadd.f32 v37, v31;
	v52 =	vld [tilespmem:s10+$0x1B7A0];
	[tilespmem:s2+$0x12B20] =	vst v14  }
0x773: {  	v14 =	vld [tilespmem:s20+$0x1B7A0]  }
0x774: {  	v13 =	vmax.f32 v13, $0.0e+00  }
0x775: {  	[tilespmem:s26+$0x12B50] =	vst v13;
	v13 =	vadd.f32 v53, v51;
	_ =	sdelay $0x1  }
0x776: {  	v56 =	vld [tilespmem:s28+$0x6340];
	v13 =	vmax.f32 v13, $0.0e+00;
	v11 =	vadd.f32 v52, v49  }
0x777: {  	v20 =	vld [tilespmem:s29+$0x6340];
	[tilespmem:s29+$0x12B30] =	vst v13;
	v14 =	vadd.f32 v14, v55  }
0x778: {  	v22 =	vld [tilespmem:s31+$0x1B7B0];
	v57 =	vmax.f32 v11, $0.0e+00  }
0x779: {  	v58 =	vld [tilespmem:s2+$0x6340];
	[tilespmem:s28+$0x12B30] =	vst v57;
	v14 =	vmax.f32 v14, $0.0e+00  }
0x77a: {  	v21 =	vld [tilespmem:s10+$0x1B7B0];
	[tilespmem:s2+$0x12B30] =	vst v14  }
0x77b: {  	v60 =	vld [tilespmem:s20+$0x1B7B0];
	_ =	sdelay $0x1  }
0x77c: {  	v20 =	vadd.f32 v22, v20;
	_ =	sdelay $0x1  }
0x77d: {  	v61 =	vld [tilespmem:s28+$0x6350];
	v20 =	vmax.f32 v20, $0.0e+00;
	v59 =	vadd.f32 v21, v56  }
0x77e: {  	v63 =	vld [tilespmem:s29+$0x6350];
	[tilespmem:s29+$0x12B40] =	vst v20;
	v17 =	vadd.f32 v60, v58  }
0x77f: {  	v20 =	vld [tilespmem:s31+$0x1B7C0];
	v62 =	vmax.f32 v59, $0.0e+00  }
0x780: {  	v25 =	vld [tilespmem:s2+$0x6350];
	[tilespmem:s28+$0x12B40] =	vst v62;
	v17 =	vmax.f32 v17, $0.0e+00  }
0x781: {  	v23 =	vld [tilespmem:s10+$0x1B7C0];
	[tilespmem:s2+$0x12B40] =	vst v17  }
0x782: {  	v27 =	vld [tilespmem:s20+$0x1B7C0];
	_ =	sdelay $0x1  }
0x783: {  	v47 =	vld [tilespmem:s26+$0x6360];
	v20 =	vadd.f32 v20, v63  }
0x784: {  	v19 =	vld [tilespmem:s7+$0x1B7D0]  }
0x785: {  	v28 =	vld [tilespmem:s28+$0x6360];
	v20 =	vmax.f32 v20, $0.0e+00;
	v26 =	vadd.f32 v23, v61  }
0x786: {  	v30 =	vld [tilespmem:s29+$0x6360];
	[tilespmem:s29+$0x12B50] =	vst v20;
	v33 =	vadd.f32 v27, v25  }
0x787: {  	v32 =	vld [tilespmem:s31+$0x1B7D0];
	v29 =	vmax.f32 v26, $0.0e+00  }
0x788: {  	v26 =	vld [tilespmem:s2+$0x6360];
	[tilespmem:s28+$0x12B50] =	vst v29;
	v20 =	vmax.f32 v33, $0.0e+00  }
0x789: {  	v18 =	vadd.f32 v19, v47;
	v31 =	vld [tilespmem:s10+$0x1B7D0];
	[tilespmem:s2+$0x12B50] =	vst v20  }
0x78a: {  	v37 =	vld [tilespmem:s20+$0x1B7D0]  }
0x78b: {  	v18 =	vmax.f32 v18, $0.0e+00  }
0x78c: {  	v24 =	vld [tilespmem:s26+$0x6370];
	[tilespmem:s26+$0x12B60] =	vst v18;
	v18 =	vadd.f32 v32, v30  }
0x78d: {  	v34 =	vld [tilespmem:s7+$0x1B7E0]  }
0x78e: {  	v38 =	vld [tilespmem:s28+$0x6370];
	v18 =	vmax.f32 v18, $0.0e+00;
	v36 =	vadd.f32 v31, v28  }
0x78f: {  	v41 =	vld [tilespmem:s29+$0x6370];
	[tilespmem:s29+$0x12B60] =	vst v18;
	v22 =	vadd.f32 v37, v26  }
0x790: {  	v18 =	vld [tilespmem:s31+$0x1B7E0];
	v39 =	vmax.f32 v36, $0.0e+00  }
0x791: {  	v43 =	vld [tilespmem:s2+$0x6370];
	[tilespmem:s28+$0x12B60] =	vst v39;
	v22 =	vmax.f32 v22, $0.0e+00  }
0x792: {  	v27 =	vld [tilespmem:s10+$0x1B7E0];
	[tilespmem:s2+$0x12B60] =	vst v22  }
0x793: {  	v22 =	vld [tilespmem:s20+$0x1B7E0]  }
0x794: {  	v21 =	vadd.f32 v34, v24  }
0x795: {  	(v2sf) =	vpush v6, $0x7;
	v47 =	vld [tilespmem:s29+$0x6380];
	v18 =	vadd.f32 v18, v41  }
0x796: {  	v46 =	vld [tilespmem:s28+$0x6380];
	v21 =	vmax.f32 v21, $0.0e+00  }
0x797: {  	v42 =	vld [tilespmem:s26+$0x6380];
	[tilespmem:s26+$0x12B70] =	vst v21;
	v18 =	vmax.f32 v18, $0.0e+00;
	v44 =	vadd.f32 v27, v38  }
0x798: {  	v45 =	vld [tilespmem:s7+$0x1B7F0];
	[tilespmem:s29+$0x12B70] =	vst v18;
	v22 =	vadd.f32 v22, v43  }
0x799: {  	v18 =	vld [tilespmem:s31+$0x1B7F0];
	v21 =	vmax.f32 v44, $0.0e+00  }
0x79a: {  	v50 =	vld [tilespmem:s2+$0x6380];
	[tilespmem:s28+$0x12B70] =	vst v21;
	v22 =	vmax.f32 v22, $0.0e+00  }
0x79b: {  	v21 =	vld [tilespmem:s10+$0x1B7F0];
	[tilespmem:s2+$0x12B70] =	vst v22  }
0x79c: {  	v22 =	vld [tilespmem:s20+$0x1B7F0]  }
0x79d: {  	v23 =	vadd.f32 v45, v42  }
0x79e: {  	v51 =	vld [tilespmem:s28+$0x6390];
	v6 =	vadd.f32 v18, v47  }
0x79f: {  	v49 =	vld [tilespmem:s26+$0x6390];
	v23 =	vmax.f32 v23, $0.0e+00  }
0x7a0: {  	v54 =	vld [tilespmem:s29+$0x6390];
	[tilespmem:s26+$0x12B80] =	vst v23;
	v6 =	vmax.f32 v6, $0.0e+00;
	v19 =	vadd.f32 v21, v46  }
0x7a1: {  	v23 =	vld [tilespmem:s3+$0x1B780];
	[tilespmem:s29+$0x12B80] =	vst v6;
	v22 =	vadd.f32 v22, v50  }
0x7a2: {  	v6 =	vld [tilespmem:s13+$0x1B780];
	v52 =	vmax.f32 v19, $0.0e+00  }
0x7a3: {  	v56 =	vld [tilespmem:s2+$0x6390];
	[tilespmem:s28+$0x12B80] =	vst v52;
	v22 =	vmax.f32 v22, $0.0e+00  }
0x7a4: {  	s30 =	spop (v2sf);
	v55 =	vld [tilespmem:s8+$0x1B780];
	[tilespmem:s2+$0x12B80] =	vst v22  }
0x7a5: {  	v22 =	vld [tilespmem:s30+$0x1B780]  }
0x7a6: {  	v23 =	vadd.f32 v23, v49  }
0x7a7: {  	v57 =	vld [tilespmem:s28+$0x63A0];
	v6 =	vadd.f32 v6, v54  }
0x7a8: {  	v58 =	vld [tilespmem:s29+$0x63A0];
	v23 =	vmax.f32 v23, $0.0e+00  }
0x7a9: {  	v29 =	vld [tilespmem:s26+$0x63A0];
	[tilespmem:s26+$0x12B90] =	vst v23;
	v6 =	vmax.f32 v6, $0.0e+00;
	v21 =	vadd.f32 v55, v51  }
0x7aa: {  	v23 =	vld [tilespmem:s3+$0x1B790];
	[tilespmem:s29+$0x12B90] =	vst v6;
	v22 =	vadd.f32 v22, v56  }
0x7ab: {  	v6 =	vld [tilespmem:s13+$0x1B790];
	v21 =	vmax.f32 v21, $0.0e+00  }
0x7ac: {  	v60 =	vld [tilespmem:s2+$0x63A0];
	[tilespmem:s28+$0x12B90] =	vst v21;
	v22 =	vmax.f32 v22, $0.0e+00  }
0x7ad: {  	v59 =	vld [tilespmem:s8+$0x1B790];
	[tilespmem:s2+$0x12B90] =	vst v22  }
0x7ae: {  	v22 =	vld [tilespmem:s30+$0x1B790]  }
0x7af: {  	v23 =	vadd.f32 v23, v29  }
0x7b0: {  	v53 =	vld [tilespmem:s29+$0x63B0];
	v6 =	vadd.f32 v6, v58  }
0x7b1: {  	v48 =	vld [tilespmem:s26+$0x63B0];
	v61 =	vmax.f32 v23, $0.0e+00  }
0x7b2: {  	v24 =	vld [tilespmem:s2+$0x63B0];
	[tilespmem:s26+$0x12BA0] =	vst v61;
	v6 =	vmax.f32 v6, $0.0e+00;
	v18 =	vadd.f32 v59, v57  }
0x7b3: {  	v21 =	vld [tilespmem:s3+$0x1B7A0];
	[tilespmem:s29+$0x12BA0] =	vst v6;
	v62 =	vadd.f32 v22, v60  }
0x7b4: {  	v6 =	vld [tilespmem:s13+$0x1B7A0];
	v18 =	vmax.f32 v18, $0.0e+00  }
0x7b5: {  	v28 =	vld [tilespmem:s28+$0x63B0];
	[tilespmem:s28+$0x12BA0] =	vst v18;
	v18 =	vmax.f32 v62, $0.0e+00  }
0x7b6: {  	v63 =	vld [tilespmem:s8+$0x1B7A0];
	[tilespmem:s2+$0x12BA0] =	vst v18  }
0x7b7: {  	v18 =	vld [tilespmem:s30+$0x1B7A0]  }
0x7b8: {  	v15 =	vld [tilespmem:s26+$0x63C0];
	v21 =	vadd.f32 v21, v48  }
0x7b9: {  	v35 =	vld [tilespmem:s28+$0x63C0];
	v6 =	vadd.f32 v6, v53  }
0x7ba: {  	v3 =	vld [tilespmem:s26+$0x6400];
	v27 =	vmax.f32 v21, $0.0e+00  }
0x7bb: {  	v40 =	vld [tilespmem:s29+$0x63C0];
	[tilespmem:s26+$0x12BB0] =	vst v27;
	v6 =	vmax.f32 v6, $0.0e+00;
	v22 =	vadd.f32 v63, v28  }
0x7bc: {  	v29 =	vld [tilespmem:s3+$0x1B7B0];
	[tilespmem:s29+$0x12BB0] =	vst v6;
	v18 =	vadd.f32 v18, v24  }
0x7bd: {  	v6 =	vld [tilespmem:s13+$0x1B7B0];
	v28 =	vmax.f32 v22, $0.0e+00  }
0x7be: {  	v30 =	vld [tilespmem:s2+$0x63C0];
	[tilespmem:s28+$0x12BB0] =	vst v28;
	v18 =	vmax.f32 v18, $0.0e+00  }
0x7bf: {  	v19 =	vld [tilespmem:s8+$0x1B7B0];
	[tilespmem:s2+$0x12BB0] =	vst v18  }
0x7c0: {  	v18 =	vld [tilespmem:s30+$0x1B7B0]  }
0x7c1: {  	v15 =	vadd.f32 v29, v15  }
0x7c2: {  	v16 =	vld [tilespmem:s28+$0x63D0];
	v6 =	vadd.f32 v6, v40  }
0x7c3: {  	v12 =	vld [tilespmem:s26+$0x63D0];
	v15 =	vmax.f32 v15, $0.0e+00  }
0x7c4: {  	v17 =	vld [tilespmem:s29+$0x63D0];
	[tilespmem:s26+$0x12BC0] =	vst v15;
	v6 =	vmax.f32 v6, $0.0e+00;
	v19 =	vadd.f32 v19, v35  }
0x7c5: {  	v32 =	vld [tilespmem:s3+$0x1B7C0];
	[tilespmem:s29+$0x12BC0] =	vst v6;
	v33 =	vadd.f32 v18, v30  }
0x7c6: {  	v6 =	vld [tilespmem:s13+$0x1B7C0];
	v31 =	vmax.f32 v19, $0.0e+00  }
0x7c7: {  	v35 =	vld [tilespmem:s2+$0x63D0];
	[tilespmem:s28+$0x12BC0] =	vst v31;
	v15 =	vmax.f32 v33, $0.0e+00  }
0x7c8: {  	v34 =	vld [tilespmem:s8+$0x1B7C0];
	[tilespmem:s2+$0x12BC0] =	vst v15  }
0x7c9: {  	v15 =	vld [tilespmem:s30+$0x1B7C0]  }
0x7ca: {  	v2 =	vld [tilespmem:s26+$0x63F0]  }
0x7cb: {  	v8 =	vld [tilespmem:s26+$0x63E0];
	v12 =	vadd.f32 v32, v12  }
0x7cc: {  	v13 =	vld [tilespmem:s28+$0x63E0];
	v6 =	vadd.f32 v6, v17  }
0x7cd: {  	v14 =	vld [tilespmem:s29+$0x63E0];
	v12 =	vmax.f32 v12, $0.0e+00;
	v16 =	vadd.f32 v34, v16  }
0x7ce: {  	v40 =	vld [tilespmem:s2+$0x63E0];
	[tilespmem:s26+$0x12BD0] =	vst v12;
	v6 =	vmax.f32 v6, $0.0e+00;
	v38 =	vadd.f32 v15, v35  }
0x7cf: {  	v37 =	vld [tilespmem:s3+$0x1B7D0];
	[tilespmem:s29+$0x12BD0] =	vst v6;
	v36 =	vmax.f32 v16, $0.0e+00  }
0x7d0: {  	v6 =	vld [tilespmem:s13+$0x1B7D0];
	[tilespmem:s28+$0x12BD0] =	vst v36;
	v12 =	vmax.f32 v38, $0.0e+00  }
0x7d1: {  	v39 =	vld [tilespmem:s8+$0x1B7D0];
	[tilespmem:s2+$0x12BD0] =	vst v12  }
0x7d2: {  	v5 =	vadd.f32 v7, v5;
	v41 =	vld [tilespmem:s30+$0x1B7D0];
	_ =	sdelay $0x1  }
0x7d3: {  	v5 =	vmax.f32 v5, $0.0e+00;
	v10 =	vld [tilespmem:s28+$0x63F0];
	v8 =	vadd.f32 v37, v8  }
0x7d4: {  	[tilespmem:s25+$0x12BE0] =	vst v5;
	v11 =	vld [tilespmem:s29+$0x63F0];
	v6 =	vadd.f32 v6, v14  }
0x7d5: {  	v44 =	vld [tilespmem:s0+$0x1B7E0];
	v43 =	vmax.f32 v8, $0.0e+00;
	v42 =	vadd.f32 v39, v13  }
0x7d6: {  	v50 =	vld [tilespmem:s2+$0x63F0];
	[tilespmem:s26+$0x12BE0] =	vst v43;
	v47 =	vmax.f32 v6, $0.0e+00;
	v48 =	vadd.f32 v41, v40  }
0x7d7: {  	v46 =	vld [tilespmem:s3+$0x1B7E0];
	[tilespmem:s29+$0x12BE0] =	vst v47;
	v45 =	vmax.f32 v42, $0.0e+00  }
0x7d8: {  	v5 =	vld [tilespmem:s13+$0x1B7E0];
	[tilespmem:s28+$0x12BE0] =	vst v45;
	v6 =	vmax.f32 v48, $0.0e+00  }
0x7d9: {  	v49 =	vld [tilespmem:s8+$0x1B7E0];
	[tilespmem:s2+$0x12BE0] =	vst v6  }
0x7da: {  	v6 =	vld [tilespmem:s30+$0x1B7E0]  }
0x7db: {  	v1 =	vadd.f32 v44, v1  }
0x7dc: {  	v4 =	vld [tilespmem:s28+$0x6400];
	v2 =	vadd.f32 v46, v2  }
0x7dd: {  	v9 =	vld [tilespmem:s29+$0x6400];
	v1 =	vmax.f32 v1, $0.0e+00;
	v52 =	vadd.f32 v5, v11  }
0x7de: {  	[tilespmem:s25+$0x12BF0] =	vst v1;
	v59 =	vld [tilespmem:s2+$0x6400];
	v51 =	vmax.f32 v2, $0.0e+00;
	v7 =	vadd.f32 v49, v10  }
0x7df: {  	v53 =	vld [tilespmem:s0+$0x1B7F0];
	[tilespmem:s26+$0x12BF0] =	vst v51;
	v56 =	vmax.f32 v52, $0.0e+00;
	v57 =	vadd.f32 v6, v50  }
0x7e0: {  	v55 =	vld [tilespmem:s3+$0x1B7F0];
	[tilespmem:s29+$0x12BF0] =	vst v56;
	v54 =	vmax.f32 v7, $0.0e+00  }
0x7e1: {  	v1 =	vld [tilespmem:s13+$0x1B7F0];
	[tilespmem:s28+$0x12BF0] =	vst v54;
	v2 =	vmax.f32 v57, $0.0e+00  }
0x7e2: {  	v58 =	vld [tilespmem:s8+$0x1B7F0];
	[tilespmem:s2+$0x12BF0] =	vst v2  }
0x7e3: {  	v2 =	vld [tilespmem:s30+$0x1B7F0]  }
0x7e4: {  	v0 =	vadd.f32 v53, v0  }
0x7e5: {  	v3 =	vadd.f32 v55, v3  }
0x7e6: {  	v0 =	vmax.f32 v0, $0.0e+00;
	v1 =	vadd.f32 v1, v9  }
0x7e7: {  	p0 =	sne.s32 s23, $0x19;
	[tilespmem:s25+$0x12C00] =	vst v0;
	v60 =	vmax.f32 v3, $0.0e+00;
	v4 =	vadd.f32 v58, v4  }
.Ltmp5:
0x7e8: {  	[tilespmem:s26+$0x12C00] =	vst v60;
	v62 =	vmax.f32 v1, $0.0e+00;
	v2 =	vadd.f32 v2, v59;
	(pc) =	sbr.rel @p0 .LBB2_2-.Ltmp5, $4  }
0x7e9: {  	[tilespmem:s29+$0x12C00] =	vst v62;
	v61 =	vmax.f32 v4, $0.0e+00  }
0x7ea: {  	[tilespmem:s28+$0x12C00] =	vst v61;
	v63 =	vmax.f32 v2, $0.0e+00  }
0x7eb: {  	s21 =	sadd.s32 $0x190, s21;
	s22 =	sadd.s32 $0x190, s22;
	s31 =	sadd.s32 s4, s24;
	[tilespmem:s2+$0x12C00] =	vst v63  }
0x7ec: {  	[hbm4b:s31+s5] =	stream.linear.scatter [tilespmem:s18], [sflag:$0x4], $0x6400, $0x38;
	[tilespmem:$0x1D780] =	vst v63  }
0x7ed: {  	s0 =	simm.s32 $0x3  }
0x7ee: {  	_ =	swait.ge [sflag:s0], $0x6400  }
0x7ef: {  	[sflag:s0] =	ssyncset.done $0x0  }
0x7f0: {  	[sflag:s0] =	ssyncadd.s32 $0xFFFF9C00  }
0x7f1: {  	_ =	swait.ge [sflag:s17], $0x6400  }
0x7f2: {  	s2 =	rddreg [dreg:$0x8]  }
0x7f3: {  	s31 =	rddreg [dreg:$0x7];
	s2 =	sadd.s32 $0x1, s2  }
0x7f4: {  	p0 =	sne.s32 s2, s31  }
.Ltmp6:
0x7f5: {  	_ = 	snop;
	(pc) =	sbr.rel @p0 .LBB2_1-.Ltmp6, $3  }
0x7f6: {  	_ =	sdelay $0x1  }
0x7f7: {  	[sflag:s17] =	ssyncset.done $0x0  }
0x7f8: {  	[sflag:s17] =	ssyncadd.s32 $0xFFFF9C00  }
0x7f9: {  	_ =	sfence.sel $0x180000  }
0x7fa: {  	[bflag:$0x0] =	sbarrier.arrive $0xFFFF  }
0x7fb: {  	_ =	strace $0x90000047  }
0x7fc: {  	s0 =	stileid.u32;
	[bflag:$0x2] =	sbarrier.arrive $0xFFFF  }
0x7fd: {  	p0 =	sne.s32 s0, $0x0;
	s0 =	rddreg [dreg:$0x3]  }
0x7fe: {  	s0 =	sadd.s32 @!p0 $0x100000, s0  }
0x7ff: {  	[sflag:s0] =	ssyncadd.tile.s32 @!p0 $0x1;
	_ =	shalt  }
.Lfunc_end2:
_tile_overlayer_lowered:
.L_overlay_start_2:
0x800: {  	(tag) =	ssettag $0x2  }
0x801: {  	s0 =	rddreg [dreg:$0x0];
	s2 =	stileid.u32  }
0x802: {  	s1 =	rddreg [dreg:$0x1];
	p0 =	sne.s32 s2, $0x0  }
0x803: {  	s3 =	rddreg [dreg:$0x2];
	[bflag:$0x3] =	sbarrier.arrive $0xFFFF;
	s2 =	simm.s32 @!p0 $0x1C05  }
0x804: {  	[timem:s3], [sflag:s2] =	dma.local @!p0 [hbm:s0], s1  }
0x805: {  	s0 =	simm.s32 @!p0 $0x5  }
0x806: {  	_ =	swait.ge @!p0 [sflag:s0], s1  }
0x807: {  	s1 =	ssub.s32 @!p0 $0x0, s1;
	[sflag:s0] =	ssyncset.done @!p0 $0x0  }
0x808: {  	[sflag:s0] =	ssyncadd.s32 @!p0 s1  }
0x809: {  	[bflag:$0x3] =	sbarrier.arrive $0xFFFF  }
0x80a: {  	_ =	shalt  }

</sc_bundles>
